<compile_context>
chip_gen: v7x
topology: tpu7x:2x2x1
jax: 0.10.2.dev20260603
libtpu: 0.0.44.dev20260713+nightly
codegen_flags: <defaults>
</compile_context>

<pallas_src>
import functools

import jax
import jax.numpy as jnp
from jax import lax
from jax.experimental import pallas as pl
from jax.experimental.pallas import tpu as pltpu
from jax.experimental.pallas import tpu_sc as plsc

E = 320000
D = 128
T1 = 6
T2 = 3
TC_ = T1 * T2
TCP = 24
NC = 2
NS = 16
NW = NC * NS
BPW = E // NW
CHUNK = 400
NCHUNK = BPW // CHUNK
NBUF = 2
LANES = 16
UNROLL = 5


def _body(a0_hbm, a1_hbm, t1_hbm, t2_hbm, out_hbm,
          t1_v, t2_v, comb_v, ctab_sh, a0_v, a1_v, rows0, rows1,
          gsem0, gsem1, ssem0, ssem1):
    rows = (rows0, rows1)
    gsem = (gsem0, gsem1)
    ssem = (ssem0, ssem1)
    sid = lax.axis_index("s")
    wid = sid * NC + lax.axis_index("c")
    base0 = wid * BPW

    cp0 = pltpu.async_copy(a0_hbm.at[pl.ds(base0, BPW)], a0_v, gsem0)
    cp1 = pltpu.async_copy(a1_hbm.at[pl.ds(base0, BPW)], a1_v, gsem1)

    pltpu.sync_copy(t1_hbm, t1_v)
    pltpu.sync_copy(t2_hbm, t2_v)
    for i in range(T1):
        for j in range(T2):
            for k in range(D // LANES):
                comb_v[i * T2 + j, pl.ds(k * LANES, LANES)] = (
                    t1_v[i, pl.ds(k * LANES, LANES)]
                    + t2_v[j, pl.ds(k * LANES, LANES)])
    zf = jnp.zeros((LANES,), jnp.float32)
    for i in range(TC_, TCP):
        for k in range(D // LANES):
            comb_v[i, pl.ds(k * LANES, LANES)] = zf
    @pl.when(sid == 0)
    def _():
        pltpu.sync_copy(comb_v, ctab_sh)
    plsc.subcore_barrier()

    cp0.wait()
    cp1.wait()

    def idx_body(g, carry):
        for u in range(UNROLL):
            sl = pl.ds(pl.multiple_of(g * (LANES * UNROLL), LANES)
                       + u * LANES, LANES)
            a0_v[sl] = a0_v[sl] * 3 + a1_v[sl]
        return carry

    lax.fori_loop(0, BPW // (LANES * UNROLL), idx_body, 0)

    scats = [None] * NBUF
    for c in range(NCHUNK):
        b = c % NBUF
        if scats[b] is not None:
            scats[b].wait()
        pltpu.async_copy(
            ctab_sh.at[a0_v.at[pl.ds(c * CHUNK, CHUNK)]], rows[b], gsem[b]
        ).wait()
        scats[b] = pltpu.async_copy(
            rows[b], out_hbm.at[pl.ds(base0 + c * CHUNK, CHUNK)], ssem[b])
    for b in range(NBUF):
        if scats[b] is not None:
            scats[b].wait()


def kernel(edge_attr, table1, table2):
    mesh = plsc.VectorSubcoreMesh(core_axis_name="c", subcore_axis_name="s")
    kfn = functools.partial(
        pl.kernel,
        out_type=jax.ShapeDtypeStruct((E, D), jnp.float32),
        mesh=mesh,
        scratch_types=[
            pltpu.VMEM((T1, D), jnp.float32),
            pltpu.VMEM((T2, D), jnp.float32),
            pltpu.VMEM((TCP, D), jnp.float32),
            pltpu.VMEM_SHARED((TCP, D), jnp.float32),
            pltpu.VMEM((BPW,), jnp.int32),
            pltpu.VMEM((BPW,), jnp.int32),
            pltpu.VMEM((CHUNK, D), jnp.float32),
            pltpu.VMEM((CHUNK, D), jnp.float32),
            pltpu.SemaphoreType.DMA,
            pltpu.SemaphoreType.DMA,
            pltpu.SemaphoreType.DMA,
            pltpu.SemaphoreType.DMA,
        ],
    )(_body)
    a0 = edge_attr[:, 0]
    a1 = edge_attr[:, 1]
    return kfn(a0, a1, table1, table2)

# --- scband reference (transcript-rebuilt; emitter-appended) ---
"""Pipeline reference for scband-embed-11991548690647 (READ-ONLY COPY).

The authoritative reference and input builder live on the scoring server;
editing this copy changes nothing except your own understanding.
"""

import jax, jax.numpy as jnp
import numpy as np

NUM_BOND_TYPE = 6
NUM_BOND_DIRECTION = 3
EMB_DIM = 128
N_EDGES = 320000


def _xavier_uniform(key, shape):
    fan_in, fan_out = shape[0], shape[1]
    limit = np.sqrt(6.0 / (fan_in + fan_out))
    return jax.random.uniform(key, shape, dtype=jnp.float32, minval=-limit, maxval=limit)


def setup_inputs(seed: int = 0) -> dict:
    key = jax.random.key(seed)
    k1, k2, k3 = jax.random.split(key, 3)
    edge_attr = jax.random.randint(k1, (N_EDGES, 2), 0, 3, dtype=jnp.int64 if jax.config.jax_enable_x64 else jnp.int32).astype(jnp.int32)
    table1 = _xavier_uniform(k2, (NUM_BOND_TYPE, EMB_DIM))
    table2 = _xavier_uniform(k3, (NUM_BOND_DIRECTION, EMB_DIM))
    return {"edge_attr": edge_attr, "table1": table1, "table2": table2}


def reference(edge_attr, table1, table2):
    # edge_embedding1(edge_attr[:, 0]) + edge_embedding2(edge_attr[:, 1])
    emb1 = jnp.take(table1, edge_attr[:, 0], axis=0)
    emb2 = jnp.take(table2, edge_attr[:, 1], axis=0)
    return emb1 + emb2

if __name__ == "__main__":
    import jax
    _d = setup_inputs()
    print(jax.jit(kernel)(*tuple(_d.values())))

</pallas_src>

<mosaic_0001>
#map = affine_map<(d0, d1) -> (0)>
#map1 = affine_map<(d0, d1) -> (0, 0)>
module attributes {stable_mosaic.version = 14 : i64} {
  func.func @_body(%arg0: i32, %arg1: i32, %arg2: memref<320000xi32, #tpu.memory_space<hbm>>, %arg3: memref<320000xi32, #tpu.memory_space<hbm>>, %arg4: memref<6x128xf32, #tpu.memory_space<hbm>>, %arg5: memref<3x128xf32, #tpu.memory_space<hbm>>, %arg6: memref<320000x128xf32, #tpu.memory_space<hbm>>, %arg7: memref<6x128xf32, #tpu.memory_space<vmem>>, %arg8: memref<3x128xf32, #tpu.memory_space<vmem>>, %arg9: memref<24x128xf32, #tpu.memory_space<vmem>>, %arg10: memref<24x128xf32, #tpu.memory_space<vmem_shared>>, %arg11: memref<10000xi32, #tpu.memory_space<vmem>>, %arg12: memref<10000xi32, #tpu.memory_space<vmem>>, %arg13: memref<400x128xf32, #tpu.memory_space<vmem>>, %arg14: memref<400x128xf32, #tpu.memory_space<vmem>>, %arg15: memref<!tpu.dma_semaphore, #tpu.memory_space<semaphore_mem>>, %arg16: memref<!tpu.dma_semaphore, #tpu.memory_space<semaphore_mem>>, %arg17: memref<!tpu.dma_semaphore, #tpu.memory_space<semaphore_mem>>, %arg18: memref<!tpu.dma_semaphore, #tpu.memory_space<semaphore_mem>>) attributes {dimension_semantics = [#tpu.dimension_semantics<core_parallel>, #tpu.dimension_semantics<subcore_parallel>], iteration_bounds = array<i64: 2, 16>, scalar_prefetch = 0 : i64, scratch_operands = 12 : i64, tpu.core_type = #tpu.core_type<sc_vector_subcore>, window_params = [{transform_indices = #map}, {transform_indices = #map}, {transform_indices = #map1}, {transform_indices = #map1}, {transform_indices = #map1}]} {
    %mul3A = arith.constant 2 : i32
    %mul3A_0 = arith.muli %arg1, %mul3A : i32
    %add3A = arith.addi %mul3A_0, %arg0 : i32
    %mul3A_1 = arith.constant 10000 : i32
    %mul3A_2 = arith.muli %add3A, %mul3A_1 : i32
    %dma_start3A = tpu.memref_slice %arg2[%mul3A_2] : memref<320000xi32, #tpu.memory_space<hbm>> -> memref<10000xi32, #tpu.memory_space<hbm>>
    %dma_start3A_3 = tpu.memref_slice %arg2[%mul3A_2] : memref<320000xi32, #tpu.memory_space<hbm>> -> memref<10000xi32, #tpu.memory_space<hbm>>
    tpu.enqueue_dma source(%dma_start3A_3 : memref<10000xi32, #tpu.memory_space<hbm>>) target(%arg11 : memref<10000xi32, #tpu.memory_space<vmem>>) target_semaphore(%arg15 : memref<!tpu.dma_semaphore, #tpu.memory_space<semaphore_mem>>)
    %dma_start3A_4 = tpu.memref_slice %arg3[%mul3A_2] : memref<320000xi32, #tpu.memory_space<hbm>> -> memref<10000xi32, #tpu.memory_space<hbm>>
    %dma_start3A_5 = tpu.memref_slice %arg3[%mul3A_2] : memref<320000xi32, #tpu.memory_space<hbm>> -> memref<10000xi32, #tpu.memory_space<hbm>>
    tpu.enqueue_dma source(%dma_start3A_5 : memref<10000xi32, #tpu.memory_space<hbm>>) target(%arg12 : memref<10000xi32, #tpu.memory_space<vmem>>) target_semaphore(%arg16 : memref<!tpu.dma_semaphore, #tpu.memory_space<semaphore_mem>>)
    "tpu.region"() ({
      %run_scoped3A = tpu.sem_alloc : memref<!tpu.dma_semaphore, #tpu.memory_space<semaphore_mem>>
      tpu.enqueue_dma source(%arg4 : memref<6x128xf32, #tpu.memory_space<hbm>>) target(%arg7 : memref<6x128xf32, #tpu.memory_space<vmem>>) target_semaphore(%run_scoped3A : memref<!tpu.dma_semaphore, #tpu.memory_space<semaphore_mem>>)
      tpu.wait_dma2 semaphore(%run_scoped3A : memref<!tpu.dma_semaphore, #tpu.memory_space<semaphore_mem>>) src(%arg4 : memref<6x128xf32, #tpu.memory_space<hbm>>) dst(%arg7 : memref<6x128xf32, #tpu.memory_space<vmem>>)
      tpu.yield
    }) : () -> ()
    "tpu.region"() ({
      %run_scoped3A = tpu.sem_alloc : memref<!tpu.dma_semaphore, #tpu.memory_space<semaphore_mem>>
      tpu.enqueue_dma source(%arg5 : memref<3x128xf32, #tpu.memory_space<hbm>>) target(%arg8 : memref<3x128xf32, #tpu.memory_space<vmem>>) target_semaphore(%run_scoped3A : memref<!tpu.dma_semaphore, #tpu.memory_space<semaphore_mem>>)
      tpu.wait_dma2 semaphore(%run_scoped3A : memref<!tpu.dma_semaphore, #tpu.memory_space<semaphore_mem>>) src(%arg5 : memref<3x128xf32, #tpu.memory_space<hbm>>) dst(%arg8 : memref<3x128xf32, #tpu.memory_space<vmem>>)
      tpu.yield
    }) : () -> ()
    %get3A = arith.constant 0 : i32
    %get3A_6 = arith.index_cast %get3A : i32 to index
    %get3A_7 = arith.constant 0 : index
    %get3A_8 = tpu.vector_load %arg7[%get3A_6, %get3A_7] {strides = array<i32>} : memref<6x128xf32, #tpu.memory_space<vmem>>, vector<1x16xf32>,
    %get3A_9 = vector.shape_cast %get3A_8 : vector<1x16xf32> to vector<16xf32>
    %get3A_10 = arith.constant 0 : i32
    %get3A_11 = arith.index_cast %get3A_10 : i32 to index
    %get3A_12 = arith.constant 0 : index
    %get3A_13 = tpu.vector_load %arg8[%get3A_11, %get3A_12] {strides = array<i32>} : memref<3x128xf32, #tpu.memory_space<vmem>>, vector<1x16xf32>,
    %get3A_14 = vector.shape_cast %get3A_13 : vector<1x16xf32> to vector<16xf32>
    %add3A_15 = arith.addf %get3A_9, %get3A_14 : vector<16xf32>
    %swap3A = arith.constant 0 : i32
    %swap3A_16 = arith.index_cast %swap3A : i32 to index
    %swap3A_17 = arith.constant 0 : index
    %swap3A_18 = tpu.vector_load %arg9[%swap3A_16, %swap3A_17] {strides = array<i32>} : memref<24x128xf32, #tpu.memory_space<vmem>>, vector<1x16xf32>,
    %swap3A_19 = vector.shape_cast %swap3A_18 : vector<1x16xf32> to vector<16xf32>
    %swap3A_20 = vector.shape_cast %add3A_15 : vector<16xf32> to vector<1x16xf32>
    tpu.vector_store %arg9[%swap3A_16, %swap3A_17], %swap3A_20 {strides = array<i32>} : memref<24x128xf32, #tpu.memory_space<vmem>>, vector<1x16xf32>,
    %get3A_21 = arith.constant 0 : i32
    %get3A_22 = arith.index_cast %get3A_21 : i32 to index
    %get3A_23 = arith.constant 16 : index
    %get3A_24 = tpu.vector_load %arg7[%get3A_22, %get3A_23] {strides = array<i32>} : memref<6x128xf32, #tpu.memory_space<vmem>>, vector<1x16xf32>,
    %get3A_25 = vector.shape_cast %get3A_24 : vector<1x16xf32> to vector<16xf32>
    %get3A_26 = arith.constant 0 : i32
    %get3A_27 = arith.index_cast %get3A_26 : i32 to index
    %get3A_28 = arith.constant 16 : index
    %get3A_29 = tpu.vector_load %arg8[%get3A_27, %get3A_28] {strides = array<i32>} : memref<3x128xf32, #tpu.memory_space<vmem>>, vector<1x16xf32>,
    %get3A_30 = vector.shape_cast %get3A_29 : vector<1x16xf32> to vector<16xf32>
    %add3A_31 = arith.addf %get3A_25, %get3A_30 : vector<16xf32>
    %swap3A_32 = arith.constant 0 : i32
    %swap3A_33 = arith.index_cast %swap3A_32 : i32 to index
    %swap3A_34 = arith.constant 16 : index
    %swap3A_35 = tpu.vector_load %arg9[%swap3A_33, %swap3A_34] {strides = array<i32>} : memref<24x128xf32, #tpu.memory_space<vmem>>, vector<1x16xf32>,
    %swap3A_36 = vector.shape_cast %swap3A_35 : vector<1x16xf32> to vector<16xf32>
    %swap3A_37 = vector.shape_cast %add3A_31 : vector<16xf32> to vector<1x16xf32>
    tpu.vector_store %arg9[%swap3A_33, %swap3A_34], %swap3A_37 {strides = array<i32>} : memref<24x128xf32, #tpu.memory_space<vmem>>, vector<1x16xf32>,
    %get3A_38 = arith.constant 0 : i32
    %get3A_39 = arith.index_cast %get3A_38 : i32 to index
    %get3A_40 = arith.constant 32 : index
    %get3A_41 = tpu.vector_load %arg7[%get3A_39, %get3A_40] {strides = array<i32>} : memref<6x128xf32, #tpu.memory_space<vmem>>, vector<1x16xf32>,
    %get3A_42 = vector.shape_cast %get3A_41 : vector<1x16xf32> to vector<16xf32>
    %get3A_43 = arith.constant 0 : i32
    %get3A_44 = arith.index_cast %get3A_43 : i32 to index
    %get3A_45 = arith.constant 32 : index
    %get3A_46 = tpu.vector_load %arg8[%get3A_44, %get3A_45] {strides = array<i32>} : memref<3x128xf32, #tpu.memory_space<vmem>>, vector<1x16xf32>,
    %get3A_47 = vector.shape_cast %get3A_46 : vector<1x16xf32> to vector<16xf32>
    %add3A_48 = arith.addf %get3A_42, %get3A_47 : vector<16xf32>
    %swap3A_49 = arith.constant 0 : i32
    %swap3A_50 = arith.index_cast %swap3A_49 : i32 to index
    %swap3A_51 = arith.constant 32 : index
    %swap3A_52 = tpu.vector_load %arg9[%swap3A_50, %swap3A_51] {strides = array<i32>} : memref<24x128xf32, #tpu.memory_space<vmem>>, vector<1x16xf32>,
    %swap3A_53 = vector.shape_cast %swap3A_52 : vector<1x16xf32> to vector<16xf32>
    %swap3A_54 = vector.shape_cast %add3A_48 : vector<16xf32> to vector<1x16xf32>
    tpu.vector_store %arg9[%swap3A_50, %swap3A_51], %swap3A_54 {strides = array<i32>} : memref<24x128xf32, #tpu.memory_space<vmem>>, vector<1x16xf32>,
    %get3A_55 = arith.constant 0 : i32
    %get3A_56 = arith.index_cast %get3A_55 : i32 to index
    %get3A_57 = arith.constant 48 : index
    %get3A_58 = tpu.vector_load %arg7[%get3A_56, %get3A_57] {strides = array<i32>} : memref<6x128xf32, #tpu.memory_space<vmem>>, vector<1x16xf32>,
    %get3A_59 = vector.shape_cast %get3A_58 : vector<1x16xf32> to vector<16xf32>
    %get3A_60 = arith.constant 0 : i32
    %get3A_61 = arith.index_cast %get3A_60 : i32 to index
    %get3A_62 = arith.constant 48 : index
    %get3A_63 = tpu.vector_load %arg8[%get3A_61, %get3A_62] {strides = array<i32>} : memref<3x128xf32, #tpu.memory_space<vmem>>, vector<1x16xf32>,
    %get3A_64 = vector.shape_cast %get3A_63 : vector<1x16xf32> to vector<16xf32>
    %add3A_65 = arith.addf %get3A_59, %get3A_64 : vector<16xf32>
    %swap3A_66 = arith.constant 0 : i32
    %swap3A_67 = arith.index_cast %swap3A_66 : i32 to index
    %swap3A_68 = arith.constant 48 : index
    %swap3A_69 = tpu.vector_load %arg9[%swap3A_67, %swap3A_68] {strides = array<i32>} : memref<24x128xf32, #tpu.memory_space<vmem>>, vector<1x16xf32>,
    %swap3A_70 = vector.shape_cast %swap3A_69 : vector<1x16xf32> to vector<16xf32>
    %swap3A_71 = vector.shape_cast %add3A_65 : vector<16xf32> to vector<1x16xf32>
    tpu.vector_store %arg9[%swap3A_67, %swap3A_68], %swap3A_71 {strides = array<i32>} : memref<24x128xf32, #tpu.memory_space<vmem>>, vector<1x16xf32>,
    %get3A_72 = arith.constant 0 : i32
    %get3A_73 = arith.index_cast %get3A_72 : i32 to index
    %get3A_74 = arith.constant 64 : index
    %get3A_75 = tpu.vector_load %arg7[%get3A_73, %get3A_74] {strides = array<i32>} : memref<6x128xf32, #tpu.memory_space<vmem>>, vector<1x16xf32>,
    %get3A_76 = vector.shape_cast %get3A_75 : vector<1x16xf32> to vector<16xf32>
    %get3A_77 = arith.constant 0 : i32
    %get3A_78 = arith.index_cast %get3A_77 : i32 to index
    %get3A_79 = arith.constant 64 : index
    %get3A_80 = tpu.vector_load %arg8[%get3A_78, %get3A_79] {strides = array<i32>} : memref<3x128xf32, #tpu.memory_space<vmem>>, vector<1x16xf32>,
    %get3A_81 = vector.shape_cast %get3A_80 : vector<1x16xf32> to vector<16xf32>
    %add3A_82 = arith.addf %get3A_76, %get3A_81 : vector<16xf32>
    %swap3A_83 = arith.constant 0 : i32
    %swap3A_84 = arith.index_cast %swap3A_83 : i32 to index
    %swap3A_85 = arith.constant 64 : index
    %swap3A_86 = tpu.vector_load %arg9[%swap3A_84, %swap3A_85] {strides = array<i32>} : memref<24x128xf32, #tpu.memory_space<vmem>>, vector<1x16xf32>,
    %swap3A_87 = vector.shape_cast %swap3A_86 : vector<1x16xf32> to vector<16xf32>
    %swap3A_88 = vector.shape_cast %add3A_82 : vector<16xf32> to vector<1x16xf32>
    tpu.vector_store %arg9[%swap3A_84, %swap3A_85], %swap3A_88 {strides = array<i32>} : memref<24x128xf32, #tpu.memory_space<vmem>>, vector<1x16xf32>,
    %get3A_89 = arith.constant 0 : i32
    %get3A_90 = arith.index_cast %get3A_89 : i32 to index
    %get3A_91 = arith.constant 80 : index
    %get3A_92 = tpu.vector_load %arg7[%get3A_90, %get3A_91] {strides = array<i32>} : memref<6x128xf32, #tpu.memory_space<vmem>>, vector<1x16xf32>,
    %get3A_93 = vector.shape_cast %get3A_92 : vector<1x16xf32> to vector<16xf32>
    %get3A_94 = arith.constant 0 : i32
    %get3A_95 = arith.index_cast %get3A_94 : i32 to index
    %get3A_96 = arith.constant 80 : index
    %get3A_97 = tpu.vector_load %arg8[%get3A_95, %get3A_96] {strides = array<i32>} : memref<3x128xf32, #tpu.memory_space<vmem>>, vector<1x16xf32>,
    %get3A_98 = vector.shape_cast %get3A_97 : vector<1x16xf32> to vector<16xf32>
    %add3A_99 = arith.addf %get3A_93, %get3A_98 : vector<16xf32>
    %swap3A_100 = arith.constant 0 : i32
    %swap3A_101 = arith.index_cast %swap3A_100 : i32 to index
    %swap3A_102 = arith.constant 80 : index
    %swap3A_103 = tpu.vector_load %arg9[%swap3A_101, %swap3A_102] {strides = array<i32>} : memref<24x128xf32, #tpu.memory_space<vmem>>, vector<1x16xf32>,
    %swap3A_104 = vector.shape_cast %swap3A_103 : vector<1x16xf32> to vector<16xf32>
    %swap3A_105 = vector.shape_cast %add3A_99 : vector<16xf32> to vector<1x16xf32>
    tpu.vector_store %arg9[%swap3A_101, %swap3A_102], %swap3A_105 {strides = array<i32>} : memref<24x128xf32, #tpu.memory_space<vmem>>, vector<1x16xf32>,
    %get3A_106 = arith.constant 0 : i32
    %get3A_107 = arith.index_cast %get3A_106 : i32 to index
    %get3A_108 = arith.constant 96 : index
    %get3A_109 = tpu.vector_load %arg7[%get3A_107, %get3A_108] {strides = array<i32>} : memref<6x128xf32, #tpu.memory_space<vmem>>, vector<1x16xf32>,
    %get3A_110 = vector.shape_cast %get3A_109 : vector<1x16xf32> to vector<16xf32>
    %get3A_111 = arith.constant 0 : i32
    %get3A_112 = arith.index_cast %get3A_111 : i32 to index
    %get3A_113 = arith.constant 96 : index
    %get3A_114 = tpu.vector_load %arg8[%get3A_112, %get3A_113] {strides = array<i32>} : memref<3x128xf32, #tpu.memory_space<vmem>>, vector<1x16xf32>,
    %get3A_115 = vector.shape_cast %get3A_114 : vector<1x16xf32> to vector<16xf32>
    %add3A_116 = arith.addf %get3A_110, %get3A_115 : vector<16xf32>
    %swap3A_117 = arith.constant 0 : i32
    %swap3A_118 = arith.index_cast %swap3A_117 : i32 to index
    %swap3A_119 = arith.constant 96 : index
    %swap3A_120 = tpu.vector_load %arg9[%swap3A_118, %swap3A_119] {strides = array<i32>} : memref<24x128xf32, #tpu.memory_space<vmem>>, vector<1x16xf32>,
    %swap3A_121 = vector.shape_cast %swap3A_120 : vector<1x16xf32> to vector<16xf32>
    %swap3A_122 = vector.shape_cast %add3A_116 : vector<16xf32> to vector<1x16xf32>
    tpu.vector_store %arg9[%swap3A_118, %swap3A_119], %swap3A_122 {strides = array<i32>} : memref<24x128xf32, #tpu.memory_space<vmem>>, vector<1x16xf32>,
    %get3A_123 = arith.constant 0 : i32
    %get3A_124 = arith.index_cast %get3A_123 : i32 to index
    %get3A_125 = arith.constant 112 : index
    %get3A_126 = tpu.vector_load %arg7[%get3A_124, %get3A_125] {strides = array<i32>} : memref<6x128xf32, #tpu.memory_space<vmem>>, vector<1x16xf32>,
    %get3A_127 = vector.shape_cast %get3A_126 : vector<1x16xf32> to vector<16xf32>
    %get3A_128 = arith.constant 0 : i32
    %get3A_129 = arith.index_cast %get3A_128 : i32 to index
    %get3A_130 = arith.constant 112 : index
    %get3A_131 = tpu.vector_load %arg8[%get3A_129, %get3A_130] {strides = array<i32>} : memref<3x128xf32, #tpu.memory_space<vmem>>, vector<1x16xf32>,
    %get3A_132 = vector.shape_cast %get3A_131 : vector<1x16xf32> to vector<16xf32>
    %add3A_133 = arith.addf %get3A_127, %get3A_132 : vector<16xf32>
    %swap3A_134 = arith.constant 0 : i32
    %swap3A_135 = arith.index_cast %swap3A_134 : i32 to index
    %swap3A_136 = arith.constant 112 : index
    %swap3A_137 = tpu.vector_load %arg9[%swap3A_135, %swap3A_136] {strides = array<i32>} : memref<24x128xf32, #tpu.memory_space<vmem>>, vector<1x16xf32>,
    %swap3A_138 = vector.shape_cast %swap3A_137 : vector<1x16xf32> to vector<16xf32>
    %swap3A_139 = vector.shape_cast %add3A_133 : vector<16xf32> to vector<1x16xf32>
    tpu.vector_store %arg9[%swap3A_135, %swap3A_136], %swap3A_139 {strides = array<i32>} : memref<24x128xf32, #tpu.memory_space<vmem>>, vector<1x16xf32>,
    %get3A_140 = arith.constant 0 : i32
    %get3A_141 = arith.index_cast %get3A_140 : i32 to index
    %get3A_142 = arith.constant 0 : index
    %get3A_143 = tpu.vector_load %arg7[%get3A_141, %get3A_142] {strides = array<i32>} : memref<6x128xf32, #tpu.memory_space<vmem>>, vector<1x16xf32>,
    %get3A_144 = vector.shape_cast %get3A_143 : vector<1x16xf32> to vector<16xf32>
    %get3A_145 = arith.constant 1 : i32
    %get3A_146 = arith.index_cast %get3A_145 : i32 to index
    %get3A_147 = arith.constant 0 : index
    %get3A_148 = tpu.vector_load %arg8[%get3A_146, %get3A_147] {strides = array<i32>} : memref<3x128xf32, #tpu.memory_space<vmem>>, vector<1x16xf32>,
    %get3A_149 = vector.shape_cast %get3A_148 : vector<1x16xf32> to vector<16xf32>
    %add3A_150 = arith.addf %get3A_144, %get3A_149 : vector<16xf32>
    %swap3A_151 = arith.constant 1 : i32
    %swap3A_152 = arith.index_cast %swap3A_151 : i32 to index
    %swap3A_153 = arith.constant 0 : index
    %swap3A_154 = tpu.vector_load %arg9[%swap3A_152, %swap3A_153] {strides = array<i32>} : memref<24x128xf32, #tpu.memory_space<vmem>>, vector<1x16xf32>,
    %swap3A_155 = vector.shape_cast %swap3A_154 : vector<1x16xf32> to vector<16xf32>
    %swap3A_156 = vector.shape_cast %add3A_150 : vector<16xf32> to vector<1x16xf32>
    tpu.vector_store %arg9[%swap3A_152, %swap3A_153], %swap3A_156 {strides = array<i32>} : memref<24x128xf32, #tpu.memory_space<vmem>>, vector<1x16xf32>,
    %get3A_157 = arith.constant 0 : i32
    %get3A_158 = arith.index_cast %get3A_157 : i32 to index
    %get3A_159 = arith.constant 16 : index
    %get3A_160 = tpu.vector_load %arg7[%get3A_158, %get3A_159] {strides = array<i32>} : memref<6x128xf32, #tpu.memory_space<vmem>>, vector<1x16xf32>,
    %get3A_161 = vector.shape_cast %get3A_160 : vector<1x16xf32> to vector<16xf32>
    %get3A_162 = arith.constant 1 : i32
    %get3A_163 = arith.index_cast %get3A_162 : i32 to index
    %get3A_164 = arith.constant 16 : index
    %get3A_165 = tpu.vector_load %arg8[%get3A_163, %get3A_164] {strides = array<i32>} : memref<3x128xf32, #tpu.memory_space<vmem>>, vector<1x16xf32>,
    %get3A_166 = vector.shape_cast %get3A_165 : vector<1x16xf32> to vector<16xf32>
    %add3A_167 = arith.addf %get3A_161, %get3A_166 : vector<16xf32>
    %swap3A_168 = arith.constant 1 : i32
    %swap3A_169 = arith.index_cast %swap3A_168 : i32 to index
    %swap3A_170 = arith.constant 16 : index
    %swap3A_171 = tpu.vector_load %arg9[%swap3A_169, %swap3A_170] {strides = array<i32>} : memref<24x128xf32, #tpu.memory_space<vmem>>, vector<1x16xf32>,
    %swap3A_172 = vector.shape_cast %swap3A_171 : vector<1x16xf32> to vector<16xf32>
    %swap3A_173 = vector.shape_cast %add3A_167 : vector<16xf32> to vector<1x16xf32>
    tpu.vector_store %arg9[%swap3A_169, %swap3A_170], %swap3A_173 {strides = array<i32>} : memref<24x128xf32, #tpu.memory_space<vmem>>, vector<1x16xf32>,
    %get3A_174 = arith.constant 0 : i32
    %get3A_175 = arith.index_cast %get3A_174 : i32 to index
    %get3A_176 = arith.constant 32 : index
    %get3A_177 = tpu.vector_load %arg7[%get3A_175, %get3A_176] {strides = array<i32>} : memref<6x128xf32, #tpu.memory_space<vmem>>, vector<1x16xf32>,
    %get3A_178 = vector.shape_cast %get3A_177 : vector<1x16xf32> to vector<16xf32>
    %get3A_179 = arith.constant 1 : i32
    %get3A_180 = arith.index_cast %get3A_179 : i32 to index
    %get3A_181 = arith.constant 32 : index
    %get3A_182 = tpu.vector_load %arg8[%get3A_180, %get3A_181] {strides = array<i32>} : memref<3x128xf32, #tpu.memory_space<vmem>>, vector<1x16xf32>,
    %get3A_183 = vector.shape_cast %get3A_182 : vector<1x16xf32> to vector<16xf32>
    %add3A_184 = arith.addf %get3A_178, %get3A_183 : vector<16xf32>
    %swap3A_185 = arith.constant 1 : i32
    %swap3A_186 = arith.index_cast %swap3A_185 : i32 to index
    %swap3A_187 = arith.constant 32 : index
    %swap3A_188 = tpu.vector_load %arg9[%swap3A_186, %swap3A_187] {strides = array<i32>} : memref<24x128xf32, #tpu.memory_space<vmem>>, vector<1x16xf32>,
    %swap3A_189 = vector.shape_cast %swap3A_188 : vector<1x16xf32> to vector<16xf32>
    %swap3A_190 = vector.shape_cast %add3A_184 : vector<16xf32> to vector<1x16xf32>
    tpu.vector_store %arg9[%swap3A_186, %swap3A_187], %swap3A_190 {strides = array<i32>} : memref<24x128xf32, #tpu.memory_space<vmem>>, vector<1x16xf32>,
    %get3A_191 = arith.constant 0 : i32
    %get3A_192 = arith.index_cast %get3A_191 : i32 to index
    %get3A_193 = arith.constant 48 : index
    %get3A_194 = tpu.vector_load %arg7[%get3A_192, %get3A_193] {strides = array<i32>} : memref<6x128xf32, #tpu.memory_space<vmem>>, vector<1x16xf32>,
    %get3A_195 = vector.shape_cast %get3A_194 : vector<1x16xf32> to vector<16xf32>
    %get3A_196 = arith.constant 1 : i32
    %get3A_197 = arith.index_cast %get3A_196 : i32 to index
    %get3A_198 = arith.constant 48 : index
    %get3A_199 = tpu.vector_load %arg8[%get3A_197, %get3A_198] {strides = array<i32>} : memref<3x128xf32, #tpu.memory_space<vmem>>, vector<1x16xf32>,
    %get3A_200 = vector.shape_cast %get3A_199 : vector<1x16xf32> to vector<16xf32>
    %add3A_201 = arith.addf %get3A_195, %get3A_200 : vector<16xf32>
    %swap3A_202 = arith.constant 1 : i32
    %swap3A_203 = arith.index_cast %swap3A_202 : i32 to index
    %swap3A_204 = arith.constant 48 : index
    %swap3A_205 = tpu.vector_load %arg9[%swap3A_203, %swap3A_204] {strides = array<i32>} : memref<24x128xf32, #tpu.memory_space<vmem>>, vector<1x16xf32>,
    %swap3A_206 = vector.shape_cast %swap3A_205 : vector<1x16xf32> to vector<16xf32>
    %swap3A_207 = vector.shape_cast %add3A_201 : vector<16xf32> to vector<1x16xf32>
    tpu.vector_store %arg9[%swap3A_203, %swap3A_204], %swap3A_207 {strides = array<i32>} : memref<24x128xf32, #tpu.memory_space<vmem>>, vector<1x16xf32>,
    %get3A_208 = arith.constant 0 : i32
    %get3A_209 = arith.index_cast %get3A_208 : i32 to index
    %get3A_210 = arith.constant 64 : index
    %get3A_211 = tpu.vector_load %arg7[%get3A_209, %get3A_210] {strides = array<i32>} : memref<6x128xf32, #tpu.memory_space<vmem>>, vector<1x16xf32>,
    %get3A_212 = vector.shape_cast %get3A_211 : vector<1x16xf32> to vector<16xf32>
    %get3A_213 = arith.constant 1 : i32
    %get3A_214 = arith.index_cast %get3A_213 : i32 to index
    %get3A_215 = arith.constant 64 : index
    %get3A_216 = tpu.vector_load %arg8[%get3A_214, %get3A_215] {strides = array<i32>} : memref<3x128xf32, #tpu.memory_space<vmem>>, vector<1x16xf32>,
    %get3A_217 = vector.shape_cast %get3A_216 : vector<1x16xf32> to vector<16xf32>
    %add3A_218 = arith.addf %get3A_212, %get3A_217 : vector<16xf32>
    %swap3A_219 = arith.constant 1 : i32
    %swap3A_220 = arith.index_cast %swap3A_219 : i32 to index
    %swap3A_221 = arith.constant 64 : index
    %swap3A_222 = tpu.vector_load %arg9[%swap3A_220, %swap3A_221] {strides = array<i32>} : memref<24x128xf32, #tpu.memory_space<vmem>>, vector<1x16xf32>,
    %swap3A_223 = vector.shape_cast %swap3A_222 : vector<1x16xf32> to vector<16xf32>
    %swap3A_224 = vector.shape_cast %add3A_218 : vector<16xf32> to vector<1x16xf32>
    tpu.vector_store %arg9[%swap3A_220, %swap3A_221], %swap3A_224 {strides = array<i32>} : memref<24x128xf32, #tpu.memory_space<vmem>>, vector<1x16xf32>,
    %get3A_225 = arith.constant 0 : i32
    %get3A_226 = arith.index_cast %get3A_225 : i32 to index
    %get3A_227 = arith.constant 80 : index
    %get3A_228 = tpu.vector_load %arg7[%get3A_226, %get3A_227] {strides = array<i32>} : memref<6x128xf32, #tpu.memory_space<vmem>>, vector<1x16xf32>,
    %get3A_229 = vector.shape_cast %get3A_228 : vector<1x16xf32> to vector<16xf32>
    %get3A_230 = arith.constant 1 : i32
    %get3A_231 = arith.index_cast %get3A_230 : i32 to index
    %get3A_232 = arith.constant 80 : index
    %get3A_233 = tpu.vector_load %arg8[%get3A_231, %get3A_232] {strides = array<i32>} : memref<3x128xf32, #tpu.memory_space<vmem>>, vector<1x16xf32>,
    %get3A_234 = vector.shape_cast %get3A_233 : vector<1x16xf32> to vector<16xf32>
    %add3A_235 = arith.addf %get3A_229, %get3A_234 : vector<16xf32>
    %swap3A_236 = arith.constant 1 : i32
    %swap3A_237 = arith.index_cast %swap3A_236 : i32 to index
    %swap3A_238 = arith.constant 80 : index
    %swap3A_239 = tpu.vector_load %arg9[%swap3A_237, %swap3A_238] {strides = array<i32>} : memref<24x128xf32, #tpu.memory_space<vmem>>, vector<1x16xf32>,
    %swap3A_240 = vector.shape_cast %swap3A_239 : vector<1x16xf32> to vector<16xf32>
    %swap3A_241 = vector.shape_cast %add3A_235 : vector<16xf32> to vector<1x16xf32>
    tpu.vector_store %arg9[%swap3A_237, %swap3A_238], %swap3A_241 {strides = array<i32>} : memref<24x128xf32, #tpu.memory_space<vmem>>, vector<1x16xf32>,
    %get3A_242 = arith.constant 0 : i32
    %get3A_243 = arith.index_cast %get3A_242 : i32 to index
    %get3A_244 = arith.constant 96 : index
    %get3A_245 = tpu.vector_load %arg7[%get3A_243, %get3A_244] {strides = array<i32>} : memref<6x128xf32, #tpu.memory_space<vmem>>, vector<1x16xf32>,
    %get3A_246 = vector.shape_cast %get3A_245 : vector<1x16xf32> to vector<16xf32>
    %get3A_247 = arith.constant 1 : i32
    %get3A_248 = arith.index_cast %get3A_247 : i32 to index
    %get3A_249 = arith.constant 96 : index
    %get3A_250 = tpu.vector_load %arg8[%get3A_248, %get3A_249] {strides = array<i32>} : memref<3x128xf32, #tpu.memory_space<vmem>>, vector<1x16xf32>,
    %get3A_251 = vector.shape_cast %get3A_250 : vector<1x16xf32> to vector<16xf32>
    %add3A_252 = arith.addf %get3A_246, %get3A_251 : vector<16xf32>
    %swap3A_253 = arith.constant 1 : i32
    %swap3A_254 = arith.index_cast %swap3A_253 : i32 to index
    %swap3A_255 = arith.constant 96 : index
    %swap3A_256 = tpu.vector_load %arg9[%swap3A_254, %swap3A_255] {strides = array<i32>} : memref<24x128xf32, #tpu.memory_space<vmem>>, vector<1x16xf32>,
    %swap3A_257 = vector.shape_cast %swap3A_256 : vector<1x16xf32> to vector<16xf32>
    %swap3A_258 = vector.shape_cast %add3A_252 : vector<16xf32> to vector<1x16xf32>
    tpu.vector_store %arg9[%swap3A_254, %swap3A_255], %swap3A_258 {strides = array<i32>} : memref<24x128xf32, #tpu.memory_space<vmem>>, vector<1x16xf32>,
    %get3A_259 = arith.constant 0 : i32
    %get3A_260 = arith.index_cast %get3A_259 : i32 to index
    %get3A_261 = arith.constant 112 : index
    %get3A_262 = tpu.vector_load %arg7[%get3A_260, %get3A_261] {strides = array<i32>} : memref<6x128xf32, #tpu.memory_space<vmem>>, vector<1x16xf32>,
    %get3A_263 = vector.shape_cast %get3A_262 : vector<1x16xf32> to vector<16xf32>
    %get3A_264 = arith.constant 1 : i32
    %get3A_265 = arith.index_cast %get3A_264 : i32 to index
    %get3A_266 = arith.constant 112 : index
    %get3A_267 = tpu.vector_load %arg8[%get3A_265, %get3A_266] {strides = array<i32>} : memref<3x128xf32, #tpu.memory_space<vmem>>, vector<1x16xf32>,
    %get3A_268 = vector.shape_cast %get3A_267 : vector<1x16xf32> to vector<16xf32>
    %add3A_269 = arith.addf %get3A_263, %get3A_268 : vector<16xf32>
    %swap3A_270 = arith.constant 1 : i32
    %swap3A_271 = arith.index_cast %swap3A_270 : i32 to index
    %swap3A_272 = arith.constant 112 : index
    %swap3A_273 = tpu.vector_load %arg9[%swap3A_271, %swap3A_272] {strides = array<i32>} : memref<24x128xf32, #tpu.memory_space<vmem>>, vector<1x16xf32>,
    %swap3A_274 = vector.shape_cast %swap3A_273 : vector<1x16xf32> to vector<16xf32>
    %swap3A_275 = vector.shape_cast %add3A_269 : vector<16xf32> to vector<1x16xf32>
    tpu.vector_store %arg9[%swap3A_271, %swap3A_272], %swap3A_275 {strides = array<i32>} : memref<24x128xf32, #tpu.memory_space<vmem>>, vector<1x16xf32>,
    %get3A_276 = arith.constant 0 : i32
    %get3A_277 = arith.index_cast %get3A_276 : i32 to index
    %get3A_278 = arith.constant 0 : index
    %get3A_279 = tpu.vector_load %arg7[%get3A_277, %get3A_278] {strides = array<i32>} : memref<6x128xf32, #tpu.memory_space<vmem>>, vector<1x16xf32>,
    %get3A_280 = vector.shape_cast %get3A_279 : vector<1x16xf32> to vector<16xf32>
    %get3A_281 = arith.constant 2 : i32
    %get3A_282 = arith.index_cast %get3A_281 : i32 to index
    %get3A_283 = arith.constant 0 : index
    %get3A_284 = tpu.vector_load %arg8[%get3A_282, %get3A_283] {strides = array<i32>} : memref<3x128xf32, #tpu.memory_space<vmem>>, vector<1x16xf32>,
    %get3A_285 = vector.shape_cast %get3A_284 : vector<1x16xf32> to vector<16xf32>
    %add3A_286 = arith.addf %get3A_280, %get3A_285 : vector<16xf32>
    %swap3A_287 = arith.constant 2 : i32
    %swap3A_288 = arith.index_cast %swap3A_287 : i32 to index
    %swap3A_289 = arith.constant 0 : index
    %swap3A_290 = tpu.vector_load %arg9[%swap3A_288, %swap3A_289] {strides = array<i32>} : memref<24x128xf32, #tpu.memory_space<vmem>>, vector<1x16xf32>,
    %swap3A_291 = vector.shape_cast %swap3A_290 : vector<1x16xf32> to vector<16xf32>
    %swap3A_292 = vector.shape_cast %add3A_286 : vector<16xf32> to vector<1x16xf32>
    tpu.vector_store %arg9[%swap3A_288, %swap3A_289], %swap3A_292 {strides = array<i32>} : memref<24x128xf32, #tpu.memory_space<vmem>>, vector<1x16xf32>,
    %get3A_293 = arith.constant 0 : i32
    %get3A_294 = arith.index_cast %get3A_293 : i32 to index
    %get3A_295 = arith.constant 16 : index
    %get3A_296 = tpu.vector_load %arg7[%get3A_294, %get3A_295] {strides = array<i32>} : memref<6x128xf32, #tpu.memory_space<vmem>>, vector<1x16xf32>,
    %get3A_297 = vector.shape_cast %get3A_296 : vector<1x16xf32> to vector<16xf32>
    %get3A_298 = arith.constant 2 : i32
    %get3A_299 = arith.index_cast %get3A_298 : i32 to index
    %get3A_300 = arith.constant 16 : index
    %get3A_301 = tpu.vector_load %arg8[%get3A_299, %get3A_300] {strides = array<i32>} : memref<3x128xf32, #tpu.memory_space<vmem>>, vector<1x16xf32>,
    %get3A_302 = vector.shape_cast %get3A_301 : vector<1x16xf32> to vector<16xf32>
    %add3A_303 = arith.addf %get3A_297, %get3A_302 : vector<16xf32>
    %swap3A_304 = arith.constant 2 : i32
    %swap3A_305 = arith.index_cast %swap3A_304 : i32 to index
    %swap3A_306 = arith.constant 16 : index
    %swap3A_307 = tpu.vector_load %arg9[%swap3A_305, %swap3A_306] {strides = array<i32>} : memref<24x128xf32, #tpu.memory_space<vmem>>, vector<1x16xf32>,
    %swap3A_308 = vector.shape_cast %swap3A_307 : vector<1x16xf32> to vector<16xf32>
    %swap3A_309 = vector.shape_cast %add3A_303 : vector<16xf32> to vector<1x16xf32>
    tpu.vector_store %arg9[%swap3A_305, %swap3A_306], %swap3A_309 {strides = array<i32>} : memref<24x128xf32, #tpu.memory_space<vmem>>, vector<1x16xf32>,
    %get3A_310 = arith.constant 0 : i32
    %get3A_311 = arith.index_cast %get3A_310 : i32 to index
    %get3A_312 = arith.constant 32 : index
    %get3A_313 = tpu.vector_load %arg7[%get3A_311, %get3A_312] {strides = array<i32>} : memref<6x128xf32, #tpu.memory_space<vmem>>, vector<1x16xf32>,
    %get3A_314 = vector.shape_cast %get3A_313 : vector<1x16xf32> to vector<16xf32>
    %get3A_315 = arith.constant 2 : i32
    %get3A_316 = arith.index_cast %get3A_315 : i32 to index
    %get3A_317 = arith.constant 32 : index
    %get3A_318 = tpu.vector_load %arg8[%get3A_316, %get3A_317] {strides = array<i32>} : memref<3x128xf32, #tpu.memory_space<vmem>>, vector<1x16xf32>,
    %get3A_319 = vector.shape_cast %get3A_318 : vector<1x16xf32> to vector<16xf32>
    %add3A_320 = arith.addf %get3A_314, %get3A_319 : vector<16xf32>
    %swap3A_321 = arith.constant 2 : i32
    %swap3A_322 = arith.index_cast %swap3A_321 : i32 to index
    %swap3A_323 = arith.constant 32 : index
    %swap3A_324 = tpu.vector_load %arg9[%swap3A_322, %swap3A_323] {strides = array<i32>} : memref<24x128xf32, #tpu.memory_space<vmem>>, vector<1x16xf32>,
    %swap3A_325 = vector.shape_cast %swap3A_324 : vector<1x16xf32> to vector<16xf32>
    %swap3A_326 = vector.shape_cast %add3A_320 : vector<16xf32> to vector<1x16xf32>
    tpu.vector_store %arg9[%swap3A_322, %swap3A_323], %swap3A_326 {strides = array<i32>} : memref<24x128xf32, #tpu.memory_space<vmem>>, vector<1x16xf32>,
    %get3A_327 = arith.constant 0 : i32
    %get3A_328 = arith.index_cast %get3A_327 : i32 to index
    %get3A_329 = arith.constant 48 : index
    %get3A_330 = tpu.vector_load %arg7[%get3A_328, %get3A_329] {strides = array<i32>} : memref<6x128xf32, #tpu.memory_space<vmem>>, vector<1x16xf32>,
    %get3A_331 = vector.shape_cast %get3A_330 : vector<1x16xf32> to vector<16xf32>
    %get3A_332 = arith.constant 2 : i32
    %get3A_333 = arith.index_cast %get3A_332 : i32 to index
    %get3A_334 = arith.constant 48 : index
    %get3A_335 = tpu.vector_load %arg8[%get3A_333, %get3A_334] {strides = array<i32>} : memref<3x128xf32, #tpu.memory_space<vmem>>, vector<1x16xf32>,
    %get3A_336 = vector.shape_cast %get3A_335 : vector<1x16xf32> to vector<16xf32>
    %add3A_337 = arith.addf %get3A_331, %get3A_336 : vector<16xf32>
    %swap3A_338 = arith.constant 2 : i32
    %swap3A_339 = arith.index_cast %swap3A_338 : i32 to index
    %swap3A_340 = arith.constant 48 : index
    %swap3A_341 = tpu.vector_load %arg9[%swap3A_339, %swap3A_340] {strides = array<i32>} : memref<24x128xf32, #tpu.memory_space<vmem>>, vector<1x16xf32>,
    %swap3A_342 = vector.shape_cast %swap3A_341 : vector<1x16xf32> to vector<16xf32>
    %swap3A_343 = vector.shape_cast %add3A_337 : vector<16xf32> to vector<1x16xf32>
    tpu.vector_store %arg9[%swap3A_339, %swap3A_340], %swap3A_343 {strides = array<i32>} : memref<24x128xf32, #tpu.memory_space<vmem>>, vector<1x16xf32>,
    %get3A_344 = arith.constant 0 : i32
    %get3A_345 = arith.index_cast %get3A_344 : i32 to index
    %get3A_346 = arith.constant 64 : index
    %get3A_347 = tpu.vector_load %arg7[%get3A_345, %get3A_346] {strides = array<i32>} : memref<6x128xf32, #tpu.memory_space<vmem>>, vector<1x16xf32>,
    %get3A_348 = vector.shape_cast %get3A_347 : vector<1x16xf32> to vector<16xf32>
    %get3A_349 = arith.constant 2 : i32
    %get3A_350 = arith.index_cast %get3A_349 : i32 to index
    %get3A_351 = arith.constant 64 : index
    %get3A_352 = tpu.vector_load %arg8[%get3A_350, %get3A_351] {strides = array<i32>} : memref<3x128xf32, #tpu.memory_space<vmem>>, vector<1x16xf32>,
    %get3A_353 = vector.shape_cast %get3A_352 : vector<1x16xf32> to vector<16xf32>
    %add3A_354 = arith.addf %get3A_348, %get3A_353 : vector<16xf32>
    %swap3A_355 = arith.constant 2 : i32
    %swap3A_356 = arith.index_cast %swap3A_355 : i32 to index
    %swap3A_357 = arith.constant 64 : index
    %swap3A_358 = tpu.vector_load %arg9[%swap3A_356, %swap3A_357] {strides = array<i32>} : memref<24x128xf32, #tpu.memory_space<vmem>>, vector<1x16xf32>,
    %swap3A_359 = vector.shape_cast %swap3A_358 : vector<1x16xf32> to vector<16xf32>
    %swap3A_360 = vector.shape_cast %add3A_354 : vector<16xf32> to vector<1x16xf32>
    tpu.vector_store %arg9[%swap3A_356, %swap3A_357], %swap3A_360 {strides = array<i32>} : memref<24x128xf32, #tpu.memory_space<vmem>>, vector<1x16xf32>,
    %get3A_361 = arith.constant 0 : i32
    %get3A_362 = arith.index_cast %get3A_361 : i32 to index
    %get3A_363 = arith.constant 80 : index
    %get3A_364 = tpu.vector_load %arg7[%get3A_362, %get3A_363] {strides = array<i32>} : memref<6x128xf32, #tpu.memory_space<vmem>>, vector<1x16xf32>,
    %get3A_365 = vector.shape_cast %get3A_364 : vector<1x16xf32> to vector<16xf32>
    %get3A_366 = arith.constant 2 : i32
    %get3A_367 = arith.index_cast %get3A_366 : i32 to index
    %get3A_368 = arith.constant 80 : index
    %get3A_369 = tpu.vector_load %arg8[%get3A_367, %get3A_368] {strides = array<i32>} : memref<3x128xf32, #tpu.memory_space<vmem>>, vector<1x16xf32>,
    %get3A_370 = vector.shape_cast %get3A_369 : vector<1x16xf32> to vector<16xf32>
    %add3A_371 = arith.addf %get3A_365, %get3A_370 : vector<16xf32>
    %swap3A_372 = arith.constant 2 : i32
    %swap3A_373 = arith.index_cast %swap3A_372 : i32 to index
    %swap3A_374 = arith.constant 80 : index
    %swap3A_375 = tpu.vector_load %arg9[%swap3A_373, %swap3A_374] {strides = array<i32>} : memref<24x128xf32, #tpu.memory_space<vmem>>, vector<1x16xf32>,
    %swap3A_376 = vector.shape_cast %swap3A_375 : vector<1x16xf32> to vector<16xf32>
    %swap3A_377 = vector.shape_cast %add3A_371 : vector<16xf32> to vector<1x16xf32>
    tpu.vector_store %arg9[%swap3A_373, %swap3A_374], %swap3A_377 {strides = array<i32>} : memref<24x128xf32, #tpu.memory_space<vmem>>, vector<1x16xf32>,
    %get3A_378 = arith.constant 0 : i32
    %get3A_379 = arith.index_cast %get3A_378 : i32 to index
    %get3A_380 = arith.constant 96 : index
    %get3A_381 = tpu.vector_load %arg7[%get3A_379, %get3A_380] {strides = array<i32>} : memref<6x128xf32, #tpu.memory_space<vmem>>, vector<1x16xf32>,
    %get3A_382 = vector.shape_cast %get3A_381 : vector<1x16xf32> to vector<16xf32>
    %get3A_383 = arith.constant 2 : i32
    %get3A_384 = arith.index_cast %get3A_383 : i32 to index
    %get3A_385 = arith.constant 96 : index
    %get3A_386 = tpu.vector_load %arg8[%get3A_384, %get3A_385] {strides = array<i32>} : memref<3x128xf32, #tpu.memory_space<vmem>>, vector<1x16xf32>,
    %get3A_387 = vector.shape_cast %get3A_386 : vector<1x16xf32> to vector<16xf32>
    %add3A_388 = arith.addf %get3A_382, %get3A_387 : vector<16xf32>
    %swap3A_389 = arith.constant 2 : i32
    %swap3A_390 = arith.index_cast %swap3A_389 : i32 to index
    %swap3A_391 = arith.constant 96 : index
    %swap3A_392 = tpu.vector_load %arg9[%swap3A_390, %swap3A_391] {strides = array<i32>} : memref<24x128xf32, #tpu.memory_space<vmem>>, vector<1x16xf32>,
    %swap3A_393 = vector.shape_cast %swap3A_392 : vector<1x16xf32> to vector<16xf32>
    %swap3A_394 = vector.shape_cast %add3A_388 : vector<16xf32> to vector<1x16xf32>
    tpu.vector_store %arg9[%swap3A_390, %swap3A_391], %swap3A_394 {strides = array<i32>} : memref<24x128xf32, #tpu.memory_space<vmem>>, vector<1x16xf32>,
    %get3A_395 = arith.constant 0 : i32
    %get3A_396 = arith.index_cast %get3A_395 : i32 to index
    %get3A_397 = arith.constant 112 : index
    %get3A_398 = tpu.vector_load %arg7[%get3A_396, %get3A_397] {strides = array<i32>} : memref<6x128xf32, #tpu.memory_space<vmem>>, vector<1x16xf32>,
    %get3A_399 = vector.shape_cast %get3A_398 : vector<1x16xf32> to vector<16xf32>
    %get3A_400 = arith.constant 2 : i32
    %get3A_401 = arith.index_cast %get3A_400 : i32 to index
    %get3A_402 = arith.constant 112 : index
    %get3A_403 = tpu.vector_load %arg8[%get3A_401, %get3A_402] {strides = array<i32>} : memref<3x128xf32, #tpu.memory_space<vmem>>, vector<1x16xf32>,
    %get3A_404 = vector.shape_cast %get3A_403 : vector<1x16xf32> to vector<16xf32>
    %add3A_405 = arith.addf %get3A_399, %get3A_404 : vector<16xf32>
    %swap3A_406 = arith.constant 2 : i32
    %swap3A_407 = arith.index_cast %swap3A_406 : i32 to index
    %swap3A_408 = arith.constant 112 : index
    %swap3A_409 = tpu.vector_load %arg9[%swap3A_407, %swap3A_408] {strides = array<i32>} : memref<24x128xf32, #tpu.memory_space<vmem>>, vector<1x16xf32>,
    %swap3A_410 = vector.shape_cast %swap3A_409 : vector<1x16xf32> to vector<16xf32>
    %swap3A_411 = vector.shape_cast %add3A_405 : vector<16xf32> to vector<1x16xf32>
    tpu.vector_store %arg9[%swap3A_407, %swap3A_408], %swap3A_411 {strides = array<i32>} : memref<24x128xf32, #tpu.memory_space<vmem>>, vector<1x16xf32>,
    %get3A_412 = arith.constant 1 : i32
    %get3A_413 = arith.index_cast %get3A_412 : i32 to index
    %get3A_414 = arith.constant 0 : index
    %get3A_415 = tpu.vector_load %arg7[%get3A_413, %get3A_414] {strides = array<i32>} : memref<6x128xf32, #tpu.memory_space<vmem>>, vector<1x16xf32>,
    %get3A_416 = vector.shape_cast %get3A_415 : vector<1x16xf32> to vector<16xf32>
    %get3A_417 = arith.constant 0 : i32
    %get3A_418 = arith.index_cast %get3A_417 : i32 to index
    %get3A_419 = arith.constant 0 : index
    %get3A_420 = tpu.vector_load %arg8[%get3A_418, %get3A_419] {strides = array<i32>} : memref<3x128xf32, #tpu.memory_space<vmem>>, vector<1x16xf32>,
    %get3A_421 = vector.shape_cast %get3A_420 : vector<1x16xf32> to vector<16xf32>
    %add3A_422 = arith.addf %get3A_416, %get3A_421 : vector<16xf32>
    %swap3A_423 = arith.constant 3 : i32
    %swap3A_424 = arith.index_cast %swap3A_423 : i32 to index
    %swap3A_425 = arith.constant 0 : index
    %swap3A_426 = tpu.vector_load %arg9[%swap3A_424, %swap3A_425] {strides = array<i32>} : memref<24x128xf32, #tpu.memory_space<vmem>>, vector<1x16xf32>,
    %swap3A_427 = vector.shape_cast %swap3A_426 : vector<1x16xf32> to vector<16xf32>
    %swap3A_428 = vector.shape_cast %add3A_422 : vector<16xf32> to vector<1x16xf32>
    tpu.vector_store %arg9[%swap3A_424, %swap3A_425], %swap3A_428 {strides = array<i32>} : memref<24x128xf32, #tpu.memory_space<vmem>>, vector<1x16xf32>,
    %get3A_429 = arith.constant 1 : i32
    %get3A_430 = arith.index_cast %get3A_429 : i32 to index
    %get3A_431 = arith.constant 16 : index
    %get3A_432 = tpu.vector_load %arg7[%get3A_430, %get3A_431] {strides = array<i32>} : memref<6x128xf32, #tpu.memory_space<vmem>>, vector<1x16xf32>,
    %get3A_433 = vector.shape_cast %get3A_432 : vector<1x16xf32> to vector<16xf32>
    %get3A_434 = arith.constant 0 : i32
    %get3A_435 = arith.index_cast %get3A_434 : i32 to index
    %get3A_436 = arith.constant 16 : index
    %get3A_437 = tpu.vector_load %arg8[%get3A_435, %get3A_436] {strides = array<i32>} : memref<3x128xf32, #tpu.memory_space<vmem>>, vector<1x16xf32>,
    %get3A_438 = vector.shape_cast %get3A_437 : vector<1x16xf32> to vector<16xf32>
    %add3A_439 = arith.addf %get3A_433, %get3A_438 : vector<16xf32>
    %swap3A_440 = arith.constant 3 : i32
    %swap3A_441 = arith.index_cast %swap3A_440 : i32 to index
    %swap3A_442 = arith.constant 16 : index
    %swap3A_443 = tpu.vector_load %arg9[%swap3A_441, %swap3A_442] {strides = array<i32>} : memref<24x128xf32, #tpu.memory_space<vmem>>, vector<1x16xf32>,
    %swap3A_444 = vector.shape_cast %swap3A_443 : vector<1x16xf32> to vector<16xf32>
    %swap3A_445 = vector.shape_cast %add3A_439 : vector<16xf32> to vector<1x16xf32>
    tpu.vector_store %arg9[%swap3A_441, %swap3A_442], %swap3A_445 {strides = array<i32>} : memref<24x128xf32, #tpu.memory_space<vmem>>, vector<1x16xf32>,
    %get3A_446 = arith.constant 1 : i32
    %get3A_447 = arith.index_cast %get3A_446 : i32 to index
    %get3A_448 = arith.constant 32 : index
    %get3A_449 = tpu.vector_load %arg7[%get3A_447, %get3A_448] {strides = array<i32>} : memref<6x128xf32, #tpu.memory_space<vmem>>, vector<1x16xf32>,
    %get3A_450 = vector.shape_cast %get3A_449 : vector<1x16xf32> to vector<16xf32>
    %get3A_451 = arith.constant 0 : i32
    %get3A_452 = arith.index_cast %get3A_451 : i32 to index
    %get3A_453 = arith.constant 32 : index
    %get3A_454 = tpu.vector_load %arg8[%get3A_452, %get3A_453] {strides = array<i32>} : memref<3x128xf32, #tpu.memory_space<vmem>>, vector<1x16xf32>,
    %get3A_455 = vector.shape_cast %get3A_454 : vector<1x16xf32> to vector<16xf32>
    %add3A_456 = arith.addf %get3A_450, %get3A_455 : vector<16xf32>
    %swap3A_457 = arith.constant 3 : i32
    %swap3A_458 = arith.index_cast %swap3A_457 : i32 to index
    %swap3A_459 = arith.constant 32 : index
    %swap3A_460 = tpu.vector_load %arg9[%swap3A_458, %swap3A_459] {strides = array<i32>} : memref<24x128xf32, #tpu.memory_space<vmem>>, vector<1x16xf32>,
    %swap3A_461 = vector.shape_cast %swap3A_460 : vector<1x16xf32> to vector<16xf32>
    %swap3A_462 = vector.shape_cast %add3A_456 : vector<16xf32> to vector<1x16xf32>
    tpu.vector_store %arg9[%swap3A_458, %swap3A_459], %swap3A_462 {strides = array<i32>} : memref<24x128xf32, #tpu.memory_space<vmem>>, vector<1x16xf32>,
    %get3A_463 = arith.constant 1 : i32
    %get3A_464 = arith.index_cast %get3A_463 : i32 to index
    %get3A_465 = arith.constant 48 : index
    %get3A_466 = tpu.vector_load %arg7[%get3A_464, %get3A_465] {strides = array<i32>} : memref<6x128xf32, #tpu.memory_space<vmem>>, vector<1x16xf32>,
    %get3A_467 = vector.shape_cast %get3A_466 : vector<1x16xf32> to vector<16xf32>
    %get3A_468 = arith.constant 0 : i32
    %get3A_469 = arith.index_cast %get3A_468 : i32 to index
    %get3A_470 = arith.constant 48 : index
    %get3A_471 = tpu.vector_load %arg8[%get3A_469, %get3A_470] {strides = array<i32>} : memref<3x128xf32, #tpu.memory_space<vmem>>, vector<1x16xf32>,
    %get3A_472 = vector.shape_cast %get3A_471 : vector<1x16xf32> to vector<16xf32>
    %add3A_473 = arith.addf %get3A_467, %get3A_472 : vector<16xf32>
    %swap3A_474 = arith.constant 3 : i32
    %swap3A_475 = arith.index_cast %swap3A_474 : i32 to index
    %swap3A_476 = arith.constant 48 : index
    %swap3A_477 = tpu.vector_load %arg9[%swap3A_475, %swap3A_476] {strides = array<i32>} : memref<24x128xf32, #tpu.memory_space<vmem>>, vector<1x16xf32>,
    %swap3A_478 = vector.shape_cast %swap3A_477 : vector<1x16xf32> to vector<16xf32>
    %swap3A_479 = vector.shape_cast %add3A_473 : vector<16xf32> to vector<1x16xf32>
    tpu.vector_store %arg9[%swap3A_475, %swap3A_476], %swap3A_479 {strides = array<i32>} : memref<24x128xf32, #tpu.memory_space<vmem>>, vector<1x16xf32>,
    %get3A_480 = arith.constant 1 : i32
    %get3A_481 = arith.index_cast %get3A_480 : i32 to index
    %get3A_482 = arith.constant 64 : index
    %get3A_483 = tpu.vector_load %arg7[%get3A_481, %get3A_482] {strides = array<i32>} : memref<6x128xf32, #tpu.memory_space<vmem>>, vector<1x16xf32>,
    %get3A_484 = vector.shape_cast %get3A_483 : vector<1x16xf32> to vector<16xf32>
    %get3A_485 = arith.constant 0 : i32
    %get3A_486 = arith.index_cast %get3A_485 : i32 to index
    %get3A_487 = arith.constant 64 : index
    %get3A_488 = tpu.vector_load %arg8[%get3A_486, %get3A_487] {strides = array<i32>} : memref<3x128xf32, #tpu.memory_space<vmem>>, vector<1x16xf32>,
    %get3A_489 = vector.shape_cast %get3A_488 : vector<1x16xf32> to vector<16xf32>
    %add3A_490 = arith.addf %get3A_484, %get3A_489 : vector<16xf32>
    %swap3A_491 = arith.constant 3 : i32
    %swap3A_492 = arith.index_cast %swap3A_491 : i32 to index
    %swap3A_493 = arith.constant 64 : index
    %swap3A_494 = tpu.vector_load %arg9[%swap3A_492, %swap3A_493] {strides = array<i32>} : memref<24x128xf32, #tpu.memory_space<vmem>>, vector<1x16xf32>,
    %swap3A_495 = vector.shape_cast %swap3A_494 : vector<1x16xf32> to vector<16xf32>
    %swap3A_496 = vector.shape_cast %add3A_490 : vector<16xf32> to vector<1x16xf32>
    tpu.vector_store %arg9[%swap3A_492, %swap3A_493], %swap3A_496 {strides = array<i32>} : memref<24x128xf32, #tpu.memory_space<vmem>>, vector<1x16xf32>,
    %get3A_497 = arith.constant 1 : i32
    %get3A_498 = arith.index_cast %get3A_497 : i32 to index
    %get3A_499 = arith.constant 80 : index
    %get3A_500 = tpu.vector_load %arg7[%get3A_498, %get3A_499] {strides = array<i32>} : memref<6x128xf32, #tpu.memory_space<vmem>>, vector<1x16xf32>,
    %get3A_501 = vector.shape_cast %get3A_500 : vector<1x16xf32> to vector<16xf32>
    %get3A_502 = arith.constant 0 : i32
    %get3A_503 = arith.index_cast %get3A_502 : i32 to index
    %get3A_504 = arith.constant 80 : index
    %get3A_505 = tpu.vector_load %arg8[%get3A_503, %get3A_504] {strides = array<i32>} : memref<3x128xf32, #tpu.memory_space<vmem>>, vector<1x16xf32>,
    %get3A_506 = vector.shape_cast %get3A_505 : vector<1x16xf32> to vector<16xf32>
    %add3A_507 = arith.addf %get3A_501, %get3A_506 : vector<16xf32>
    %swap3A_508 = arith.constant 3 : i32
    %swap3A_509 = arith.index_cast %swap3A_508 : i32 to index
    %swap3A_510 = arith.constant 80 : index
    %swap3A_511 = tpu.vector_load %arg9[%swap3A_509, %swap3A_510] {strides = array<i32>} : memref<24x128xf32, #tpu.memory_space<vmem>>, vector<1x16xf32>,
    %swap3A_512 = vector.shape_cast %swap3A_511 : vector<1x16xf32> to vector<16xf32>
    %swap3A_513 = vector.shape_cast %add3A_507 : vector<16xf32> to vector<1x16xf32>
    tpu.vector_store %arg9[%swap3A_509, %swap3A_510], %swap3A_513 {strides = array<i32>} : memref<24x128xf32, #tpu.memory_space<vmem>>, vector<1x16xf32>,
    %get3A_514 = arith.constant 1 : i32
    %get3A_515 = arith.index_cast %get3A_514 : i32 to index
    %get3A_516 = arith.constant 96 : index
    %get3A_517 = tpu.vector_load %arg7[%get3A_515, %get3A_516] {strides = array<i32>} : memref<6x128xf32, #tpu.memory_space<vmem>>, vector<1x16xf32>,
    %get3A_518 = vector.shape_cast %get3A_517 : vector<1x16xf32> to vector<16xf32>
    %get3A_519 = arith.constant 0 : i32
    %get3A_520 = arith.index_cast %get3A_519 : i32 to index
    %get3A_521 = arith.constant 96 : index
    %get3A_522 = tpu.vector_load %arg8[%get3A_520, %get3A_521] {strides = array<i32>} : memref<3x128xf32, #tpu.memory_space<vmem>>, vector<1x16xf32>,
    %get3A_523 = vector.shape_cast %get3A_522 : vector<1x16xf32> to vector<16xf32>
    %add3A_524 = arith.addf %get3A_518, %get3A_523 : vector<16xf32>
    %swap3A_525 = arith.constant 3 : i32
    %swap3A_526 = arith.index_cast %swap3A_525 : i32 to index
    %swap3A_527 = arith.constant 96 : index
    %swap3A_528 = tpu.vector_load %arg9[%swap3A_526, %swap3A_527] {strides = array<i32>} : memref<24x128xf32, #tpu.memory_space<vmem>>, vector<1x16xf32>,
    %swap3A_529 = vector.shape_cast %swap3A_528 : vector<1x16xf32> to vector<16xf32>
    %swap3A_530 = vector.shape_cast %add3A_524 : vector<16xf32> to vector<1x16xf32>
    tpu.vector_store %arg9[%swap3A_526, %swap3A_527], %swap3A_530 {strides = array<i32>} : memref<24x128xf32, #tpu.memory_space<vmem>>, vector<1x16xf32>,
    %get3A_531 = arith.constant 1 : i32
    %get3A_532 = arith.index_cast %get3A_531 : i32 to index
    %get3A_533 = arith.constant 112 : index
    %get3A_534 = tpu.vector_load %arg7[%get3A_532, %get3A_533] {strides = array<i32>} : memref<6x128xf32, #tpu.memory_space<vmem>>, vector<1x16xf32>,
    %get3A_535 = vector.shape_cast %get3A_534 : vector<1x16xf32> to vector<16xf32>
    %get3A_536 = arith.constant 0 : i32
    %get3A_537 = arith.index_cast %get3A_536 : i32 to index
    %get3A_538 = arith.constant 112 : index
    %get3A_539 = tpu.vector_load %arg8[%get3A_537, %get3A_538] {strides = array<i32>} : memref<3x128xf32, #tpu.memory_space<vmem>>, vector<1x16xf32>,
    %get3A_540 = vector.shape_cast %get3A_539 : vector<1x16xf32> to vector<16xf32>
    %add3A_541 = arith.addf %get3A_535, %get3A_540 : vector<16xf32>
    %swap3A_542 = arith.constant 3 : i32
    %swap3A_543 = arith.index_cast %swap3A_542 : i32 to index
    %swap3A_544 = arith.constant 112 : index
    %swap3A_545 = tpu.vector_load %arg9[%swap3A_543, %swap3A_544] {strides = array<i32>} : memref<24x128xf32, #tpu.memory_space<vmem>>, vector<1x16xf32>,
    %swap3A_546 = vector.shape_cast %swap3A_545 : vector<1x16xf32> to vector<16xf32>
    %swap3A_547 = vector.shape_cast %add3A_541 : vector<16xf32> to vector<1x16xf32>
    tpu.vector_store %arg9[%swap3A_543, %swap3A_544], %swap3A_547 {strides = array<i32>} : memref<24x128xf32, #tpu.memory_space<vmem>>, vector<1x16xf32>,
    %get3A_548 = arith.constant 1 : i32
    %get3A_549 = arith.index_cast %get3A_548 : i32 to index
    %get3A_550 = arith.constant 0 : index
    %get3A_551 = tpu.vector_load %arg7[%get3A_549, %get3A_550] {strides = array<i32>} : memref<6x128xf32, #tpu.memory_space<vmem>>, vector<1x16xf32>,
    %get3A_552 = vector.shape_cast %get3A_551 : vector<1x16xf32> to vector<16xf32>
    %get3A_553 = arith.constant 1 : i32
    %get3A_554 = arith.index_cast %get3A_553 : i32 to index
    %get3A_555 = arith.constant 0 : index
    %get3A_556 = tpu.vector_load %arg8[%get3A_554, %get3A_555] {strides = array<i32>} : memref<3x128xf32, #tpu.memory_space<vmem>>, vector<1x16xf32>,
    %get3A_557 = vector.shape_cast %get3A_556 : vector<1x16xf32> to vector<16xf32>
    %add3A_558 = arith.addf %get3A_552, %get3A_557 : vector<16xf32>
    %swap3A_559 = arith.constant 4 : i32
    %swap3A_560 = arith.index_cast %swap3A_559 : i32 to index
    %swap3A_561 = arith.constant 0 : index
    %swap3A_562 = tpu.vector_load %arg9[%swap3A_560, %swap3A_561] {strides = array<i32>} : memref<24x128xf32, #tpu.memory_space<vmem>>, vector<1x16xf32>,
    %swap3A_563 = vector.shape_cast %swap3A_562 : vector<1x16xf32> to vector<16xf32>
    %swap3A_564 = vector.shape_cast %add3A_558 : vector<16xf32> to vector<1x16xf32>
    tpu.vector_store %arg9[%swap3A_560, %swap3A_561], %swap3A_564 {strides = array<i32>} : memref<24x128xf32, #tpu.memory_space<vmem>>, vector<1x16xf32>,
    %get3A_565 = arith.constant 1 : i32
    %get3A_566 = arith.index_cast %get3A_565 : i32 to index
    %get3A_567 = arith.constant 16 : index
    %get3A_568 = tpu.vector_load %arg7[%get3A_566, %get3A_567] {strides = array<i32>} : memref<6x128xf32, #tpu.memory_space<vmem>>, vector<1x16xf32>,
    %get3A_569 = vector.shape_cast %get3A_568 : vector<1x16xf32> to vector<16xf32>
    %get3A_570 = arith.constant 1 : i32
    %get3A_571 = arith.index_cast %get3A_570 : i32 to index
    %get3A_572 = arith.constant 16 : index
    %get3A_573 = tpu.vector_load %arg8[%get3A_571, %get3A_572] {strides = array<i32>} : memref<3x128xf32, #tpu.memory_space<vmem>>, vector<1x16xf32>,
    %get3A_574 = vector.shape_cast %get3A_573 : vector<1x16xf32> to vector<16xf32>
    %add3A_575 = arith.addf %get3A_569, %get3A_574 : vector<16xf32>
    %swap3A_576 = arith.constant 4 : i32
    %swap3A_577 = arith.index_cast %swap3A_576 : i32 to index
    %swap3A_578 = arith.constant 16 : index
    %swap3A_579 = tpu.vector_load %arg9[%swap3A_577, %swap3A_578] {strides = array<i32>} : memref<24x128xf32, #tpu.memory_space<vmem>>, vector<1x16xf32>,
    %swap3A_580 = vector.shape_cast %swap3A_579 : vector<1x16xf32> to vector<16xf32>
    %swap3A_581 = vector.shape_cast %add3A_575 : vector<16xf32> to vector<1x16xf32>
    tpu.vector_store %arg9[%swap3A_577, %swap3A_578], %swap3A_581 {strides = array<i32>} : memref<24x128xf32, #tpu.memory_space<vmem>>, vector<1x16xf32>,
    %get3A_582 = arith.constant 1 : i32
    %get3A_583 = arith.index_cast %get3A_582 : i32 to index
    %get3A_584 = arith.constant 32 : index
    %get3A_585 = tpu.vector_load %arg7[%get3A_583, %get3A_584] {strides = array<i32>} : memref<6x128xf32, #tpu.memory_space<vmem>>, vector<1x16xf32>,
    %get3A_586 = vector.shape_cast %get3A_585 : vector<1x16xf32> to vector<16xf32>
    %get3A_587 = arith.constant 1 : i32
    %get3A_588 = arith.index_cast %get3A_587 : i32 to index
    %get3A_589 = arith.constant 32 : index
    %get3A_590 = tpu.vector_load %arg8[%get3A_588, %get3A_589] {strides = array<i32>} : memref<3x128xf32, #tpu.memory_space<vmem>>, vector<1x16xf32>,
    %get3A_591 = vector.shape_cast %get3A_590 : vector<1x16xf32> to vector<16xf32>
    %add3A_592 = arith.addf %get3A_586, %get3A_591 : vector<16xf32>
    %swap3A_593 = arith.constant 4 : i32
    %swap3A_594 = arith.index_cast %swap3A_593 : i32 to index
    %swap3A_595 = arith.constant 32 : index
    %swap3A_596 = tpu.vector_load %arg9[%swap3A_594, %swap3A_595] {strides = array<i32>} : memref<24x128xf32, #tpu.memory_space<vmem>>, vector<1x16xf32>,
    %swap3A_597 = vector.shape_cast %swap3A_596 : vector<1x16xf32> to vector<16xf32>
    %swap3A_598 = vector.shape_cast %add3A_592 : vector<16xf32> to vector<1x16xf32>
    tpu.vector_store %arg9[%swap3A_594, %swap3A_595], %swap3A_598 {strides = array<i32>} : memref<24x128xf32, #tpu.memory_space<vmem>>, vector<1x16xf32>,
    %get3A_599 = arith.constant 1 : i32
    %get3A_600 = arith.index_cast %get3A_599 : i32 to index
    %get3A_601 = arith.constant 48 : index
    %get3A_602 = tpu.vector_load %arg7[%get3A_600, %get3A_601] {strides = array<i32>} : memref<6x128xf32, #tpu.memory_space<vmem>>, vector<1x16xf32>,
    %get3A_603 = vector.shape_cast %get3A_602 : vector<1x16xf32> to vector<16xf32>
    %get3A_604 = arith.constant 1 : i32
    %get3A_605 = arith.index_cast %get3A_604 : i32 to index
    %get3A_606 = arith.constant 48 : index
    %get3A_607 = tpu.vector_load %arg8[%get3A_605, %get3A_606] {strides = array<i32>} : memref<3x128xf32, #tpu.memory_space<vmem>>, vector<1x16xf32>,
    %get3A_608 = vector.shape_cast %get3A_607 : vector<1x16xf32> to vector<16xf32>
    %add3A_609 = arith.addf %get3A_603, %get3A_608 : vector<16xf32>
    %swap3A_610 = arith.constant 4 : i32
    %swap3A_611 = arith.index_cast %swap3A_610 : i32 to index
    %swap3A_612 = arith.constant 48 : index
    %swap3A_613 = tpu.vector_load %arg9[%swap3A_611, %swap3A_612] {strides = array<i32>} : memref<24x128xf32, #tpu.memory_space<vmem>>, vector<1x16xf32>,
    %swap3A_614 = vector.shape_cast %swap3A_613 : vector<1x16xf32> to vector<16xf32>
    %swap3A_615 = vector.shape_cast %add3A_609 : vector<16xf32> to vector<1x16xf32>
    tpu.vector_store %arg9[%swap3A_611, %swap3A_612], %swap3A_615 {strides = array<i32>} : memref<24x128xf32, #tpu.memory_space<vmem>>, vector<1x16xf32>,
    %get3A_616 = arith.constant 1 : i32
    %get3A_617 = arith.index_cast %get3A_616 : i32 to index
    %get3A_618 = arith.constant 64 : index
    %get3A_619 = tpu.vector_load %arg7[%get3A_617, %get3A_618] {strides = array<i32>} : memref<6x128xf32, #tpu.memory_space<vmem>>, vector<1x16xf32>,
    %get3A_620 = vector.shape_cast %get3A_619 : vector<1x16xf32> to vector<16xf32>
    %get3A_621 = arith.constant 1 : i32
    %get3A_622 = arith.index_cast %get3A_621 : i32 to index
    %get3A_623 = arith.constant 64 : index
    %get3A_624 = tpu.vector_load %arg8[%get3A_622, %get3A_623] {strides = array<i32>} : memref<3x128xf32, #tpu.memory_space<vmem>>, vector<1x16xf32>,
    %get3A_625 = vector.shape_cast %get3A_624 : vector<1x16xf32> to vector<16xf32>
    %add3A_626 = arith.addf %get3A_620, %get3A_625 : vector<16xf32>
    %swap3A_627 = arith.constant 4 : i32
    %swap3A_628 = arith.index_cast %swap3A_627 : i32 to index
    %swap3A_629 = arith.constant 64 : index
    %swap3A_630 = tpu.vector_load %arg9[%swap3A_628, %swap3A_629] {strides = array<i32>} : memref<24x128xf32, #tpu.memory_space<vmem>>, vector<1x16xf32>,
    %swap3A_631 = vector.shape_cast %swap3A_630 : vector<1x16xf32> to vector<16xf32>
    %swap3A_632 = vector.shape_cast %add3A_626 : vector<16xf32> to vector<1x16xf32>
    tpu.vector_store %arg9[%swap3A_628, %swap3A_629], %swap3A_632 {strides = array<i32>} : memref<24x128xf32, #tpu.memory_space<vmem>>, vector<1x16xf32>,
    %get3A_633 = arith.constant 1 : i32
    %get3A_634 = arith.index_cast %get3A_633 : i32 to index
    %get3A_635 = arith.constant 80 : index
    %get3A_636 = tpu.vector_load %arg7[%get3A_634, %get3A_635] {strides = array<i32>} : memref<6x128xf32, #tpu.memory_space<vmem>>, vector<1x16xf32>,
    %get3A_637 = vector.shape_cast %get3A_636 : vector<1x16xf32> to vector<16xf32>
    %get3A_638 = arith.constant 1 : i32
    %get3A_639 = arith.index_cast %get3A_638 : i32 to index
    %get3A_640 = arith.constant 80 : index
    %get3A_641 = tpu.vector_load %arg8[%get3A_639, %get3A_640] {strides = array<i32>} : memref<3x128xf32, #tpu.memory_space<vmem>>, vector<1x16xf32>,
    %get3A_642 = vector.shape_cast %get3A_641 : vector<1x16xf32> to vector<16xf32>
    %add3A_643 = arith.addf %get3A_637, %get3A_642 : vector<16xf32>
    %swap3A_644 = arith.constant 4 : i32
    %swap3A_645 = arith.index_cast %swap3A_644 : i32 to index
    %swap3A_646 = arith.constant 80 : index
    %swap3A_647 = tpu.vector_load %arg9[%swap3A_645, %swap3A_646] {strides = array<i32>} : memref<24x128xf32, #tpu.memory_space<vmem>>, vector<1x16xf32>,
    %swap3A_648 = vector.shape_cast %swap3A_647 : vector<1x16xf32> to vector<16xf32>
    %swap3A_649 = vector.shape_cast %add3A_643 : vector<16xf32> to vector<1x16xf32>
    tpu.vector_store %arg9[%swap3A_645, %swap3A_646], %swap3A_649 {strides = array<i32>} : memref<24x128xf32, #tpu.memory_space<vmem>>, vector<1x16xf32>,
    %get3A_650 = arith.constant 1 : i32
    %get3A_651 = arith.index_cast %get3A_650 : i32 to index
    %get3A_652 = arith.constant 96 : index
    %get3A_653 = tpu.vector_load %arg7[%get3A_651, %get3A_652] {strides = array<i32>} : memref<6x128xf32, #tpu.memory_space<vmem>>, vector<1x16xf32>,
    %get3A_654 = vector.shape_cast %get3A_653 : vector<1x16xf32> to vector<16xf32>
    %get3A_655 = arith.constant 1 : i32
    %get3A_656 = arith.index_cast %get3A_655 : i32 to index
    %get3A_657 = arith.constant 96 : index
    %get3A_658 = tpu.vector_load %arg8[%get3A_656, %get3A_657] {strides = array<i32>} : memref<3x128xf32, #tpu.memory_space<vmem>>, vector<1x16xf32>,
    %get3A_659 = vector.shape_cast %get3A_658 : vector<1x16xf32> to vector<16xf32>
    %add3A_660 = arith.addf %get3A_654, %get3A_659 : vector<16xf32>
    %swap3A_661 = arith.constant 4 : i32
    %swap3A_662 = arith.index_cast %swap3A_661 : i32 to index
    %swap3A_663 = arith.constant 96 : index
    %swap3A_664 = tpu.vector_load %arg9[%swap3A_662, %swap3A_663] {strides = array<i32>} : memref<24x128xf32, #tpu.memory_space<vmem>>, vector<1x16xf32>,
    %swap3A_665 = vector.shape_cast %swap3A_664 : vector<1x16xf32> to vector<16xf32>
    %swap3A_666 = vector.shape_cast %add3A_660 : vector<16xf32> to vector<1x16xf32>
    tpu.vector_store %arg9[%swap3A_662, %swap3A_663], %swap3A_666 {strides = array<i32>} : memref<24x128xf32, #tpu.memory_space<vmem>>, vector<1x16xf32>,
    %get3A_667 = arith.constant 1 : i32
    %get3A_668 = arith.index_cast %get3A_667 : i32 to index
    %get3A_669 = arith.constant 112 : index
    %get3A_670 = tpu.vector_load %arg7[%get3A_668, %get3A_669] {strides = array<i32>} : memref<6x128xf32, #tpu.memory_space<vmem>>, vector<1x16xf32>,
    %get3A_671 = vector.shape_cast %get3A_670 : vector<1x16xf32> to vector<16xf32>
    %get3A_672 = arith.constant 1 : i32
    %get3A_673 = arith.index_cast %get3A_672 : i32 to index
    %get3A_674 = arith.constant 112 : index
    %get3A_675 = tpu.vector_load %arg8[%get3A_673, %get3A_674] {strides = array<i32>} : memref<3x128xf32, #tpu.memory_space<vmem>>, vector<1x16xf32>,
    %get3A_676 = vector.shape_cast %get3A_675 : vector<1x16xf32> to vector<16xf32>
    %add3A_677 = arith.addf %get3A_671, %get3A_676 : vector<16xf32>
    %swap3A_678 = arith.constant 4 : i32
    %swap3A_679 = arith.index_cast %swap3A_678 : i32 to index
    %swap3A_680 = arith.constant 112 : index
    %swap3A_681 = tpu.vector_load %arg9[%swap3A_679, %swap3A_680] {strides = array<i32>} : memref<24x128xf32, #tpu.memory_space<vmem>>, vector<1x16xf32>,
    %swap3A_682 = vector.shape_cast %swap3A_681 : vector<1x16xf32> to vector<16xf32>
    %swap3A_683 = vector.shape_cast %add3A_677 : vector<16xf32> to vector<1x16xf32>
    tpu.vector_store %arg9[%swap3A_679, %swap3A_680], %swap3A_683 {strides = array<i32>} : memref<24x128xf32, #tpu.memory_space<vmem>>, vector<1x16xf32>,
    %get3A_684 = arith.constant 1 : i32
    %get3A_685 = arith.index_cast %get3A_684 : i32 to index
    %get3A_686 = arith.constant 0 : index
    %get3A_687 = tpu.vector_load %arg7[%get3A_685, %get3A_686] {strides = array<i32>} : memref<6x128xf32, #tpu.memory_space<vmem>>, vector<1x16xf32>,
    %get3A_688 = vector.shape_cast %get3A_687 : vector<1x16xf32> to vector<16xf32>
    %get3A_689 = arith.constant 2 : i32
    %get3A_690 = arith.index_cast %get3A_689 : i32 to index
    %get3A_691 = arith.constant 0 : index
    %get3A_692 = tpu.vector_load %arg8[%get3A_690, %get3A_691] {strides = array<i32>} : memref<3x128xf32, #tpu.memory_space<vmem>>, vector<1x16xf32>,
    %get3A_693 = vector.shape_cast %get3A_692 : vector<1x16xf32> to vector<16xf32>
    %add3A_694 = arith.addf %get3A_688, %get3A_693 : vector<16xf32>
    %swap3A_695 = arith.constant 5 : i32
    %swap3A_696 = arith.index_cast %swap3A_695 : i32 to index
    %swap3A_697 = arith.constant 0 : index
    %swap3A_698 = tpu.vector_load %arg9[%swap3A_696, %swap3A_697] {strides = array<i32>} : memref<24x128xf32, #tpu.memory_space<vmem>>, vector<1x16xf32>,
    %swap3A_699 = vector.shape_cast %swap3A_698 : vector<1x16xf32> to vector<16xf32>
    %swap3A_700 = vector.shape_cast %add3A_694 : vector<16xf32> to vector<1x16xf32>
    tpu.vector_store %arg9[%swap3A_696, %swap3A_697], %swap3A_700 {strides = array<i32>} : memref<24x128xf32, #tpu.memory_space<vmem>>, vector<1x16xf32>,
    %get3A_701 = arith.constant 1 : i32
    %get3A_702 = arith.index_cast %get3A_701 : i32 to index
    %get3A_703 = arith.constant 16 : index
    %get3A_704 = tpu.vector_load %arg7[%get3A_702, %get3A_703] {strides = array<i32>} : memref<6x128xf32, #tpu.memory_space<vmem>>, vector<1x16xf32>,
    %get3A_705 = vector.shape_cast %get3A_704 : vector<1x16xf32> to vector<16xf32>
    %get3A_706 = arith.constant 2 : i32
    %get3A_707 = arith.index_cast %get3A_706 : i32 to index
    %get3A_708 = arith.constant 16 : index
    %get3A_709 = tpu.vector_load %arg8[%get3A_707, %get3A_708] {strides = array<i32>} : memref<3x128xf32, #tpu.memory_space<vmem>>, vector<1x16xf32>,
    %get3A_710 = vector.shape_cast %get3A_709 : vector<1x16xf32> to vector<16xf32>
    %add3A_711 = arith.addf %get3A_705, %get3A_710 : vector<16xf32>
    %swap3A_712 = arith.constant 5 : i32
    %swap3A_713 = arith.index_cast %swap3A_712 : i32 to index
    %swap3A_714 = arith.constant 16 : index
    %swap3A_715 = tpu.vector_load %arg9[%swap3A_713, %swap3A_714] {strides = array<i32>} : memref<24x128xf32, #tpu.memory_space<vmem>>, vector<1x16xf32>,
    %swap3A_716 = vector.shape_cast %swap3A_715 : vector<1x16xf32> to vector<16xf32>
    %swap3A_717 = vector.shape_cast %add3A_711 : vector<16xf32> to vector<1x16xf32>
    tpu.vector_store %arg9[%swap3A_713, %swap3A_714], %swap3A_717 {strides = array<i32>} : memref<24x128xf32, #tpu.memory_space<vmem>>, vector<1x16xf32>,
    %get3A_718 = arith.constant 1 : i32
    %get3A_719 = arith.index_cast %get3A_718 : i32 to index
    %get3A_720 = arith.constant 32 : index
    %get3A_721 = tpu.vector_load %arg7[%get3A_719, %get3A_720] {strides = array<i32>} : memref<6x128xf32, #tpu.memory_space<vmem>>, vector<1x16xf32>,
    %get3A_722 = vector.shape_cast %get3A_721 : vector<1x16xf32> to vector<16xf32>
    %get3A_723 = arith.constant 2 : i32
    %get3A_724 = arith.index_cast %get3A_723 : i32 to index
    %get3A_725 = arith.constant 32 : index
    %get3A_726 = tpu.vector_load %arg8[%get3A_724, %get3A_725] {strides = array<i32>} : memref<3x128xf32, #tpu.memory_space<vmem>>, vector<1x16xf32>,
    %get3A_727 = vector.shape_cast %get3A_726 : vector<1x16xf32> to vector<16xf32>
    %add3A_728 = arith.addf %get3A_722, %get3A_727 : vector<16xf32>
    %swap3A_729 = arith.constant 5 : i32
    %swap3A_730 = arith.index_cast %swap3A_729 : i32 to index
    %swap3A_731 = arith.constant 32 : index
    %swap3A_732 = tpu.vector_load %arg9[%swap3A_730, %swap3A_731] {strides = array<i32>} : memref<24x128xf32, #tpu.memory_space<vmem>>, vector<1x16xf32>,
    %swap3A_733 = vector.shape_cast %swap3A_732 : vector<1x16xf32> to vector<16xf32>
    %swap3A_734 = vector.shape_cast %add3A_728 : vector<16xf32> to vector<1x16xf32>
    tpu.vector_store %arg9[%swap3A_730, %swap3A_731], %swap3A_734 {strides = array<i32>} : memref<24x128xf32, #tpu.memory_space<vmem>>, vector<1x16xf32>,
    %get3A_735 = arith.constant 1 : i32
    %get3A_736 = arith.index_cast %get3A_735 : i32 to index
    %get3A_737 = arith.constant 48 : index
    %get3A_738 = tpu.vector_load %arg7[%get3A_736, %get3A_737] {strides = array<i32>} : memref<6x128xf32, #tpu.memory_space<vmem>>, vector<1x16xf32>,
    %get3A_739 = vector.shape_cast %get3A_738 : vector<1x16xf32> to vector<16xf32>
    %get3A_740 = arith.constant 2 : i32
    %get3A_741 = arith.index_cast %get3A_740 : i32 to index
    %get3A_742 = arith.constant 48 : index
    %get3A_743 = tpu.vector_load %arg8[%get3A_741, %get3A_742] {strides = array<i32>} : memref<3x128xf32, #tpu.memory_space<vmem>>, vector<1x16xf32>,
    %get3A_744 = vector.shape_cast %get3A_743 : vector<1x16xf32> to vector<16xf32>
    %add3A_745 = arith.addf %get3A_739, %get3A_744 : vector<16xf32>
    %swap3A_746 = arith.constant 5 : i32
    %swap3A_747 = arith.index_cast %swap3A_746 : i32 to index
    %swap3A_748 = arith.constant 48 : index
    %swap3A_749 = tpu.vector_load %arg9[%swap3A_747, %swap3A_748] {strides = array<i32>} : memref<24x128xf32, #tpu.memory_space<vmem>>, vector<1x16xf32>,
    %swap3A_750 = vector.shape_cast %swap3A_749 : vector<1x16xf32> to vector<16xf32>
    %swap3A_751 = vector.shape_cast %add3A_745 : vector<16xf32> to vector<1x16xf32>
    tpu.vector_store %arg9[%swap3A_747, %swap3A_748], %swap3A_751 {strides = array<i32>} : memref<24x128xf32, #tpu.memory_space<vmem>>, vector<1x16xf32>,
    %get3A_752 = arith.constant 1 : i32
    %get3A_753 = arith.index_cast %get3A_752 : i32 to index
    %get3A_754 = arith.constant 64 : index
    %get3A_755 = tpu.vector_load %arg7[%get3A_753, %get3A_754] {strides = array<i32>} : memref<6x128xf32, #tpu.memory_space<vmem>>, vector<1x16xf32>,
    %get3A_756 = vector.shape_cast %get3A_755 : vector<1x16xf32> to vector<16xf32>
    %get3A_757 = arith.constant 2 : i32
    %get3A_758 = arith.index_cast %get3A_757 : i32 to index
    %get3A_759 = arith.constant 64 : index
    %get3A_760 = tpu.vector_load %arg8[%get3A_758, %get3A_759] {strides = array<i32>} : memref<3x128xf32, #tpu.memory_space<vmem>>, vector<1x16xf32>,
    %get3A_761 = vector.shape_cast %get3A_760 : vector<1x16xf32> to vector<16xf32>
    %add3A_762 = arith.addf %get3A_756, %get3A_761 : vector<16xf32>
    %swap3A_763 = arith.constant 5 : i32
    %swap3A_764 = arith.index_cast %swap3A_763 : i32 to index
    %swap3A_765 = arith.constant 64 : index
    %swap3A_766 = tpu.vector_load %arg9[%swap3A_764, %swap3A_765] {strides = array<i32>} : memref<24x128xf32, #tpu.memory_space<vmem>>, vector<1x16xf32>,
    %swap3A_767 = vector.shape_cast %swap3A_766 : vector<1x16xf32> to vector<16xf32>
    %swap3A_768 = vector.shape_cast %add3A_762 : vector<16xf32> to vector<1x16xf32>
    tpu.vector_store %arg9[%swap3A_764, %swap3A_765], %swap3A_768 {strides = array<i32>} : memref<24x128xf32, #tpu.memory_space<vmem>>, vector<1x16xf32>,
    %get3A_769 = arith.constant 1 : i32
    %get3A_770 = arith.index_cast %get3A_769 : i32 to index
    %get3A_771 = arith.constant 80 : index
    %get3A_772 = tpu.vector_load %arg7[%get3A_770, %get3A_771] {strides = array<i32>} : memref<6x128xf32, #tpu.memory_space<vmem>>, vector<1x16xf32>,
    %get3A_773 = vector.shape_cast %get3A_772 : vector<1x16xf32> to vector<16xf32>
    %get3A_774 = arith.constant 2 : i32
    %get3A_775 = arith.index_cast %get3A_774 : i32 to index
    %get3A_776 = arith.constant 80 : index
    %get3A_777 = tpu.vector_load %arg8[%get3A_775, %get3A_776] {strides = array<i32>} : memref<3x128xf32, #tpu.memory_space<vmem>>, vector<1x16xf32>,
    %get3A_778 = vector.shape_cast %get3A_777 : vector<1x16xf32> to vector<16xf32>
    %add3A_779 = arith.addf %get3A_773, %get3A_778 : vector<16xf32>
    %swap3A_780 = arith.constant 5 : i32
    %swap3A_781 = arith.index_cast %swap3A_780 : i32 to index
    %swap3A_782 = arith.constant 80 : index
    %swap3A_783 = tpu.vector_load %arg9[%swap3A_781, %swap3A_782] {strides = array<i32>} : memref<24x128xf32, #tpu.memory_space<vmem>>, vector<1x16xf32>,
    %swap3A_784 = vector.shape_cast %swap3A_783 : vector<1x16xf32> to vector<16xf32>
    %swap3A_785 = vector.shape_cast %add3A_779 : vector<16xf32> to vector<1x16xf32>
    tpu.vector_store %arg9[%swap3A_781, %swap3A_782], %swap3A_785 {strides = array<i32>} : memref<24x128xf32, #tpu.memory_space<vmem>>, vector<1x16xf32>,
    %get3A_786 = arith.constant 1 : i32
    %get3A_787 = arith.index_cast %get3A_786 : i32 to index
    %get3A_788 = arith.constant 96 : index
    %get3A_789 = tpu.vector_load %arg7[%get3A_787, %get3A_788] {strides = array<i32>} : memref<6x128xf32, #tpu.memory_space<vmem>>, vector<1x16xf32>,
    %get3A_790 = vector.shape_cast %get3A_789 : vector<1x16xf32> to vector<16xf32>
    %get3A_791 = arith.constant 2 : i32
    %get3A_792 = arith.index_cast %get3A_791 : i32 to index
    %get3A_793 = arith.constant 96 : index
    %get3A_794 = tpu.vector_load %arg8[%get3A_792, %get3A_793] {strides = array<i32>} : memref<3x128xf32, #tpu.memory_space<vmem>>, vector<1x16xf32>,
    %get3A_795 = vector.shape_cast %get3A_794 : vector<1x16xf32> to vector<16xf32>
    %add3A_796 = arith.addf %get3A_790, %get3A_795 : vector<16xf32>
    %swap3A_797 = arith.constant 5 : i32
    %swap3A_798 = arith.index_cast %swap3A_797 : i32 to index
    %swap3A_799 = arith.constant 96 : index
    %swap3A_800 = tpu.vector_load %arg9[%swap3A_798, %swap3A_799] {strides = array<i32>} : memref<24x128xf32, #tpu.memory_space<vmem>>, vector<1x16xf32>,
    %swap3A_801 = vector.shape_cast %swap3A_800 : vector<1x16xf32> to vector<16xf32>
    %swap3A_802 = vector.shape_cast %add3A_796 : vector<16xf32> to vector<1x16xf32>
    tpu.vector_store %arg9[%swap3A_798, %swap3A_799], %swap3A_802 {strides = array<i32>} : memref<24x128xf32, #tpu.memory_space<vmem>>, vector<1x16xf32>,
    %get3A_803 = arith.constant 1 : i32
    %get3A_804 = arith.index_cast %get3A_803 : i32 to index
    %get3A_805 = arith.constant 112 : index
    %get3A_806 = tpu.vector_load %arg7[%get3A_804, %get3A_805] {strides = array<i32>} : memref<6x128xf32, #tpu.memory_space<vmem>>, vector<1x16xf32>,
    %get3A_807 = vector.shape_cast %get3A_806 : vector<1x16xf32> to vector<16xf32>
    %get3A_808 = arith.constant 2 : i32
    %get3A_809 = arith.index_cast %get3A_808 : i32 to index
    %get3A_810 = arith.constant 112 : index
    %get3A_811 = tpu.vector_load %arg8[%get3A_809, %get3A_810] {strides = array<i32>} : memref<3x128xf32, #tpu.memory_space<vmem>>, vector<1x16xf32>,
    %get3A_812 = vector.shape_cast %get3A_811 : vector<1x16xf32> to vector<16xf32>
    %add3A_813 = arith.addf %get3A_807, %get3A_812 : vector<16xf32>
    %swap3A_814 = arith.constant 5 : i32
    %swap3A_815 = arith.index_cast %swap3A_814 : i32 to index
    %swap3A_816 = arith.constant 112 : index
    %swap3A_817 = tpu.vector_load %arg9[%swap3A_815, %swap3A_816] {strides = array<i32>} : memref<24x128xf32, #tpu.memory_space<vmem>>, vector<1x16xf32>,
    %swap3A_818 = vector.shape_cast %swap3A_817 : vector<1x16xf32> to vector<16xf32>
    %swap3A_819 = vector.shape_cast %add3A_813 : vector<16xf32> to vector<1x16xf32>
    tpu.vector_store %arg9[%swap3A_815, %swap3A_816], %swap3A_819 {strides = array<i32>} : memref<24x128xf32, #tpu.memory_space<vmem>>, vector<1x16xf32>,
    %get3A_820 = arith.constant 2 : i32
    %get3A_821 = arith.index_cast %get3A_820 : i32 to index
    %get3A_822 = arith.constant 0 : index
    %get3A_823 = tpu.vector_load %arg7[%get3A_821, %get3A_822] {strides = array<i32>} : memref<6x128xf32, #tpu.memory_space<vmem>>, vector<1x16xf32>,
    %get3A_824 = vector.shape_cast %get3A_823 : vector<1x16xf32> to vector<16xf32>
    %get3A_825 = arith.constant 0 : i32
    %get3A_826 = arith.index_cast %get3A_825 : i32 to index
    %get3A_827 = arith.constant 0 : index
    %get3A_828 = tpu.vector_load %arg8[%get3A_826, %get3A_827] {strides = array<i32>} : memref<3x128xf32, #tpu.memory_space<vmem>>, vector<1x16xf32>,
    %get3A_829 = vector.shape_cast %get3A_828 : vector<1x16xf32> to vector<16xf32>
    %add3A_830 = arith.addf %get3A_824, %get3A_829 : vector<16xf32>
    %swap3A_831 = arith.constant 6 : i32
    %swap3A_832 = arith.index_cast %swap3A_831 : i32 to index
    %swap3A_833 = arith.constant 0 : index
    %swap3A_834 = tpu.vector_load %arg9[%swap3A_832, %swap3A_833] {strides = array<i32>} : memref<24x128xf32, #tpu.memory_space<vmem>>, vector<1x16xf32>,
    %swap3A_835 = vector.shape_cast %swap3A_834 : vector<1x16xf32> to vector<16xf32>
    %swap3A_836 = vector.shape_cast %add3A_830 : vector<16xf32> to vector<1x16xf32>
    tpu.vector_store %arg9[%swap3A_832, %swap3A_833], %swap3A_836 {strides = array<i32>} : memref<24x128xf32, #tpu.memory_space<vmem>>, vector<1x16xf32>,
    %get3A_837 = arith.constant 2 : i32
    %get3A_838 = arith.index_cast %get3A_837 : i32 to index
    %get3A_839 = arith.constant 16 : index
    %get3A_840 = tpu.vector_load %arg7[%get3A_838, %get3A_839] {strides = array<i32>} : memref<6x128xf32, #tpu.memory_space<vmem>>, vector<1x16xf32>,
    %get3A_841 = vector.shape_cast %get3A_840 : vector<1x16xf32> to vector<16xf32>
    %get3A_842 = arith.constant 0 : i32
    %get3A_843 = arith.index_cast %get3A_842 : i32 to index
    %get3A_844 = arith.constant 16 : index
    %get3A_845 = tpu.vector_load %arg8[%get3A_843, %get3A_844] {strides = array<i32>} : memref<3x128xf32, #tpu.memory_space<vmem>>, vector<1x16xf32>,
    %get3A_846 = vector.shape_cast %get3A_845 : vector<1x16xf32> to vector<16xf32>
    %add3A_847 = arith.addf %get3A_841, %get3A_846 : vector<16xf32>
    %swap3A_848 = arith.constant 6 : i32
    %swap3A_849 = arith.index_cast %swap3A_848 : i32 to index
    %swap3A_850 = arith.constant 16 : index
    %swap3A_851 = tpu.vector_load %arg9[%swap3A_849, %swap3A_850] {strides = array<i32>} : memref<24x128xf32, #tpu.memory_space<vmem>>, vector<1x16xf32>,
    %swap3A_852 = vector.shape_cast %swap3A_851 : vector<1x16xf32> to vector<16xf32>
    %swap3A_853 = vector.shape_cast %add3A_847 : vector<16xf32> to vector<1x16xf32>
    tpu.vector_store %arg9[%swap3A_849, %swap3A_850], %swap3A_853 {strides = array<i32>} : memref<24x128xf32, #tpu.memory_space<vmem>>, vector<1x16xf32>,
    %get3A_854 = arith.constant 2 : i32
    %get3A_855 = arith.index_cast %get3A_854 : i32 to index
    %get3A_856 = arith.constant 32 : index
    %get3A_857 = tpu.vector_load %arg7[%get3A_855, %get3A_856] {strides = array<i32>} : memref<6x128xf32, #tpu.memory_space<vmem>>, vector<1x16xf32>,
    %get3A_858 = vector.shape_cast %get3A_857 : vector<1x16xf32> to vector<16xf32>
    %get3A_859 = arith.constant 0 : i32
    %get3A_860 = arith.index_cast %get3A_859 : i32 to index
    %get3A_861 = arith.constant 32 : index
    %get3A_862 = tpu.vector_load %arg8[%get3A_860, %get3A_861] {strides = array<i32>} : memref<3x128xf32, #tpu.memory_space<vmem>>, vector<1x16xf32>,
    %get3A_863 = vector.shape_cast %get3A_862 : vector<1x16xf32> to vector<16xf32>
    %add3A_864 = arith.addf %get3A_858, %get3A_863 : vector<16xf32>
    %swap3A_865 = arith.constant 6 : i32
    %swap3A_866 = arith.index_cast %swap3A_865 : i32 to index
    %swap3A_867 = arith.constant 32 : index
    %swap3A_868 = tpu.vector_load %arg9[%swap3A_866, %swap3A_867] {strides = array<i32>} : memref<24x128xf32, #tpu.memory_space<vmem>>, vector<1x16xf32>,
    %swap3A_869 = vector.shape_cast %swap3A_868 : vector<1x16xf32> to vector<16xf32>
    %swap3A_870 = vector.shape_cast %add3A_864 : vector<16xf32> to vector<1x16xf32>
    tpu.vector_store %arg9[%swap3A_866, %swap3A_867], %swap3A_870 {strides = array<i32>} : memref<24x128xf32, #tpu.memory_space<vmem>>, vector<1x16xf32>,
    %get3A_871 = arith.constant 2 : i32
    %get3A_872 = arith.index_cast %get3A_871 : i32 to index
    %get3A_873 = arith.constant 48 : index
    %get3A_874 = tpu.vector_load %arg7[%get3A_872, %get3A_873] {strides = array<i32>} : memref<6x128xf32, #tpu.memory_space<vmem>>, vector<1x16xf32>,
    %get3A_875 = vector.shape_cast %get3A_874 : vector<1x16xf32> to vector<16xf32>
    %get3A_876 = arith.constant 0 : i32
    %get3A_877 = arith.index_cast %get3A_876 : i32 to index
    %get3A_878 = arith.constant 48 : index
    %get3A_879 = tpu.vector_load %arg8[%get3A_877, %get3A_878] {strides = array<i32>} : memref<3x128xf32, #tpu.memory_space<vmem>>, vector<1x16xf32>,
    %get3A_880 = vector.shape_cast %get3A_879 : vector<1x16xf32> to vector<16xf32>
    %add3A_881 = arith.addf %get3A_875, %get3A_880 : vector<16xf32>
    %swap3A_882 = arith.constant 6 : i32
    %swap3A_883 = arith.index_cast %swap3A_882 : i32 to index
    %swap3A_884 = arith.constant 48 : index
    %swap3A_885 = tpu.vector_load %arg9[%swap3A_883, %swap3A_884] {strides = array<i32>} : memref<24x128xf32, #tpu.memory_space<vmem>>, vector<1x16xf32>,
    %swap3A_886 = vector.shape_cast %swap3A_885 : vector<1x16xf32> to vector<16xf32>
    %swap3A_887 = vector.shape_cast %add3A_881 : vector<16xf32> to vector<1x16xf32>
    tpu.vector_store %arg9[%swap3A_883, %swap3A_884], %swap3A_887 {strides = array<i32>} : memref<24x128xf32, #tpu.memory_space<vmem>>, vector<1x16xf32>,
    %get3A_888 = arith.constant 2 : i32
    %get3A_889 = arith.index_cast %get3A_888 : i32 to index
    %get3A_890 = arith.constant 64 : index
    %get3A_891 = tpu.vector_load %arg7[%get3A_889, %get3A_890] {strides = array<i32>} : memref<6x128xf32, #tpu.memory_space<vmem>>, vector<1x16xf32>,
    %get3A_892 = vector.shape_cast %get3A_891 : vector<1x16xf32> to vector<16xf32>
    %get3A_893 = arith.constant 0 : i32
    %get3A_894 = arith.index_cast %get3A_893 : i32 to index
    %get3A_895 = arith.constant 64 : index
    %get3A_896 = tpu.vector_load %arg8[%get3A_894, %get3A_895] {strides = array<i32>} : memref<3x128xf32, #tpu.memory_space<vmem>>, vector<1x16xf32>,
    %get3A_897 = vector.shape_cast %get3A_896 : vector<1x16xf32> to vector<16xf32>
    %add3A_898 = arith.addf %get3A_892, %get3A_897 : vector<16xf32>
    %swap3A_899 = arith.constant 6 : i32
    %swap3A_900 = arith.index_cast %swap3A_899 : i32 to index
    %swap3A_901 = arith.constant 64 : index
    %swap3A_902 = tpu.vector_load %arg9[%swap3A_900, %swap3A_901] {strides = array<i32>} : memref<24x128xf32, #tpu.memory_space<vmem>>, vector<1x16xf32>,
    %swap3A_903 = vector.shape_cast %swap3A_902 : vector<1x16xf32> to vector<16xf32>
    %swap3A_904 = vector.shape_cast %add3A_898 : vector<16xf32> to vector<1x16xf32>
    tpu.vector_store %arg9[%swap3A_900, %swap3A_901], %swap3A_904 {strides = array<i32>} : memref<24x128xf32, #tpu.memory_space<vmem>>, vector<1x16xf32>,
    %get3A_905 = arith.constant 2 : i32
    %get3A_906 = arith.index_cast %get3A_905 : i32 to index
    %get3A_907 = arith.constant 80 : index
    %get3A_908 = tpu.vector_load %arg7[%get3A_906, %get3A_907] {strides = array<i32>} : memref<6x128xf32, #tpu.memory_space<vmem>>, vector<1x16xf32>,
    %get3A_909 = vector.shape_cast %get3A_908 : vector<1x16xf32> to vector<16xf32>
    %get3A_910 = arith.constant 0 : i32
    %get3A_911 = arith.index_cast %get3A_910 : i32 to index
    %get3A_912 = arith.constant 80 : index
    %get3A_913 = tpu.vector_load %arg8[%get3A_911, %get3A_912] {strides = array<i32>} : memref<3x128xf32, #tpu.memory_space<vmem>>, vector<1x16xf32>,
    %get3A_914 = vector.shape_cast %get3A_913 : vector<1x16xf32> to vector<16xf32>
    %add3A_915 = arith.addf %get3A_909, %get3A_914 : vector<16xf32>
    %swap3A_916 = arith.constant 6 : i32
    %swap3A_917 = arith.index_cast %swap3A_916 : i32 to index
    %swap3A_918 = arith.constant 80 : index
    %swap3A_919 = tpu.vector_load %arg9[%swap3A_917, %swap3A_918] {strides = array<i32>} : memref<24x128xf32, #tpu.memory_space<vmem>>, vector<1x16xf32>,
    %swap3A_920 = vector.shape_cast %swap3A_919 : vector<1x16xf32> to vector<16xf32>
    %swap3A_921 = vector.shape_cast %add3A_915 : vector<16xf32> to vector<1x16xf32>
    tpu.vector_store %arg9[%swap3A_917, %swap3A_918], %swap3A_921 {strides = array<i32>} : memref<24x128xf32, #tpu.memory_space<vmem>>, vector<1x16xf32>,
    %get3A_922 = arith.constant 2 : i32
    %get3A_923 = arith.index_cast %get3A_922 : i32 to index
    %get3A_924 = arith.constant 96 : index
    %get3A_925 = tpu.vector_load %arg7[%get3A_923, %get3A_924] {strides = array<i32>} : memref<6x128xf32, #tpu.memory_space<vmem>>, vector<1x16xf32>,
    %get3A_926 = vector.shape_cast %get3A_925 : vector<1x16xf32> to vector<16xf32>
    %get3A_927 = arith.constant 0 : i32
    %get3A_928 = arith.index_cast %get3A_927 : i32 to index
    %get3A_929 = arith.constant 96 : index
    %get3A_930 = tpu.vector_load %arg8[%get3A_928, %get3A_929] {strides = array<i32>} : memref<3x128xf32, #tpu.memory_space<vmem>>, vector<1x16xf32>,
    %get3A_931 = vector.shape_cast %get3A_930 : vector<1x16xf32> to vector<16xf32>
    %add3A_932 = arith.addf %get3A_926, %get3A_931 : vector<16xf32>
    %swap3A_933 = arith.constant 6 : i32
    %swap3A_934 = arith.index_cast %swap3A_933 : i32 to index
    %swap3A_935 = arith.constant 96 : index
    %swap3A_936 = tpu.vector_load %arg9[%swap3A_934, %swap3A_935] {strides = array<i32>} : memref<24x128xf32, #tpu.memory_space<vmem>>, vector<1x16xf32>,
    %swap3A_937 = vector.shape_cast %swap3A_936 : vector<1x16xf32> to vector<16xf32>
    %swap3A_938 = vector.shape_cast %add3A_932 : vector<16xf32> to vector<1x16xf32>
    tpu.vector_store %arg9[%swap3A_934, %swap3A_935], %swap3A_938 {strides = array<i32>} : memref<24x128xf32, #tpu.memory_space<vmem>>, vector<1x16xf32>,
    %get3A_939 = arith.constant 2 : i32
    %get3A_940 = arith.index_cast %get3A_939 : i32 to index
    %get3A_941 = arith.constant 112 : index
    %get3A_942 = tpu.vector_load %arg7[%get3A_940, %get3A_941] {strides = array<i32>} : memref<6x128xf32, #tpu.memory_space<vmem>>, vector<1x16xf32>,
    %get3A_943 = vector.shape_cast %get3A_942 : vector<1x16xf32> to vector<16xf32>
    %get3A_944 = arith.constant 0 : i32
    %get3A_945 = arith.index_cast %get3A_944 : i32 to index
    %get3A_946 = arith.constant 112 : index
    %get3A_947 = tpu.vector_load %arg8[%get3A_945, %get3A_946] {strides = array<i32>} : memref<3x128xf32, #tpu.memory_space<vmem>>, vector<1x16xf32>,
    %get3A_948 = vector.shape_cast %get3A_947 : vector<1x16xf32> to vector<16xf32>
    %add3A_949 = arith.addf %get3A_943, %get3A_948 : vector<16xf32>
    %swap3A_950 = arith.constant 6 : i32
    %swap3A_951 = arith.index_cast %swap3A_950 : i32 to index
    %swap3A_952 = arith.constant 112 : index
    %swap3A_953 = tpu.vector_load %arg9[%swap3A_951, %swap3A_952] {strides = array<i32>} : memref<24x128xf32, #tpu.memory_space<vmem>>, vector<1x16xf32>,
    %swap3A_954 = vector.shape_cast %swap3A_953 : vector<1x16xf32> to vector<16xf32>
    %swap3A_955 = vector.shape_cast %add3A_949 : vector<16xf32> to vector<1x16xf32>
    tpu.vector_store %arg9[%swap3A_951, %swap3A_952], %swap3A_955 {strides = array<i32>} : memref<24x128xf32, #tpu.memory_space<vmem>>, vector<1x16xf32>,
    %get3A_956 = arith.constant 2 : i32
    %get3A_957 = arith.index_cast %get3A_956 : i32 to index
    %get3A_958 = arith.constant 0 : index
    %get3A_959 = tpu.vector_load %arg7[%get3A_957, %get3A_958] {strides = array<i32>} : memref<6x128xf32, #tpu.memory_space<vmem>>, vector<1x16xf32>,
    %get3A_960 = vector.shape_cast %get3A_959 : vector<1x16xf32> to vector<16xf32>
    %get3A_961 = arith.constant 1 : i32
    %get3A_962 = arith.index_cast %get3A_961 : i32 to index
    %get3A_963 = arith.constant 0 : index
    %get3A_964 = tpu.vector_load %arg8[%get3A_962, %get3A_963] {strides = array<i32>} : memref<3x128xf32, #tpu.memory_space<vmem>>, vector<1x16xf32>,
    %get3A_965 = vector.shape_cast %get3A_964 : vector<1x16xf32> to vector<16xf32>
    %add3A_966 = arith.addf %get3A_960, %get3A_965 : vector<16xf32>
    %swap3A_967 = arith.constant 7 : i32
    %swap3A_968 = arith.index_cast %swap3A_967 : i32 to index
    %swap3A_969 = arith.constant 0 : index
    %swap3A_970 = tpu.vector_load %arg9[%swap3A_968, %swap3A_969] {strides = array<i32>} : memref<24x128xf32, #tpu.memory_space<vmem>>, vector<1x16xf32>,
    %swap3A_971 = vector.shape_cast %swap3A_970 : vector<1x16xf32> to vector<16xf32>
    %swap3A_972 = vector.shape_cast %add3A_966 : vector<16xf32> to vector<1x16xf32>
    tpu.vector_store %arg9[%swap3A_968, %swap3A_969], %swap3A_972 {strides = array<i32>} : memref<24x128xf32, #tpu.memory_space<vmem>>, vector<1x16xf32>,
    %get3A_973 = arith.constant 2 : i32
    %get3A_974 = arith.index_cast %get3A_973 : i32 to index
    %get3A_975 = arith.constant 16 : index
    %get3A_976 = tpu.vector_load %arg7[%get3A_974, %get3A_975] {strides = array<i32>} : memref<6x128xf32, #tpu.memory_space<vmem>>, vector<1x16xf32>,
    %get3A_977 = vector.shape_cast %get3A_976 : vector<1x16xf32> to vector<16xf32>
    %get3A_978 = arith.constant 1 : i32
    %get3A_979 = arith.index_cast %get3A_978 : i32 to index
    %get3A_980 = arith.constant 16 : index
    %get3A_981 = tpu.vector_load %arg8[%get3A_979, %get3A_980] {strides = array<i32>} : memref<3x128xf32, #tpu.memory_space<vmem>>, vector<1x16xf32>,
    %get3A_982 = vector.shape_cast %get3A_981 : vector<1x16xf32> to vector<16xf32>
    %add3A_983 = arith.addf %get3A_977, %get3A_982 : vector<16xf32>
    %swap3A_984 = arith.constant 7 : i32
    %swap3A_985 = arith.index_cast %swap3A_984 : i32 to index
    %swap3A_986 = arith.constant 16 : index
    %swap3A_987 = tpu.vector_load %arg9[%swap3A_985, %swap3A_986] {strides = array<i32>} : memref<24x128xf32, #tpu.memory_space<vmem>>, vector<1x16xf32>,
    %swap3A_988 = vector.shape_cast %swap3A_987 : vector<1x16xf32> to vector<16xf32>
    %swap3A_989 = vector.shape_cast %add3A_983 : vector<16xf32> to vector<1x16xf32>
    tpu.vector_store %arg9[%swap3A_985, %swap3A_986], %swap3A_989 {strides = array<i32>} : memref<24x128xf32, #tpu.memory_space<vmem>>, vector<1x16xf32>,
    %get3A_990 = arith.constant 2 : i32
    %get3A_991 = arith.index_cast %get3A_990 : i32 to index
    %get3A_992 = arith.constant 32 : index
    %get3A_993 = tpu.vector_load %arg7[%get3A_991, %get3A_992] {strides = array<i32>} : memref<6x128xf32, #tpu.memory_space<vmem>>, vector<1x16xf32>,
    %get3A_994 = vector.shape_cast %get3A_993 : vector<1x16xf32> to vector<16xf32>
    %get3A_995 = arith.constant 1 : i32
    %get3A_996 = arith.index_cast %get3A_995 : i32 to index
    %get3A_997 = arith.constant 32 : index
    %get3A_998 = tpu.vector_load %arg8[%get3A_996, %get3A_997] {strides = array<i32>} : memref<3x128xf32, #tpu.memory_space<vmem>>, vector<1x16xf32>,
    %get3A_999 = vector.shape_cast %get3A_998 : vector<1x16xf32> to vector<16xf32>
    %add3A_1000 = arith.addf %get3A_994, %get3A_999 : vector<16xf32>
    %swap3A_1001 = arith.constant 7 : i32
    %swap3A_1002 = arith.index_cast %swap3A_1001 : i32 to index
    %swap3A_1003 = arith.constant 32 : index
    %swap3A_1004 = tpu.vector_load %arg9[%swap3A_1002, %swap3A_1003] {strides = array<i32>} : memref<24x128xf32, #tpu.memory_space<vmem>>, vector<1x16xf32>,
    %swap3A_1005 = vector.shape_cast %swap3A_1004 : vector<1x16xf32> to vector<16xf32>
    %swap3A_1006 = vector.shape_cast %add3A_1000 : vector<16xf32> to vector<1x16xf32>
    tpu.vector_store %arg9[%swap3A_1002, %swap3A_1003], %swap3A_1006 {strides = array<i32>} : memref<24x128xf32, #tpu.memory_space<vmem>>, vector<1x16xf32>,
    %get3A_1007 = arith.constant 2 : i32
    %get3A_1008 = arith.index_cast %get3A_1007 : i32 to index
    %get3A_1009 = arith.constant 48 : index
    %get3A_1010 = tpu.vector_load %arg7[%get3A_1008, %get3A_1009] {strides = array<i32>} : memref<6x128xf32, #tpu.memory_space<vmem>>, vector<1x16xf32>,
    %get3A_1011 = vector.shape_cast %get3A_1010 : vector<1x16xf32> to vector<16xf32>
    %get3A_1012 = arith.constant 1 : i32
    %get3A_1013 = arith.index_cast %get3A_1012 : i32 to index
    %get3A_1014 = arith.constant 48 : index
    %get3A_1015 = tpu.vector_load %arg8[%get3A_1013, %get3A_1014] {strides = array<i32>} : memref<3x128xf32, #tpu.memory_space<vmem>>, vector<1x16xf32>,
    %get3A_1016 = vector.shape_cast %get3A_1015 : vector<1x16xf32> to vector<16xf32>
    %add3A_1017 = arith.addf %get3A_1011, %get3A_1016 : vector<16xf32>
    %swap3A_1018 = arith.constant 7 : i32
    %swap3A_1019 = arith.index_cast %swap3A_1018 : i32 to index
    %swap3A_1020 = arith.constant 48 : index
    %swap3A_1021 = tpu.vector_load %arg9[%swap3A_1019, %swap3A_1020] {strides = array<i32>} : memref<24x128xf32, #tpu.memory_space<vmem>>, vector<1x16xf32>,
    %swap3A_1022 = vector.shape_cast %swap3A_1021 : vector<1x16xf32> to vector<16xf32>
    %swap3A_1023 = vector.shape_cast %add3A_1017 : vector<16xf32> to vector<1x16xf32>
    tpu.vector_store %arg9[%swap3A_1019, %swap3A_1020], %swap3A_1023 {strides = array<i32>} : memref<24x128xf32, #tpu.memory_space<vmem>>, vector<1x16xf32>,
    %get3A_1024 = arith.constant 2 : i32
    %get3A_1025 = arith.index_cast %get3A_1024 : i32 to index
    %get3A_1026 = arith.constant 64 : index
    %get3A_1027 = tpu.vector_load %arg7[%get3A_1025, %get3A_1026] {strides = array<i32>} : memref<6x128xf32, #tpu.memory_space<vmem>>, vector<1x16xf32>,
    %get3A_1028 = vector.shape_cast %get3A_1027 : vector<1x16xf32> to vector<16xf32>
    %get3A_1029 = arith.constant 1 : i32
    %get3A_1030 = arith.index_cast %get3A_1029 : i32 to index
    %get3A_1031 = arith.constant 64 : index
    %get3A_1032 = tpu.vector_load %arg8[%get3A_1030, %get3A_1031] {strides = array<i32>} : memref<3x128xf32, #tpu.memory_space<vmem>>, vector<1x16xf32>,
    %get3A_1033 = vector.shape_cast %get3A_1032 : vector<1x16xf32> to vector<16xf32>
    %add3A_1034 = arith.addf %get3A_1028, %get3A_1033 : vector<16xf32>
    %swap3A_1035 = arith.constant 7 : i32
    %swap3A_1036 = arith.index_cast %swap3A_1035 : i32 to index
    %swap3A_1037 = arith.constant 64 : index
    %swap3A_1038 = tpu.vector_load %arg9[%swap3A_1036, %swap3A_1037] {strides = array<i32>} : memref<24x128xf32, #tpu.memory_space<vmem>>, vector<1x16xf32>,
    %swap3A_1039 = vector.shape_cast %swap3A_1038 : vector<1x16xf32> to vector<16xf32>
    %swap3A_1040 = vector.shape_cast %add3A_1034 : vector<16xf32> to vector<1x16xf32>
    tpu.vector_store %arg9[%swap3A_1036, %swap3A_1037], %swap3A_1040 {strides = array<i32>} : memref<24x128xf32, #tpu.memory_space<vmem>>, vector<1x16xf32>,
    %get3A_1041 = arith.constant 2 : i32
    %get3A_1042 = arith.index_cast %get3A_1041 : i32 to index
    %get3A_1043 = arith.constant 80 : index
    %get3A_1044 = tpu.vector_load %arg7[%get3A_1042, %get3A_1043] {strides = array<i32>} : memref<6x128xf32, #tpu.memory_space<vmem>>, vector<1x16xf32>,
    %get3A_1045 = vector.shape_cast %get3A_1044 : vector<1x16xf32> to vector<16xf32>
    %get3A_1046 = arith.constant 1 : i32
    %get3A_1047 = arith.index_cast %get3A_1046 : i32 to index
    %get3A_1048 = arith.constant 80 : index
    %get3A_1049 = tpu.vector_load %arg8[%get3A_1047, %get3A_1048] {strides = array<i32>} : memref<3x128xf32, #tpu.memory_space<vmem>>, vector<1x16xf32>,
    %get3A_1050 = vector.shape_cast %get3A_1049 : vector<1x16xf32> to vector<16xf32>
    %add3A_1051 = arith.addf %get3A_1045, %get3A_1050 : vector<16xf32>
    %swap3A_1052 = arith.constant 7 : i32
    %swap3A_1053 = arith.index_cast %swap3A_1052 : i32 to index
    %swap3A_1054 = arith.constant 80 : index
    %swap3A_1055 = tpu.vector_load %arg9[%swap3A_1053, %swap3A_1054] {strides = array<i32>} : memref<24x128xf32, #tpu.memory_space<vmem>>, vector<1x16xf32>,
    %swap3A_1056 = vector.shape_cast %swap3A_1055 : vector<1x16xf32> to vector<16xf32>
    %swap3A_1057 = vector.shape_cast %add3A_1051 : vector<16xf32> to vector<1x16xf32>
    tpu.vector_store %arg9[%swap3A_1053, %swap3A_1054], %swap3A_1057 {strides = array<i32>} : memref<24x128xf32, #tpu.memory_space<vmem>>, vector<1x16xf32>,
    %get3A_1058 = arith.constant 2 : i32
    %get3A_1059 = arith.index_cast %get3A_1058 : i32 to index
    %get3A_1060 = arith.constant 96 : index
    %get3A_1061 = tpu.vector_load %arg7[%get3A_1059, %get3A_1060] {strides = array<i32>} : memref<6x128xf32, #tpu.memory_space<vmem>>, vector<1x16xf32>,
    %get3A_1062 = vector.shape_cast %get3A_1061 : vector<1x16xf32> to vector<16xf32>
    %get3A_1063 = arith.constant 1 : i32
    %get3A_1064 = arith.index_cast %get3A_1063 : i32 to index
    %get3A_1065 = arith.constant 96 : index
    %get3A_1066 = tpu.vector_load %arg8[%get3A_1064, %get3A_1065] {strides = array<i32>} : memref<3x128xf32, #tpu.memory_space<vmem>>, vector<1x16xf32>,
    %get3A_1067 = vector.shape_cast %get3A_1066 : vector<1x16xf32> to vector<16xf32>
    %add3A_1068 = arith.addf %get3A_1062, %get3A_1067 : vector<16xf32>
    %swap3A_1069 = arith.constant 7 : i32
    %swap3A_1070 = arith.index_cast %swap3A_1069 : i32 to index
    %swap3A_1071 = arith.constant 96 : index
    %swap3A_1072 = tpu.vector_load %arg9[%swap3A_1070, %swap3A_1071] {strides = array<i32>} : memref<24x128xf32, #tpu.memory_space<vmem>>, vector<1x16xf32>,
    %swap3A_1073 = vector.shape_cast %swap3A_1072 : vector<1x16xf32> to vector<16xf32>
    %swap3A_1074 = vector.shape_cast %add3A_1068 : vector<16xf32> to vector<1x16xf32>
    tpu.vector_store %arg9[%swap3A_1070, %swap3A_1071], %swap3A_1074 {strides = array<i32>} : memref<24x128xf32, #tpu.memory_space<vmem>>, vector<1x16xf32>,
    %get3A_1075 = arith.constant 2 : i32
    %get3A_1076 = arith.index_cast %get3A_1075 : i32 to index
    %get3A_1077 = arith.constant 112 : index
    %get3A_1078 = tpu.vector_load %arg7[%get3A_1076, %get3A_1077] {strides = array<i32>} : memref<6x128xf32, #tpu.memory_space<vmem>>, vector<1x16xf32>,
    %get3A_1079 = vector.shape_cast %get3A_1078 : vector<1x16xf32> to vector<16xf32>
    %get3A_1080 = arith.constant 1 : i32
    %get3A_1081 = arith.index_cast %get3A_1080 : i32 to index
    %get3A_1082 = arith.constant 112 : index
    %get3A_1083 = tpu.vector_load %arg8[%get3A_1081, %get3A_1082] {strides = array<i32>} : memref<3x128xf32, #tpu.memory_space<vmem>>, vector<1x16xf32>,
    %get3A_1084 = vector.shape_cast %get3A_1083 : vector<1x16xf32> to vector<16xf32>
    %add3A_1085 = arith.addf %get3A_1079, %get3A_1084 : vector<16xf32>
    %swap3A_1086 = arith.constant 7 : i32
    %swap3A_1087 = arith.index_cast %swap3A_1086 : i32 to index
    %swap3A_1088 = arith.constant 112 : index
    %swap3A_1089 = tpu.vector_load %arg9[%swap3A_1087, %swap3A_1088] {strides = array<i32>} : memref<24x128xf32, #tpu.memory_space<vmem>>, vector<1x16xf32>,
    %swap3A_1090 = vector.shape_cast %swap3A_1089 : vector<1x16xf32> to vector<16xf32>
    %swap3A_1091 = vector.shape_cast %add3A_1085 : vector<16xf32> to vector<1x16xf32>
    tpu.vector_store %arg9[%swap3A_1087, %swap3A_1088], %swap3A_1091 {strides = array<i32>} : memref<24x128xf32, #tpu.memory_space<vmem>>, vector<1x16xf32>,
    %get3A_1092 = arith.constant 2 : i32
    %get3A_1093 = arith.index_cast %get3A_1092 : i32 to index
    %get3A_1094 = arith.constant 0 : index
    %get3A_1095 = tpu.vector_load %arg7[%get3A_1093, %get3A_1094] {strides = array<i32>} : memref<6x128xf32, #tpu.memory_space<vmem>>, vector<1x16xf32>,
    %get3A_1096 = vector.shape_cast %get3A_1095 : vector<1x16xf32> to vector<16xf32>
    %get3A_1097 = arith.constant 2 : i32
    %get3A_1098 = arith.index_cast %get3A_1097 : i32 to index
    %get3A_1099 = arith.constant 0 : index
    %get3A_1100 = tpu.vector_load %arg8[%get3A_1098, %get3A_1099] {strides = array<i32>} : memref<3x128xf32, #tpu.memory_space<vmem>>, vector<1x16xf32>,
    %get3A_1101 = vector.shape_cast %get3A_1100 : vector<1x16xf32> to vector<16xf32>
    %add3A_1102 = arith.addf %get3A_1096, %get3A_1101 : vector<16xf32>
    %swap3A_1103 = arith.constant 8 : i32
    %swap3A_1104 = arith.index_cast %swap3A_1103 : i32 to index
    %swap3A_1105 = arith.constant 0 : index
    %swap3A_1106 = tpu.vector_load %arg9[%swap3A_1104, %swap3A_1105] {strides = array<i32>} : memref<24x128xf32, #tpu.memory_space<vmem>>, vector<1x16xf32>,
    %swap3A_1107 = vector.shape_cast %swap3A_1106 : vector<1x16xf32> to vector<16xf32>
    %swap3A_1108 = vector.shape_cast %add3A_1102 : vector<16xf32> to vector<1x16xf32>
    tpu.vector_store %arg9[%swap3A_1104, %swap3A_1105], %swap3A_1108 {strides = array<i32>} : memref<24x128xf32, #tpu.memory_space<vmem>>, vector<1x16xf32>,
    %get3A_1109 = arith.constant 2 : i32
    %get3A_1110 = arith.index_cast %get3A_1109 : i32 to index
    %get3A_1111 = arith.constant 16 : index
    %get3A_1112 = tpu.vector_load %arg7[%get3A_1110, %get3A_1111] {strides = array<i32>} : memref<6x128xf32, #tpu.memory_space<vmem>>, vector<1x16xf32>,
    %get3A_1113 = vector.shape_cast %get3A_1112 : vector<1x16xf32> to vector<16xf32>
    %get3A_1114 = arith.constant 2 : i32
    %get3A_1115 = arith.index_cast %get3A_1114 : i32 to index
    %get3A_1116 = arith.constant 16 : index
    %get3A_1117 = tpu.vector_load %arg8[%get3A_1115, %get3A_1116] {strides = array<i32>} : memref<3x128xf32, #tpu.memory_space<vmem>>, vector<1x16xf32>,
    %get3A_1118 = vector.shape_cast %get3A_1117 : vector<1x16xf32> to vector<16xf32>
    %add3A_1119 = arith.addf %get3A_1113, %get3A_1118 : vector<16xf32>
    %swap3A_1120 = arith.constant 8 : i32
    %swap3A_1121 = arith.index_cast %swap3A_1120 : i32 to index
    %swap3A_1122 = arith.constant 16 : index
    %swap3A_1123 = tpu.vector_load %arg9[%swap3A_1121, %swap3A_1122] {strides = array<i32>} : memref<24x128xf32, #tpu.memory_space<vmem>>, vector<1x16xf32>,
    %swap3A_1124 = vector.shape_cast %swap3A_1123 : vector<1x16xf32> to vector<16xf32>
    %swap3A_1125 = vector.shape_cast %add3A_1119 : vector<16xf32> to vector<1x16xf32>
    tpu.vector_store %arg9[%swap3A_1121, %swap3A_1122], %swap3A_1125 {strides = array<i32>} : memref<24x128xf32, #tpu.memory_space<vmem>>, vector<1x16xf32>,
    %get3A_1126 = arith.constant 2 : i32
    %get3A_1127 = arith.index_cast %get3A_1126 : i32 to index
    %get3A_1128 = arith.constant 32 : index
    %get3A_1129 = tpu.vector_load %arg7[%get3A_1127, %get3A_1128] {strides = array<i32>} : memref<6x128xf32, #tpu.memory_space<vmem>>, vector<1x16xf32>,
    %get3A_1130 = vector.shape_cast %get3A_1129 : vector<1x16xf32> to vector<16xf32>
    %get3A_1131 = arith.constant 2 : i32
    %get3A_1132 = arith.index_cast %get3A_1131 : i32 to index
    %get3A_1133 = arith.constant 32 : index
    %get3A_1134 = tpu.vector_load %arg8[%get3A_1132, %get3A_1133] {strides = array<i32>} : memref<3x128xf32, #tpu.memory_space<vmem>>, vector<1x16xf32>,
    %get3A_1135 = vector.shape_cast %get3A_1134 : vector<1x16xf32> to vector<16xf32>
    %add3A_1136 = arith.addf %get3A_1130, %get3A_1135 : vector<16xf32>
    %swap3A_1137 = arith.constant 8 : i32
    %swap3A_1138 = arith.index_cast %swap3A_1137 : i32 to index
    %swap3A_1139 = arith.constant 32 : index
    %swap3A_1140 = tpu.vector_load %arg9[%swap3A_1138, %swap3A_1139] {strides = array<i32>} : memref<24x128xf32, #tpu.memory_space<vmem>>, vector<1x16xf32>,
    %swap3A_1141 = vector.shape_cast %swap3A_1140 : vector<1x16xf32> to vector<16xf32>
    %swap3A_1142 = vector.shape_cast %add3A_1136 : vector<16xf32> to vector<1x16xf32>
    tpu.vector_store %arg9[%swap3A_1138, %swap3A_1139], %swap3A_1142 {strides = array<i32>} : memref<24x128xf32, #tpu.memory_space<vmem>>, vector<1x16xf32>,
    %get3A_1143 = arith.constant 2 : i32
    %get3A_1144 = arith.index_cast %get3A_1143 : i32 to index
    %get3A_1145 = arith.constant 48 : index
    %get3A_1146 = tpu.vector_load %arg7[%get3A_1144, %get3A_1145] {strides = array<i32>} : memref<6x128xf32, #tpu.memory_space<vmem>>, vector<1x16xf32>,
    %get3A_1147 = vector.shape_cast %get3A_1146 : vector<1x16xf32> to vector<16xf32>
    %get3A_1148 = arith.constant 2 : i32
    %get3A_1149 = arith.index_cast %get3A_1148 : i32 to index
    %get3A_1150 = arith.constant 48 : index
    %get3A_1151 = tpu.vector_load %arg8[%get3A_1149, %get3A_1150] {strides = array<i32>} : memref<3x128xf32, #tpu.memory_space<vmem>>, vector<1x16xf32>,
    %get3A_1152 = vector.shape_cast %get3A_1151 : vector<1x16xf32> to vector<16xf32>
    %add3A_1153 = arith.addf %get3A_1147, %get3A_1152 : vector<16xf32>
    %swap3A_1154 = arith.constant 8 : i32
    %swap3A_1155 = arith.index_cast %swap3A_1154 : i32 to index
    %swap3A_1156 = arith.constant 48 : index
    %swap3A_1157 = tpu.vector_load %arg9[%swap3A_1155, %swap3A_1156] {strides = array<i32>} : memref<24x128xf32, #tpu.memory_space<vmem>>, vector<1x16xf32>,
    %swap3A_1158 = vector.shape_cast %swap3A_1157 : vector<1x16xf32> to vector<16xf32>
    %swap3A_1159 = vector.shape_cast %add3A_1153 : vector<16xf32> to vector<1x16xf32>
    tpu.vector_store %arg9[%swap3A_1155, %swap3A_1156], %swap3A_1159 {strides = array<i32>} : memref<24x128xf32, #tpu.memory_space<vmem>>, vector<1x16xf32>,
    %get3A_1160 = arith.constant 2 : i32
    %get3A_1161 = arith.index_cast %get3A_1160 : i32 to index
    %get3A_1162 = arith.constant 64 : index
    %get3A_1163 = tpu.vector_load %arg7[%get3A_1161, %get3A_1162] {strides = array<i32>} : memref<6x128xf32, #tpu.memory_space<vmem>>, vector<1x16xf32>,
    %get3A_1164 = vector.shape_cast %get3A_1163 : vector<1x16xf32> to vector<16xf32>
    %get3A_1165 = arith.constant 2 : i32
    %get3A_1166 = arith.index_cast %get3A_1165 : i32 to index
    %get3A_1167 = arith.constant 64 : index
    %get3A_1168 = tpu.vector_load %arg8[%get3A_1166, %get3A_1167] {strides = array<i32>} : memref<3x128xf32, #tpu.memory_space<vmem>>, vector<1x16xf32>,
    %get3A_1169 = vector.shape_cast %get3A_1168 : vector<1x16xf32> to vector<16xf32>
    %add3A_1170 = arith.addf %get3A_1164, %get3A_1169 : vector<16xf32>
    %swap3A_1171 = arith.constant 8 : i32
    %swap3A_1172 = arith.index_cast %swap3A_1171 : i32 to index
    %swap3A_1173 = arith.constant 64 : index
    %swap3A_1174 = tpu.vector_load %arg9[%swap3A_1172, %swap3A_1173] {strides = array<i32>} : memref<24x128xf32, #tpu.memory_space<vmem>>, vector<1x16xf32>,
    %swap3A_1175 = vector.shape_cast %swap3A_1174 : vector<1x16xf32> to vector<16xf32>
    %swap3A_1176 = vector.shape_cast %add3A_1170 : vector<16xf32> to vector<1x16xf32>
    tpu.vector_store %arg9[%swap3A_1172, %swap3A_1173], %swap3A_1176 {strides = array<i32>} : memref<24x128xf32, #tpu.memory_space<vmem>>, vector<1x16xf32>,
    %get3A_1177 = arith.constant 2 : i32
    %get3A_1178 = arith.index_cast %get3A_1177 : i32 to index
    %get3A_1179 = arith.constant 80 : index
    %get3A_1180 = tpu.vector_load %arg7[%get3A_1178, %get3A_1179] {strides = array<i32>} : memref<6x128xf32, #tpu.memory_space<vmem>>, vector<1x16xf32>,
    %get3A_1181 = vector.shape_cast %get3A_1180 : vector<1x16xf32> to vector<16xf32>
    %get3A_1182 = arith.constant 2 : i32
    %get3A_1183 = arith.index_cast %get3A_1182 : i32 to index
    %get3A_1184 = arith.constant 80 : index
    %get3A_1185 = tpu.vector_load %arg8[%get3A_1183, %get3A_1184] {strides = array<i32>} : memref<3x128xf32, #tpu.memory_space<vmem>>, vector<1x16xf32>,
    %get3A_1186 = vector.shape_cast %get3A_1185 : vector<1x16xf32> to vector<16xf32>
    %add3A_1187 = arith.addf %get3A_1181, %get3A_1186 : vector<16xf32>
    %swap3A_1188 = arith.constant 8 : i32
    %swap3A_1189 = arith.index_cast %swap3A_1188 : i32 to index
    %swap3A_1190 = arith.constant 80 : index
    %swap3A_1191 = tpu.vector_load %arg9[%swap3A_1189, %swap3A_1190] {strides = array<i32>} : memref<24x128xf32, #tpu.memory_space<vmem>>, vector<1x16xf32>,
    %swap3A_1192 = vector.shape_cast %swap3A_1191 : vector<1x16xf32> to vector<16xf32>
    %swap3A_1193 = vector.shape_cast %add3A_1187 : vector<16xf32> to vector<1x16xf32>
    tpu.vector_store %arg9[%swap3A_1189, %swap3A_1190], %swap3A_1193 {strides = array<i32>} : memref<24x128xf32, #tpu.memory_space<vmem>>, vector<1x16xf32>,
    %get3A_1194 = arith.constant 2 : i32
    %get3A_1195 = arith.index_cast %get3A_1194 : i32 to index
    %get3A_1196 = arith.constant 96 : index
    %get3A_1197 = tpu.vector_load %arg7[%get3A_1195, %get3A_1196] {strides = array<i32>} : memref<6x128xf32, #tpu.memory_space<vmem>>, vector<1x16xf32>,
    %get3A_1198 = vector.shape_cast %get3A_1197 : vector<1x16xf32> to vector<16xf32>
    %get3A_1199 = arith.constant 2 : i32
    %get3A_1200 = arith.index_cast %get3A_1199 : i32 to index
    %get3A_1201 = arith.constant 96 : index
    %get3A_1202 = tpu.vector_load %arg8[%get3A_1200, %get3A_1201] {strides = array<i32>} : memref<3x128xf32, #tpu.memory_space<vmem>>, vector<1x16xf32>,
    %get3A_1203 = vector.shape_cast %get3A_1202 : vector<1x16xf32> to vector<16xf32>
    %add3A_1204 = arith.addf %get3A_1198, %get3A_1203 : vector<16xf32>
    %swap3A_1205 = arith.constant 8 : i32
    %swap3A_1206 = arith.index_cast %swap3A_1205 : i32 to index
    %swap3A_1207 = arith.constant 96 : index
    %swap3A_1208 = tpu.vector_load %arg9[%swap3A_1206, %swap3A_1207] {strides = array<i32>} : memref<24x128xf32, #tpu.memory_space<vmem>>, vector<1x16xf32>,
    %swap3A_1209 = vector.shape_cast %swap3A_1208 : vector<1x16xf32> to vector<16xf32>
    %swap3A_1210 = vector.shape_cast %add3A_1204 : vector<16xf32> to vector<1x16xf32>
    tpu.vector_store %arg9[%swap3A_1206, %swap3A_1207], %swap3A_1210 {strides = array<i32>} : memref<24x128xf32, #tpu.memory_space<vmem>>, vector<1x16xf32>,
    %get3A_1211 = arith.constant 2 : i32
    %get3A_1212 = arith.index_cast %get3A_1211 : i32 to index
    %get3A_1213 = arith.constant 112 : index
    %get3A_1214 = tpu.vector_load %arg7[%get3A_1212, %get3A_1213] {strides = array<i32>} : memref<6x128xf32, #tpu.memory_space<vmem>>, vector<1x16xf32>,
    %get3A_1215 = vector.shape_cast %get3A_1214 : vector<1x16xf32> to vector<16xf32>
    %get3A_1216 = arith.constant 2 : i32
    %get3A_1217 = arith.index_cast %get3A_1216 : i32 to index
    %get3A_1218 = arith.constant 112 : index
    %get3A_1219 = tpu.vector_load %arg8[%get3A_1217, %get3A_1218] {strides = array<i32>} : memref<3x128xf32, #tpu.memory_space<vmem>>, vector<1x16xf32>,
    %get3A_1220 = vector.shape_cast %get3A_1219 : vector<1x16xf32> to vector<16xf32>
    %add3A_1221 = arith.addf %get3A_1215, %get3A_1220 : vector<16xf32>
    %swap3A_1222 = arith.constant 8 : i32
    %swap3A_1223 = arith.index_cast %swap3A_1222 : i32 to index
    %swap3A_1224 = arith.constant 112 : index
    %swap3A_1225 = tpu.vector_load %arg9[%swap3A_1223, %swap3A_1224] {strides = array<i32>} : memref<24x128xf32, #tpu.memory_space<vmem>>, vector<1x16xf32>,
    %swap3A_1226 = vector.shape_cast %swap3A_1225 : vector<1x16xf32> to vector<16xf32>
    %swap3A_1227 = vector.shape_cast %add3A_1221 : vector<16xf32> to vector<1x16xf32>
    tpu.vector_store %arg9[%swap3A_1223, %swap3A_1224], %swap3A_1227 {strides = array<i32>} : memref<24x128xf32, #tpu.memory_space<vmem>>, vector<1x16xf32>,
    %get3A_1228 = arith.constant 3 : i32
    %get3A_1229 = arith.index_cast %get3A_1228 : i32 to index
    %get3A_1230 = arith.constant 0 : index
    %get3A_1231 = tpu.vector_load %arg7[%get3A_1229, %get3A_1230] {strides = array<i32>} : memref<6x128xf32, #tpu.memory_space<vmem>>, vector<1x16xf32>,
    %get3A_1232 = vector.shape_cast %get3A_1231 : vector<1x16xf32> to vector<16xf32>
    %get3A_1233 = arith.constant 0 : i32
    %get3A_1234 = arith.index_cast %get3A_1233 : i32 to index
    %get3A_1235 = arith.constant 0 : index
    %get3A_1236 = tpu.vector_load %arg8[%get3A_1234, %get3A_1235] {strides = array<i32>} : memref<3x128xf32, #tpu.memory_space<vmem>>, vector<1x16xf32>,
    %get3A_1237 = vector.shape_cast %get3A_1236 : vector<1x16xf32> to vector<16xf32>
    %add3A_1238 = arith.addf %get3A_1232, %get3A_1237 : vector<16xf32>
    %swap3A_1239 = arith.constant 9 : i32
    %swap3A_1240 = arith.index_cast %swap3A_1239 : i32 to index
    %swap3A_1241 = arith.constant 0 : index
    %swap3A_1242 = tpu.vector_load %arg9[%swap3A_1240, %swap3A_1241] {strides = array<i32>} : memref<24x128xf32, #tpu.memory_space<vmem>>, vector<1x16xf32>,
    %swap3A_1243 = vector.shape_cast %swap3A_1242 : vector<1x16xf32> to vector<16xf32>
    %swap3A_1244 = vector.shape_cast %add3A_1238 : vector<16xf32> to vector<1x16xf32>
    tpu.vector_store %arg9[%swap3A_1240, %swap3A_1241], %swap3A_1244 {strides = array<i32>} : memref<24x128xf32, #tpu.memory_space<vmem>>, vector<1x16xf32>,
    %get3A_1245 = arith.constant 3 : i32
    %get3A_1246 = arith.index_cast %get3A_1245 : i32 to index
    %get3A_1247 = arith.constant 16 : index
    %get3A_1248 = tpu.vector_load %arg7[%get3A_1246, %get3A_1247] {strides = array<i32>} : memref<6x128xf32, #tpu.memory_space<vmem>>, vector<1x16xf32>,
    %get3A_1249 = vector.shape_cast %get3A_1248 : vector<1x16xf32> to vector<16xf32>
    %get3A_1250 = arith.constant 0 : i32
    %get3A_1251 = arith.index_cast %get3A_1250 : i32 to index
    %get3A_1252 = arith.constant 16 : index
    %get3A_1253 = tpu.vector_load %arg8[%get3A_1251, %get3A_1252] {strides = array<i32>} : memref<3x128xf32, #tpu.memory_space<vmem>>, vector<1x16xf32>,
    %get3A_1254 = vector.shape_cast %get3A_1253 : vector<1x16xf32> to vector<16xf32>
    %add3A_1255 = arith.addf %get3A_1249, %get3A_1254 : vector<16xf32>
    %swap3A_1256 = arith.constant 9 : i32
    %swap3A_1257 = arith.index_cast %swap3A_1256 : i32 to index
    %swap3A_1258 = arith.constant 16 : index
    %swap3A_1259 = tpu.vector_load %arg9[%swap3A_1257, %swap3A_1258] {strides = array<i32>} : memref<24x128xf32, #tpu.memory_space<vmem>>, vector<1x16xf32>,
    %swap3A_1260 = vector.shape_cast %swap3A_1259 : vector<1x16xf32> to vector<16xf32>
    %swap3A_1261 = vector.shape_cast %add3A_1255 : vector<16xf32> to vector<1x16xf32>
    tpu.vector_store %arg9[%swap3A_1257, %swap3A_1258], %swap3A_1261 {strides = array<i32>} : memref<24x128xf32, #tpu.memory_space<vmem>>, vector<1x16xf32>,
    %get3A_1262 = arith.constant 3 : i32
    %get3A_1263 = arith.index_cast %get3A_1262 : i32 to index
    %get3A_1264 = arith.constant 32 : index
    %get3A_1265 = tpu.vector_load %arg7[%get3A_1263, %get3A_1264] {strides = array<i32>} : memref<6x128xf32, #tpu.memory_space<vmem>>, vector<1x16xf32>,
    %get3A_1266 = vector.shape_cast %get3A_1265 : vector<1x16xf32> to vector<16xf32>
    %get3A_1267 = arith.constant 0 : i32
    %get3A_1268 = arith.index_cast %get3A_1267 : i32 to index
    %get3A_1269 = arith.constant 32 : index
    %get3A_1270 = tpu.vector_load %arg8[%get3A_1268, %get3A_1269] {strides = array<i32>} : memref<3x128xf32, #tpu.memory_space<vmem>>, vector<1x16xf32>,
    %get3A_1271 = vector.shape_cast %get3A_1270 : vector<1x16xf32> to vector<16xf32>
    %add3A_1272 = arith.addf %get3A_1266, %get3A_1271 : vector<16xf32>
    %swap3A_1273 = arith.constant 9 : i32
    %swap3A_1274 = arith.index_cast %swap3A_1273 : i32 to index
    %swap3A_1275 = arith.constant 32 : index
    %swap3A_1276 = tpu.vector_load %arg9[%swap3A_1274, %swap3A_1275] {strides = array<i32>} : memref<24x128xf32, #tpu.memory_space<vmem>>, vector<1x16xf32>,
    %swap3A_1277 = vector.shape_cast %swap3A_1276 : vector<1x16xf32> to vector<16xf32>
    %swap3A_1278 = vector.shape_cast %add3A_1272 : vector<16xf32> to vector<1x16xf32>
    tpu.vector_store %arg9[%swap3A_1274, %swap3A_1275], %swap3A_1278 {strides = array<i32>} : memref<24x128xf32, #tpu.memory_space<vmem>>, vector<1x16xf32>,
    %get3A_1279 = arith.constant 3 : i32
    %get3A_1280 = arith.index_cast %get3A_1279 : i32 to index
    %get3A_1281 = arith.constant 48 : index
    %get3A_1282 = tpu.vector_load %arg7[%get3A_1280, %get3A_1281] {strides = array<i32>} : memref<6x128xf32, #tpu.memory_space<vmem>>, vector<1x16xf32>,
    %get3A_1283 = vector.shape_cast %get3A_1282 : vector<1x16xf32> to vector<16xf32>
    %get3A_1284 = arith.constant 0 : i32
    %get3A_1285 = arith.index_cast %get3A_1284 : i32 to index
    %get3A_1286 = arith.constant 48 : index
    %get3A_1287 = tpu.vector_load %arg8[%get3A_1285, %get3A_1286] {strides = array<i32>} : memref<3x128xf32, #tpu.memory_space<vmem>>, vector<1x16xf32>,
    %get3A_1288 = vector.shape_cast %get3A_1287 : vector<1x16xf32> to vector<16xf32>
    %add3A_1289 = arith.addf %get3A_1283, %get3A_1288 : vector<16xf32>
    %swap3A_1290 = arith.constant 9 : i32
    %swap3A_1291 = arith.index_cast %swap3A_1290 : i32 to index
    %swap3A_1292 = arith.constant 48 : index
    %swap3A_1293 = tpu.vector_load %arg9[%swap3A_1291, %swap3A_1292] {strides = array<i32>} : memref<24x128xf32, #tpu.memory_space<vmem>>, vector<1x16xf32>,
    %swap3A_1294 = vector.shape_cast %swap3A_1293 : vector<1x16xf32> to vector<16xf32>
    %swap3A_1295 = vector.shape_cast %add3A_1289 : vector<16xf32> to vector<1x16xf32>
    tpu.vector_store %arg9[%swap3A_1291, %swap3A_1292], %swap3A_1295 {strides = array<i32>} : memref<24x128xf32, #tpu.memory_space<vmem>>, vector<1x16xf32>,
    %get3A_1296 = arith.constant 3 : i32
    %get3A_1297 = arith.index_cast %get3A_1296 : i32 to index
    %get3A_1298 = arith.constant 64 : index
    %get3A_1299 = tpu.vector_load %arg7[%get3A_1297, %get3A_1298] {strides = array<i32>} : memref<6x128xf32, #tpu.memory_space<vmem>>, vector<1x16xf32>,
    %get3A_1300 = vector.shape_cast %get3A_1299 : vector<1x16xf32> to vector<16xf32>
    %get3A_1301 = arith.constant 0 : i32
    %get3A_1302 = arith.index_cast %get3A_1301 : i32 to index
    %get3A_1303 = arith.constant 64 : index
    %get3A_1304 = tpu.vector_load %arg8[%get3A_1302, %get3A_1303] {strides = array<i32>} : memref<3x128xf32, #tpu.memory_space<vmem>>, vector<1x16xf32>,
    %get3A_1305 = vector.shape_cast %get3A_1304 : vector<1x16xf32> to vector<16xf32>
    %add3A_1306 = arith.addf %get3A_1300, %get3A_1305 : vector<16xf32>
    %swap3A_1307 = arith.constant 9 : i32
    %swap3A_1308 = arith.index_cast %swap3A_1307 : i32 to index
    %swap3A_1309 = arith.constant 64 : index
    %swap3A_1310 = tpu.vector_load %arg9[%swap3A_1308, %swap3A_1309] {strides = array<i32>} : memref<24x128xf32, #tpu.memory_space<vmem>>, vector<1x16xf32>,
    %swap3A_1311 = vector.shape_cast %swap3A_1310 : vector<1x16xf32> to vector<16xf32>
    %swap3A_1312 = vector.shape_cast %add3A_1306 : vector<16xf32> to vector<1x16xf32>
    tpu.vector_store %arg9[%swap3A_1308, %swap3A_1309], %swap3A_1312 {strides = array<i32>} : memref<24x128xf32, #tpu.memory_space<vmem>>, vector<1x16xf32>,
    %get3A_1313 = arith.constant 3 : i32
    %get3A_1314 = arith.index_cast %get3A_1313 : i32 to index
    %get3A_1315 = arith.constant 80 : index
    %get3A_1316 = tpu.vector_load %arg7[%get3A_1314, %get3A_1315] {strides = array<i32>} : memref<6x128xf32, #tpu.memory_space<vmem>>, vector<1x16xf32>,
    %get3A_1317 = vector.shape_cast %get3A_1316 : vector<1x16xf32> to vector<16xf32>
    %get3A_1318 = arith.constant 0 : i32
    %get3A_1319 = arith.index_cast %get3A_1318 : i32 to index
    %get3A_1320 = arith.constant 80 : index
    %get3A_1321 = tpu.vector_load %arg8[%get3A_1319, %get3A_1320] {strides = array<i32>} : memref<3x128xf32, #tpu.memory_space<vmem>>, vector<1x16xf32>,
    %get3A_1322 = vector.shape_cast %get3A_1321 : vector<1x16xf32> to vector<16xf32>
    %add3A_1323 = arith.addf %get3A_1317, %get3A_1322 : vector<16xf32>
    %swap3A_1324 = arith.constant 9 : i32
    %swap3A_1325 = arith.index_cast %swap3A_1324 : i32 to index
    %swap3A_1326 = arith.constant 80 : index
    %swap3A_1327 = tpu.vector_load %arg9[%swap3A_1325, %swap3A_1326] {strides = array<i32>} : memref<24x128xf32, #tpu.memory_space<vmem>>, vector<1x16xf32>,
    %swap3A_1328 = vector.shape_cast %swap3A_1327 : vector<1x16xf32> to vector<16xf32>
    %swap3A_1329 = vector.shape_cast %add3A_1323 : vector<16xf32> to vector<1x16xf32>
    tpu.vector_store %arg9[%swap3A_1325, %swap3A_1326], %swap3A_1329 {strides = array<i32>} : memref<24x128xf32, #tpu.memory_space<vmem>>, vector<1x16xf32>,
    %get3A_1330 = arith.constant 3 : i32
    %get3A_1331 = arith.index_cast %get3A_1330 : i32 to index
    %get3A_1332 = arith.constant 96 : index
    %get3A_1333 = tpu.vector_load %arg7[%get3A_1331, %get3A_1332] {strides = array<i32>} : memref<6x128xf32, #tpu.memory_space<vmem>>, vector<1x16xf32>,
    %get3A_1334 = vector.shape_cast %get3A_1333 : vector<1x16xf32> to vector<16xf32>
    %get3A_1335 = arith.constant 0 : i32
    %get3A_1336 = arith.index_cast %get3A_1335 : i32 to index
    %get3A_1337 = arith.constant 96 : index
    %get3A_1338 = tpu.vector_load %arg8[%get3A_1336, %get3A_1337] {strides = array<i32>} : memref<3x128xf32, #tpu.memory_space<vmem>>, vector<1x16xf32>,
    %get3A_1339 = vector.shape_cast %get3A_1338 : vector<1x16xf32> to vector<16xf32>
    %add3A_1340 = arith.addf %get3A_1334, %get3A_1339 : vector<16xf32>
    %swap3A_1341 = arith.constant 9 : i32
    %swap3A_1342 = arith.index_cast %swap3A_1341 : i32 to index
    %swap3A_1343 = arith.constant 96 : index
    %swap3A_1344 = tpu.vector_load %arg9[%swap3A_1342, %swap3A_1343] {strides = array<i32>} : memref<24x128xf32, #tpu.memory_space<vmem>>, vector<1x16xf32>,
    %swap3A_1345 = vector.shape_cast %swap3A_1344 : vector<1x16xf32> to vector<16xf32>
    %swap3A_1346 = vector.shape_cast %add3A_1340 : vector<16xf32> to vector<1x16xf32>
    tpu.vector_store %arg9[%swap3A_1342, %swap3A_1343], %swap3A_1346 {strides = array<i32>} : memref<24x128xf32, #tpu.memory_space<vmem>>, vector<1x16xf32>,
    %get3A_1347 = arith.constant 3 : i32
    %get3A_1348 = arith.index_cast %get3A_1347 : i32 to index
    %get3A_1349 = arith.constant 112 : index
    %get3A_1350 = tpu.vector_load %arg7[%get3A_1348, %get3A_1349] {strides = array<i32>} : memref<6x128xf32, #tpu.memory_space<vmem>>, vector<1x16xf32>,
    %get3A_1351 = vector.shape_cast %get3A_1350 : vector<1x16xf32> to vector<16xf32>
    %get3A_1352 = arith.constant 0 : i32
    %get3A_1353 = arith.index_cast %get3A_1352 : i32 to index
    %get3A_1354 = arith.constant 112 : index
    %get3A_1355 = tpu.vector_load %arg8[%get3A_1353, %get3A_1354] {strides = array<i32>} : memref<3x128xf32, #tpu.memory_space<vmem>>, vector<1x16xf32>,
    %get3A_1356 = vector.shape_cast %get3A_1355 : vector<1x16xf32> to vector<16xf32>
    %add3A_1357 = arith.addf %get3A_1351, %get3A_1356 : vector<16xf32>
    %swap3A_1358 = arith.constant 9 : i32
    %swap3A_1359 = arith.index_cast %swap3A_1358 : i32 to index
    %swap3A_1360 = arith.constant 112 : index
    %swap3A_1361 = tpu.vector_load %arg9[%swap3A_1359, %swap3A_1360] {strides = array<i32>} : memref<24x128xf32, #tpu.memory_space<vmem>>, vector<1x16xf32>,
    %swap3A_1362 = vector.shape_cast %swap3A_1361 : vector<1x16xf32> to vector<16xf32>
    %swap3A_1363 = vector.shape_cast %add3A_1357 : vector<16xf32> to vector<1x16xf32>
    tpu.vector_store %arg9[%swap3A_1359, %swap3A_1360], %swap3A_1363 {strides = array<i32>} : memref<24x128xf32, #tpu.memory_space<vmem>>, vector<1x16xf32>,
    %get3A_1364 = arith.constant 3 : i32
    %get3A_1365 = arith.index_cast %get3A_1364 : i32 to index
    %get3A_1366 = arith.constant 0 : index
    %get3A_1367 = tpu.vector_load %arg7[%get3A_1365, %get3A_1366] {strides = array<i32>} : memref<6x128xf32, #tpu.memory_space<vmem>>, vector<1x16xf32>,
    %get3A_1368 = vector.shape_cast %get3A_1367 : vector<1x16xf32> to vector<16xf32>
    %get3A_1369 = arith.constant 1 : i32
    %get3A_1370 = arith.index_cast %get3A_1369 : i32 to index
    %get3A_1371 = arith.constant 0 : index
    %get3A_1372 = tpu.vector_load %arg8[%get3A_1370, %get3A_1371] {strides = array<i32>} : memref<3x128xf32, #tpu.memory_space<vmem>>, vector<1x16xf32>,
    %get3A_1373 = vector.shape_cast %get3A_1372 : vector<1x16xf32> to vector<16xf32>
    %add3A_1374 = arith.addf %get3A_1368, %get3A_1373 : vector<16xf32>
    %swap3A_1375 = arith.constant 10 : i32
    %swap3A_1376 = arith.index_cast %swap3A_1375 : i32 to index
    %swap3A_1377 = arith.constant 0 : index
    %swap3A_1378 = tpu.vector_load %arg9[%swap3A_1376, %swap3A_1377] {strides = array<i32>} : memref<24x128xf32, #tpu.memory_space<vmem>>, vector<1x16xf32>,
    %swap3A_1379 = vector.shape_cast %swap3A_1378 : vector<1x16xf32> to vector<16xf32>
    %swap3A_1380 = vector.shape_cast %add3A_1374 : vector<16xf32> to vector<1x16xf32>
    tpu.vector_store %arg9[%swap3A_1376, %swap3A_1377], %swap3A_1380 {strides = array<i32>} : memref<24x128xf32, #tpu.memory_space<vmem>>, vector<1x16xf32>,
    %get3A_1381 = arith.constant 3 : i32
    %get3A_1382 = arith.index_cast %get3A_1381 : i32 to index
    %get3A_1383 = arith.constant 16 : index
    %get3A_1384 = tpu.vector_load %arg7[%get3A_1382, %get3A_1383] {strides = array<i32>} : memref<6x128xf32, #tpu.memory_space<vmem>>, vector<1x16xf32>,
    %get3A_1385 = vector.shape_cast %get3A_1384 : vector<1x16xf32> to vector<16xf32>
    %get3A_1386 = arith.constant 1 : i32
    %get3A_1387 = arith.index_cast %get3A_1386 : i32 to index
    %get3A_1388 = arith.constant 16 : index
    %get3A_1389 = tpu.vector_load %arg8[%get3A_1387, %get3A_1388] {strides = array<i32>} : memref<3x128xf32, #tpu.memory_space<vmem>>, vector<1x16xf32>,
    %get3A_1390 = vector.shape_cast %get3A_1389 : vector<1x16xf32> to vector<16xf32>
    %add3A_1391 = arith.addf %get3A_1385, %get3A_1390 : vector<16xf32>
    %swap3A_1392 = arith.constant 10 : i32
    %swap3A_1393 = arith.index_cast %swap3A_1392 : i32 to index
    %swap3A_1394 = arith.constant 16 : index
    %swap3A_1395 = tpu.vector_load %arg9[%swap3A_1393, %swap3A_1394] {strides = array<i32>} : memref<24x128xf32, #tpu.memory_space<vmem>>, vector<1x16xf32>,
    %swap3A_1396 = vector.shape_cast %swap3A_1395 : vector<1x16xf32> to vector<16xf32>
    %swap3A_1397 = vector.shape_cast %add3A_1391 : vector<16xf32> to vector<1x16xf32>
    tpu.vector_store %arg9[%swap3A_1393, %swap3A_1394], %swap3A_1397 {strides = array<i32>} : memref<24x128xf32, #tpu.memory_space<vmem>>, vector<1x16xf32>,
    %get3A_1398 = arith.constant 3 : i32
    %get3A_1399 = arith.index_cast %get3A_1398 : i32 to index
    %get3A_1400 = arith.constant 32 : index
    %get3A_1401 = tpu.vector_load %arg7[%get3A_1399, %get3A_1400] {strides = array<i32>} : memref<6x128xf32, #tpu.memory_space<vmem>>, vector<1x16xf32>,
    %get3A_1402 = vector.shape_cast %get3A_1401 : vector<1x16xf32> to vector<16xf32>
    %get3A_1403 = arith.constant 1 : i32
    %get3A_1404 = arith.index_cast %get3A_1403 : i32 to index
    %get3A_1405 = arith.constant 32 : index
    %get3A_1406 = tpu.vector_load %arg8[%get3A_1404, %get3A_1405] {strides = array<i32>} : memref<3x128xf32, #tpu.memory_space<vmem>>, vector<1x16xf32>,
    %get3A_1407 = vector.shape_cast %get3A_1406 : vector<1x16xf32> to vector<16xf32>
    %add3A_1408 = arith.addf %get3A_1402, %get3A_1407 : vector<16xf32>
    %swap3A_1409 = arith.constant 10 : i32
    %swap3A_1410 = arith.index_cast %swap3A_1409 : i32 to index
    %swap3A_1411 = arith.constant 32 : index
    %swap3A_1412 = tpu.vector_load %arg9[%swap3A_1410, %swap3A_1411] {strides = array<i32>} : memref<24x128xf32, #tpu.memory_space<vmem>>, vector<1x16xf32>,
    %swap3A_1413 = vector.shape_cast %swap3A_1412 : vector<1x16xf32> to vector<16xf32>
    %swap3A_1414 = vector.shape_cast %add3A_1408 : vector<16xf32> to vector<1x16xf32>
    tpu.vector_store %arg9[%swap3A_1410, %swap3A_1411], %swap3A_1414 {strides = array<i32>} : memref<24x128xf32, #tpu.memory_space<vmem>>, vector<1x16xf32>,
    %get3A_1415 = arith.constant 3 : i32
    %get3A_1416 = arith.index_cast %get3A_1415 : i32 to index
    %get3A_1417 = arith.constant 48 : index
    %get3A_1418 = tpu.vector_load %arg7[%get3A_1416, %get3A_1417] {strides = array<i32>} : memref<6x128xf32, #tpu.memory_space<vmem>>, vector<1x16xf32>,
    %get3A_1419 = vector.shape_cast %get3A_1418 : vector<1x16xf32> to vector<16xf32>
    %get3A_1420 = arith.constant 1 : i32
    %get3A_1421 = arith.index_cast %get3A_1420 : i32 to index
    %get3A_1422 = arith.constant 48 : index
    %get3A_1423 = tpu.vector_load %arg8[%get3A_1421, %get3A_1422] {strides = array<i32>} : memref<3x128xf32, #tpu.memory_space<vmem>>, vector<1x16xf32>,
    %get3A_1424 = vector.shape_cast %get3A_1423 : vector<1x16xf32> to vector<16xf32>
    %add3A_1425 = arith.addf %get3A_1419, %get3A_1424 : vector<16xf32>
    %swap3A_1426 = arith.constant 10 : i32
    %swap3A_1427 = arith.index_cast %swap3A_1426 : i32 to index
    %swap3A_1428 = arith.constant 48 : index
    %swap3A_1429 = tpu.vector_load %arg9[%swap3A_1427, %swap3A_1428] {strides = array<i32>} : memref<24x128xf32, #tpu.memory_space<vmem>>, vector<1x16xf32>,
    %swap3A_1430 = vector.shape_cast %swap3A_1429 : vector<1x16xf32> to vector<16xf32>
    %swap3A_1431 = vector.shape_cast %add3A_1425 : vector<16xf32> to vector<1x16xf32>
    tpu.vector_store %arg9[%swap3A_1427, %swap3A_1428], %swap3A_1431 {strides = array<i32>} : memref<24x128xf32, #tpu.memory_space<vmem>>, vector<1x16xf32>,
    %get3A_1432 = arith.constant 3 : i32
    %get3A_1433 = arith.index_cast %get3A_1432 : i32 to index
    %get3A_1434 = arith.constant 64 : index
    %get3A_1435 = tpu.vector_load %arg7[%get3A_1433, %get3A_1434] {strides = array<i32>} : memref<6x128xf32, #tpu.memory_space<vmem>>, vector<1x16xf32>,
    %get3A_1436 = vector.shape_cast %get3A_1435 : vector<1x16xf32> to vector<16xf32>
    %get3A_1437 = arith.constant 1 : i32
    %get3A_1438 = arith.index_cast %get3A_1437 : i32 to index
    %get3A_1439 = arith.constant 64 : index
    %get3A_1440 = tpu.vector_load %arg8[%get3A_1438, %get3A_1439] {strides = array<i32>} : memref<3x128xf32, #tpu.memory_space<vmem>>, vector<1x16xf32>,
    %get3A_1441 = vector.shape_cast %get3A_1440 : vector<1x16xf32> to vector<16xf32>
    %add3A_1442 = arith.addf %get3A_1436, %get3A_1441 : vector<16xf32>
    %swap3A_1443 = arith.constant 10 : i32
    %swap3A_1444 = arith.index_cast %swap3A_1443 : i32 to index
    %swap3A_1445 = arith.constant 64 : index
    %swap3A_1446 = tpu.vector_load %arg9[%swap3A_1444, %swap3A_1445] {strides = array<i32>} : memref<24x128xf32, #tpu.memory_space<vmem>>, vector<1x16xf32>,
    %swap3A_1447 = vector.shape_cast %swap3A_1446 : vector<1x16xf32> to vector<16xf32>
    %swap3A_1448 = vector.shape_cast %add3A_1442 : vector<16xf32> to vector<1x16xf32>
    tpu.vector_store %arg9[%swap3A_1444, %swap3A_1445], %swap3A_1448 {strides = array<i32>} : memref<24x128xf32, #tpu.memory_space<vmem>>, vector<1x16xf32>,
    %get3A_1449 = arith.constant 3 : i32
    %get3A_1450 = arith.index_cast %get3A_1449 : i32 to index
    %get3A_1451 = arith.constant 80 : index
    %get3A_1452 = tpu.vector_load %arg7[%get3A_1450, %get3A_1451] {strides = array<i32>} : memref<6x128xf32, #tpu.memory_space<vmem>>, vector<1x16xf32>,
    %get3A_1453 = vector.shape_cast %get3A_1452 : vector<1x16xf32> to vector<16xf32>
    %get3A_1454 = arith.constant 1 : i32
    %get3A_1455 = arith.index_cast %get3A_1454 : i32 to index
    %get3A_1456 = arith.constant 80 : index
    %get3A_1457 = tpu.vector_load %arg8[%get3A_1455, %get3A_1456] {strides = array<i32>} : memref<3x128xf32, #tpu.memory_space<vmem>>, vector<1x16xf32>,
    %get3A_1458 = vector.shape_cast %get3A_1457 : vector<1x16xf32> to vector<16xf32>
    %add3A_1459 = arith.addf %get3A_1453, %get3A_1458 : vector<16xf32>
    %swap3A_1460 = arith.constant 10 : i32
    %swap3A_1461 = arith.index_cast %swap3A_1460 : i32 to index
    %swap3A_1462 = arith.constant 80 : index
    %swap3A_1463 = tpu.vector_load %arg9[%swap3A_1461, %swap3A_1462] {strides = array<i32>} : memref<24x128xf32, #tpu.memory_space<vmem>>, vector<1x16xf32>,
    %swap3A_1464 = vector.shape_cast %swap3A_1463 : vector<1x16xf32> to vector<16xf32>
    %swap3A_1465 = vector.shape_cast %add3A_1459 : vector<16xf32> to vector<1x16xf32>
    tpu.vector_store %arg9[%swap3A_1461, %swap3A_1462], %swap3A_1465 {strides = array<i32>} : memref<24x128xf32, #tpu.memory_space<vmem>>, vector<1x16xf32>,
    %get3A_1466 = arith.constant 3 : i32
    %get3A_1467 = arith.index_cast %get3A_1466 : i32 to index
    %get3A_1468 = arith.constant 96 : index
    %get3A_1469 = tpu.vector_load %arg7[%get3A_1467, %get3A_1468] {strides = array<i32>} : memref<6x128xf32, #tpu.memory_space<vmem>>, vector<1x16xf32>,
    %get3A_1470 = vector.shape_cast %get3A_1469 : vector<1x16xf32> to vector<16xf32>
    %get3A_1471 = arith.constant 1 : i32
    %get3A_1472 = arith.index_cast %get3A_1471 : i32 to index
    %get3A_1473 = arith.constant 96 : index
    %get3A_1474 = tpu.vector_load %arg8[%get3A_1472, %get3A_1473] {strides = array<i32>} : memref<3x128xf32, #tpu.memory_space<vmem>>, vector<1x16xf32>,
    %get3A_1475 = vector.shape_cast %get3A_1474 : vector<1x16xf32> to vector<16xf32>
    %add3A_1476 = arith.addf %get3A_1470, %get3A_1475 : vector<16xf32>
    %swap3A_1477 = arith.constant 10 : i32
    %swap3A_1478 = arith.index_cast %swap3A_1477 : i32 to index
    %swap3A_1479 = arith.constant 96 : index
    %swap3A_1480 = tpu.vector_load %arg9[%swap3A_1478, %swap3A_1479] {strides = array<i32>} : memref<24x128xf32, #tpu.memory_space<vmem>>, vector<1x16xf32>,
    %swap3A_1481 = vector.shape_cast %swap3A_1480 : vector<1x16xf32> to vector<16xf32>
    %swap3A_1482 = vector.shape_cast %add3A_1476 : vector<16xf32> to vector<1x16xf32>
    tpu.vector_store %arg9[%swap3A_1478, %swap3A_1479], %swap3A_1482 {strides = array<i32>} : memref<24x128xf32, #tpu.memory_space<vmem>>, vector<1x16xf32>,
    %get3A_1483 = arith.constant 3 : i32
    %get3A_1484 = arith.index_cast %get3A_1483 : i32 to index
    %get3A_1485 = arith.constant 112 : index
    %get3A_1486 = tpu.vector_load %arg7[%get3A_1484, %get3A_1485] {strides = array<i32>} : memref<6x128xf32, #tpu.memory_space<vmem>>, vector<1x16xf32>,
    %get3A_1487 = vector.shape_cast %get3A_1486 : vector<1x16xf32> to vector<16xf32>
    %get3A_1488 = arith.constant 1 : i32
    %get3A_1489 = arith.index_cast %get3A_1488 : i32 to index
    %get3A_1490 = arith.constant 112 : index
    %get3A_1491 = tpu.vector_load %arg8[%get3A_1489, %get3A_1490] {strides = array<i32>} : memref<3x128xf32, #tpu.memory_space<vmem>>, vector<1x16xf32>,
    %get3A_1492 = vector.shape_cast %get3A_1491 : vector<1x16xf32> to vector<16xf32>
    %add3A_1493 = arith.addf %get3A_1487, %get3A_1492 : vector<16xf32>
    %swap3A_1494 = arith.constant 10 : i32
    %swap3A_1495 = arith.index_cast %swap3A_1494 : i32 to index
    %swap3A_1496 = arith.constant 112 : index
    %swap3A_1497 = tpu.vector_load %arg9[%swap3A_1495, %swap3A_1496] {strides = array<i32>} : memref<24x128xf32, #tpu.memory_space<vmem>>, vector<1x16xf32>,
    %swap3A_1498 = vector.shape_cast %swap3A_1497 : vector<1x16xf32> to vector<16xf32>
    %swap3A_1499 = vector.shape_cast %add3A_1493 : vector<16xf32> to vector<1x16xf32>
    tpu.vector_store %arg9[%swap3A_1495, %swap3A_1496], %swap3A_1499 {strides = array<i32>} : memref<24x128xf32, #tpu.memory_space<vmem>>, vector<1x16xf32>,
    %get3A_1500 = arith.constant 3 : i32
    %get3A_1501 = arith.index_cast %get3A_1500 : i32 to index
    %get3A_1502 = arith.constant 0 : index
    %get3A_1503 = tpu.vector_load %arg7[%get3A_1501, %get3A_1502] {strides = array<i32>} : memref<6x128xf32, #tpu.memory_space<vmem>>, vector<1x16xf32>,
    %get3A_1504 = vector.shape_cast %get3A_1503 : vector<1x16xf32> to vector<16xf32>
    %get3A_1505 = arith.constant 2 : i32
    %get3A_1506 = arith.index_cast %get3A_1505 : i32 to index
    %get3A_1507 = arith.constant 0 : index
    %get3A_1508 = tpu.vector_load %arg8[%get3A_1506, %get3A_1507] {strides = array<i32>} : memref<3x128xf32, #tpu.memory_space<vmem>>, vector<1x16xf32>,
    %get3A_1509 = vector.shape_cast %get3A_1508 : vector<1x16xf32> to vector<16xf32>
    %add3A_1510 = arith.addf %get3A_1504, %get3A_1509 : vector<16xf32>
    %swap3A_1511 = arith.constant 11 : i32
    %swap3A_1512 = arith.index_cast %swap3A_1511 : i32 to index
    %swap3A_1513 = arith.constant 0 : index
    %swap3A_1514 = tpu.vector_load %arg9[%swap3A_1512, %swap3A_1513] {strides = array<i32>} : memref<24x128xf32, #tpu.memory_space<vmem>>, vector<1x16xf32>,
    %swap3A_1515 = vector.shape_cast %swap3A_1514 : vector<1x16xf32> to vector<16xf32>
    %swap3A_1516 = vector.shape_cast %add3A_1510 : vector<16xf32> to vector<1x16xf32>
    tpu.vector_store %arg9[%swap3A_1512, %swap3A_1513], %swap3A_1516 {strides = array<i32>} : memref<24x128xf32, #tpu.memory_space<vmem>>, vector<1x16xf32>,
    %get3A_1517 = arith.constant 3 : i32
    %get3A_1518 = arith.index_cast %get3A_1517 : i32 to index
    %get3A_1519 = arith.constant 16 : index
    %get3A_1520 = tpu.vector_load %arg7[%get3A_1518, %get3A_1519] {strides = array<i32>} : memref<6x128xf32, #tpu.memory_space<vmem>>, vector<1x16xf32>,
    %get3A_1521 = vector.shape_cast %get3A_1520 : vector<1x16xf32> to vector<16xf32>
    %get3A_1522 = arith.constant 2 : i32
    %get3A_1523 = arith.index_cast %get3A_1522 : i32 to index
    %get3A_1524 = arith.constant 16 : index
    %get3A_1525 = tpu.vector_load %arg8[%get3A_1523, %get3A_1524] {strides = array<i32>} : memref<3x128xf32, #tpu.memory_space<vmem>>, vector<1x16xf32>,
    %get3A_1526 = vector.shape_cast %get3A_1525 : vector<1x16xf32> to vector<16xf32>
    %add3A_1527 = arith.addf %get3A_1521, %get3A_1526 : vector<16xf32>
    %swap3A_1528 = arith.constant 11 : i32
    %swap3A_1529 = arith.index_cast %swap3A_1528 : i32 to index
    %swap3A_1530 = arith.constant 16 : index
    %swap3A_1531 = tpu.vector_load %arg9[%swap3A_1529, %swap3A_1530] {strides = array<i32>} : memref<24x128xf32, #tpu.memory_space<vmem>>, vector<1x16xf32>,
    %swap3A_1532 = vector.shape_cast %swap3A_1531 : vector<1x16xf32> to vector<16xf32>
    %swap3A_1533 = vector.shape_cast %add3A_1527 : vector<16xf32> to vector<1x16xf32>
    tpu.vector_store %arg9[%swap3A_1529, %swap3A_1530], %swap3A_1533 {strides = array<i32>} : memref<24x128xf32, #tpu.memory_space<vmem>>, vector<1x16xf32>,
    %get3A_1534 = arith.constant 3 : i32
    %get3A_1535 = arith.index_cast %get3A_1534 : i32 to index
    %get3A_1536 = arith.constant 32 : index
    %get3A_1537 = tpu.vector_load %arg7[%get3A_1535, %get3A_1536] {strides = array<i32>} : memref<6x128xf32, #tpu.memory_space<vmem>>, vector<1x16xf32>,
    %get3A_1538 = vector.shape_cast %get3A_1537 : vector<1x16xf32> to vector<16xf32>
    %get3A_1539 = arith.constant 2 : i32
    %get3A_1540 = arith.index_cast %get3A_1539 : i32 to index
    %get3A_1541 = arith.constant 32 : index
    %get3A_1542 = tpu.vector_load %arg8[%get3A_1540, %get3A_1541] {strides = array<i32>} : memref<3x128xf32, #tpu.memory_space<vmem>>, vector<1x16xf32>,
    %get3A_1543 = vector.shape_cast %get3A_1542 : vector<1x16xf32> to vector<16xf32>
    %add3A_1544 = arith.addf %get3A_1538, %get3A_1543 : vector<16xf32>
    %swap3A_1545 = arith.constant 11 : i32
    %swap3A_1546 = arith.index_cast %swap3A_1545 : i32 to index
    %swap3A_1547 = arith.constant 32 : index
    %swap3A_1548 = tpu.vector_load %arg9[%swap3A_1546, %swap3A_1547] {strides = array<i32>} : memref<24x128xf32, #tpu.memory_space<vmem>>, vector<1x16xf32>,
    %swap3A_1549 = vector.shape_cast %swap3A_1548 : vector<1x16xf32> to vector<16xf32>
    %swap3A_1550 = vector.shape_cast %add3A_1544 : vector<16xf32> to vector<1x16xf32>
    tpu.vector_store %arg9[%swap3A_1546, %swap3A_1547], %swap3A_1550 {strides = array<i32>} : memref<24x128xf32, #tpu.memory_space<vmem>>, vector<1x16xf32>,
    %get3A_1551 = arith.constant 3 : i32
    %get3A_1552 = arith.index_cast %get3A_1551 : i32 to index
    %get3A_1553 = arith.constant 48 : index
    %get3A_1554 = tpu.vector_load %arg7[%get3A_1552, %get3A_1553] {strides = array<i32>} : memref<6x128xf32, #tpu.memory_space<vmem>>, vector<1x16xf32>,
    %get3A_1555 = vector.shape_cast %get3A_1554 : vector<1x16xf32> to vector<16xf32>
    %get3A_1556 = arith.constant 2 : i32
    %get3A_1557 = arith.index_cast %get3A_1556 : i32 to index
    %get3A_1558 = arith.constant 48 : index
    %get3A_1559 = tpu.vector_load %arg8[%get3A_1557, %get3A_1558] {strides = array<i32>} : memref<3x128xf32, #tpu.memory_space<vmem>>, vector<1x16xf32>,
    %get3A_1560 = vector.shape_cast %get3A_1559 : vector<1x16xf32> to vector<16xf32>
    %add3A_1561 = arith.addf %get3A_1555, %get3A_1560 : vector<16xf32>
    %swap3A_1562 = arith.constant 11 : i32
    %swap3A_1563 = arith.index_cast %swap3A_1562 : i32 to index
    %swap3A_1564 = arith.constant 48 : index
    %swap3A_1565 = tpu.vector_load %arg9[%swap3A_1563, %swap3A_1564] {strides = array<i32>} : memref<24x128xf32, #tpu.memory_space<vmem>>, vector<1x16xf32>,
    %swap3A_1566 = vector.shape_cast %swap3A_1565 : vector<1x16xf32> to vector<16xf32>
    %swap3A_1567 = vector.shape_cast %add3A_1561 : vector<16xf32> to vector<1x16xf32>
    tpu.vector_store %arg9[%swap3A_1563, %swap3A_1564], %swap3A_1567 {strides = array<i32>} : memref<24x128xf32, #tpu.memory_space<vmem>>, vector<1x16xf32>,
    %get3A_1568 = arith.constant 3 : i32
    %get3A_1569 = arith.index_cast %get3A_1568 : i32 to index
    %get3A_1570 = arith.constant 64 : index
    %get3A_1571 = tpu.vector_load %arg7[%get3A_1569, %get3A_1570] {strides = array<i32>} : memref<6x128xf32, #tpu.memory_space<vmem>>, vector<1x16xf32>,
    %get3A_1572 = vector.shape_cast %get3A_1571 : vector<1x16xf32> to vector<16xf32>
    %get3A_1573 = arith.constant 2 : i32
    %get3A_1574 = arith.index_cast %get3A_1573 : i32 to index
    %get3A_1575 = arith.constant 64 : index
    %get3A_1576 = tpu.vector_load %arg8[%get3A_1574, %get3A_1575] {strides = array<i32>} : memref<3x128xf32, #tpu.memory_space<vmem>>, vector<1x16xf32>,
    %get3A_1577 = vector.shape_cast %get3A_1576 : vector<1x16xf32> to vector<16xf32>
    %add3A_1578 = arith.addf %get3A_1572, %get3A_1577 : vector<16xf32>
    %swap3A_1579 = arith.constant 11 : i32
    %swap3A_1580 = arith.index_cast %swap3A_1579 : i32 to index
    %swap3A_1581 = arith.constant 64 : index
    %swap3A_1582 = tpu.vector_load %arg9[%swap3A_1580, %swap3A_1581] {strides = array<i32>} : memref<24x128xf32, #tpu.memory_space<vmem>>, vector<1x16xf32>,
    %swap3A_1583 = vector.shape_cast %swap3A_1582 : vector<1x16xf32> to vector<16xf32>
    %swap3A_1584 = vector.shape_cast %add3A_1578 : vector<16xf32> to vector<1x16xf32>
    tpu.vector_store %arg9[%swap3A_1580, %swap3A_1581], %swap3A_1584 {strides = array<i32>} : memref<24x128xf32, #tpu.memory_space<vmem>>, vector<1x16xf32>,
    %get3A_1585 = arith.constant 3 : i32
    %get3A_1586 = arith.index_cast %get3A_1585 : i32 to index
    %get3A_1587 = arith.constant 80 : index
    %get3A_1588 = tpu.vector_load %arg7[%get3A_1586, %get3A_1587] {strides = array<i32>} : memref<6x128xf32, #tpu.memory_space<vmem>>, vector<1x16xf32>,
    %get3A_1589 = vector.shape_cast %get3A_1588 : vector<1x16xf32> to vector<16xf32>
    %get3A_1590 = arith.constant 2 : i32
    %get3A_1591 = arith.index_cast %get3A_1590 : i32 to index
    %get3A_1592 = arith.constant 80 : index
    %get3A_1593 = tpu.vector_load %arg8[%get3A_1591, %get3A_1592] {strides = array<i32>} : memref<3x128xf32, #tpu.memory_space<vmem>>, vector<1x16xf32>,
    %get3A_1594 = vector.shape_cast %get3A_1593 : vector<1x16xf32> to vector<16xf32>
    %add3A_1595 = arith.addf %get3A_1589, %get3A_1594 : vector<16xf32>
    %swap3A_1596 = arith.constant 11 : i32
    %swap3A_1597 = arith.index_cast %swap3A_1596 : i32 to index
    %swap3A_1598 = arith.constant 80 : index
    %swap3A_1599 = tpu.vector_load %arg9[%swap3A_1597, %swap3A_1598] {strides = array<i32>} : memref<24x128xf32, #tpu.memory_space<vmem>>, vector<1x16xf32>,
    %swap3A_1600 = vector.shape_cast %swap3A_1599 : vector<1x16xf32> to vector<16xf32>
    %swap3A_1601 = vector.shape_cast %add3A_1595 : vector<16xf32> to vector<1x16xf32>
    tpu.vector_store %arg9[%swap3A_1597, %swap3A_1598], %swap3A_1601 {strides = array<i32>} : memref<24x128xf32, #tpu.memory_space<vmem>>, vector<1x16xf32>,
    %get3A_1602 = arith.constant 3 : i32
    %get3A_1603 = arith.index_cast %get3A_1602 : i32 to index
    %get3A_1604 = arith.constant 96 : index
    %get3A_1605 = tpu.vector_load %arg7[%get3A_1603, %get3A_1604] {strides = array<i32>} : memref<6x128xf32, #tpu.memory_space<vmem>>, vector<1x16xf32>,
    %get3A_1606 = vector.shape_cast %get3A_1605 : vector<1x16xf32> to vector<16xf32>
    %get3A_1607 = arith.constant 2 : i32
    %get3A_1608 = arith.index_cast %get3A_1607 : i32 to index
    %get3A_1609 = arith.constant 96 : index
    %get3A_1610 = tpu.vector_load %arg8[%get3A_1608, %get3A_1609] {strides = array<i32>} : memref<3x128xf32, #tpu.memory_space<vmem>>, vector<1x16xf32>,
    %get3A_1611 = vector.shape_cast %get3A_1610 : vector<1x16xf32> to vector<16xf32>
    %add3A_1612 = arith.addf %get3A_1606, %get3A_1611 : vector<16xf32>
    %swap3A_1613 = arith.constant 11 : i32
    %swap3A_1614 = arith.index_cast %swap3A_1613 : i32 to index
    %swap3A_1615 = arith.constant 96 : index
    %swap3A_1616 = tpu.vector_load %arg9[%swap3A_1614, %swap3A_1615] {strides = array<i32>} : memref<24x128xf32, #tpu.memory_space<vmem>>, vector<1x16xf32>,
    %swap3A_1617 = vector.shape_cast %swap3A_1616 : vector<1x16xf32> to vector<16xf32>
    %swap3A_1618 = vector.shape_cast %add3A_1612 : vector<16xf32> to vector<1x16xf32>
    tpu.vector_store %arg9[%swap3A_1614, %swap3A_1615], %swap3A_1618 {strides = array<i32>} : memref<24x128xf32, #tpu.memory_space<vmem>>, vector<1x16xf32>,
    %get3A_1619 = arith.constant 3 : i32
    %get3A_1620 = arith.index_cast %get3A_1619 : i32 to index
    %get3A_1621 = arith.constant 112 : index
    %get3A_1622 = tpu.vector_load %arg7[%get3A_1620, %get3A_1621] {strides = array<i32>} : memref<6x128xf32, #tpu.memory_space<vmem>>, vector<1x16xf32>,
    %get3A_1623 = vector.shape_cast %get3A_1622 : vector<1x16xf32> to vector<16xf32>
    %get3A_1624 = arith.constant 2 : i32
    %get3A_1625 = arith.index_cast %get3A_1624 : i32 to index
    %get3A_1626 = arith.constant 112 : index
    %get3A_1627 = tpu.vector_load %arg8[%get3A_1625, %get3A_1626] {strides = array<i32>} : memref<3x128xf32, #tpu.memory_space<vmem>>, vector<1x16xf32>,
    %get3A_1628 = vector.shape_cast %get3A_1627 : vector<1x16xf32> to vector<16xf32>
    %add3A_1629 = arith.addf %get3A_1623, %get3A_1628 : vector<16xf32>
    %swap3A_1630 = arith.constant 11 : i32
    %swap3A_1631 = arith.index_cast %swap3A_1630 : i32 to index
    %swap3A_1632 = arith.constant 112 : index
    %swap3A_1633 = tpu.vector_load %arg9[%swap3A_1631, %swap3A_1632] {strides = array<i32>} : memref<24x128xf32, #tpu.memory_space<vmem>>, vector<1x16xf32>,
    %swap3A_1634 = vector.shape_cast %swap3A_1633 : vector<1x16xf32> to vector<16xf32>
    %swap3A_1635 = vector.shape_cast %add3A_1629 : vector<16xf32> to vector<1x16xf32>
    tpu.vector_store %arg9[%swap3A_1631, %swap3A_1632], %swap3A_1635 {strides = array<i32>} : memref<24x128xf32, #tpu.memory_space<vmem>>, vector<1x16xf32>,
    %get3A_1636 = arith.constant 4 : i32
    %get3A_1637 = arith.index_cast %get3A_1636 : i32 to index
    %get3A_1638 = arith.constant 0 : index
    %get3A_1639 = tpu.vector_load %arg7[%get3A_1637, %get3A_1638] {strides = array<i32>} : memref<6x128xf32, #tpu.memory_space<vmem>>, vector<1x16xf32>,
    %get3A_1640 = vector.shape_cast %get3A_1639 : vector<1x16xf32> to vector<16xf32>
    %get3A_1641 = arith.constant 0 : i32
    %get3A_1642 = arith.index_cast %get3A_1641 : i32 to index
    %get3A_1643 = arith.constant 0 : index
    %get3A_1644 = tpu.vector_load %arg8[%get3A_1642, %get3A_1643] {strides = array<i32>} : memref<3x128xf32, #tpu.memory_space<vmem>>, vector<1x16xf32>,
    %get3A_1645 = vector.shape_cast %get3A_1644 : vector<1x16xf32> to vector<16xf32>
    %add3A_1646 = arith.addf %get3A_1640, %get3A_1645 : vector<16xf32>
    %swap3A_1647 = arith.constant 12 : i32
    %swap3A_1648 = arith.index_cast %swap3A_1647 : i32 to index
    %swap3A_1649 = arith.constant 0 : index
    %swap3A_1650 = tpu.vector_load %arg9[%swap3A_1648, %swap3A_1649] {strides = array<i32>} : memref<24x128xf32, #tpu.memory_space<vmem>>, vector<1x16xf32>,
    %swap3A_1651 = vector.shape_cast %swap3A_1650 : vector<1x16xf32> to vector<16xf32>
    %swap3A_1652 = vector.shape_cast %add3A_1646 : vector<16xf32> to vector<1x16xf32>
    tpu.vector_store %arg9[%swap3A_1648, %swap3A_1649], %swap3A_1652 {strides = array<i32>} : memref<24x128xf32, #tpu.memory_space<vmem>>, vector<1x16xf32>,
    %get3A_1653 = arith.constant 4 : i32
    %get3A_1654 = arith.index_cast %get3A_1653 : i32 to index
    %get3A_1655 = arith.constant 16 : index
    %get3A_1656 = tpu.vector_load %arg7[%get3A_1654, %get3A_1655] {strides = array<i32>} : memref<6x128xf32, #tpu.memory_space<vmem>>, vector<1x16xf32>,
    %get3A_1657 = vector.shape_cast %get3A_1656 : vector<1x16xf32> to vector<16xf32>
    %get3A_1658 = arith.constant 0 : i32
    %get3A_1659 = arith.index_cast %get3A_1658 : i32 to index
    %get3A_1660 = arith.constant 16 : index
    %get3A_1661 = tpu.vector_load %arg8[%get3A_1659, %get3A_1660] {strides = array<i32>} : memref<3x128xf32, #tpu.memory_space<vmem>>, vector<1x16xf32>,
    %get3A_1662 = vector.shape_cast %get3A_1661 : vector<1x16xf32> to vector<16xf32>
    %add3A_1663 = arith.addf %get3A_1657, %get3A_1662 : vector<16xf32>
    %swap3A_1664 = arith.constant 12 : i32
    %swap3A_1665 = arith.index_cast %swap3A_1664 : i32 to index
    %swap3A_1666 = arith.constant 16 : index
    %swap3A_1667 = tpu.vector_load %arg9[%swap3A_1665, %swap3A_1666] {strides = array<i32>} : memref<24x128xf32, #tpu.memory_space<vmem>>, vector<1x16xf32>,
    %swap3A_1668 = vector.shape_cast %swap3A_1667 : vector<1x16xf32> to vector<16xf32>
    %swap3A_1669 = vector.shape_cast %add3A_1663 : vector<16xf32> to vector<1x16xf32>
    tpu.vector_store %arg9[%swap3A_1665, %swap3A_1666], %swap3A_1669 {strides = array<i32>} : memref<24x128xf32, #tpu.memory_space<vmem>>, vector<1x16xf32>,
    %get3A_1670 = arith.constant 4 : i32
    %get3A_1671 = arith.index_cast %get3A_1670 : i32 to index
    %get3A_1672 = arith.constant 32 : index
    %get3A_1673 = tpu.vector_load %arg7[%get3A_1671, %get3A_1672] {strides = array<i32>} : memref<6x128xf32, #tpu.memory_space<vmem>>, vector<1x16xf32>,
    %get3A_1674 = vector.shape_cast %get3A_1673 : vector<1x16xf32> to vector<16xf32>
    %get3A_1675 = arith.constant 0 : i32
    %get3A_1676 = arith.index_cast %get3A_1675 : i32 to index
    %get3A_1677 = arith.constant 32 : index
    %get3A_1678 = tpu.vector_load %arg8[%get3A_1676, %get3A_1677] {strides = array<i32>} : memref<3x128xf32, #tpu.memory_space<vmem>>, vector<1x16xf32>,
    %get3A_1679 = vector.shape_cast %get3A_1678 : vector<1x16xf32> to vector<16xf32>
    %add3A_1680 = arith.addf %get3A_1674, %get3A_1679 : vector<16xf32>
    %swap3A_1681 = arith.constant 12 : i32
    %swap3A_1682 = arith.index_cast %swap3A_1681 : i32 to index
    %swap3A_1683 = arith.constant 32 : index
    %swap3A_1684 = tpu.vector_load %arg9[%swap3A_1682, %swap3A_1683] {strides = array<i32>} : memref<24x128xf32, #tpu.memory_space<vmem>>, vector<1x16xf32>,
    %swap3A_1685 = vector.shape_cast %swap3A_1684 : vector<1x16xf32> to vector<16xf32>
    %swap3A_1686 = vector.shape_cast %add3A_1680 : vector<16xf32> to vector<1x16xf32>
    tpu.vector_store %arg9[%swap3A_1682, %swap3A_1683], %swap3A_1686 {strides = array<i32>} : memref<24x128xf32, #tpu.memory_space<vmem>>, vector<1x16xf32>,
    %get3A_1687 = arith.constant 4 : i32
    %get3A_1688 = arith.index_cast %get3A_1687 : i32 to index
    %get3A_1689 = arith.constant 48 : index
    %get3A_1690 = tpu.vector_load %arg7[%get3A_1688, %get3A_1689] {strides = array<i32>} : memref<6x128xf32, #tpu.memory_space<vmem>>, vector<1x16xf32>,
    %get3A_1691 = vector.shape_cast %get3A_1690 : vector<1x16xf32> to vector<16xf32>
    %get3A_1692 = arith.constant 0 : i32
    %get3A_1693 = arith.index_cast %get3A_1692 : i32 to index
    %get3A_1694 = arith.constant 48 : index
    %get3A_1695 = tpu.vector_load %arg8[%get3A_1693, %get3A_1694] {strides = array<i32>} : memref<3x128xf32, #tpu.memory_space<vmem>>, vector<1x16xf32>,
    %get3A_1696 = vector.shape_cast %get3A_1695 : vector<1x16xf32> to vector<16xf32>
    %add3A_1697 = arith.addf %get3A_1691, %get3A_1696 : vector<16xf32>
    %swap3A_1698 = arith.constant 12 : i32
    %swap3A_1699 = arith.index_cast %swap3A_1698 : i32 to index
    %swap3A_1700 = arith.constant 48 : index
    %swap3A_1701 = tpu.vector_load %arg9[%swap3A_1699, %swap3A_1700] {strides = array<i32>} : memref<24x128xf32, #tpu.memory_space<vmem>>, vector<1x16xf32>,
    %swap3A_1702 = vector.shape_cast %swap3A_1701 : vector<1x16xf32> to vector<16xf32>
    %swap3A_1703 = vector.shape_cast %add3A_1697 : vector<16xf32> to vector<1x16xf32>
    tpu.vector_store %arg9[%swap3A_1699, %swap3A_1700], %swap3A_1703 {strides = array<i32>} : memref<24x128xf32, #tpu.memory_space<vmem>>, vector<1x16xf32>,
    %get3A_1704 = arith.constant 4 : i32
    %get3A_1705 = arith.index_cast %get3A_1704 : i32 to index
    %get3A_1706 = arith.constant 64 : index
    %get3A_1707 = tpu.vector_load %arg7[%get3A_1705, %get3A_1706] {strides = array<i32>} : memref<6x128xf32, #tpu.memory_space<vmem>>, vector<1x16xf32>,
    %get3A_1708 = vector.shape_cast %get3A_1707 : vector<1x16xf32> to vector<16xf32>
    %get3A_1709 = arith.constant 0 : i32
    %get3A_1710 = arith.index_cast %get3A_1709 : i32 to index
    %get3A_1711 = arith.constant 64 : index
    %get3A_1712 = tpu.vector_load %arg8[%get3A_1710, %get3A_1711] {strides = array<i32>} : memref<3x128xf32, #tpu.memory_space<vmem>>, vector<1x16xf32>,
    %get3A_1713 = vector.shape_cast %get3A_1712 : vector<1x16xf32> to vector<16xf32>
    %add3A_1714 = arith.addf %get3A_1708, %get3A_1713 : vector<16xf32>
    %swap3A_1715 = arith.constant 12 : i32
    %swap3A_1716 = arith.index_cast %swap3A_1715 : i32 to index
    %swap3A_1717 = arith.constant 64 : index
    %swap3A_1718 = tpu.vector_load %arg9[%swap3A_1716, %swap3A_1717] {strides = array<i32>} : memref<24x128xf32, #tpu.memory_space<vmem>>, vector<1x16xf32>,
    %swap3A_1719 = vector.shape_cast %swap3A_1718 : vector<1x16xf32> to vector<16xf32>
    %swap3A_1720 = vector.shape_cast %add3A_1714 : vector<16xf32> to vector<1x16xf32>
    tpu.vector_store %arg9[%swap3A_1716, %swap3A_1717], %swap3A_1720 {strides = array<i32>} : memref<24x128xf32, #tpu.memory_space<vmem>>, vector<1x16xf32>,
    %get3A_1721 = arith.constant 4 : i32
    %get3A_1722 = arith.index_cast %get3A_1721 : i32 to index
    %get3A_1723 = arith.constant 80 : index
    %get3A_1724 = tpu.vector_load %arg7[%get3A_1722, %get3A_1723] {strides = array<i32>} : memref<6x128xf32, #tpu.memory_space<vmem>>, vector<1x16xf32>,
    %get3A_1725 = vector.shape_cast %get3A_1724 : vector<1x16xf32> to vector<16xf32>
    %get3A_1726 = arith.constant 0 : i32
    %get3A_1727 = arith.index_cast %get3A_1726 : i32 to index
    %get3A_1728 = arith.constant 80 : index
    %get3A_1729 = tpu.vector_load %arg8[%get3A_1727, %get3A_1728] {strides = array<i32>} : memref<3x128xf32, #tpu.memory_space<vmem>>, vector<1x16xf32>,
    %get3A_1730 = vector.shape_cast %get3A_1729 : vector<1x16xf32> to vector<16xf32>
    %add3A_1731 = arith.addf %get3A_1725, %get3A_1730 : vector<16xf32>
    %swap3A_1732 = arith.constant 12 : i32
    %swap3A_1733 = arith.index_cast %swap3A_1732 : i32 to index
    %swap3A_1734 = arith.constant 80 : index
    %swap3A_1735 = tpu.vector_load %arg9[%swap3A_1733, %swap3A_1734] {strides = array<i32>} : memref<24x128xf32, #tpu.memory_space<vmem>>, vector<1x16xf32>,
    %swap3A_1736 = vector.shape_cast %swap3A_1735 : vector<1x16xf32> to vector<16xf32>
    %swap3A_1737 = vector.shape_cast %add3A_1731 : vector<16xf32> to vector<1x16xf32>
    tpu.vector_store %arg9[%swap3A_1733, %swap3A_1734], %swap3A_1737 {strides = array<i32>} : memref<24x128xf32, #tpu.memory_space<vmem>>, vector<1x16xf32>,
    %get3A_1738 = arith.constant 4 : i32
    %get3A_1739 = arith.index_cast %get3A_1738 : i32 to index
    %get3A_1740 = arith.constant 96 : index
    %get3A_1741 = tpu.vector_load %arg7[%get3A_1739, %get3A_1740] {strides = array<i32>} : memref<6x128xf32, #tpu.memory_space<vmem>>, vector<1x16xf32>,
    %get3A_1742 = vector.shape_cast %get3A_1741 : vector<1x16xf32> to vector<16xf32>
    %get3A_1743 = arith.constant 0 : i32
    %get3A_1744 = arith.index_cast %get3A_1743 : i32 to index
    %get3A_1745 = arith.constant 96 : index
    %get3A_1746 = tpu.vector_load %arg8[%get3A_1744, %get3A_1745] {strides = array<i32>} : memref<3x128xf32, #tpu.memory_space<vmem>>, vector<1x16xf32>,
    %get3A_1747 = vector.shape_cast %get3A_1746 : vector<1x16xf32> to vector<16xf32>
    %add3A_1748 = arith.addf %get3A_1742, %get3A_1747 : vector<16xf32>
    %swap3A_1749 = arith.constant 12 : i32
    %swap3A_1750 = arith.index_cast %swap3A_1749 : i32 to index
    %swap3A_1751 = arith.constant 96 : index
    %swap3A_1752 = tpu.vector_load %arg9[%swap3A_1750, %swap3A_1751] {strides = array<i32>} : memref<24x128xf32, #tpu.memory_space<vmem>>, vector<1x16xf32>,
    %swap3A_1753 = vector.shape_cast %swap3A_1752 : vector<1x16xf32> to vector<16xf32>
    %swap3A_1754 = vector.shape_cast %add3A_1748 : vector<16xf32> to vector<1x16xf32>
    tpu.vector_store %arg9[%swap3A_1750, %swap3A_1751], %swap3A_1754 {strides = array<i32>} : memref<24x128xf32, #tpu.memory_space<vmem>>, vector<1x16xf32>,
    %get3A_1755 = arith.constant 4 : i32
    %get3A_1756 = arith.index_cast %get3A_1755 : i32 to index
    %get3A_1757 = arith.constant 112 : index
    %get3A_1758 = tpu.vector_load %arg7[%get3A_1756, %get3A_1757] {strides = array<i32>} : memref<6x128xf32, #tpu.memory_space<vmem>>, vector<1x16xf32>,
    %get3A_1759 = vector.shape_cast %get3A_1758 : vector<1x16xf32> to vector<16xf32>
    %get3A_1760 = arith.constant 0 : i32
    %get3A_1761 = arith.index_cast %get3A_1760 : i32 to index
    %get3A_1762 = arith.constant 112 : index
    %get3A_1763 = tpu.vector_load %arg8[%get3A_1761, %get3A_1762] {strides = array<i32>} : memref<3x128xf32, #tpu.memory_space<vmem>>, vector<1x16xf32>,
    %get3A_1764 = vector.shape_cast %get3A_1763 : vector<1x16xf32> to vector<16xf32>
    %add3A_1765 = arith.addf %get3A_1759, %get3A_1764 : vector<16xf32>
    %swap3A_1766 = arith.constant 12 : i32
    %swap3A_1767 = arith.index_cast %swap3A_1766 : i32 to index
    %swap3A_1768 = arith.constant 112 : index
    %swap3A_1769 = tpu.vector_load %arg9[%swap3A_1767, %swap3A_1768] {strides = array<i32>} : memref<24x128xf32, #tpu.memory_space<vmem>>, vector<1x16xf32>,
    %swap3A_1770 = vector.shape_cast %swap3A_1769 : vector<1x16xf32> to vector<16xf32>
    %swap3A_1771 = vector.shape_cast %add3A_1765 : vector<16xf32> to vector<1x16xf32>
    tpu.vector_store %arg9[%swap3A_1767, %swap3A_1768], %swap3A_1771 {strides = array<i32>} : memref<24x128xf32, #tpu.memory_space<vmem>>, vector<1x16xf32>,
    %get3A_1772 = arith.constant 4 : i32
    %get3A_1773 = arith.index_cast %get3A_1772 : i32 to index
    %get3A_1774 = arith.constant 0 : index
    %get3A_1775 = tpu.vector_load %arg7[%get3A_1773, %get3A_1774] {strides = array<i32>} : memref<6x128xf32, #tpu.memory_space<vmem>>, vector<1x16xf32>,
    %get3A_1776 = vector.shape_cast %get3A_1775 : vector<1x16xf32> to vector<16xf32>
    %get3A_1777 = arith.constant 1 : i32
    %get3A_1778 = arith.index_cast %get3A_1777 : i32 to index
    %get3A_1779 = arith.constant 0 : index
    %get3A_1780 = tpu.vector_load %arg8[%get3A_1778, %get3A_1779] {strides = array<i32>} : memref<3x128xf32, #tpu.memory_space<vmem>>, vector<1x16xf32>,
    %get3A_1781 = vector.shape_cast %get3A_1780 : vector<1x16xf32> to vector<16xf32>
    %add3A_1782 = arith.addf %get3A_1776, %get3A_1781 : vector<16xf32>
    %swap3A_1783 = arith.constant 13 : i32
    %swap3A_1784 = arith.index_cast %swap3A_1783 : i32 to index
    %swap3A_1785 = arith.constant 0 : index
    %swap3A_1786 = tpu.vector_load %arg9[%swap3A_1784, %swap3A_1785] {strides = array<i32>} : memref<24x128xf32, #tpu.memory_space<vmem>>, vector<1x16xf32>,
    %swap3A_1787 = vector.shape_cast %swap3A_1786 : vector<1x16xf32> to vector<16xf32>
    %swap3A_1788 = vector.shape_cast %add3A_1782 : vector<16xf32> to vector<1x16xf32>
    tpu.vector_store %arg9[%swap3A_1784, %swap3A_1785], %swap3A_1788 {strides = array<i32>} : memref<24x128xf32, #tpu.memory_space<vmem>>, vector<1x16xf32>,
    %get3A_1789 = arith.constant 4 : i32
    %get3A_1790 = arith.index_cast %get3A_1789 : i32 to index
    %get3A_1791 = arith.constant 16 : index
    %get3A_1792 = tpu.vector_load %arg7[%get3A_1790, %get3A_1791] {strides = array<i32>} : memref<6x128xf32, #tpu.memory_space<vmem>>, vector<1x16xf32>,
    %get3A_1793 = vector.shape_cast %get3A_1792 : vector<1x16xf32> to vector<16xf32>
    %get3A_1794 = arith.constant 1 : i32
    %get3A_1795 = arith.index_cast %get3A_1794 : i32 to index
    %get3A_1796 = arith.constant 16 : index
    %get3A_1797 = tpu.vector_load %arg8[%get3A_1795, %get3A_1796] {strides = array<i32>} : memref<3x128xf32, #tpu.memory_space<vmem>>, vector<1x16xf32>,
    %get3A_1798 = vector.shape_cast %get3A_1797 : vector<1x16xf32> to vector<16xf32>
    %add3A_1799 = arith.addf %get3A_1793, %get3A_1798 : vector<16xf32>
    %swap3A_1800 = arith.constant 13 : i32
    %swap3A_1801 = arith.index_cast %swap3A_1800 : i32 to index
    %swap3A_1802 = arith.constant 16 : index
    %swap3A_1803 = tpu.vector_load %arg9[%swap3A_1801, %swap3A_1802] {strides = array<i32>} : memref<24x128xf32, #tpu.memory_space<vmem>>, vector<1x16xf32>,
    %swap3A_1804 = vector.shape_cast %swap3A_1803 : vector<1x16xf32> to vector<16xf32>
    %swap3A_1805 = vector.shape_cast %add3A_1799 : vector<16xf32> to vector<1x16xf32>
    tpu.vector_store %arg9[%swap3A_1801, %swap3A_1802], %swap3A_1805 {strides = array<i32>} : memref<24x128xf32, #tpu.memory_space<vmem>>, vector<1x16xf32>,
    %get3A_1806 = arith.constant 4 : i32
    %get3A_1807 = arith.index_cast %get3A_1806 : i32 to index
    %get3A_1808 = arith.constant 32 : index
    %get3A_1809 = tpu.vector_load %arg7[%get3A_1807, %get3A_1808] {strides = array<i32>} : memref<6x128xf32, #tpu.memory_space<vmem>>, vector<1x16xf32>,
    %get3A_1810 = vector.shape_cast %get3A_1809 : vector<1x16xf32> to vector<16xf32>
    %get3A_1811 = arith.constant 1 : i32
    %get3A_1812 = arith.index_cast %get3A_1811 : i32 to index
    %get3A_1813 = arith.constant 32 : index
    %get3A_1814 = tpu.vector_load %arg8[%get3A_1812, %get3A_1813] {strides = array<i32>} : memref<3x128xf32, #tpu.memory_space<vmem>>, vector<1x16xf32>,
    %get3A_1815 = vector.shape_cast %get3A_1814 : vector<1x16xf32> to vector<16xf32>
    %add3A_1816 = arith.addf %get3A_1810, %get3A_1815 : vector<16xf32>
    %swap3A_1817 = arith.constant 13 : i32
    %swap3A_1818 = arith.index_cast %swap3A_1817 : i32 to index
    %swap3A_1819 = arith.constant 32 : index
    %swap3A_1820 = tpu.vector_load %arg9[%swap3A_1818, %swap3A_1819] {strides = array<i32>} : memref<24x128xf32, #tpu.memory_space<vmem>>, vector<1x16xf32>,
    %swap3A_1821 = vector.shape_cast %swap3A_1820 : vector<1x16xf32> to vector<16xf32>
    %swap3A_1822 = vector.shape_cast %add3A_1816 : vector<16xf32> to vector<1x16xf32>
    tpu.vector_store %arg9[%swap3A_1818, %swap3A_1819], %swap3A_1822 {strides = array<i32>} : memref<24x128xf32, #tpu.memory_space<vmem>>, vector<1x16xf32>,
    %get3A_1823 = arith.constant 4 : i32
    %get3A_1824 = arith.index_cast %get3A_1823 : i32 to index
    %get3A_1825 = arith.constant 48 : index
    %get3A_1826 = tpu.vector_load %arg7[%get3A_1824, %get3A_1825] {strides = array<i32>} : memref<6x128xf32, #tpu.memory_space<vmem>>, vector<1x16xf32>,
    %get3A_1827 = vector.shape_cast %get3A_1826 : vector<1x16xf32> to vector<16xf32>
    %get3A_1828 = arith.constant 1 : i32
    %get3A_1829 = arith.index_cast %get3A_1828 : i32 to index
    %get3A_1830 = arith.constant 48 : index
    %get3A_1831 = tpu.vector_load %arg8[%get3A_1829, %get3A_1830] {strides = array<i32>} : memref<3x128xf32, #tpu.memory_space<vmem>>, vector<1x16xf32>,
    %get3A_1832 = vector.shape_cast %get3A_1831 : vector<1x16xf32> to vector<16xf32>
    %add3A_1833 = arith.addf %get3A_1827, %get3A_1832 : vector<16xf32>
    %swap3A_1834 = arith.constant 13 : i32
    %swap3A_1835 = arith.index_cast %swap3A_1834 : i32 to index
    %swap3A_1836 = arith.constant 48 : index
    %swap3A_1837 = tpu.vector_load %arg9[%swap3A_1835, %swap3A_1836] {strides = array<i32>} : memref<24x128xf32, #tpu.memory_space<vmem>>, vector<1x16xf32>,
    %swap3A_1838 = vector.shape_cast %swap3A_1837 : vector<1x16xf32> to vector<16xf32>
    %swap3A_1839 = vector.shape_cast %add3A_1833 : vector<16xf32> to vector<1x16xf32>
    tpu.vector_store %arg9[%swap3A_1835, %swap3A_1836], %swap3A_1839 {strides = array<i32>} : memref<24x128xf32, #tpu.memory_space<vmem>>, vector<1x16xf32>,
    %get3A_1840 = arith.constant 4 : i32
    %get3A_1841 = arith.index_cast %get3A_1840 : i32 to index
    %get3A_1842 = arith.constant 64 : index
    %get3A_1843 = tpu.vector_load %arg7[%get3A_1841, %get3A_1842] {strides = array<i32>} : memref<6x128xf32, #tpu.memory_space<vmem>>, vector<1x16xf32>,
    %get3A_1844 = vector.shape_cast %get3A_1843 : vector<1x16xf32> to vector<16xf32>
    %get3A_1845 = arith.constant 1 : i32
    %get3A_1846 = arith.index_cast %get3A_1845 : i32 to index
    %get3A_1847 = arith.constant 64 : index
    %get3A_1848 = tpu.vector_load %arg8[%get3A_1846, %get3A_1847] {strides = array<i32>} : memref<3x128xf32, #tpu.memory_space<vmem>>, vector<1x16xf32>,
    %get3A_1849 = vector.shape_cast %get3A_1848 : vector<1x16xf32> to vector<16xf32>
    %add3A_1850 = arith.addf %get3A_1844, %get3A_1849 : vector<16xf32>
    %swap3A_1851 = arith.constant 13 : i32
    %swap3A_1852 = arith.index_cast %swap3A_1851 : i32 to index
    %swap3A_1853 = arith.constant 64 : index
    %swap3A_1854 = tpu.vector_load %arg9[%swap3A_1852, %swap3A_1853] {strides = array<i32>} : memref<24x128xf32, #tpu.memory_space<vmem>>, vector<1x16xf32>,
    %swap3A_1855 = vector.shape_cast %swap3A_1854 : vector<1x16xf32> to vector<16xf32>
    %swap3A_1856 = vector.shape_cast %add3A_1850 : vector<16xf32> to vector<1x16xf32>
    tpu.vector_store %arg9[%swap3A_1852, %swap3A_1853], %swap3A_1856 {strides = array<i32>} : memref<24x128xf32, #tpu.memory_space<vmem>>, vector<1x16xf32>,
    %get3A_1857 = arith.constant 4 : i32
    %get3A_1858 = arith.index_cast %get3A_1857 : i32 to index
    %get3A_1859 = arith.constant 80 : index
    %get3A_1860 = tpu.vector_load %arg7[%get3A_1858, %get3A_1859] {strides = array<i32>} : memref<6x128xf32, #tpu.memory_space<vmem>>, vector<1x16xf32>,
    %get3A_1861 = vector.shape_cast %get3A_1860 : vector<1x16xf32> to vector<16xf32>
    %get3A_1862 = arith.constant 1 : i32
    %get3A_1863 = arith.index_cast %get3A_1862 : i32 to index
    %get3A_1864 = arith.constant 80 : index
    %get3A_1865 = tpu.vector_load %arg8[%get3A_1863, %get3A_1864] {strides = array<i32>} : memref<3x128xf32, #tpu.memory_space<vmem>>, vector<1x16xf32>,
    %get3A_1866 = vector.shape_cast %get3A_1865 : vector<1x16xf32> to vector<16xf32>
    %add3A_1867 = arith.addf %get3A_1861, %get3A_1866 : vector<16xf32>
    %swap3A_1868 = arith.constant 13 : i32
    %swap3A_1869 = arith.index_cast %swap3A_1868 : i32 to index
    %swap3A_1870 = arith.constant 80 : index
    %swap3A_1871 = tpu.vector_load %arg9[%swap3A_1869, %swap3A_1870] {strides = array<i32>} : memref<24x128xf32, #tpu.memory_space<vmem>>, vector<1x16xf32>,
    %swap3A_1872 = vector.shape_cast %swap3A_1871 : vector<1x16xf32> to vector<16xf32>
    %swap3A_1873 = vector.shape_cast %add3A_1867 : vector<16xf32> to vector<1x16xf32>
    tpu.vector_store %arg9[%swap3A_1869, %swap3A_1870], %swap3A_1873 {strides = array<i32>} : memref<24x128xf32, #tpu.memory_space<vmem>>, vector<1x16xf32>,
    %get3A_1874 = arith.constant 4 : i32
    %get3A_1875 = arith.index_cast %get3A_1874 : i32 to index
    %get3A_1876 = arith.constant 96 : index
    %get3A_1877 = tpu.vector_load %arg7[%get3A_1875, %get3A_1876] {strides = array<i32>} : memref<6x128xf32, #tpu.memory_space<vmem>>, vector<1x16xf32>,
    %get3A_1878 = vector.shape_cast %get3A_1877 : vector<1x16xf32> to vector<16xf32>
    %get3A_1879 = arith.constant 1 : i32
    %get3A_1880 = arith.index_cast %get3A_1879 : i32 to index
    %get3A_1881 = arith.constant 96 : index
    %get3A_1882 = tpu.vector_load %arg8[%get3A_1880, %get3A_1881] {strides = array<i32>} : memref<3x128xf32, #tpu.memory_space<vmem>>, vector<1x16xf32>,
    %get3A_1883 = vector.shape_cast %get3A_1882 : vector<1x16xf32> to vector<16xf32>
    %add3A_1884 = arith.addf %get3A_1878, %get3A_1883 : vector<16xf32>
    %swap3A_1885 = arith.constant 13 : i32
    %swap3A_1886 = arith.index_cast %swap3A_1885 : i32 to index
    %swap3A_1887 = arith.constant 96 : index
    %swap3A_1888 = tpu.vector_load %arg9[%swap3A_1886, %swap3A_1887] {strides = array<i32>} : memref<24x128xf32, #tpu.memory_space<vmem>>, vector<1x16xf32>,
    %swap3A_1889 = vector.shape_cast %swap3A_1888 : vector<1x16xf32> to vector<16xf32>
    %swap3A_1890 = vector.shape_cast %add3A_1884 : vector<16xf32> to vector<1x16xf32>
    tpu.vector_store %arg9[%swap3A_1886, %swap3A_1887], %swap3A_1890 {strides = array<i32>} : memref<24x128xf32, #tpu.memory_space<vmem>>, vector<1x16xf32>,
    %get3A_1891 = arith.constant 4 : i32
    %get3A_1892 = arith.index_cast %get3A_1891 : i32 to index
    %get3A_1893 = arith.constant 112 : index
    %get3A_1894 = tpu.vector_load %arg7[%get3A_1892, %get3A_1893] {strides = array<i32>} : memref<6x128xf32, #tpu.memory_space<vmem>>, vector<1x16xf32>,
    %get3A_1895 = vector.shape_cast %get3A_1894 : vector<1x16xf32> to vector<16xf32>
    %get3A_1896 = arith.constant 1 : i32
    %get3A_1897 = arith.index_cast %get3A_1896 : i32 to index
    %get3A_1898 = arith.constant 112 : index
    %get3A_1899 = tpu.vector_load %arg8[%get3A_1897, %get3A_1898] {strides = array<i32>} : memref<3x128xf32, #tpu.memory_space<vmem>>, vector<1x16xf32>,
    %get3A_1900 = vector.shape_cast %get3A_1899 : vector<1x16xf32> to vector<16xf32>
    %add3A_1901 = arith.addf %get3A_1895, %get3A_1900 : vector<16xf32>
    %swap3A_1902 = arith.constant 13 : i32
    %swap3A_1903 = arith.index_cast %swap3A_1902 : i32 to index
    %swap3A_1904 = arith.constant 112 : index
    %swap3A_1905 = tpu.vector_load %arg9[%swap3A_1903, %swap3A_1904] {strides = array<i32>} : memref<24x128xf32, #tpu.memory_space<vmem>>, vector<1x16xf32>,
    %swap3A_1906 = vector.shape_cast %swap3A_1905 : vector<1x16xf32> to vector<16xf32>
    %swap3A_1907 = vector.shape_cast %add3A_1901 : vector<16xf32> to vector<1x16xf32>
    tpu.vector_store %arg9[%swap3A_1903, %swap3A_1904], %swap3A_1907 {strides = array<i32>} : memref<24x128xf32, #tpu.memory_space<vmem>>, vector<1x16xf32>,
    %get3A_1908 = arith.constant 4 : i32
    %get3A_1909 = arith.index_cast %get3A_1908 : i32 to index
    %get3A_1910 = arith.constant 0 : index
    %get3A_1911 = tpu.vector_load %arg7[%get3A_1909, %get3A_1910] {strides = array<i32>} : memref<6x128xf32, #tpu.memory_space<vmem>>, vector<1x16xf32>,
    %get3A_1912 = vector.shape_cast %get3A_1911 : vector<1x16xf32> to vector<16xf32>
    %get3A_1913 = arith.constant 2 : i32
    %get3A_1914 = arith.index_cast %get3A_1913 : i32 to index
    %get3A_1915 = arith.constant 0 : index
    %get3A_1916 = tpu.vector_load %arg8[%get3A_1914, %get3A_1915] {strides = array<i32>} : memref<3x128xf32, #tpu.memory_space<vmem>>, vector<1x16xf32>,
    %get3A_1917 = vector.shape_cast %get3A_1916 : vector<1x16xf32> to vector<16xf32>
    %add3A_1918 = arith.addf %get3A_1912, %get3A_1917 : vector<16xf32>
    %swap3A_1919 = arith.constant 14 : i32
    %swap3A_1920 = arith.index_cast %swap3A_1919 : i32 to index
    %swap3A_1921 = arith.constant 0 : index
    %swap3A_1922 = tpu.vector_load %arg9[%swap3A_1920, %swap3A_1921] {strides = array<i32>} : memref<24x128xf32, #tpu.memory_space<vmem>>, vector<1x16xf32>,
    %swap3A_1923 = vector.shape_cast %swap3A_1922 : vector<1x16xf32> to vector<16xf32>
    %swap3A_1924 = vector.shape_cast %add3A_1918 : vector<16xf32> to vector<1x16xf32>
    tpu.vector_store %arg9[%swap3A_1920, %swap3A_1921], %swap3A_1924 {strides = array<i32>} : memref<24x128xf32, #tpu.memory_space<vmem>>, vector<1x16xf32>,
    %get3A_1925 = arith.constant 4 : i32
    %get3A_1926 = arith.index_cast %get3A_1925 : i32 to index
    %get3A_1927 = arith.constant 16 : index
    %get3A_1928 = tpu.vector_load %arg7[%get3A_1926, %get3A_1927] {strides = array<i32>} : memref<6x128xf32, #tpu.memory_space<vmem>>, vector<1x16xf32>,
    %get3A_1929 = vector.shape_cast %get3A_1928 : vector<1x16xf32> to vector<16xf32>
    %get3A_1930 = arith.constant 2 : i32
    %get3A_1931 = arith.index_cast %get3A_1930 : i32 to index
    %get3A_1932 = arith.constant 16 : index
    %get3A_1933 = tpu.vector_load %arg8[%get3A_1931, %get3A_1932] {strides = array<i32>} : memref<3x128xf32, #tpu.memory_space<vmem>>, vector<1x16xf32>,
    %get3A_1934 = vector.shape_cast %get3A_1933 : vector<1x16xf32> to vector<16xf32>
    %add3A_1935 = arith.addf %get3A_1929, %get3A_1934 : vector<16xf32>
    %swap3A_1936 = arith.constant 14 : i32
    %swap3A_1937 = arith.index_cast %swap3A_1936 : i32 to index
    %swap3A_1938 = arith.constant 16 : index
    %swap3A_1939 = tpu.vector_load %arg9[%swap3A_1937, %swap3A_1938] {strides = array<i32>} : memref<24x128xf32, #tpu.memory_space<vmem>>, vector<1x16xf32>,
    %swap3A_1940 = vector.shape_cast %swap3A_1939 : vector<1x16xf32> to vector<16xf32>
    %swap3A_1941 = vector.shape_cast %add3A_1935 : vector<16xf32> to vector<1x16xf32>
    tpu.vector_store %arg9[%swap3A_1937, %swap3A_1938], %swap3A_1941 {strides = array<i32>} : memref<24x128xf32, #tpu.memory_space<vmem>>, vector<1x16xf32>,
    %get3A_1942 = arith.constant 4 : i32
    %get3A_1943 = arith.index_cast %get3A_1942 : i32 to index
    %get3A_1944 = arith.constant 32 : index
    %get3A_1945 = tpu.vector_load %arg7[%get3A_1943, %get3A_1944] {strides = array<i32>} : memref<6x128xf32, #tpu.memory_space<vmem>>, vector<1x16xf32>,
    %get3A_1946 = vector.shape_cast %get3A_1945 : vector<1x16xf32> to vector<16xf32>
    %get3A_1947 = arith.constant 2 : i32
    %get3A_1948 = arith.index_cast %get3A_1947 : i32 to index
    %get3A_1949 = arith.constant 32 : index
    %get3A_1950 = tpu.vector_load %arg8[%get3A_1948, %get3A_1949] {strides = array<i32>} : memref<3x128xf32, #tpu.memory_space<vmem>>, vector<1x16xf32>,
    %get3A_1951 = vector.shape_cast %get3A_1950 : vector<1x16xf32> to vector<16xf32>
    %add3A_1952 = arith.addf %get3A_1946, %get3A_1951 : vector<16xf32>
    %swap3A_1953 = arith.constant 14 : i32
    %swap3A_1954 = arith.index_cast %swap3A_1953 : i32 to index
    %swap3A_1955 = arith.constant 32 : index
    %swap3A_1956 = tpu.vector_load %arg9[%swap3A_1954, %swap3A_1955] {strides = array<i32>} : memref<24x128xf32, #tpu.memory_space<vmem>>, vector<1x16xf32>,
    %swap3A_1957 = vector.shape_cast %swap3A_1956 : vector<1x16xf32> to vector<16xf32>
    %swap3A_1958 = vector.shape_cast %add3A_1952 : vector<16xf32> to vector<1x16xf32>
    tpu.vector_store %arg9[%swap3A_1954, %swap3A_1955], %swap3A_1958 {strides = array<i32>} : memref<24x128xf32, #tpu.memory_space<vmem>>, vector<1x16xf32>,
    %get3A_1959 = arith.constant 4 : i32
    %get3A_1960 = arith.index_cast %get3A_1959 : i32 to index
    %get3A_1961 = arith.constant 48 : index
    %get3A_1962 = tpu.vector_load %arg7[%get3A_1960, %get3A_1961] {strides = array<i32>} : memref<6x128xf32, #tpu.memory_space<vmem>>, vector<1x16xf32>,
    %get3A_1963 = vector.shape_cast %get3A_1962 : vector<1x16xf32> to vector<16xf32>
    %get3A_1964 = arith.constant 2 : i32
    %get3A_1965 = arith.index_cast %get3A_1964 : i32 to index
    %get3A_1966 = arith.constant 48 : index
    %get3A_1967 = tpu.vector_load %arg8[%get3A_1965, %get3A_1966] {strides = array<i32>} : memref<3x128xf32, #tpu.memory_space<vmem>>, vector<1x16xf32>,
    %get3A_1968 = vector.shape_cast %get3A_1967 : vector<1x16xf32> to vector<16xf32>
    %add3A_1969 = arith.addf %get3A_1963, %get3A_1968 : vector<16xf32>
    %swap3A_1970 = arith.constant 14 : i32
    %swap3A_1971 = arith.index_cast %swap3A_1970 : i32 to index
    %swap3A_1972 = arith.constant 48 : index
    %swap3A_1973 = tpu.vector_load %arg9[%swap3A_1971, %swap3A_1972] {strides = array<i32>} : memref<24x128xf32, #tpu.memory_space<vmem>>, vector<1x16xf32>,
    %swap3A_1974 = vector.shape_cast %swap3A_1973 : vector<1x16xf32> to vector<16xf32>
    %swap3A_1975 = vector.shape_cast %add3A_1969 : vector<16xf32> to vector<1x16xf32>
    tpu.vector_store %arg9[%swap3A_1971, %swap3A_1972], %swap3A_1975 {strides = array<i32>} : memref<24x128xf32, #tpu.memory_space<vmem>>, vector<1x16xf32>,
    %get3A_1976 = arith.constant 4 : i32
    %get3A_1977 = arith.index_cast %get3A_1976 : i32 to index
    %get3A_1978 = arith.constant 64 : index
    %get3A_1979 = tpu.vector_load %arg7[%get3A_1977, %get3A_1978] {strides = array<i32>} : memref<6x128xf32, #tpu.memory_space<vmem>>, vector<1x16xf32>,
    %get3A_1980 = vector.shape_cast %get3A_1979 : vector<1x16xf32> to vector<16xf32>
    %get3A_1981 = arith.constant 2 : i32
    %get3A_1982 = arith.index_cast %get3A_1981 : i32 to index
    %get3A_1983 = arith.constant 64 : index
    %get3A_1984 = tpu.vector_load %arg8[%get3A_1982, %get3A_1983] {strides = array<i32>} : memref<3x128xf32, #tpu.memory_space<vmem>>, vector<1x16xf32>,
    %get3A_1985 = vector.shape_cast %get3A_1984 : vector<1x16xf32> to vector<16xf32>
    %add3A_1986 = arith.addf %get3A_1980, %get3A_1985 : vector<16xf32>
    %swap3A_1987 = arith.constant 14 : i32
    %swap3A_1988 = arith.index_cast %swap3A_1987 : i32 to index
    %swap3A_1989 = arith.constant 64 : index
    %swap3A_1990 = tpu.vector_load %arg9[%swap3A_1988, %swap3A_1989] {strides = array<i32>} : memref<24x128xf32, #tpu.memory_space<vmem>>, vector<1x16xf32>,
    %swap3A_1991 = vector.shape_cast %swap3A_1990 : vector<1x16xf32> to vector<16xf32>
    %swap3A_1992 = vector.shape_cast %add3A_1986 : vector<16xf32> to vector<1x16xf32>
    tpu.vector_store %arg9[%swap3A_1988, %swap3A_1989], %swap3A_1992 {strides = array<i32>} : memref<24x128xf32, #tpu.memory_space<vmem>>, vector<1x16xf32>,
    %get3A_1993 = arith.constant 4 : i32
    %get3A_1994 = arith.index_cast %get3A_1993 : i32 to index
    %get3A_1995 = arith.constant 80 : index
    %get3A_1996 = tpu.vector_load %arg7[%get3A_1994, %get3A_1995] {strides = array<i32>} : memref<6x128xf32, #tpu.memory_space<vmem>>, vector<1x16xf32>,
    %get3A_1997 = vector.shape_cast %get3A_1996 : vector<1x16xf32> to vector<16xf32>
    %get3A_1998 = arith.constant 2 : i32
    %get3A_1999 = arith.index_cast %get3A_1998 : i32 to index
    %get3A_2000 = arith.constant 80 : index
    %get3A_2001 = tpu.vector_load %arg8[%get3A_1999, %get3A_2000] {strides = array<i32>} : memref<3x128xf32, #tpu.memory_space<vmem>>, vector<1x16xf32>,
    %get3A_2002 = vector.shape_cast %get3A_2001 : vector<1x16xf32> to vector<16xf32>
    %add3A_2003 = arith.addf %get3A_1997, %get3A_2002 : vector<16xf32>
    %swap3A_2004 = arith.constant 14 : i32
    %swap3A_2005 = arith.index_cast %swap3A_2004 : i32 to index
    %swap3A_2006 = arith.constant 80 : index
    %swap3A_2007 = tpu.vector_load %arg9[%swap3A_2005, %swap3A_2006] {strides = array<i32>} : memref<24x128xf32, #tpu.memory_space<vmem>>, vector<1x16xf32>,
    %swap3A_2008 = vector.shape_cast %swap3A_2007 : vector<1x16xf32> to vector<16xf32>
    %swap3A_2009 = vector.shape_cast %add3A_2003 : vector<16xf32> to vector<1x16xf32>
    tpu.vector_store %arg9[%swap3A_2005, %swap3A_2006], %swap3A_2009 {strides = array<i32>} : memref<24x128xf32, #tpu.memory_space<vmem>>, vector<1x16xf32>,
    %get3A_2010 = arith.constant 4 : i32
    %get3A_2011 = arith.index_cast %get3A_2010 : i32 to index
    %get3A_2012 = arith.constant 96 : index
    %get3A_2013 = tpu.vector_load %arg7[%get3A_2011, %get3A_2012] {strides = array<i32>} : memref<6x128xf32, #tpu.memory_space<vmem>>, vector<1x16xf32>,
    %get3A_2014 = vector.shape_cast %get3A_2013 : vector<1x16xf32> to vector<16xf32>
    %get3A_2015 = arith.constant 2 : i32
    %get3A_2016 = arith.index_cast %get3A_2015 : i32 to index
    %get3A_2017 = arith.constant 96 : index
    %get3A_2018 = tpu.vector_load %arg8[%get3A_2016, %get3A_2017] {strides = array<i32>} : memref<3x128xf32, #tpu.memory_space<vmem>>, vector<1x16xf32>,
    %get3A_2019 = vector.shape_cast %get3A_2018 : vector<1x16xf32> to vector<16xf32>
    %add3A_2020 = arith.addf %get3A_2014, %get3A_2019 : vector<16xf32>
    %swap3A_2021 = arith.constant 14 : i32
    %swap3A_2022 = arith.index_cast %swap3A_2021 : i32 to index
    %swap3A_2023 = arith.constant 96 : index
    %swap3A_2024 = tpu.vector_load %arg9[%swap3A_2022, %swap3A_2023] {strides = array<i32>} : memref<24x128xf32, #tpu.memory_space<vmem>>, vector<1x16xf32>,
    %swap3A_2025 = vector.shape_cast %swap3A_2024 : vector<1x16xf32> to vector<16xf32>
    %swap3A_2026 = vector.shape_cast %add3A_2020 : vector<16xf32> to vector<1x16xf32>
    tpu.vector_store %arg9[%swap3A_2022, %swap3A_2023], %swap3A_2026 {strides = array<i32>} : memref<24x128xf32, #tpu.memory_space<vmem>>, vector<1x16xf32>,
    %get3A_2027 = arith.constant 4 : i32
    %get3A_2028 = arith.index_cast %get3A_2027 : i32 to index
    %get3A_2029 = arith.constant 112 : index
    %get3A_2030 = tpu.vector_load %arg7[%get3A_2028, %get3A_2029] {strides = array<i32>} : memref<6x128xf32, #tpu.memory_space<vmem>>, vector<1x16xf32>,
    %get3A_2031 = vector.shape_cast %get3A_2030 : vector<1x16xf32> to vector<16xf32>
    %get3A_2032 = arith.constant 2 : i32
    %get3A_2033 = arith.index_cast %get3A_2032 : i32 to index
    %get3A_2034 = arith.constant 112 : index
    %get3A_2035 = tpu.vector_load %arg8[%get3A_2033, %get3A_2034] {strides = array<i32>} : memref<3x128xf32, #tpu.memory_space<vmem>>, vector<1x16xf32>,
    %get3A_2036 = vector.shape_cast %get3A_2035 : vector<1x16xf32> to vector<16xf32>
    %add3A_2037 = arith.addf %get3A_2031, %get3A_2036 : vector<16xf32>
    %swap3A_2038 = arith.constant 14 : i32
    %swap3A_2039 = arith.index_cast %swap3A_2038 : i32 to index
    %swap3A_2040 = arith.constant 112 : index
    %swap3A_2041 = tpu.vector_load %arg9[%swap3A_2039, %swap3A_2040] {strides = array<i32>} : memref<24x128xf32, #tpu.memory_space<vmem>>, vector<1x16xf32>,
    %swap3A_2042 = vector.shape_cast %swap3A_2041 : vector<1x16xf32> to vector<16xf32>
    %swap3A_2043 = vector.shape_cast %add3A_2037 : vector<16xf32> to vector<1x16xf32>
    tpu.vector_store %arg9[%swap3A_2039, %swap3A_2040], %swap3A_2043 {strides = array<i32>} : memref<24x128xf32, #tpu.memory_space<vmem>>, vector<1x16xf32>,
    %get3A_2044 = arith.constant 5 : i32
    %get3A_2045 = arith.index_cast %get3A_2044 : i32 to index
    %get3A_2046 = arith.constant 0 : index
    %get3A_2047 = tpu.vector_load %arg7[%get3A_2045, %get3A_2046] {strides = array<i32>} : memref<6x128xf32, #tpu.memory_space<vmem>>, vector<1x16xf32>,
    %get3A_2048 = vector.shape_cast %get3A_2047 : vector<1x16xf32> to vector<16xf32>
    %get3A_2049 = arith.constant 0 : i32
    %get3A_2050 = arith.index_cast %get3A_2049 : i32 to index
    %get3A_2051 = arith.constant 0 : index
    %get3A_2052 = tpu.vector_load %arg8[%get3A_2050, %get3A_2051] {strides = array<i32>} : memref<3x128xf32, #tpu.memory_space<vmem>>, vector<1x16xf32>,
    %get3A_2053 = vector.shape_cast %get3A_2052 : vector<1x16xf32> to vector<16xf32>
    %add3A_2054 = arith.addf %get3A_2048, %get3A_2053 : vector<16xf32>
    %swap3A_2055 = arith.constant 15 : i32
    %swap3A_2056 = arith.index_cast %swap3A_2055 : i32 to index
    %swap3A_2057 = arith.constant 0 : index
    %swap3A_2058 = tpu.vector_load %arg9[%swap3A_2056, %swap3A_2057] {strides = array<i32>} : memref<24x128xf32, #tpu.memory_space<vmem>>, vector<1x16xf32>,
    %swap3A_2059 = vector.shape_cast %swap3A_2058 : vector<1x16xf32> to vector<16xf32>
    %swap3A_2060 = vector.shape_cast %add3A_2054 : vector<16xf32> to vector<1x16xf32>
    tpu.vector_store %arg9[%swap3A_2056, %swap3A_2057], %swap3A_2060 {strides = array<i32>} : memref<24x128xf32, #tpu.memory_space<vmem>>, vector<1x16xf32>,
    %get3A_2061 = arith.constant 5 : i32
    %get3A_2062 = arith.index_cast %get3A_2061 : i32 to index
    %get3A_2063 = arith.constant 16 : index
    %get3A_2064 = tpu.vector_load %arg7[%get3A_2062, %get3A_2063] {strides = array<i32>} : memref<6x128xf32, #tpu.memory_space<vmem>>, vector<1x16xf32>,
    %get3A_2065 = vector.shape_cast %get3A_2064 : vector<1x16xf32> to vector<16xf32>
    %get3A_2066 = arith.constant 0 : i32
    %get3A_2067 = arith.index_cast %get3A_2066 : i32 to index
    %get3A_2068 = arith.constant 16 : index
    %get3A_2069 = tpu.vector_load %arg8[%get3A_2067, %get3A_2068] {strides = array<i32>} : memref<3x128xf32, #tpu.memory_space<vmem>>, vector<1x16xf32>,
    %get3A_2070 = vector.shape_cast %get3A_2069 : vector<1x16xf32> to vector<16xf32>
    %add3A_2071 = arith.addf %get3A_2065, %get3A_2070 : vector<16xf32>
    %swap3A_2072 = arith.constant 15 : i32
    %swap3A_2073 = arith.index_cast %swap3A_2072 : i32 to index
    %swap3A_2074 = arith.constant 16 : index
    %swap3A_2075 = tpu.vector_load %arg9[%swap3A_2073, %swap3A_2074] {strides = array<i32>} : memref<24x128xf32, #tpu.memory_space<vmem>>, vector<1x16xf32>,
    %swap3A_2076 = vector.shape_cast %swap3A_2075 : vector<1x16xf32> to vector<16xf32>
    %swap3A_2077 = vector.shape_cast %add3A_2071 : vector<16xf32> to vector<1x16xf32>
    tpu.vector_store %arg9[%swap3A_2073, %swap3A_2074], %swap3A_2077 {strides = array<i32>} : memref<24x128xf32, #tpu.memory_space<vmem>>, vector<1x16xf32>,
    %get3A_2078 = arith.constant 5 : i32
    %get3A_2079 = arith.index_cast %get3A_2078 : i32 to index
    %get3A_2080 = arith.constant 32 : index
    %get3A_2081 = tpu.vector_load %arg7[%get3A_2079, %get3A_2080] {strides = array<i32>} : memref<6x128xf32, #tpu.memory_space<vmem>>, vector<1x16xf32>,
    %get3A_2082 = vector.shape_cast %get3A_2081 : vector<1x16xf32> to vector<16xf32>
    %get3A_2083 = arith.constant 0 : i32
    %get3A_2084 = arith.index_cast %get3A_2083 : i32 to index
    %get3A_2085 = arith.constant 32 : index
    %get3A_2086 = tpu.vector_load %arg8[%get3A_2084, %get3A_2085] {strides = array<i32>} : memref<3x128xf32, #tpu.memory_space<vmem>>, vector<1x16xf32>,
    %get3A_2087 = vector.shape_cast %get3A_2086 : vector<1x16xf32> to vector<16xf32>
    %add3A_2088 = arith.addf %get3A_2082, %get3A_2087 : vector<16xf32>
    %swap3A_2089 = arith.constant 15 : i32
    %swap3A_2090 = arith.index_cast %swap3A_2089 : i32 to index
    %swap3A_2091 = arith.constant 32 : index
    %swap3A_2092 = tpu.vector_load %arg9[%swap3A_2090, %swap3A_2091] {strides = array<i32>} : memref<24x128xf32, #tpu.memory_space<vmem>>, vector<1x16xf32>,
    %swap3A_2093 = vector.shape_cast %swap3A_2092 : vector<1x16xf32> to vector<16xf32>
    %swap3A_2094 = vector.shape_cast %add3A_2088 : vector<16xf32> to vector<1x16xf32>
    tpu.vector_store %arg9[%swap3A_2090, %swap3A_2091], %swap3A_2094 {strides = array<i32>} : memref<24x128xf32, #tpu.memory_space<vmem>>, vector<1x16xf32>,
    %get3A_2095 = arith.constant 5 : i32
    %get3A_2096 = arith.index_cast %get3A_2095 : i32 to index
    %get3A_2097 = arith.constant 48 : index
    %get3A_2098 = tpu.vector_load %arg7[%get3A_2096, %get3A_2097] {strides = array<i32>} : memref<6x128xf32, #tpu.memory_space<vmem>>, vector<1x16xf32>,
    %get3A_2099 = vector.shape_cast %get3A_2098 : vector<1x16xf32> to vector<16xf32>
    %get3A_2100 = arith.constant 0 : i32
    %get3A_2101 = arith.index_cast %get3A_2100 : i32 to index
    %get3A_2102 = arith.constant 48 : index
    %get3A_2103 = tpu.vector_load %arg8[%get3A_2101, %get3A_2102] {strides = array<i32>} : memref<3x128xf32, #tpu.memory_space<vmem>>, vector<1x16xf32>,
    %get3A_2104 = vector.shape_cast %get3A_2103 : vector<1x16xf32> to vector<16xf32>
    %add3A_2105 = arith.addf %get3A_2099, %get3A_2104 : vector<16xf32>
    %swap3A_2106 = arith.constant 15 : i32
    %swap3A_2107 = arith.index_cast %swap3A_2106 : i32 to index
    %swap3A_2108 = arith.constant 48 : index
    %swap3A_2109 = tpu.vector_load %arg9[%swap3A_2107, %swap3A_2108] {strides = array<i32>} : memref<24x128xf32, #tpu.memory_space<vmem>>, vector<1x16xf32>,
    %swap3A_2110 = vector.shape_cast %swap3A_2109 : vector<1x16xf32> to vector<16xf32>
    %swap3A_2111 = vector.shape_cast %add3A_2105 : vector<16xf32> to vector<1x16xf32>
    tpu.vector_store %arg9[%swap3A_2107, %swap3A_2108], %swap3A_2111 {strides = array<i32>} : memref<24x128xf32, #tpu.memory_space<vmem>>, vector<1x16xf32>,
    %get3A_2112 = arith.constant 5 : i32
    %get3A_2113 = arith.index_cast %get3A_2112 : i32 to index
    %get3A_2114 = arith.constant 64 : index
    %get3A_2115 = tpu.vector_load %arg7[%get3A_2113, %get3A_2114] {strides = array<i32>} : memref<6x128xf32, #tpu.memory_space<vmem>>, vector<1x16xf32>,
    %get3A_2116 = vector.shape_cast %get3A_2115 : vector<1x16xf32> to vector<16xf32>
    %get3A_2117 = arith.constant 0 : i32
    %get3A_2118 = arith.index_cast %get3A_2117 : i32 to index
    %get3A_2119 = arith.constant 64 : index
    %get3A_2120 = tpu.vector_load %arg8[%get3A_2118, %get3A_2119] {strides = array<i32>} : memref<3x128xf32, #tpu.memory_space<vmem>>, vector<1x16xf32>,
    %get3A_2121 = vector.shape_cast %get3A_2120 : vector<1x16xf32> to vector<16xf32>
    %add3A_2122 = arith.addf %get3A_2116, %get3A_2121 : vector<16xf32>
    %swap3A_2123 = arith.constant 15 : i32
    %swap3A_2124 = arith.index_cast %swap3A_2123 : i32 to index
    %swap3A_2125 = arith.constant 64 : index
    %swap3A_2126 = tpu.vector_load %arg9[%swap3A_2124, %swap3A_2125] {strides = array<i32>} : memref<24x128xf32, #tpu.memory_space<vmem>>, vector<1x16xf32>,
    %swap3A_2127 = vector.shape_cast %swap3A_2126 : vector<1x16xf32> to vector<16xf32>
    %swap3A_2128 = vector.shape_cast %add3A_2122 : vector<16xf32> to vector<1x16xf32>
    tpu.vector_store %arg9[%swap3A_2124, %swap3A_2125], %swap3A_2128 {strides = array<i32>} : memref<24x128xf32, #tpu.memory_space<vmem>>, vector<1x16xf32>,
    %get3A_2129 = arith.constant 5 : i32
    %get3A_2130 = arith.index_cast %get3A_2129 : i32 to index
    %get3A_2131 = arith.constant 80 : index
    %get3A_2132 = tpu.vector_load %arg7[%get3A_2130, %get3A_2131] {strides = array<i32>} : memref<6x128xf32, #tpu.memory_space<vmem>>, vector<1x16xf32>,
    %get3A_2133 = vector.shape_cast %get3A_2132 : vector<1x16xf32> to vector<16xf32>
    %get3A_2134 = arith.constant 0 : i32
    %get3A_2135 = arith.index_cast %get3A_2134 : i32 to index
    %get3A_2136 = arith.constant 80 : index
    %get3A_2137 = tpu.vector_load %arg8[%get3A_2135, %get3A_2136] {strides = array<i32>} : memref<3x128xf32, #tpu.memory_space<vmem>>, vector<1x16xf32>,
    %get3A_2138 = vector.shape_cast %get3A_2137 : vector<1x16xf32> to vector<16xf32>
    %add3A_2139 = arith.addf %get3A_2133, %get3A_2138 : vector<16xf32>
    %swap3A_2140 = arith.constant 15 : i32
    %swap3A_2141 = arith.index_cast %swap3A_2140 : i32 to index
    %swap3A_2142 = arith.constant 80 : index
    %swap3A_2143 = tpu.vector_load %arg9[%swap3A_2141, %swap3A_2142] {strides = array<i32>} : memref<24x128xf32, #tpu.memory_space<vmem>>, vector<1x16xf32>,
    %swap3A_2144 = vector.shape_cast %swap3A_2143 : vector<1x16xf32> to vector<16xf32>
    %swap3A_2145 = vector.shape_cast %add3A_2139 : vector<16xf32> to vector<1x16xf32>
    tpu.vector_store %arg9[%swap3A_2141, %swap3A_2142], %swap3A_2145 {strides = array<i32>} : memref<24x128xf32, #tpu.memory_space<vmem>>, vector<1x16xf32>,
    %get3A_2146 = arith.constant 5 : i32
    %get3A_2147 = arith.index_cast %get3A_2146 : i32 to index
    %get3A_2148 = arith.constant 96 : index
    %get3A_2149 = tpu.vector_load %arg7[%get3A_2147, %get3A_2148] {strides = array<i32>} : memref<6x128xf32, #tpu.memory_space<vmem>>, vector<1x16xf32>,
    %get3A_2150 = vector.shape_cast %get3A_2149 : vector<1x16xf32> to vector<16xf32>
    %get3A_2151 = arith.constant 0 : i32
    %get3A_2152 = arith.index_cast %get3A_2151 : i32 to index
    %get3A_2153 = arith.constant 96 : index
    %get3A_2154 = tpu.vector_load %arg8[%get3A_2152, %get3A_2153] {strides = array<i32>} : memref<3x128xf32, #tpu.memory_space<vmem>>, vector<1x16xf32>,
    %get3A_2155 = vector.shape_cast %get3A_2154 : vector<1x16xf32> to vector<16xf32>
    %add3A_2156 = arith.addf %get3A_2150, %get3A_2155 : vector<16xf32>
    %swap3A_2157 = arith.constant 15 : i32
    %swap3A_2158 = arith.index_cast %swap3A_2157 : i32 to index
    %swap3A_2159 = arith.constant 96 : index
    %swap3A_2160 = tpu.vector_load %arg9[%swap3A_2158, %swap3A_2159] {strides = array<i32>} : memref<24x128xf32, #tpu.memory_space<vmem>>, vector<1x16xf32>,
    %swap3A_2161 = vector.shape_cast %swap3A_2160 : vector<1x16xf32> to vector<16xf32>
    %swap3A_2162 = vector.shape_cast %add3A_2156 : vector<16xf32> to vector<1x16xf32>
    tpu.vector_store %arg9[%swap3A_2158, %swap3A_2159], %swap3A_2162 {strides = array<i32>} : memref<24x128xf32, #tpu.memory_space<vmem>>, vector<1x16xf32>,
    %get3A_2163 = arith.constant 5 : i32
    %get3A_2164 = arith.index_cast %get3A_2163 : i32 to index
    %get3A_2165 = arith.constant 112 : index
    %get3A_2166 = tpu.vector_load %arg7[%get3A_2164, %get3A_2165] {strides = array<i32>} : memref<6x128xf32, #tpu.memory_space<vmem>>, vector<1x16xf32>,
    %get3A_2167 = vector.shape_cast %get3A_2166 : vector<1x16xf32> to vector<16xf32>
    %get3A_2168 = arith.constant 0 : i32
    %get3A_2169 = arith.index_cast %get3A_2168 : i32 to index
    %get3A_2170 = arith.constant 112 : index
    %get3A_2171 = tpu.vector_load %arg8[%get3A_2169, %get3A_2170] {strides = array<i32>} : memref<3x128xf32, #tpu.memory_space<vmem>>, vector<1x16xf32>,
    %get3A_2172 = vector.shape_cast %get3A_2171 : vector<1x16xf32> to vector<16xf32>
    %add3A_2173 = arith.addf %get3A_2167, %get3A_2172 : vector<16xf32>
    %swap3A_2174 = arith.constant 15 : i32
    %swap3A_2175 = arith.index_cast %swap3A_2174 : i32 to index
    %swap3A_2176 = arith.constant 112 : index
    %swap3A_2177 = tpu.vector_load %arg9[%swap3A_2175, %swap3A_2176] {strides = array<i32>} : memref<24x128xf32, #tpu.memory_space<vmem>>, vector<1x16xf32>,
    %swap3A_2178 = vector.shape_cast %swap3A_2177 : vector<1x16xf32> to vector<16xf32>
    %swap3A_2179 = vector.shape_cast %add3A_2173 : vector<16xf32> to vector<1x16xf32>
    tpu.vector_store %arg9[%swap3A_2175, %swap3A_2176], %swap3A_2179 {strides = array<i32>} : memref<24x128xf32, #tpu.memory_space<vmem>>, vector<1x16xf32>,
    %get3A_2180 = arith.constant 5 : i32
    %get3A_2181 = arith.index_cast %get3A_2180 : i32 to index
    %get3A_2182 = arith.constant 0 : index
    %get3A_2183 = tpu.vector_load %arg7[%get3A_2181, %get3A_2182] {strides = array<i32>} : memref<6x128xf32, #tpu.memory_space<vmem>>, vector<1x16xf32>,
    %get3A_2184 = vector.shape_cast %get3A_2183 : vector<1x16xf32> to vector<16xf32>
    %get3A_2185 = arith.constant 1 : i32
    %get3A_2186 = arith.index_cast %get3A_2185 : i32 to index
    %get3A_2187 = arith.constant 0 : index
    %get3A_2188 = tpu.vector_load %arg8[%get3A_2186, %get3A_2187] {strides = array<i32>} : memref<3x128xf32, #tpu.memory_space<vmem>>, vector<1x16xf32>,
    %get3A_2189 = vector.shape_cast %get3A_2188 : vector<1x16xf32> to vector<16xf32>
    %add3A_2190 = arith.addf %get3A_2184, %get3A_2189 : vector<16xf32>
    %swap3A_2191 = arith.constant 16 : i32
    %swap3A_2192 = arith.index_cast %swap3A_2191 : i32 to index
    %swap3A_2193 = arith.constant 0 : index
    %swap3A_2194 = tpu.vector_load %arg9[%swap3A_2192, %swap3A_2193] {strides = array<i32>} : memref<24x128xf32, #tpu.memory_space<vmem>>, vector<1x16xf32>,
    %swap3A_2195 = vector.shape_cast %swap3A_2194 : vector<1x16xf32> to vector<16xf32>
    %swap3A_2196 = vector.shape_cast %add3A_2190 : vector<16xf32> to vector<1x16xf32>
    tpu.vector_store %arg9[%swap3A_2192, %swap3A_2193], %swap3A_2196 {strides = array<i32>} : memref<24x128xf32, #tpu.memory_space<vmem>>, vector<1x16xf32>,
    %get3A_2197 = arith.constant 5 : i32
    %get3A_2198 = arith.index_cast %get3A_2197 : i32 to index
    %get3A_2199 = arith.constant 16 : index
    %get3A_2200 = tpu.vector_load %arg7[%get3A_2198, %get3A_2199] {strides = array<i32>} : memref<6x128xf32, #tpu.memory_space<vmem>>, vector<1x16xf32>,
    %get3A_2201 = vector.shape_cast %get3A_2200 : vector<1x16xf32> to vector<16xf32>
    %get3A_2202 = arith.constant 1 : i32
    %get3A_2203 = arith.index_cast %get3A_2202 : i32 to index
    %get3A_2204 = arith.constant 16 : index
    %get3A_2205 = tpu.vector_load %arg8[%get3A_2203, %get3A_2204] {strides = array<i32>} : memref<3x128xf32, #tpu.memory_space<vmem>>, vector<1x16xf32>,
    %get3A_2206 = vector.shape_cast %get3A_2205 : vector<1x16xf32> to vector<16xf32>
    %add3A_2207 = arith.addf %get3A_2201, %get3A_2206 : vector<16xf32>
    %swap3A_2208 = arith.constant 16 : i32
    %swap3A_2209 = arith.index_cast %swap3A_2208 : i32 to index
    %swap3A_2210 = arith.constant 16 : index
    %swap3A_2211 = tpu.vector_load %arg9[%swap3A_2209, %swap3A_2210] {strides = array<i32>} : memref<24x128xf32, #tpu.memory_space<vmem>>, vector<1x16xf32>,
    %swap3A_2212 = vector.shape_cast %swap3A_2211 : vector<1x16xf32> to vector<16xf32>
    %swap3A_2213 = vector.shape_cast %add3A_2207 : vector<16xf32> to vector<1x16xf32>
    tpu.vector_store %arg9[%swap3A_2209, %swap3A_2210], %swap3A_2213 {strides = array<i32>} : memref<24x128xf32, #tpu.memory_space<vmem>>, vector<1x16xf32>,
    %get3A_2214 = arith.constant 5 : i32
    %get3A_2215 = arith.index_cast %get3A_2214 : i32 to index
    %get3A_2216 = arith.constant 32 : index
    %get3A_2217 = tpu.vector_load %arg7[%get3A_2215, %get3A_2216] {strides = array<i32>} : memref<6x128xf32, #tpu.memory_space<vmem>>, vector<1x16xf32>,
    %get3A_2218 = vector.shape_cast %get3A_2217 : vector<1x16xf32> to vector<16xf32>
    %get3A_2219 = arith.constant 1 : i32
    %get3A_2220 = arith.index_cast %get3A_2219 : i32 to index
    %get3A_2221 = arith.constant 32 : index
    %get3A_2222 = tpu.vector_load %arg8[%get3A_2220, %get3A_2221] {strides = array<i32>} : memref<3x128xf32, #tpu.memory_space<vmem>>, vector<1x16xf32>,
    %get3A_2223 = vector.shape_cast %get3A_2222 : vector<1x16xf32> to vector<16xf32>
    %add3A_2224 = arith.addf %get3A_2218, %get3A_2223 : vector<16xf32>
    %swap3A_2225 = arith.constant 16 : i32
    %swap3A_2226 = arith.index_cast %swap3A_2225 : i32 to index
    %swap3A_2227 = arith.constant 32 : index
    %swap3A_2228 = tpu.vector_load %arg9[%swap3A_2226, %swap3A_2227] {strides = array<i32>} : memref<24x128xf32, #tpu.memory_space<vmem>>, vector<1x16xf32>,
    %swap3A_2229 = vector.shape_cast %swap3A_2228 : vector<1x16xf32> to vector<16xf32>
    %swap3A_2230 = vector.shape_cast %add3A_2224 : vector<16xf32> to vector<1x16xf32>
    tpu.vector_store %arg9[%swap3A_2226, %swap3A_2227], %swap3A_2230 {strides = array<i32>} : memref<24x128xf32, #tpu.memory_space<vmem>>, vector<1x16xf32>,
    %get3A_2231 = arith.constant 5 : i32
    %get3A_2232 = arith.index_cast %get3A_2231 : i32 to index
    %get3A_2233 = arith.constant 48 : index
    %get3A_2234 = tpu.vector_load %arg7[%get3A_2232, %get3A_2233] {strides = array<i32>} : memref<6x128xf32, #tpu.memory_space<vmem>>, vector<1x16xf32>,
    %get3A_2235 = vector.shape_cast %get3A_2234 : vector<1x16xf32> to vector<16xf32>
    %get3A_2236 = arith.constant 1 : i32
    %get3A_2237 = arith.index_cast %get3A_2236 : i32 to index
    %get3A_2238 = arith.constant 48 : index
    %get3A_2239 = tpu.vector_load %arg8[%get3A_2237, %get3A_2238] {strides = array<i32>} : memref<3x128xf32, #tpu.memory_space<vmem>>, vector<1x16xf32>,
    %get3A_2240 = vector.shape_cast %get3A_2239 : vector<1x16xf32> to vector<16xf32>
    %add3A_2241 = arith.addf %get3A_2235, %get3A_2240 : vector<16xf32>
    %swap3A_2242 = arith.constant 16 : i32
    %swap3A_2243 = arith.index_cast %swap3A_2242 : i32 to index
    %swap3A_2244 = arith.constant 48 : index
    %swap3A_2245 = tpu.vector_load %arg9[%swap3A_2243, %swap3A_2244] {strides = array<i32>} : memref<24x128xf32, #tpu.memory_space<vmem>>, vector<1x16xf32>,
    %swap3A_2246 = vector.shape_cast %swap3A_2245 : vector<1x16xf32> to vector<16xf32>
    %swap3A_2247 = vector.shape_cast %add3A_2241 : vector<16xf32> to vector<1x16xf32>
    tpu.vector_store %arg9[%swap3A_2243, %swap3A_2244], %swap3A_2247 {strides = array<i32>} : memref<24x128xf32, #tpu.memory_space<vmem>>, vector<1x16xf32>,
    %get3A_2248 = arith.constant 5 : i32
    %get3A_2249 = arith.index_cast %get3A_2248 : i32 to index
    %get3A_2250 = arith.constant 64 : index
    %get3A_2251 = tpu.vector_load %arg7[%get3A_2249, %get3A_2250] {strides = array<i32>} : memref<6x128xf32, #tpu.memory_space<vmem>>, vector<1x16xf32>,
    %get3A_2252 = vector.shape_cast %get3A_2251 : vector<1x16xf32> to vector<16xf32>
    %get3A_2253 = arith.constant 1 : i32
    %get3A_2254 = arith.index_cast %get3A_2253 : i32 to index
    %get3A_2255 = arith.constant 64 : index
    %get3A_2256 = tpu.vector_load %arg8[%get3A_2254, %get3A_2255] {strides = array<i32>} : memref<3x128xf32, #tpu.memory_space<vmem>>, vector<1x16xf32>,
    %get3A_2257 = vector.shape_cast %get3A_2256 : vector<1x16xf32> to vector<16xf32>
    %add3A_2258 = arith.addf %get3A_2252, %get3A_2257 : vector<16xf32>
    %swap3A_2259 = arith.constant 16 : i32
    %swap3A_2260 = arith.index_cast %swap3A_2259 : i32 to index
    %swap3A_2261 = arith.constant 64 : index
    %swap3A_2262 = tpu.vector_load %arg9[%swap3A_2260, %swap3A_2261] {strides = array<i32>} : memref<24x128xf32, #tpu.memory_space<vmem>>, vector<1x16xf32>,
    %swap3A_2263 = vector.shape_cast %swap3A_2262 : vector<1x16xf32> to vector<16xf32>
    %swap3A_2264 = vector.shape_cast %add3A_2258 : vector<16xf32> to vector<1x16xf32>
    tpu.vector_store %arg9[%swap3A_2260, %swap3A_2261], %swap3A_2264 {strides = array<i32>} : memref<24x128xf32, #tpu.memory_space<vmem>>, vector<1x16xf32>,
    %get3A_2265 = arith.constant 5 : i32
    %get3A_2266 = arith.index_cast %get3A_2265 : i32 to index
    %get3A_2267 = arith.constant 80 : index
    %get3A_2268 = tpu.vector_load %arg7[%get3A_2266, %get3A_2267] {strides = array<i32>} : memref<6x128xf32, #tpu.memory_space<vmem>>, vector<1x16xf32>,
    %get3A_2269 = vector.shape_cast %get3A_2268 : vector<1x16xf32> to vector<16xf32>
    %get3A_2270 = arith.constant 1 : i32
    %get3A_2271 = arith.index_cast %get3A_2270 : i32 to index
    %get3A_2272 = arith.constant 80 : index
    %get3A_2273 = tpu.vector_load %arg8[%get3A_2271, %get3A_2272] {strides = array<i32>} : memref<3x128xf32, #tpu.memory_space<vmem>>, vector<1x16xf32>,
    %get3A_2274 = vector.shape_cast %get3A_2273 : vector<1x16xf32> to vector<16xf32>
    %add3A_2275 = arith.addf %get3A_2269, %get3A_2274 : vector<16xf32>
    %swap3A_2276 = arith.constant 16 : i32
    %swap3A_2277 = arith.index_cast %swap3A_2276 : i32 to index
    %swap3A_2278 = arith.constant 80 : index
    %swap3A_2279 = tpu.vector_load %arg9[%swap3A_2277, %swap3A_2278] {strides = array<i32>} : memref<24x128xf32, #tpu.memory_space<vmem>>, vector<1x16xf32>,
    %swap3A_2280 = vector.shape_cast %swap3A_2279 : vector<1x16xf32> to vector<16xf32>
    %swap3A_2281 = vector.shape_cast %add3A_2275 : vector<16xf32> to vector<1x16xf32>
    tpu.vector_store %arg9[%swap3A_2277, %swap3A_2278], %swap3A_2281 {strides = array<i32>} : memref<24x128xf32, #tpu.memory_space<vmem>>, vector<1x16xf32>,
    %get3A_2282 = arith.constant 5 : i32
    %get3A_2283 = arith.index_cast %get3A_2282 : i32 to index
    %get3A_2284 = arith.constant 96 : index
    %get3A_2285 = tpu.vector_load %arg7[%get3A_2283, %get3A_2284] {strides = array<i32>} : memref<6x128xf32, #tpu.memory_space<vmem>>, vector<1x16xf32>,
    %get3A_2286 = vector.shape_cast %get3A_2285 : vector<1x16xf32> to vector<16xf32>
    %get3A_2287 = arith.constant 1 : i32
    %get3A_2288 = arith.index_cast %get3A_2287 : i32 to index
    %get3A_2289 = arith.constant 96 : index
    %get3A_2290 = tpu.vector_load %arg8[%get3A_2288, %get3A_2289] {strides = array<i32>} : memref<3x128xf32, #tpu.memory_space<vmem>>, vector<1x16xf32>,
    %get3A_2291 = vector.shape_cast %get3A_2290 : vector<1x16xf32> to vector<16xf32>
    %add3A_2292 = arith.addf %get3A_2286, %get3A_2291 : vector<16xf32>
    %swap3A_2293 = arith.constant 16 : i32
    %swap3A_2294 = arith.index_cast %swap3A_2293 : i32 to index
    %swap3A_2295 = arith.constant 96 : index
    %swap3A_2296 = tpu.vector_load %arg9[%swap3A_2294, %swap3A_2295] {strides = array<i32>} : memref<24x128xf32, #tpu.memory_space<vmem>>, vector<1x16xf32>,
    %swap3A_2297 = vector.shape_cast %swap3A_2296 : vector<1x16xf32> to vector<16xf32>
    %swap3A_2298 = vector.shape_cast %add3A_2292 : vector<16xf32> to vector<1x16xf32>
    tpu.vector_store %arg9[%swap3A_2294, %swap3A_2295], %swap3A_2298 {strides = array<i32>} : memref<24x128xf32, #tpu.memory_space<vmem>>, vector<1x16xf32>,
    %get3A_2299 = arith.constant 5 : i32
    %get3A_2300 = arith.index_cast %get3A_2299 : i32 to index
    %get3A_2301 = arith.constant 112 : index
    %get3A_2302 = tpu.vector_load %arg7[%get3A_2300, %get3A_2301] {strides = array<i32>} : memref<6x128xf32, #tpu.memory_space<vmem>>, vector<1x16xf32>,
    %get3A_2303 = vector.shape_cast %get3A_2302 : vector<1x16xf32> to vector<16xf32>
    %get3A_2304 = arith.constant 1 : i32
    %get3A_2305 = arith.index_cast %get3A_2304 : i32 to index
    %get3A_2306 = arith.constant 112 : index
    %get3A_2307 = tpu.vector_load %arg8[%get3A_2305, %get3A_2306] {strides = array<i32>} : memref<3x128xf32, #tpu.memory_space<vmem>>, vector<1x16xf32>,
    %get3A_2308 = vector.shape_cast %get3A_2307 : vector<1x16xf32> to vector<16xf32>
    %add3A_2309 = arith.addf %get3A_2303, %get3A_2308 : vector<16xf32>
    %swap3A_2310 = arith.constant 16 : i32
    %swap3A_2311 = arith.index_cast %swap3A_2310 : i32 to index
    %swap3A_2312 = arith.constant 112 : index
    %swap3A_2313 = tpu.vector_load %arg9[%swap3A_2311, %swap3A_2312] {strides = array<i32>} : memref<24x128xf32, #tpu.memory_space<vmem>>, vector<1x16xf32>,
    %swap3A_2314 = vector.shape_cast %swap3A_2313 : vector<1x16xf32> to vector<16xf32>
    %swap3A_2315 = vector.shape_cast %add3A_2309 : vector<16xf32> to vector<1x16xf32>
    tpu.vector_store %arg9[%swap3A_2311, %swap3A_2312], %swap3A_2315 {strides = array<i32>} : memref<24x128xf32, #tpu.memory_space<vmem>>, vector<1x16xf32>,
    %get3A_2316 = arith.constant 5 : i32
    %get3A_2317 = arith.index_cast %get3A_2316 : i32 to index
    %get3A_2318 = arith.constant 0 : index
    %get3A_2319 = tpu.vector_load %arg7[%get3A_2317, %get3A_2318] {strides = array<i32>} : memref<6x128xf32, #tpu.memory_space<vmem>>, vector<1x16xf32>,
    %get3A_2320 = vector.shape_cast %get3A_2319 : vector<1x16xf32> to vector<16xf32>
    %get3A_2321 = arith.constant 2 : i32
    %get3A_2322 = arith.index_cast %get3A_2321 : i32 to index
    %get3A_2323 = arith.constant 0 : index
    %get3A_2324 = tpu.vector_load %arg8[%get3A_2322, %get3A_2323] {strides = array<i32>} : memref<3x128xf32, #tpu.memory_space<vmem>>, vector<1x16xf32>,
    %get3A_2325 = vector.shape_cast %get3A_2324 : vector<1x16xf32> to vector<16xf32>
    %add3A_2326 = arith.addf %get3A_2320, %get3A_2325 : vector<16xf32>
    %swap3A_2327 = arith.constant 17 : i32
    %swap3A_2328 = arith.index_cast %swap3A_2327 : i32 to index
    %swap3A_2329 = arith.constant 0 : index
    %swap3A_2330 = tpu.vector_load %arg9[%swap3A_2328, %swap3A_2329] {strides = array<i32>} : memref<24x128xf32, #tpu.memory_space<vmem>>, vector<1x16xf32>,
    %swap3A_2331 = vector.shape_cast %swap3A_2330 : vector<1x16xf32> to vector<16xf32>
    %swap3A_2332 = vector.shape_cast %add3A_2326 : vector<16xf32> to vector<1x16xf32>
    tpu.vector_store %arg9[%swap3A_2328, %swap3A_2329], %swap3A_2332 {strides = array<i32>} : memref<24x128xf32, #tpu.memory_space<vmem>>, vector<1x16xf32>,
    %get3A_2333 = arith.constant 5 : i32
    %get3A_2334 = arith.index_cast %get3A_2333 : i32 to index
    %get3A_2335 = arith.constant 16 : index
    %get3A_2336 = tpu.vector_load %arg7[%get3A_2334, %get3A_2335] {strides = array<i32>} : memref<6x128xf32, #tpu.memory_space<vmem>>, vector<1x16xf32>,
    %get3A_2337 = vector.shape_cast %get3A_2336 : vector<1x16xf32> to vector<16xf32>
    %get3A_2338 = arith.constant 2 : i32
    %get3A_2339 = arith.index_cast %get3A_2338 : i32 to index
    %get3A_2340 = arith.constant 16 : index
    %get3A_2341 = tpu.vector_load %arg8[%get3A_2339, %get3A_2340] {strides = array<i32>} : memref<3x128xf32, #tpu.memory_space<vmem>>, vector<1x16xf32>,
    %get3A_2342 = vector.shape_cast %get3A_2341 : vector<1x16xf32> to vector<16xf32>
    %add3A_2343 = arith.addf %get3A_2337, %get3A_2342 : vector<16xf32>
    %swap3A_2344 = arith.constant 17 : i32
    %swap3A_2345 = arith.index_cast %swap3A_2344 : i32 to index
    %swap3A_2346 = arith.constant 16 : index
    %swap3A_2347 = tpu.vector_load %arg9[%swap3A_2345, %swap3A_2346] {strides = array<i32>} : memref<24x128xf32, #tpu.memory_space<vmem>>, vector<1x16xf32>,
    %swap3A_2348 = vector.shape_cast %swap3A_2347 : vector<1x16xf32> to vector<16xf32>
    %swap3A_2349 = vector.shape_cast %add3A_2343 : vector<16xf32> to vector<1x16xf32>
    tpu.vector_store %arg9[%swap3A_2345, %swap3A_2346], %swap3A_2349 {strides = array<i32>} : memref<24x128xf32, #tpu.memory_space<vmem>>, vector<1x16xf32>,
    %get3A_2350 = arith.constant 5 : i32
    %get3A_2351 = arith.index_cast %get3A_2350 : i32 to index
    %get3A_2352 = arith.constant 32 : index
    %get3A_2353 = tpu.vector_load %arg7[%get3A_2351, %get3A_2352] {strides = array<i32>} : memref<6x128xf32, #tpu.memory_space<vmem>>, vector<1x16xf32>,
    %get3A_2354 = vector.shape_cast %get3A_2353 : vector<1x16xf32> to vector<16xf32>
    %get3A_2355 = arith.constant 2 : i32
    %get3A_2356 = arith.index_cast %get3A_2355 : i32 to index
    %get3A_2357 = arith.constant 32 : index
    %get3A_2358 = tpu.vector_load %arg8[%get3A_2356, %get3A_2357] {strides = array<i32>} : memref<3x128xf32, #tpu.memory_space<vmem>>, vector<1x16xf32>,
    %get3A_2359 = vector.shape_cast %get3A_2358 : vector<1x16xf32> to vector<16xf32>
    %add3A_2360 = arith.addf %get3A_2354, %get3A_2359 : vector<16xf32>
    %swap3A_2361 = arith.constant 17 : i32
    %swap3A_2362 = arith.index_cast %swap3A_2361 : i32 to index
    %swap3A_2363 = arith.constant 32 : index
    %swap3A_2364 = tpu.vector_load %arg9[%swap3A_2362, %swap3A_2363] {strides = array<i32>} : memref<24x128xf32, #tpu.memory_space<vmem>>, vector<1x16xf32>,
    %swap3A_2365 = vector.shape_cast %swap3A_2364 : vector<1x16xf32> to vector<16xf32>
    %swap3A_2366 = vector.shape_cast %add3A_2360 : vector<16xf32> to vector<1x16xf32>
    tpu.vector_store %arg9[%swap3A_2362, %swap3A_2363], %swap3A_2366 {strides = array<i32>} : memref<24x128xf32, #tpu.memory_space<vmem>>, vector<1x16xf32>,
    %get3A_2367 = arith.constant 5 : i32
    %get3A_2368 = arith.index_cast %get3A_2367 : i32 to index
    %get3A_2369 = arith.constant 48 : index
    %get3A_2370 = tpu.vector_load %arg7[%get3A_2368, %get3A_2369] {strides = array<i32>} : memref<6x128xf32, #tpu.memory_space<vmem>>, vector<1x16xf32>,
    %get3A_2371 = vector.shape_cast %get3A_2370 : vector<1x16xf32> to vector<16xf32>
    %get3A_2372 = arith.constant 2 : i32
    %get3A_2373 = arith.index_cast %get3A_2372 : i32 to index
    %get3A_2374 = arith.constant 48 : index
    %get3A_2375 = tpu.vector_load %arg8[%get3A_2373, %get3A_2374] {strides = array<i32>} : memref<3x128xf32, #tpu.memory_space<vmem>>, vector<1x16xf32>,
    %get3A_2376 = vector.shape_cast %get3A_2375 : vector<1x16xf32> to vector<16xf32>
    %add3A_2377 = arith.addf %get3A_2371, %get3A_2376 : vector<16xf32>
    %swap3A_2378 = arith.constant 17 : i32
    %swap3A_2379 = arith.index_cast %swap3A_2378 : i32 to index
    %swap3A_2380 = arith.constant 48 : index
    %swap3A_2381 = tpu.vector_load %arg9[%swap3A_2379, %swap3A_2380] {strides = array<i32>} : memref<24x128xf32, #tpu.memory_space<vmem>>, vector<1x16xf32>,
    %swap3A_2382 = vector.shape_cast %swap3A_2381 : vector<1x16xf32> to vector<16xf32>
    %swap3A_2383 = vector.shape_cast %add3A_2377 : vector<16xf32> to vector<1x16xf32>
    tpu.vector_store %arg9[%swap3A_2379, %swap3A_2380], %swap3A_2383 {strides = array<i32>} : memref<24x128xf32, #tpu.memory_space<vmem>>, vector<1x16xf32>,
    %get3A_2384 = arith.constant 5 : i32
    %get3A_2385 = arith.index_cast %get3A_2384 : i32 to index
    %get3A_2386 = arith.constant 64 : index
    %get3A_2387 = tpu.vector_load %arg7[%get3A_2385, %get3A_2386] {strides = array<i32>} : memref<6x128xf32, #tpu.memory_space<vmem>>, vector<1x16xf32>,
    %get3A_2388 = vector.shape_cast %get3A_2387 : vector<1x16xf32> to vector<16xf32>
    %get3A_2389 = arith.constant 2 : i32
    %get3A_2390 = arith.index_cast %get3A_2389 : i32 to index
    %get3A_2391 = arith.constant 64 : index
    %get3A_2392 = tpu.vector_load %arg8[%get3A_2390, %get3A_2391] {strides = array<i32>} : memref<3x128xf32, #tpu.memory_space<vmem>>, vector<1x16xf32>,
    %get3A_2393 = vector.shape_cast %get3A_2392 : vector<1x16xf32> to vector<16xf32>
    %add3A_2394 = arith.addf %get3A_2388, %get3A_2393 : vector<16xf32>
    %swap3A_2395 = arith.constant 17 : i32
    %swap3A_2396 = arith.index_cast %swap3A_2395 : i32 to index
    %swap3A_2397 = arith.constant 64 : index
    %swap3A_2398 = tpu.vector_load %arg9[%swap3A_2396, %swap3A_2397] {strides = array<i32>} : memref<24x128xf32, #tpu.memory_space<vmem>>, vector<1x16xf32>,
    %swap3A_2399 = vector.shape_cast %swap3A_2398 : vector<1x16xf32> to vector<16xf32>
    %swap3A_2400 = vector.shape_cast %add3A_2394 : vector<16xf32> to vector<1x16xf32>
    tpu.vector_store %arg9[%swap3A_2396, %swap3A_2397], %swap3A_2400 {strides = array<i32>} : memref<24x128xf32, #tpu.memory_space<vmem>>, vector<1x16xf32>,
    %get3A_2401 = arith.constant 5 : i32
    %get3A_2402 = arith.index_cast %get3A_2401 : i32 to index
    %get3A_2403 = arith.constant 80 : index
    %get3A_2404 = tpu.vector_load %arg7[%get3A_2402, %get3A_2403] {strides = array<i32>} : memref<6x128xf32, #tpu.memory_space<vmem>>, vector<1x16xf32>,
    %get3A_2405 = vector.shape_cast %get3A_2404 : vector<1x16xf32> to vector<16xf32>
    %get3A_2406 = arith.constant 2 : i32
    %get3A_2407 = arith.index_cast %get3A_2406 : i32 to index
    %get3A_2408 = arith.constant 80 : index
    %get3A_2409 = tpu.vector_load %arg8[%get3A_2407, %get3A_2408] {strides = array<i32>} : memref<3x128xf32, #tpu.memory_space<vmem>>, vector<1x16xf32>,
    %get3A_2410 = vector.shape_cast %get3A_2409 : vector<1x16xf32> to vector<16xf32>
    %add3A_2411 = arith.addf %get3A_2405, %get3A_2410 : vector<16xf32>
    %swap3A_2412 = arith.constant 17 : i32
    %swap3A_2413 = arith.index_cast %swap3A_2412 : i32 to index
    %swap3A_2414 = arith.constant 80 : index
    %swap3A_2415 = tpu.vector_load %arg9[%swap3A_2413, %swap3A_2414] {strides = array<i32>} : memref<24x128xf32, #tpu.memory_space<vmem>>, vector<1x16xf32>,
    %swap3A_2416 = vector.shape_cast %swap3A_2415 : vector<1x16xf32> to vector<16xf32>
    %swap3A_2417 = vector.shape_cast %add3A_2411 : vector<16xf32> to vector<1x16xf32>
    tpu.vector_store %arg9[%swap3A_2413, %swap3A_2414], %swap3A_2417 {strides = array<i32>} : memref<24x128xf32, #tpu.memory_space<vmem>>, vector<1x16xf32>,
    %get3A_2418 = arith.constant 5 : i32
    %get3A_2419 = arith.index_cast %get3A_2418 : i32 to index
    %get3A_2420 = arith.constant 96 : index
    %get3A_2421 = tpu.vector_load %arg7[%get3A_2419, %get3A_2420] {strides = array<i32>} : memref<6x128xf32, #tpu.memory_space<vmem>>, vector<1x16xf32>,
    %get3A_2422 = vector.shape_cast %get3A_2421 : vector<1x16xf32> to vector<16xf32>
    %get3A_2423 = arith.constant 2 : i32
    %get3A_2424 = arith.index_cast %get3A_2423 : i32 to index
    %get3A_2425 = arith.constant 96 : index
    %get3A_2426 = tpu.vector_load %arg8[%get3A_2424, %get3A_2425] {strides = array<i32>} : memref<3x128xf32, #tpu.memory_space<vmem>>, vector<1x16xf32>,
    %get3A_2427 = vector.shape_cast %get3A_2426 : vector<1x16xf32> to vector<16xf32>
    %add3A_2428 = arith.addf %get3A_2422, %get3A_2427 : vector<16xf32>
    %swap3A_2429 = arith.constant 17 : i32
    %swap3A_2430 = arith.index_cast %swap3A_2429 : i32 to index
    %swap3A_2431 = arith.constant 96 : index
    %swap3A_2432 = tpu.vector_load %arg9[%swap3A_2430, %swap3A_2431] {strides = array<i32>} : memref<24x128xf32, #tpu.memory_space<vmem>>, vector<1x16xf32>,
    %swap3A_2433 = vector.shape_cast %swap3A_2432 : vector<1x16xf32> to vector<16xf32>
    %swap3A_2434 = vector.shape_cast %add3A_2428 : vector<16xf32> to vector<1x16xf32>
    tpu.vector_store %arg9[%swap3A_2430, %swap3A_2431], %swap3A_2434 {strides = array<i32>} : memref<24x128xf32, #tpu.memory_space<vmem>>, vector<1x16xf32>,
    %get3A_2435 = arith.constant 5 : i32
    %get3A_2436 = arith.index_cast %get3A_2435 : i32 to index
    %get3A_2437 = arith.constant 112 : index
    %get3A_2438 = tpu.vector_load %arg7[%get3A_2436, %get3A_2437] {strides = array<i32>} : memref<6x128xf32, #tpu.memory_space<vmem>>, vector<1x16xf32>,
    %get3A_2439 = vector.shape_cast %get3A_2438 : vector<1x16xf32> to vector<16xf32>
    %get3A_2440 = arith.constant 2 : i32
    %get3A_2441 = arith.index_cast %get3A_2440 : i32 to index
    %get3A_2442 = arith.constant 112 : index
    %get3A_2443 = tpu.vector_load %arg8[%get3A_2441, %get3A_2442] {strides = array<i32>} : memref<3x128xf32, #tpu.memory_space<vmem>>, vector<1x16xf32>,
    %get3A_2444 = vector.shape_cast %get3A_2443 : vector<1x16xf32> to vector<16xf32>
    %add3A_2445 = arith.addf %get3A_2439, %get3A_2444 : vector<16xf32>
    %swap3A_2446 = arith.constant 17 : i32
    %swap3A_2447 = arith.index_cast %swap3A_2446 : i32 to index
    %swap3A_2448 = arith.constant 112 : index
    %swap3A_2449 = tpu.vector_load %arg9[%swap3A_2447, %swap3A_2448] {strides = array<i32>} : memref<24x128xf32, #tpu.memory_space<vmem>>, vector<1x16xf32>,
    %swap3A_2450 = vector.shape_cast %swap3A_2449 : vector<1x16xf32> to vector<16xf32>
    %swap3A_2451 = vector.shape_cast %add3A_2445 : vector<16xf32> to vector<1x16xf32>
    tpu.vector_store %arg9[%swap3A_2447, %swap3A_2448], %swap3A_2451 {strides = array<i32>} : memref<24x128xf32, #tpu.memory_space<vmem>>, vector<1x16xf32>,
    %broadcast_in_dim3A = arith.constant 0.000000e+00 : f32
    %broadcast_in_dim3A_2452 = vector.broadcast %broadcast_in_dim3A : f32 to vector<16xf32>
    %swap3A_2453 = arith.constant 18 : i32
    %swap3A_2454 = arith.index_cast %swap3A_2453 : i32 to index
    %swap3A_2455 = arith.constant 0 : index
    %swap3A_2456 = tpu.vector_load %arg9[%swap3A_2454, %swap3A_2455] {strides = array<i32>} : memref<24x128xf32, #tpu.memory_space<vmem>>, vector<1x16xf32>,
    %swap3A_2457 = vector.shape_cast %swap3A_2456 : vector<1x16xf32> to vector<16xf32>
    %swap3A_2458 = vector.shape_cast %broadcast_in_dim3A_2452 : vector<16xf32> to vector<1x16xf32>
    tpu.vector_store %arg9[%swap3A_2454, %swap3A_2455], %swap3A_2458 {strides = array<i32>} : memref<24x128xf32, #tpu.memory_space<vmem>>, vector<1x16xf32>,
    %swap3A_2459 = arith.constant 18 : i32
    %swap3A_2460 = arith.index_cast %swap3A_2459 : i32 to index
    %swap3A_2461 = arith.constant 16 : index
    %swap3A_2462 = tpu.vector_load %arg9[%swap3A_2460, %swap3A_2461] {strides = array<i32>} : memref<24x128xf32, #tpu.memory_space<vmem>>, vector<1x16xf32>,
    %swap3A_2463 = vector.shape_cast %swap3A_2462 : vector<1x16xf32> to vector<16xf32>
    %swap3A_2464 = vector.shape_cast %broadcast_in_dim3A_2452 : vector<16xf32> to vector<1x16xf32>
    tpu.vector_store %arg9[%swap3A_2460, %swap3A_2461], %swap3A_2464 {strides = array<i32>} : memref<24x128xf32, #tpu.memory_space<vmem>>, vector<1x16xf32>,
    %swap3A_2465 = arith.constant 18 : i32
    %swap3A_2466 = arith.index_cast %swap3A_2465 : i32 to index
    %swap3A_2467 = arith.constant 32 : index
    %swap3A_2468 = tpu.vector_load %arg9[%swap3A_2466, %swap3A_2467] {strides = array<i32>} : memref<24x128xf32, #tpu.memory_space<vmem>>, vector<1x16xf32>,
    %swap3A_2469 = vector.shape_cast %swap3A_2468 : vector<1x16xf32> to vector<16xf32>
    %swap3A_2470 = vector.shape_cast %broadcast_in_dim3A_2452 : vector<16xf32> to vector<1x16xf32>
    tpu.vector_store %arg9[%swap3A_2466, %swap3A_2467], %swap3A_2470 {strides = array<i32>} : memref<24x128xf32, #tpu.memory_space<vmem>>, vector<1x16xf32>,
    %swap3A_2471 = arith.constant 18 : i32
    %swap3A_2472 = arith.index_cast %swap3A_2471 : i32 to index
    %swap3A_2473 = arith.constant 48 : index
    %swap3A_2474 = tpu.vector_load %arg9[%swap3A_2472, %swap3A_2473] {strides = array<i32>} : memref<24x128xf32, #tpu.memory_space<vmem>>, vector<1x16xf32>,
    %swap3A_2475 = vector.shape_cast %swap3A_2474 : vector<1x16xf32> to vector<16xf32>
    %swap3A_2476 = vector.shape_cast %broadcast_in_dim3A_2452 : vector<16xf32> to vector<1x16xf32>
    tpu.vector_store %arg9[%swap3A_2472, %swap3A_2473], %swap3A_2476 {strides = array<i32>} : memref<24x128xf32, #tpu.memory_space<vmem>>, vector<1x16xf32>,
    %swap3A_2477 = arith.constant 18 : i32
    %swap3A_2478 = arith.index_cast %swap3A_2477 : i32 to index
    %swap3A_2479 = arith.constant 64 : index
    %swap3A_2480 = tpu.vector_load %arg9[%swap3A_2478, %swap3A_2479] {strides = array<i32>} : memref<24x128xf32, #tpu.memory_space<vmem>>, vector<1x16xf32>,
    %swap3A_2481 = vector.shape_cast %swap3A_2480 : vector<1x16xf32> to vector<16xf32>
    %swap3A_2482 = vector.shape_cast %broadcast_in_dim3A_2452 : vector<16xf32> to vector<1x16xf32>
    tpu.vector_store %arg9[%swap3A_2478, %swap3A_2479], %swap3A_2482 {strides = array<i32>} : memref<24x128xf32, #tpu.memory_space<vmem>>, vector<1x16xf32>,
    %swap3A_2483 = arith.constant 18 : i32
    %swap3A_2484 = arith.index_cast %swap3A_2483 : i32 to index
    %swap3A_2485 = arith.constant 80 : index
    %swap3A_2486 = tpu.vector_load %arg9[%swap3A_2484, %swap3A_2485] {strides = array<i32>} : memref<24x128xf32, #tpu.memory_space<vmem>>, vector<1x16xf32>,
    %swap3A_2487 = vector.shape_cast %swap3A_2486 : vector<1x16xf32> to vector<16xf32>
    %swap3A_2488 = vector.shape_cast %broadcast_in_dim3A_2452 : vector<16xf32> to vector<1x16xf32>
    tpu.vector_store %arg9[%swap3A_2484, %swap3A_2485], %swap3A_2488 {strides = array<i32>} : memref<24x128xf32, #tpu.memory_space<vmem>>, vector<1x16xf32>,
    %swap3A_2489 = arith.constant 18 : i32
    %swap3A_2490 = arith.index_cast %swap3A_2489 : i32 to index
    %swap3A_2491 = arith.constant 96 : index
    %swap3A_2492 = tpu.vector_load %arg9[%swap3A_2490, %swap3A_2491] {strides = array<i32>} : memref<24x128xf32, #tpu.memory_space<vmem>>, vector<1x16xf32>,
    %swap3A_2493 = vector.shape_cast %swap3A_2492 : vector<1x16xf32> to vector<16xf32>
    %swap3A_2494 = vector.shape_cast %broadcast_in_dim3A_2452 : vector<16xf32> to vector<1x16xf32>
    tpu.vector_store %arg9[%swap3A_2490, %swap3A_2491], %swap3A_2494 {strides = array<i32>} : memref<24x128xf32, #tpu.memory_space<vmem>>, vector<1x16xf32>,
    %swap3A_2495 = arith.constant 18 : i32
    %swap3A_2496 = arith.index_cast %swap3A_2495 : i32 to index
    %swap3A_2497 = arith.constant 112 : index
    %swap3A_2498 = tpu.vector_load %arg9[%swap3A_2496, %swap3A_2497] {strides = array<i32>} : memref<24x128xf32, #tpu.memory_space<vmem>>, vector<1x16xf32>,
    %swap3A_2499 = vector.shape_cast %swap3A_2498 : vector<1x16xf32> to vector<16xf32>
    %swap3A_2500 = vector.shape_cast %broadcast_in_dim3A_2452 : vector<16xf32> to vector<1x16xf32>
    tpu.vector_store %arg9[%swap3A_2496, %swap3A_2497], %swap3A_2500 {strides = array<i32>} : memref<24x128xf32, #tpu.memory_space<vmem>>, vector<1x16xf32>,
    %swap3A_2501 = arith.constant 19 : i32
    %swap3A_2502 = arith.index_cast %swap3A_2501 : i32 to index
    %swap3A_2503 = arith.constant 0 : index
    %swap3A_2504 = tpu.vector_load %arg9[%swap3A_2502, %swap3A_2503] {strides = array<i32>} : memref<24x128xf32, #tpu.memory_space<vmem>>, vector<1x16xf32>,
    %swap3A_2505 = vector.shape_cast %swap3A_2504 : vector<1x16xf32> to vector<16xf32>
    %swap3A_2506 = vector.shape_cast %broadcast_in_dim3A_2452 : vector<16xf32> to vector<1x16xf32>
    tpu.vector_store %arg9[%swap3A_2502, %swap3A_2503], %swap3A_2506 {strides = array<i32>} : memref<24x128xf32, #tpu.memory_space<vmem>>, vector<1x16xf32>,
    %swap3A_2507 = arith.constant 19 : i32
    %swap3A_2508 = arith.index_cast %swap3A_2507 : i32 to index
    %swap3A_2509 = arith.constant 16 : index
    %swap3A_2510 = tpu.vector_load %arg9[%swap3A_2508, %swap3A_2509] {strides = array<i32>} : memref<24x128xf32, #tpu.memory_space<vmem>>, vector<1x16xf32>,
    %swap3A_2511 = vector.shape_cast %swap3A_2510 : vector<1x16xf32> to vector<16xf32>
    %swap3A_2512 = vector.shape_cast %broadcast_in_dim3A_2452 : vector<16xf32> to vector<1x16xf32>
    tpu.vector_store %arg9[%swap3A_2508, %swap3A_2509], %swap3A_2512 {strides = array<i32>} : memref<24x128xf32, #tpu.memory_space<vmem>>, vector<1x16xf32>,
    %swap3A_2513 = arith.constant 19 : i32
    %swap3A_2514 = arith.index_cast %swap3A_2513 : i32 to index
    %swap3A_2515 = arith.constant 32 : index
    %swap3A_2516 = tpu.vector_load %arg9[%swap3A_2514, %swap3A_2515] {strides = array<i32>} : memref<24x128xf32, #tpu.memory_space<vmem>>, vector<1x16xf32>,
    %swap3A_2517 = vector.shape_cast %swap3A_2516 : vector<1x16xf32> to vector<16xf32>
    %swap3A_2518 = vector.shape_cast %broadcast_in_dim3A_2452 : vector<16xf32> to vector<1x16xf32>
    tpu.vector_store %arg9[%swap3A_2514, %swap3A_2515], %swap3A_2518 {strides = array<i32>} : memref<24x128xf32, #tpu.memory_space<vmem>>, vector<1x16xf32>,
    %swap3A_2519 = arith.constant 19 : i32
    %swap3A_2520 = arith.index_cast %swap3A_2519 : i32 to index
    %swap3A_2521 = arith.constant 48 : index
    %swap3A_2522 = tpu.vector_load %arg9[%swap3A_2520, %swap3A_2521] {strides = array<i32>} : memref<24x128xf32, #tpu.memory_space<vmem>>, vector<1x16xf32>,
    %swap3A_2523 = vector.shape_cast %swap3A_2522 : vector<1x16xf32> to vector<16xf32>
    %swap3A_2524 = vector.shape_cast %broadcast_in_dim3A_2452 : vector<16xf32> to vector<1x16xf32>
    tpu.vector_store %arg9[%swap3A_2520, %swap3A_2521], %swap3A_2524 {strides = array<i32>} : memref<24x128xf32, #tpu.memory_space<vmem>>, vector<1x16xf32>,
    %swap3A_2525 = arith.constant 19 : i32
    %swap3A_2526 = arith.index_cast %swap3A_2525 : i32 to index
    %swap3A_2527 = arith.constant 64 : index
    %swap3A_2528 = tpu.vector_load %arg9[%swap3A_2526, %swap3A_2527] {strides = array<i32>} : memref<24x128xf32, #tpu.memory_space<vmem>>, vector<1x16xf32>,
    %swap3A_2529 = vector.shape_cast %swap3A_2528 : vector<1x16xf32> to vector<16xf32>
    %swap3A_2530 = vector.shape_cast %broadcast_in_dim3A_2452 : vector<16xf32> to vector<1x16xf32>
    tpu.vector_store %arg9[%swap3A_2526, %swap3A_2527], %swap3A_2530 {strides = array<i32>} : memref<24x128xf32, #tpu.memory_space<vmem>>, vector<1x16xf32>,
    %swap3A_2531 = arith.constant 19 : i32
    %swap3A_2532 = arith.index_cast %swap3A_2531 : i32 to index
    %swap3A_2533 = arith.constant 80 : index
    %swap3A_2534 = tpu.vector_load %arg9[%swap3A_2532, %swap3A_2533] {strides = array<i32>} : memref<24x128xf32, #tpu.memory_space<vmem>>, vector<1x16xf32>,
    %swap3A_2535 = vector.shape_cast %swap3A_2534 : vector<1x16xf32> to vector<16xf32>
    %swap3A_2536 = vector.shape_cast %broadcast_in_dim3A_2452 : vector<16xf32> to vector<1x16xf32>
    tpu.vector_store %arg9[%swap3A_2532, %swap3A_2533], %swap3A_2536 {strides = array<i32>} : memref<24x128xf32, #tpu.memory_space<vmem>>, vector<1x16xf32>,
    %swap3A_2537 = arith.constant 19 : i32
    %swap3A_2538 = arith.index_cast %swap3A_2537 : i32 to index
    %swap3A_2539 = arith.constant 96 : index
    %swap3A_2540 = tpu.vector_load %arg9[%swap3A_2538, %swap3A_2539] {strides = array<i32>} : memref<24x128xf32, #tpu.memory_space<vmem>>, vector<1x16xf32>,
    %swap3A_2541 = vector.shape_cast %swap3A_2540 : vector<1x16xf32> to vector<16xf32>
    %swap3A_2542 = vector.shape_cast %broadcast_in_dim3A_2452 : vector<16xf32> to vector<1x16xf32>
    tpu.vector_store %arg9[%swap3A_2538, %swap3A_2539], %swap3A_2542 {strides = array<i32>} : memref<24x128xf32, #tpu.memory_space<vmem>>, vector<1x16xf32>,
    %swap3A_2543 = arith.constant 19 : i32
    %swap3A_2544 = arith.index_cast %swap3A_2543 : i32 to index
    %swap3A_2545 = arith.constant 112 : index
    %swap3A_2546 = tpu.vector_load %arg9[%swap3A_2544, %swap3A_2545] {strides = array<i32>} : memref<24x128xf32, #tpu.memory_space<vmem>>, vector<1x16xf32>,
    %swap3A_2547 = vector.shape_cast %swap3A_2546 : vector<1x16xf32> to vector<16xf32>
    %swap3A_2548 = vector.shape_cast %broadcast_in_dim3A_2452 : vector<16xf32> to vector<1x16xf32>
    tpu.vector_store %arg9[%swap3A_2544, %swap3A_2545], %swap3A_2548 {strides = array<i32>} : memref<24x128xf32, #tpu.memory_space<vmem>>, vector<1x16xf32>,
    %swap3A_2549 = arith.constant 20 : i32
    %swap3A_2550 = arith.index_cast %swap3A_2549 : i32 to index
    %swap3A_2551 = arith.constant 0 : index
    %swap3A_2552 = tpu.vector_load %arg9[%swap3A_2550, %swap3A_2551] {strides = array<i32>} : memref<24x128xf32, #tpu.memory_space<vmem>>, vector<1x16xf32>,
    %swap3A_2553 = vector.shape_cast %swap3A_2552 : vector<1x16xf32> to vector<16xf32>
    %swap3A_2554 = vector.shape_cast %broadcast_in_dim3A_2452 : vector<16xf32> to vector<1x16xf32>
    tpu.vector_store %arg9[%swap3A_2550, %swap3A_2551], %swap3A_2554 {strides = array<i32>} : memref<24x128xf32, #tpu.memory_space<vmem>>, vector<1x16xf32>,
    %swap3A_2555 = arith.constant 20 : i32
    %swap3A_2556 = arith.index_cast %swap3A_2555 : i32 to index
    %swap3A_2557 = arith.constant 16 : index
    %swap3A_2558 = tpu.vector_load %arg9[%swap3A_2556, %swap3A_2557] {strides = array<i32>} : memref<24x128xf32, #tpu.memory_space<vmem>>, vector<1x16xf32>,
    %swap3A_2559 = vector.shape_cast %swap3A_2558 : vector<1x16xf32> to vector<16xf32>
    %swap3A_2560 = vector.shape_cast %broadcast_in_dim3A_2452 : vector<16xf32> to vector<1x16xf32>
    tpu.vector_store %arg9[%swap3A_2556, %swap3A_2557], %swap3A_2560 {strides = array<i32>} : memref<24x128xf32, #tpu.memory_space<vmem>>, vector<1x16xf32>,
    %swap3A_2561 = arith.constant 20 : i32
    %swap3A_2562 = arith.index_cast %swap3A_2561 : i32 to index
    %swap3A_2563 = arith.constant 32 : index
    %swap3A_2564 = tpu.vector_load %arg9[%swap3A_2562, %swap3A_2563] {strides = array<i32>} : memref<24x128xf32, #tpu.memory_space<vmem>>, vector<1x16xf32>,
    %swap3A_2565 = vector.shape_cast %swap3A_2564 : vector<1x16xf32> to vector<16xf32>
    %swap3A_2566 = vector.shape_cast %broadcast_in_dim3A_2452 : vector<16xf32> to vector<1x16xf32>
    tpu.vector_store %arg9[%swap3A_2562, %swap3A_2563], %swap3A_2566 {strides = array<i32>} : memref<24x128xf32, #tpu.memory_space<vmem>>, vector<1x16xf32>,
    %swap3A_2567 = arith.constant 20 : i32
    %swap3A_2568 = arith.index_cast %swap3A_2567 : i32 to index
    %swap3A_2569 = arith.constant 48 : index
    %swap3A_2570 = tpu.vector_load %arg9[%swap3A_2568, %swap3A_2569] {strides = array<i32>} : memref<24x128xf32, #tpu.memory_space<vmem>>, vector<1x16xf32>,
    %swap3A_2571 = vector.shape_cast %swap3A_2570 : vector<1x16xf32> to vector<16xf32>
    %swap3A_2572 = vector.shape_cast %broadcast_in_dim3A_2452 : vector<16xf32> to vector<1x16xf32>
    tpu.vector_store %arg9[%swap3A_2568, %swap3A_2569], %swap3A_2572 {strides = array<i32>} : memref<24x128xf32, #tpu.memory_space<vmem>>, vector<1x16xf32>,
    %swap3A_2573 = arith.constant 20 : i32
    %swap3A_2574 = arith.index_cast %swap3A_2573 : i32 to index
    %swap3A_2575 = arith.constant 64 : index
    %swap3A_2576 = tpu.vector_load %arg9[%swap3A_2574, %swap3A_2575] {strides = array<i32>} : memref<24x128xf32, #tpu.memory_space<vmem>>, vector<1x16xf32>,
    %swap3A_2577 = vector.shape_cast %swap3A_2576 : vector<1x16xf32> to vector<16xf32>
    %swap3A_2578 = vector.shape_cast %broadcast_in_dim3A_2452 : vector<16xf32> to vector<1x16xf32>
    tpu.vector_store %arg9[%swap3A_2574, %swap3A_2575], %swap3A_2578 {strides = array<i32>} : memref<24x128xf32, #tpu.memory_space<vmem>>, vector<1x16xf32>,
    %swap3A_2579 = arith.constant 20 : i32
    %swap3A_2580 = arith.index_cast %swap3A_2579 : i32 to index
    %swap3A_2581 = arith.constant 80 : index
    %swap3A_2582 = tpu.vector_load %arg9[%swap3A_2580, %swap3A_2581] {strides = array<i32>} : memref<24x128xf32, #tpu.memory_space<vmem>>, vector<1x16xf32>,
    %swap3A_2583 = vector.shape_cast %swap3A_2582 : vector<1x16xf32> to vector<16xf32>
    %swap3A_2584 = vector.shape_cast %broadcast_in_dim3A_2452 : vector<16xf32> to vector<1x16xf32>
    tpu.vector_store %arg9[%swap3A_2580, %swap3A_2581], %swap3A_2584 {strides = array<i32>} : memref<24x128xf32, #tpu.memory_space<vmem>>, vector<1x16xf32>,
    %swap3A_2585 = arith.constant 20 : i32
    %swap3A_2586 = arith.index_cast %swap3A_2585 : i32 to index
    %swap3A_2587 = arith.constant 96 : index
    %swap3A_2588 = tpu.vector_load %arg9[%swap3A_2586, %swap3A_2587] {strides = array<i32>} : memref<24x128xf32, #tpu.memory_space<vmem>>, vector<1x16xf32>,
    %swap3A_2589 = vector.shape_cast %swap3A_2588 : vector<1x16xf32> to vector<16xf32>
    %swap3A_2590 = vector.shape_cast %broadcast_in_dim3A_2452 : vector<16xf32> to vector<1x16xf32>
    tpu.vector_store %arg9[%swap3A_2586, %swap3A_2587], %swap3A_2590 {strides = array<i32>} : memref<24x128xf32, #tpu.memory_space<vmem>>, vector<1x16xf32>,
    %swap3A_2591 = arith.constant 20 : i32
    %swap3A_2592 = arith.index_cast %swap3A_2591 : i32 to index
    %swap3A_2593 = arith.constant 112 : index
    %swap3A_2594 = tpu.vector_load %arg9[%swap3A_2592, %swap3A_2593] {strides = array<i32>} : memref<24x128xf32, #tpu.memory_space<vmem>>, vector<1x16xf32>,
    %swap3A_2595 = vector.shape_cast %swap3A_2594 : vector<1x16xf32> to vector<16xf32>
    %swap3A_2596 = vector.shape_cast %broadcast_in_dim3A_2452 : vector<16xf32> to vector<1x16xf32>
    tpu.vector_store %arg9[%swap3A_2592, %swap3A_2593], %swap3A_2596 {strides = array<i32>} : memref<24x128xf32, #tpu.memory_space<vmem>>, vector<1x16xf32>,
    %swap3A_2597 = arith.constant 21 : i32
    %swap3A_2598 = arith.index_cast %swap3A_2597 : i32 to index
    %swap3A_2599 = arith.constant 0 : index
    %swap3A_2600 = tpu.vector_load %arg9[%swap3A_2598, %swap3A_2599] {strides = array<i32>} : memref<24x128xf32, #tpu.memory_space<vmem>>, vector<1x16xf32>,
    %swap3A_2601 = vector.shape_cast %swap3A_2600 : vector<1x16xf32> to vector<16xf32>
    %swap3A_2602 = vector.shape_cast %broadcast_in_dim3A_2452 : vector<16xf32> to vector<1x16xf32>
    tpu.vector_store %arg9[%swap3A_2598, %swap3A_2599], %swap3A_2602 {strides = array<i32>} : memref<24x128xf32, #tpu.memory_space<vmem>>, vector<1x16xf32>,
    %swap3A_2603 = arith.constant 21 : i32
    %swap3A_2604 = arith.index_cast %swap3A_2603 : i32 to index
    %swap3A_2605 = arith.constant 16 : index
    %swap3A_2606 = tpu.vector_load %arg9[%swap3A_2604, %swap3A_2605] {strides = array<i32>} : memref<24x128xf32, #tpu.memory_space<vmem>>, vector<1x16xf32>,
    %swap3A_2607 = vector.shape_cast %swap3A_2606 : vector<1x16xf32> to vector<16xf32>
    %swap3A_2608 = vector.shape_cast %broadcast_in_dim3A_2452 : vector<16xf32> to vector<1x16xf32>
    tpu.vector_store %arg9[%swap3A_2604, %swap3A_2605], %swap3A_2608 {strides = array<i32>} : memref<24x128xf32, #tpu.memory_space<vmem>>, vector<1x16xf32>,
    %swap3A_2609 = arith.constant 21 : i32
    %swap3A_2610 = arith.index_cast %swap3A_2609 : i32 to index
    %swap3A_2611 = arith.constant 32 : index
    %swap3A_2612 = tpu.vector_load %arg9[%swap3A_2610, %swap3A_2611] {strides = array<i32>} : memref<24x128xf32, #tpu.memory_space<vmem>>, vector<1x16xf32>,
    %swap3A_2613 = vector.shape_cast %swap3A_2612 : vector<1x16xf32> to vector<16xf32>
    %swap3A_2614 = vector.shape_cast %broadcast_in_dim3A_2452 : vector<16xf32> to vector<1x16xf32>
    tpu.vector_store %arg9[%swap3A_2610, %swap3A_2611], %swap3A_2614 {strides = array<i32>} : memref<24x128xf32, #tpu.memory_space<vmem>>, vector<1x16xf32>,
    %swap3A_2615 = arith.constant 21 : i32
    %swap3A_2616 = arith.index_cast %swap3A_2615 : i32 to index
    %swap3A_2617 = arith.constant 48 : index
    %swap3A_2618 = tpu.vector_load %arg9[%swap3A_2616, %swap3A_2617] {strides = array<i32>} : memref<24x128xf32, #tpu.memory_space<vmem>>, vector<1x16xf32>,
    %swap3A_2619 = vector.shape_cast %swap3A_2618 : vector<1x16xf32> to vector<16xf32>
    %swap3A_2620 = vector.shape_cast %broadcast_in_dim3A_2452 : vector<16xf32> to vector<1x16xf32>
    tpu.vector_store %arg9[%swap3A_2616, %swap3A_2617], %swap3A_2620 {strides = array<i32>} : memref<24x128xf32, #tpu.memory_space<vmem>>, vector<1x16xf32>,
    %swap3A_2621 = arith.constant 21 : i32
    %swap3A_2622 = arith.index_cast %swap3A_2621 : i32 to index
    %swap3A_2623 = arith.constant 64 : index
    %swap3A_2624 = tpu.vector_load %arg9[%swap3A_2622, %swap3A_2623] {strides = array<i32>} : memref<24x128xf32, #tpu.memory_space<vmem>>, vector<1x16xf32>,
    %swap3A_2625 = vector.shape_cast %swap3A_2624 : vector<1x16xf32> to vector<16xf32>
    %swap3A_2626 = vector.shape_cast %broadcast_in_dim3A_2452 : vector<16xf32> to vector<1x16xf32>
    tpu.vector_store %arg9[%swap3A_2622, %swap3A_2623], %swap3A_2626 {strides = array<i32>} : memref<24x128xf32, #tpu.memory_space<vmem>>, vector<1x16xf32>,
    %swap3A_2627 = arith.constant 21 : i32
    %swap3A_2628 = arith.index_cast %swap3A_2627 : i32 to index
    %swap3A_2629 = arith.constant 80 : index
    %swap3A_2630 = tpu.vector_load %arg9[%swap3A_2628, %swap3A_2629] {strides = array<i32>} : memref<24x128xf32, #tpu.memory_space<vmem>>, vector<1x16xf32>,
    %swap3A_2631 = vector.shape_cast %swap3A_2630 : vector<1x16xf32> to vector<16xf32>
    %swap3A_2632 = vector.shape_cast %broadcast_in_dim3A_2452 : vector<16xf32> to vector<1x16xf32>
    tpu.vector_store %arg9[%swap3A_2628, %swap3A_2629], %swap3A_2632 {strides = array<i32>} : memref<24x128xf32, #tpu.memory_space<vmem>>, vector<1x16xf32>,
    %swap3A_2633 = arith.constant 21 : i32
    %swap3A_2634 = arith.index_cast %swap3A_2633 : i32 to index
    %swap3A_2635 = arith.constant 96 : index
    %swap3A_2636 = tpu.vector_load %arg9[%swap3A_2634, %swap3A_2635] {strides = array<i32>} : memref<24x128xf32, #tpu.memory_space<vmem>>, vector<1x16xf32>,
    %swap3A_2637 = vector.shape_cast %swap3A_2636 : vector<1x16xf32> to vector<16xf32>
    %swap3A_2638 = vector.shape_cast %broadcast_in_dim3A_2452 : vector<16xf32> to vector<1x16xf32>
    tpu.vector_store %arg9[%swap3A_2634, %swap3A_2635], %swap3A_2638 {strides = array<i32>} : memref<24x128xf32, #tpu.memory_space<vmem>>, vector<1x16xf32>,
    %swap3A_2639 = arith.constant 21 : i32
    %swap3A_2640 = arith.index_cast %swap3A_2639 : i32 to index
    %swap3A_2641 = arith.constant 112 : index
    %swap3A_2642 = tpu.vector_load %arg9[%swap3A_2640, %swap3A_2641] {strides = array<i32>} : memref<24x128xf32, #tpu.memory_space<vmem>>, vector<1x16xf32>,
    %swap3A_2643 = vector.shape_cast %swap3A_2642 : vector<1x16xf32> to vector<16xf32>
    %swap3A_2644 = vector.shape_cast %broadcast_in_dim3A_2452 : vector<16xf32> to vector<1x16xf32>
    tpu.vector_store %arg9[%swap3A_2640, %swap3A_2641], %swap3A_2644 {strides = array<i32>} : memref<24x128xf32, #tpu.memory_space<vmem>>, vector<1x16xf32>,
    %swap3A_2645 = arith.constant 22 : i32
    %swap3A_2646 = arith.index_cast %swap3A_2645 : i32 to index
    %swap3A_2647 = arith.constant 0 : index
    %swap3A_2648 = tpu.vector_load %arg9[%swap3A_2646, %swap3A_2647] {strides = array<i32>} : memref<24x128xf32, #tpu.memory_space<vmem>>, vector<1x16xf32>,
    %swap3A_2649 = vector.shape_cast %swap3A_2648 : vector<1x16xf32> to vector<16xf32>
    %swap3A_2650 = vector.shape_cast %broadcast_in_dim3A_2452 : vector<16xf32> to vector<1x16xf32>
    tpu.vector_store %arg9[%swap3A_2646, %swap3A_2647], %swap3A_2650 {strides = array<i32>} : memref<24x128xf32, #tpu.memory_space<vmem>>, vector<1x16xf32>,
    %swap3A_2651 = arith.constant 22 : i32
    %swap3A_2652 = arith.index_cast %swap3A_2651 : i32 to index
    %swap3A_2653 = arith.constant 16 : index
    %swap3A_2654 = tpu.vector_load %arg9[%swap3A_2652, %swap3A_2653] {strides = array<i32>} : memref<24x128xf32, #tpu.memory_space<vmem>>, vector<1x16xf32>,
    %swap3A_2655 = vector.shape_cast %swap3A_2654 : vector<1x16xf32> to vector<16xf32>
    %swap3A_2656 = vector.shape_cast %broadcast_in_dim3A_2452 : vector<16xf32> to vector<1x16xf32>
    tpu.vector_store %arg9[%swap3A_2652, %swap3A_2653], %swap3A_2656 {strides = array<i32>} : memref<24x128xf32, #tpu.memory_space<vmem>>, vector<1x16xf32>,
    %swap3A_2657 = arith.constant 22 : i32
    %swap3A_2658 = arith.index_cast %swap3A_2657 : i32 to index
    %swap3A_2659 = arith.constant 32 : index
    %swap3A_2660 = tpu.vector_load %arg9[%swap3A_2658, %swap3A_2659] {strides = array<i32>} : memref<24x128xf32, #tpu.memory_space<vmem>>, vector<1x16xf32>,
    %swap3A_2661 = vector.shape_cast %swap3A_2660 : vector<1x16xf32> to vector<16xf32>
    %swap3A_2662 = vector.shape_cast %broadcast_in_dim3A_2452 : vector<16xf32> to vector<1x16xf32>
    tpu.vector_store %arg9[%swap3A_2658, %swap3A_2659], %swap3A_2662 {strides = array<i32>} : memref<24x128xf32, #tpu.memory_space<vmem>>, vector<1x16xf32>,
    %swap3A_2663 = arith.constant 22 : i32
    %swap3A_2664 = arith.index_cast %swap3A_2663 : i32 to index
    %swap3A_2665 = arith.constant 48 : index
    %swap3A_2666 = tpu.vector_load %arg9[%swap3A_2664, %swap3A_2665] {strides = array<i32>} : memref<24x128xf32, #tpu.memory_space<vmem>>, vector<1x16xf32>,
    %swap3A_2667 = vector.shape_cast %swap3A_2666 : vector<1x16xf32> to vector<16xf32>
    %swap3A_2668 = vector.shape_cast %broadcast_in_dim3A_2452 : vector<16xf32> to vector<1x16xf32>
    tpu.vector_store %arg9[%swap3A_2664, %swap3A_2665], %swap3A_2668 {strides = array<i32>} : memref<24x128xf32, #tpu.memory_space<vmem>>, vector<1x16xf32>,
    %swap3A_2669 = arith.constant 22 : i32
    %swap3A_2670 = arith.index_cast %swap3A_2669 : i32 to index
    %swap3A_2671 = arith.constant 64 : index
    %swap3A_2672 = tpu.vector_load %arg9[%swap3A_2670, %swap3A_2671] {strides = array<i32>} : memref<24x128xf32, #tpu.memory_space<vmem>>, vector<1x16xf32>,
    %swap3A_2673 = vector.shape_cast %swap3A_2672 : vector<1x16xf32> to vector<16xf32>
    %swap3A_2674 = vector.shape_cast %broadcast_in_dim3A_2452 : vector<16xf32> to vector<1x16xf32>
    tpu.vector_store %arg9[%swap3A_2670, %swap3A_2671], %swap3A_2674 {strides = array<i32>} : memref<24x128xf32, #tpu.memory_space<vmem>>, vector<1x16xf32>,
    %swap3A_2675 = arith.constant 22 : i32
    %swap3A_2676 = arith.index_cast %swap3A_2675 : i32 to index
    %swap3A_2677 = arith.constant 80 : index
    %swap3A_2678 = tpu.vector_load %arg9[%swap3A_2676, %swap3A_2677] {strides = array<i32>} : memref<24x128xf32, #tpu.memory_space<vmem>>, vector<1x16xf32>,
    %swap3A_2679 = vector.shape_cast %swap3A_2678 : vector<1x16xf32> to vector<16xf32>
    %swap3A_2680 = vector.shape_cast %broadcast_in_dim3A_2452 : vector<16xf32> to vector<1x16xf32>
    tpu.vector_store %arg9[%swap3A_2676, %swap3A_2677], %swap3A_2680 {strides = array<i32>} : memref<24x128xf32, #tpu.memory_space<vmem>>, vector<1x16xf32>,
    %swap3A_2681 = arith.constant 22 : i32
    %swap3A_2682 = arith.index_cast %swap3A_2681 : i32 to index
    %swap3A_2683 = arith.constant 96 : index
    %swap3A_2684 = tpu.vector_load %arg9[%swap3A_2682, %swap3A_2683] {strides = array<i32>} : memref<24x128xf32, #tpu.memory_space<vmem>>, vector<1x16xf32>,
    %swap3A_2685 = vector.shape_cast %swap3A_2684 : vector<1x16xf32> to vector<16xf32>
    %swap3A_2686 = vector.shape_cast %broadcast_in_dim3A_2452 : vector<16xf32> to vector<1x16xf32>
    tpu.vector_store %arg9[%swap3A_2682, %swap3A_2683], %swap3A_2686 {strides = array<i32>} : memref<24x128xf32, #tpu.memory_space<vmem>>, vector<1x16xf32>,
    %swap3A_2687 = arith.constant 22 : i32
    %swap3A_2688 = arith.index_cast %swap3A_2687 : i32 to index
    %swap3A_2689 = arith.constant 112 : index
    %swap3A_2690 = tpu.vector_load %arg9[%swap3A_2688, %swap3A_2689] {strides = array<i32>} : memref<24x128xf32, #tpu.memory_space<vmem>>, vector<1x16xf32>,
    %swap3A_2691 = vector.shape_cast %swap3A_2690 : vector<1x16xf32> to vector<16xf32>
    %swap3A_2692 = vector.shape_cast %broadcast_in_dim3A_2452 : vector<16xf32> to vector<1x16xf32>
    tpu.vector_store %arg9[%swap3A_2688, %swap3A_2689], %swap3A_2692 {strides = array<i32>} : memref<24x128xf32, #tpu.memory_space<vmem>>, vector<1x16xf32>,
    %swap3A_2693 = arith.constant 23 : i32
    %swap3A_2694 = arith.index_cast %swap3A_2693 : i32 to index
    %swap3A_2695 = arith.constant 0 : index
    %swap3A_2696 = tpu.vector_load %arg9[%swap3A_2694, %swap3A_2695] {strides = array<i32>} : memref<24x128xf32, #tpu.memory_space<vmem>>, vector<1x16xf32>,
    %swap3A_2697 = vector.shape_cast %swap3A_2696 : vector<1x16xf32> to vector<16xf32>
    %swap3A_2698 = vector.shape_cast %broadcast_in_dim3A_2452 : vector<16xf32> to vector<1x16xf32>
    tpu.vector_store %arg9[%swap3A_2694, %swap3A_2695], %swap3A_2698 {strides = array<i32>} : memref<24x128xf32, #tpu.memory_space<vmem>>, vector<1x16xf32>,
    %swap3A_2699 = arith.constant 23 : i32
    %swap3A_2700 = arith.index_cast %swap3A_2699 : i32 to index
    %swap3A_2701 = arith.constant 16 : index
    %swap3A_2702 = tpu.vector_load %arg9[%swap3A_2700, %swap3A_2701] {strides = array<i32>} : memref<24x128xf32, #tpu.memory_space<vmem>>, vector<1x16xf32>,
    %swap3A_2703 = vector.shape_cast %swap3A_2702 : vector<1x16xf32> to vector<16xf32>
    %swap3A_2704 = vector.shape_cast %broadcast_in_dim3A_2452 : vector<16xf32> to vector<1x16xf32>
    tpu.vector_store %arg9[%swap3A_2700, %swap3A_2701], %swap3A_2704 {strides = array<i32>} : memref<24x128xf32, #tpu.memory_space<vmem>>, vector<1x16xf32>,
    %swap3A_2705 = arith.constant 23 : i32
    %swap3A_2706 = arith.index_cast %swap3A_2705 : i32 to index
    %swap3A_2707 = arith.constant 32 : index
    %swap3A_2708 = tpu.vector_load %arg9[%swap3A_2706, %swap3A_2707] {strides = array<i32>} : memref<24x128xf32, #tpu.memory_space<vmem>>, vector<1x16xf32>,
    %swap3A_2709 = vector.shape_cast %swap3A_2708 : vector<1x16xf32> to vector<16xf32>
    %swap3A_2710 = vector.shape_cast %broadcast_in_dim3A_2452 : vector<16xf32> to vector<1x16xf32>
    tpu.vector_store %arg9[%swap3A_2706, %swap3A_2707], %swap3A_2710 {strides = array<i32>} : memref<24x128xf32, #tpu.memory_space<vmem>>, vector<1x16xf32>,
    %swap3A_2711 = arith.constant 23 : i32
    %swap3A_2712 = arith.index_cast %swap3A_2711 : i32 to index
    %swap3A_2713 = arith.constant 48 : index
    %swap3A_2714 = tpu.vector_load %arg9[%swap3A_2712, %swap3A_2713] {strides = array<i32>} : memref<24x128xf32, #tpu.memory_space<vmem>>, vector<1x16xf32>,
    %swap3A_2715 = vector.shape_cast %swap3A_2714 : vector<1x16xf32> to vector<16xf32>
    %swap3A_2716 = vector.shape_cast %broadcast_in_dim3A_2452 : vector<16xf32> to vector<1x16xf32>
    tpu.vector_store %arg9[%swap3A_2712, %swap3A_2713], %swap3A_2716 {strides = array<i32>} : memref<24x128xf32, #tpu.memory_space<vmem>>, vector<1x16xf32>,
    %swap3A_2717 = arith.constant 23 : i32
    %swap3A_2718 = arith.index_cast %swap3A_2717 : i32 to index
    %swap3A_2719 = arith.constant 64 : index
    %swap3A_2720 = tpu.vector_load %arg9[%swap3A_2718, %swap3A_2719] {strides = array<i32>} : memref<24x128xf32, #tpu.memory_space<vmem>>, vector<1x16xf32>,
    %swap3A_2721 = vector.shape_cast %swap3A_2720 : vector<1x16xf32> to vector<16xf32>
    %swap3A_2722 = vector.shape_cast %broadcast_in_dim3A_2452 : vector<16xf32> to vector<1x16xf32>
    tpu.vector_store %arg9[%swap3A_2718, %swap3A_2719], %swap3A_2722 {strides = array<i32>} : memref<24x128xf32, #tpu.memory_space<vmem>>, vector<1x16xf32>,
    %swap3A_2723 = arith.constant 23 : i32
    %swap3A_2724 = arith.index_cast %swap3A_2723 : i32 to index
    %swap3A_2725 = arith.constant 80 : index
    %swap3A_2726 = tpu.vector_load %arg9[%swap3A_2724, %swap3A_2725] {strides = array<i32>} : memref<24x128xf32, #tpu.memory_space<vmem>>, vector<1x16xf32>,
    %swap3A_2727 = vector.shape_cast %swap3A_2726 : vector<1x16xf32> to vector<16xf32>
    %swap3A_2728 = vector.shape_cast %broadcast_in_dim3A_2452 : vector<16xf32> to vector<1x16xf32>
    tpu.vector_store %arg9[%swap3A_2724, %swap3A_2725], %swap3A_2728 {strides = array<i32>} : memref<24x128xf32, #tpu.memory_space<vmem>>, vector<1x16xf32>,
    %swap3A_2729 = arith.constant 23 : i32
    %swap3A_2730 = arith.index_cast %swap3A_2729 : i32 to index
    %swap3A_2731 = arith.constant 96 : index
    %swap3A_2732 = tpu.vector_load %arg9[%swap3A_2730, %swap3A_2731] {strides = array<i32>} : memref<24x128xf32, #tpu.memory_space<vmem>>, vector<1x16xf32>,
    %swap3A_2733 = vector.shape_cast %swap3A_2732 : vector<1x16xf32> to vector<16xf32>
    %swap3A_2734 = vector.shape_cast %broadcast_in_dim3A_2452 : vector<16xf32> to vector<1x16xf32>
    tpu.vector_store %arg9[%swap3A_2730, %swap3A_2731], %swap3A_2734 {strides = array<i32>} : memref<24x128xf32, #tpu.memory_space<vmem>>, vector<1x16xf32>,
    %swap3A_2735 = arith.constant 23 : i32
    %swap3A_2736 = arith.index_cast %swap3A_2735 : i32 to index
    %swap3A_2737 = arith.constant 112 : index
    %swap3A_2738 = tpu.vector_load %arg9[%swap3A_2736, %swap3A_2737] {strides = array<i32>} : memref<24x128xf32, #tpu.memory_space<vmem>>, vector<1x16xf32>,
    %swap3A_2739 = vector.shape_cast %swap3A_2738 : vector<1x16xf32> to vector<16xf32>
    %swap3A_2740 = vector.shape_cast %broadcast_in_dim3A_2452 : vector<16xf32> to vector<1x16xf32>
    tpu.vector_store %arg9[%swap3A_2736, %swap3A_2737], %swap3A_2740 {strides = array<i32>} : memref<24x128xf32, #tpu.memory_space<vmem>>, vector<1x16xf32>,
    %eq3A = arith.constant 0 : i32
    %eq3A_2741 = arith.cmpi eq, %arg1, %eq3A : i32
    %convert_element_type3A = arith.extui %eq3A_2741 : i1 to i32
    %cond3A = arith.constant 0 : i32
    %cond3A_2742 = arith.cmpi ne, %convert_element_type3A, %cond3A : i32
    scf.if %cond3A_2742 {
      "tpu.region"() ({
        %run_scoped3A = tpu.sem_alloc : memref<!tpu.dma_semaphore, #tpu.memory_space<semaphore_mem>>
        tpu.enqueue_dma source(%arg9 : memref<24x128xf32, #tpu.memory_space<vmem>>) target(%arg10 : memref<24x128xf32, #tpu.memory_space<vmem_shared>>) target_semaphore(%run_scoped3A : memref<!tpu.dma_semaphore, #tpu.memory_space<semaphore_mem>>)
        tpu.wait_dma2 semaphore(%run_scoped3A : memref<!tpu.dma_semaphore, #tpu.memory_space<semaphore_mem>>) src(%arg9 : memref<24x128xf32, #tpu.memory_space<vmem>>) dst(%arg10 : memref<24x128xf32, #tpu.memory_space<vmem_shared>>)
        tpu.yield
      }) : () -> ()
    } else {
    }
    %barrier3A = arith.constant 0 : index
    tpu.barrier barrier_id(%barrier3A)
    %dma_wait3A = tpu.memref_slice %arg2[%mul3A_2] : memref<320000xi32, #tpu.memory_space<hbm>> -> memref<10000xi32, #tpu.memory_space<hbm>>
    %dma_wait3A_2743 = tpu.memref_slice %arg2[%mul3A_2] : memref<320000xi32, #tpu.memory_space<hbm>> -> memref<10000xi32, #tpu.memory_space<hbm>>
    tpu.wait_dma2 semaphore(%arg15 : memref<!tpu.dma_semaphore, #tpu.memory_space<semaphore_mem>>) src(%dma_wait3A_2743 : memref<10000xi32, #tpu.memory_space<hbm>>) dst(%arg11 : memref<10000xi32, #tpu.memory_space<vmem>>)
    %dma_wait3A_2744 = tpu.memref_slice %arg3[%mul3A_2] : memref<320000xi32, #tpu.memory_space<hbm>> -> memref<10000xi32, #tpu.memory_space<hbm>>
    %dma_wait3A_2745 = tpu.memref_slice %arg3[%mul3A_2] : memref<320000xi32, #tpu.memory_space<hbm>> -> memref<10000xi32, #tpu.memory_space<hbm>>
    tpu.wait_dma2 semaphore(%arg16 : memref<!tpu.dma_semaphore, #tpu.memory_space<semaphore_mem>>) src(%dma_wait3A_2745 : memref<10000xi32, #tpu.memory_space<hbm>>) dst(%arg12 : memref<10000xi32, #tpu.memory_space<vmem>>)
    %scan3A = arith.constant 0 : i32
    %scan3A_2746 = arith.constant 0 : i32
    %scan3A_2747 = arith.constant 125 : i32
    %scan3A_2748 = arith.addi %scan3A_2746, %scan3A_2747 : i32
    %scan3A_2749 = arith.constant 1 : i32
    scf.for %scan3A_3251 = %scan3A_2746 to %scan3A_2748 step %scan3A_2749  : i32 {
      %mul3A_3252 = arith.constant 80 : i32
      %mul3A_3253 = arith.muli %scan3A_3251, %mul3A_3252 : i32
      %multiple_of3A = tpu.assume_multiple %mul3A_3253, 16 : i32
      %add3A_3254 = arith.constant 0 : i32
      %add3A_3255 = arith.addi %multiple_of3A, %add3A_3254 : i32
      %get3A_3256 = arith.index_cast %add3A_3255 : i32 to index
      %get3A_3257 = tpu.vector_load %arg11[%get3A_3256] {strides = array<i32>} : memref<10000xi32, #tpu.memory_space<vmem>>, vector<16xi32>,
      %get3A_3258 = vector.shape_cast %get3A_3257 : vector<16xi32> to vector<16xi32>
      %mul3A_3259 = arith.constant 3 : i32
      %mul3A_3260 = vector.broadcast %mul3A_3259 : i32 to vector<16xi32>
      %mul3A_3261 = arith.muli %get3A_3258, %mul3A_3260 : vector<16xi32>
      %get3A_3262 = arith.index_cast %add3A_3255 : i32 to index
      %get3A_3263 = tpu.vector_load %arg12[%get3A_3262] {strides = array<i32>} : memref<10000xi32, #tpu.memory_space<vmem>>, vector<16xi32>,
      %get3A_3264 = vector.shape_cast %get3A_3263 : vector<16xi32> to vector<16xi32>
      %add3A_3265 = arith.addi %mul3A_3261, %get3A_3264 : vector<16xi32>
      %swap3A_3266 = arith.index_cast %add3A_3255 : i32 to index
      %swap3A_3267 = tpu.vector_load %arg11[%swap3A_3266] {strides = array<i32>} : memref<10000xi32, #tpu.memory_space<vmem>>, vector<16xi32>,
      %swap3A_3268 = vector.shape_cast %swap3A_3267 : vector<16xi32> to vector<16xi32>
      %swap3A_3269 = vector.shape_cast %add3A_3265 : vector<16xi32> to vector<16xi32>
      tpu.vector_store %arg11[%swap3A_3266], %swap3A_3269 {strides = array<i32>} : memref<10000xi32, #tpu.memory_space<vmem>>, vector<16xi32>,
      %mul3A_3270 = arith.constant 80 : i32
      %mul3A_3271 = arith.muli %scan3A_3251, %mul3A_3270 : i32
      %multiple_of3A_3272 = tpu.assume_multiple %mul3A_3271, 16 : i32
      %add3A_3273 = arith.constant 16 : i32
      %add3A_3274 = arith.addi %multiple_of3A_3272, %add3A_3273 : i32
      %get3A_3275 = arith.index_cast %add3A_3274 : i32 to index
      %get3A_3276 = tpu.vector_load %arg11[%get3A_3275] {strides = array<i32>} : memref<10000xi32, #tpu.memory_space<vmem>>, vector<16xi32>,
      %get3A_3277 = vector.shape_cast %get3A_3276 : vector<16xi32> to vector<16xi32>
      %mul3A_3278 = arith.constant 3 : i32
      %mul3A_3279 = vector.broadcast %mul3A_3278 : i32 to vector<16xi32>
      %mul3A_3280 = arith.muli %get3A_3277, %mul3A_3279 : vector<16xi32>
      %get3A_3281 = arith.index_cast %add3A_3274 : i32 to index
      %get3A_3282 = tpu.vector_load %arg12[%get3A_3281] {strides = array<i32>} : memref<10000xi32, #tpu.memory_space<vmem>>, vector<16xi32>,
      %get3A_3283 = vector.shape_cast %get3A_3282 : vector<16xi32> to vector<16xi32>
      %add3A_3284 = arith.addi %mul3A_3280, %get3A_3283 : vector<16xi32>
      %swap3A_3285 = arith.index_cast %add3A_3274 : i32 to index
      %swap3A_3286 = tpu.vector_load %arg11[%swap3A_3285] {strides = array<i32>} : memref<10000xi32, #tpu.memory_space<vmem>>, vector<16xi32>,
      %swap3A_3287 = vector.shape_cast %swap3A_3286 : vector<16xi32> to vector<16xi32>
      %swap3A_3288 = vector.shape_cast %add3A_3284 : vector<16xi32> to vector<16xi32>
      tpu.vector_store %arg11[%swap3A_3285], %swap3A_3288 {strides = array<i32>} : memref<10000xi32, #tpu.memory_space<vmem>>, vector<16xi32>,
      %mul3A_3289 = arith.constant 80 : i32
      %mul3A_3290 = arith.muli %scan3A_3251, %mul3A_3289 : i32
      %multiple_of3A_3291 = tpu.assume_multiple %mul3A_3290, 16 : i32
      %add3A_3292 = arith.constant 32 : i32
      %add3A_3293 = arith.addi %multiple_of3A_3291, %add3A_3292 : i32
      %get3A_3294 = arith.index_cast %add3A_3293 : i32 to index
      %get3A_3295 = tpu.vector_load %arg11[%get3A_3294] {strides = array<i32>} : memref<10000xi32, #tpu.memory_space<vmem>>, vector<16xi32>,
      %get3A_3296 = vector.shape_cast %get3A_3295 : vector<16xi32> to vector<16xi32>
      %mul3A_3297 = arith.constant 3 : i32
      %mul3A_3298 = vector.broadcast %mul3A_3297 : i32 to vector<16xi32>
      %mul3A_3299 = arith.muli %get3A_3296, %mul3A_3298 : vector<16xi32>
      %get3A_3300 = arith.index_cast %add3A_3293 : i32 to index
      %get3A_3301 = tpu.vector_load %arg12[%get3A_3300] {strides = array<i32>} : memref<10000xi32, #tpu.memory_space<vmem>>, vector<16xi32>,
      %get3A_3302 = vector.shape_cast %get3A_3301 : vector<16xi32> to vector<16xi32>
      %add3A_3303 = arith.addi %mul3A_3299, %get3A_3302 : vector<16xi32>
      %swap3A_3304 = arith.index_cast %add3A_3293 : i32 to index
      %swap3A_3305 = tpu.vector_load %arg11[%swap3A_3304] {strides = array<i32>} : memref<10000xi32, #tpu.memory_space<vmem>>, vector<16xi32>,
      %swap3A_3306 = vector.shape_cast %swap3A_3305 : vector<16xi32> to vector<16xi32>
      %swap3A_3307 = vector.shape_cast %add3A_3303 : vector<16xi32> to vector<16xi32>
      tpu.vector_store %arg11[%swap3A_3304], %swap3A_3307 {strides = array<i32>} : memref<10000xi32, #tpu.memory_space<vmem>>, vector<16xi32>,
      %mul3A_3308 = arith.constant 80 : i32
      %mul3A_3309 = arith.muli %scan3A_3251, %mul3A_3308 : i32
      %multiple_of3A_3310 = tpu.assume_multiple %mul3A_3309, 16 : i32
      %add3A_3311 = arith.constant 48 : i32
      %add3A_3312 = arith.addi %multiple_of3A_3310, %add3A_3311 : i32
      %get3A_3313 = arith.index_cast %add3A_3312 : i32 to index
      %get3A_3314 = tpu.vector_load %arg11[%get3A_3313] {strides = array<i32>} : memref<10000xi32, #tpu.memory_space<vmem>>, vector<16xi32>,
      %get3A_3315 = vector.shape_cast %get3A_3314 : vector<16xi32> to vector<16xi32>
      %mul3A_3316 = arith.constant 3 : i32
      %mul3A_3317 = vector.broadcast %mul3A_3316 : i32 to vector<16xi32>
      %mul3A_3318 = arith.muli %get3A_3315, %mul3A_3317 : vector<16xi32>
      %get3A_3319 = arith.index_cast %add3A_3312 : i32 to index
      %get3A_3320 = tpu.vector_load %arg12[%get3A_3319] {strides = array<i32>} : memref<10000xi32, #tpu.memory_space<vmem>>, vector<16xi32>,
      %get3A_3321 = vector.shape_cast %get3A_3320 : vector<16xi32> to vector<16xi32>
      %add3A_3322 = arith.addi %mul3A_3318, %get3A_3321 : vector<16xi32>
      %swap3A_3323 = arith.index_cast %add3A_3312 : i32 to index
      %swap3A_3324 = tpu.vector_load %arg11[%swap3A_3323] {strides = array<i32>} : memref<10000xi32, #tpu.memory_space<vmem>>, vector<16xi32>,
      %swap3A_3325 = vector.shape_cast %swap3A_3324 : vector<16xi32> to vector<16xi32>
      %swap3A_3326 = vector.shape_cast %add3A_3322 : vector<16xi32> to vector<16xi32>
      tpu.vector_store %arg11[%swap3A_3323], %swap3A_3326 {strides = array<i32>} : memref<10000xi32, #tpu.memory_space<vmem>>, vector<16xi32>,
      %mul3A_3327 = arith.constant 80 : i32
      %mul3A_3328 = arith.muli %scan3A_3251, %mul3A_3327 : i32
      %multiple_of3A_3329 = tpu.assume_multiple %mul3A_3328, 16 : i32
      %add3A_3330 = arith.constant 64 : i32
      %add3A_3331 = arith.addi %multiple_of3A_3329, %add3A_3330 : i32
      %get3A_3332 = arith.index_cast %add3A_3331 : i32 to index
      %get3A_3333 = tpu.vector_load %arg11[%get3A_3332] {strides = array<i32>} : memref<10000xi32, #tpu.memory_space<vmem>>, vector<16xi32>,
      %get3A_3334 = vector.shape_cast %get3A_3333 : vector<16xi32> to vector<16xi32>
      %mul3A_3335 = arith.constant 3 : i32
      %mul3A_3336 = vector.broadcast %mul3A_3335 : i32 to vector<16xi32>
      %mul3A_3337 = arith.muli %get3A_3334, %mul3A_3336 : vector<16xi32>
      %get3A_3338 = arith.index_cast %add3A_3331 : i32 to index
      %get3A_3339 = tpu.vector_load %arg12[%get3A_3338] {strides = array<i32>} : memref<10000xi32, #tpu.memory_space<vmem>>, vector<16xi32>,
      %get3A_3340 = vector.shape_cast %get3A_3339 : vector<16xi32> to vector<16xi32>
      %add3A_3341 = arith.addi %mul3A_3337, %get3A_3340 : vector<16xi32>
      %swap3A_3342 = arith.index_cast %add3A_3331 : i32 to index
      %swap3A_3343 = tpu.vector_load %arg11[%swap3A_3342] {strides = array<i32>} : memref<10000xi32, #tpu.memory_space<vmem>>, vector<16xi32>,
      %swap3A_3344 = vector.shape_cast %swap3A_3343 : vector<16xi32> to vector<16xi32>
      %swap3A_3345 = vector.shape_cast %add3A_3341 : vector<16xi32> to vector<16xi32>
      tpu.vector_store %arg11[%swap3A_3342], %swap3A_3345 {strides = array<i32>} : memref<10000xi32, #tpu.memory_space<vmem>>, vector<16xi32>,
    }
    %scan3A_2750 = arith.constant 125 : i32
    %dma_start3A_2751 = arith.constant 0 : i32
    %dma_start3A_2752 = tpu.memref_slice %arg11[%dma_start3A_2751] : memref<10000xi32, #tpu.memory_space<vmem>> -> memref<400xi32, #tpu.memory_space<vmem>>
    %dma_start3A_2753 = arith.constant 0 : i32
    %dma_start3A_2754 = arith.constant 0 : i32
    %dma_start3A_2755 = tpu.memref_slice %arg10[%dma_start3A_2753, %dma_start3A_2754] : memref<24x128xf32, #tpu.memory_space<vmem_shared>> -> memref<24x128xf32, #tpu.memory_space<vmem_shared>>
    tpu.enqueue_indirect_dma source(%dma_start3A_2755 : memref<24x128xf32, #tpu.memory_space<vmem_shared>>) target(%arg13 : memref<400x128xf32, #tpu.memory_space<vmem>>) offsets(%dma_start3A_2752 : memref<400xi32, #tpu.memory_space<vmem>>) semaphore(%arg15 : memref<!tpu.dma_semaphore, #tpu.memory_space<semaphore_mem>>)
    %dma_wait3A_2756 = arith.constant 0 : i32
    %dma_wait3A_2757 = tpu.memref_slice %arg11[%dma_wait3A_2756] : memref<10000xi32, #tpu.memory_space<vmem>> -> memref<400xi32, #tpu.memory_space<vmem>>
    %dma_wait3A_2758 = arith.constant 0 : i32
    %dma_wait3A_2759 = arith.constant 0 : i32
    %dma_wait3A_2760 = tpu.memref_slice %arg10[%dma_wait3A_2758, %dma_wait3A_2759] : memref<24x128xf32, #tpu.memory_space<vmem_shared>> -> memref<24x128xf32, #tpu.memory_space<vmem_shared>>
    tpu.wait_indirect_dma semaphore(%arg15 : memref<!tpu.dma_semaphore, #tpu.memory_space<semaphore_mem>>) src(%dma_wait3A_2760 : memref<24x128xf32, #tpu.memory_space<vmem_shared>>) dst(%arg13 : memref<400x128xf32, #tpu.memory_space<vmem>>)
    %add3A_2761 = arith.constant 0 : i32
    %add3A_2762 = arith.addi %mul3A_2, %add3A_2761 : i32
    %dma_start3A_2763 = arith.constant 0 : i32
    %dma_start3A_2764 = tpu.memref_slice %arg6[%add3A_2762, %dma_start3A_2763] : memref<320000x128xf32, #tpu.memory_space<hbm>> -> memref<400x128xf32, #tpu.memory_space<hbm>>
    %dma_start3A_2765 = arith.constant 0 : i32
    %dma_start3A_2766 = tpu.memref_slice %arg6[%add3A_2762, %dma_start3A_2765] : memref<320000x128xf32, #tpu.memory_space<hbm>> -> memref<400x128xf32, #tpu.memory_space<hbm>>
    tpu.enqueue_dma source(%arg13 : memref<400x128xf32, #tpu.memory_space<vmem>>) target(%dma_start3A_2766 : memref<400x128xf32, #tpu.memory_space<hbm>>) target_semaphore(%arg17 : memref<!tpu.dma_semaphore, #tpu.memory_space<semaphore_mem>>)
    %dma_start3A_2767 = arith.constant 400 : i32
    %dma_start3A_2768 = tpu.memref_slice %arg11[%dma_start3A_2767] : memref<10000xi32, #tpu.memory_space<vmem>> -> memref<400xi32, #tpu.memory_space<vmem>>
    %dma_start3A_2769 = arith.constant 0 : i32
    %dma_start3A_2770 = arith.constant 0 : i32
    %dma_start3A_2771 = tpu.memref_slice %arg10[%dma_start3A_2769, %dma_start3A_2770] : memref<24x128xf32, #tpu.memory_space<vmem_shared>> -> memref<24x128xf32, #tpu.memory_space<vmem_shared>>
    tpu.enqueue_indirect_dma source(%dma_start3A_2771 : memref<24x128xf32, #tpu.memory_space<vmem_shared>>) target(%arg14 : memref<400x128xf32, #tpu.memory_space<vmem>>) offsets(%dma_start3A_2768 : memref<400xi32, #tpu.memory_space<vmem>>) semaphore(%arg16 : memref<!tpu.dma_semaphore, #tpu.memory_space<semaphore_mem>>)
    %dma_wait3A_2772 = arith.constant 400 : i32
    %dma_wait3A_2773 = tpu.memref_slice %arg11[%dma_wait3A_2772] : memref<10000xi32, #tpu.memory_space<vmem>> -> memref<400xi32, #tpu.memory_space<vmem>>
    %dma_wait3A_2774 = arith.constant 0 : i32
    %dma_wait3A_2775 = arith.constant 0 : i32
    %dma_wait3A_2776 = tpu.memref_slice %arg10[%dma_wait3A_2774, %dma_wait3A_2775] : memref<24x128xf32, #tpu.memory_space<vmem_shared>> -> memref<24x128xf32, #tpu.memory_space<vmem_shared>>
    tpu.wait_indirect_dma semaphore(%arg16 : memref<!tpu.dma_semaphore, #tpu.memory_space<semaphore_mem>>) src(%dma_wait3A_2776 : memref<24x128xf32, #tpu.memory_space<vmem_shared>>) dst(%arg14 : memref<400x128xf32, #tpu.memory_space<vmem>>)
    %add3A_2777 = arith.constant 400 : i32
    %add3A_2778 = arith.addi %mul3A_2, %add3A_2777 : i32
    %dma_start3A_2779 = arith.constant 0 : i32
    %dma_start3A_2780 = tpu.memref_slice %arg6[%add3A_2778, %dma_start3A_2779] : memref<320000x128xf32, #tpu.memory_space<hbm>> -> memref<400x128xf32, #tpu.memory_space<hbm>>
    %dma_start3A_2781 = arith.constant 0 : i32
    %dma_start3A_2782 = tpu.memref_slice %arg6[%add3A_2778, %dma_start3A_2781] : memref<320000x128xf32, #tpu.memory_space<hbm>> -> memref<400x128xf32, #tpu.memory_space<hbm>>
    tpu.enqueue_dma source(%arg14 : memref<400x128xf32, #tpu.memory_space<vmem>>) target(%dma_start3A_2782 : memref<400x128xf32, #tpu.memory_space<hbm>>) target_semaphore(%arg18 : memref<!tpu.dma_semaphore, #tpu.memory_space<semaphore_mem>>)
    %dma_wait3A_2783 = arith.constant 0 : i32
    %dma_wait3A_2784 = tpu.memref_slice %arg6[%add3A_2762, %dma_wait3A_2783] : memref<320000x128xf32, #tpu.memory_space<hbm>> -> memref<400x128xf32, #tpu.memory_space<hbm>>
    %dma_wait3A_2785 = arith.constant 0 : i32
    %dma_wait3A_2786 = tpu.memref_slice %arg6[%add3A_2762, %dma_wait3A_2785] : memref<320000x128xf32, #tpu.memory_space<hbm>> -> memref<400x128xf32, #tpu.memory_space<hbm>>
    tpu.wait_dma2 semaphore(%arg17 : memref<!tpu.dma_semaphore, #tpu.memory_space<semaphore_mem>>) src(%arg13 : memref<400x128xf32, #tpu.memory_space<vmem>>) dst(%dma_wait3A_2786 : memref<400x128xf32, #tpu.memory_space<hbm>>)
    %dma_start3A_2787 = arith.constant 800 : i32
    %dma_start3A_2788 = tpu.memref_slice %arg11[%dma_start3A_2787] : memref<10000xi32, #tpu.memory_space<vmem>> -> memref<400xi32, #tpu.memory_space<vmem>>
    %dma_start3A_2789 = arith.constant 0 : i32
    %dma_start3A_2790 = arith.constant 0 : i32
    %dma_start3A_2791 = tpu.memref_slice %arg10[%dma_start3A_2789, %dma_start3A_2790] : memref<24x128xf32, #tpu.memory_space<vmem_shared>> -> memref<24x128xf32, #tpu.memory_space<vmem_shared>>
    tpu.enqueue_indirect_dma source(%dma_start3A_2791 : memref<24x128xf32, #tpu.memory_space<vmem_shared>>) target(%arg13 : memref<400x128xf32, #tpu.memory_space<vmem>>) offsets(%dma_start3A_2788 : memref<400xi32, #tpu.memory_space<vmem>>) semaphore(%arg15 : memref<!tpu.dma_semaphore, #tpu.memory_space<semaphore_mem>>)
    %dma_wait3A_2792 = arith.constant 800 : i32
    %dma_wait3A_2793 = tpu.memref_slice %arg11[%dma_wait3A_2792] : memref<10000xi32, #tpu.memory_space<vmem>> -> memref<400xi32, #tpu.memory_space<vmem>>
    %dma_wait3A_2794 = arith.constant 0 : i32
    %dma_wait3A_2795 = arith.constant 0 : i32
    %dma_wait3A_2796 = tpu.memref_slice %arg10[%dma_wait3A_2794, %dma_wait3A_2795] : memref<24x128xf32, #tpu.memory_space<vmem_shared>> -> memref<24x128xf32, #tpu.memory_space<vmem_shared>>
    tpu.wait_indirect_dma semaphore(%arg15 : memref<!tpu.dma_semaphore, #tpu.memory_space<semaphore_mem>>) src(%dma_wait3A_2796 : memref<24x128xf32, #tpu.memory_space<vmem_shared>>) dst(%arg13 : memref<400x128xf32, #tpu.memory_space<vmem>>)
    %add3A_2797 = arith.constant 800 : i32
    %add3A_2798 = arith.addi %mul3A_2, %add3A_2797 : i32
    %dma_start3A_2799 = arith.constant 0 : i32
    %dma_start3A_2800 = tpu.memref_slice %arg6[%add3A_2798, %dma_start3A_2799] : memref<320000x128xf32, #tpu.memory_space<hbm>> -> memref<400x128xf32, #tpu.memory_space<hbm>>
    %dma_start3A_2801 = arith.constant 0 : i32
    %dma_start3A_2802 = tpu.memref_slice %arg6[%add3A_2798, %dma_start3A_2801] : memref<320000x128xf32, #tpu.memory_space<hbm>> -> memref<400x128xf32, #tpu.memory_space<hbm>>
    tpu.enqueue_dma source(%arg13 : memref<400x128xf32, #tpu.memory_space<vmem>>) target(%dma_start3A_2802 : memref<400x128xf32, #tpu.memory_space<hbm>>) target_semaphore(%arg17 : memref<!tpu.dma_semaphore, #tpu.memory_space<semaphore_mem>>)
    %dma_wait3A_2803 = arith.constant 0 : i32
    %dma_wait3A_2804 = tpu.memref_slice %arg6[%add3A_2778, %dma_wait3A_2803] : memref<320000x128xf32, #tpu.memory_space<hbm>> -> memref<400x128xf32, #tpu.memory_space<hbm>>
    %dma_wait3A_2805 = arith.constant 0 : i32
    %dma_wait3A_2806 = tpu.memref_slice %arg6[%add3A_2778, %dma_wait3A_2805] : memref<320000x128xf32, #tpu.memory_space<hbm>> -> memref<400x128xf32, #tpu.memory_space<hbm>>
    tpu.wait_dma2 semaphore(%arg18 : memref<!tpu.dma_semaphore, #tpu.memory_space<semaphore_mem>>) src(%arg14 : memref<400x128xf32, #tpu.memory_space<vmem>>) dst(%dma_wait3A_2806 : memref<400x128xf32, #tpu.memory_space<hbm>>)
    %dma_start3A_2807 = arith.constant 1200 : i32
    %dma_start3A_2808 = tpu.memref_slice %arg11[%dma_start3A_2807] : memref<10000xi32, #tpu.memory_space<vmem>> -> memref<400xi32, #tpu.memory_space<vmem>>
    %dma_start3A_2809 = arith.constant 0 : i32
    %dma_start3A_2810 = arith.constant 0 : i32
    %dma_start3A_2811 = tpu.memref_slice %arg10[%dma_start3A_2809, %dma_start3A_2810] : memref<24x128xf32, #tpu.memory_space<vmem_shared>> -> memref<24x128xf32, #tpu.memory_space<vmem_shared>>
    tpu.enqueue_indirect_dma source(%dma_start3A_2811 : memref<24x128xf32, #tpu.memory_space<vmem_shared>>) target(%arg14 : memref<400x128xf32, #tpu.memory_space<vmem>>) offsets(%dma_start3A_2808 : memref<400xi32, #tpu.memory_space<vmem>>) semaphore(%arg16 : memref<!tpu.dma_semaphore, #tpu.memory_space<semaphore_mem>>)
    %dma_wait3A_2812 = arith.constant 1200 : i32
    %dma_wait3A_2813 = tpu.memref_slice %arg11[%dma_wait3A_2812] : memref<10000xi32, #tpu.memory_space<vmem>> -> memref<400xi32, #tpu.memory_space<vmem>>
    %dma_wait3A_2814 = arith.constant 0 : i32
    %dma_wait3A_2815 = arith.constant 0 : i32
    %dma_wait3A_2816 = tpu.memref_slice %arg10[%dma_wait3A_2814, %dma_wait3A_2815] : memref<24x128xf32, #tpu.memory_space<vmem_shared>> -> memref<24x128xf32, #tpu.memory_space<vmem_shared>>
    tpu.wait_indirect_dma semaphore(%arg16 : memref<!tpu.dma_semaphore, #tpu.memory_space<semaphore_mem>>) src(%dma_wait3A_2816 : memref<24x128xf32, #tpu.memory_space<vmem_shared>>) dst(%arg14 : memref<400x128xf32, #tpu.memory_space<vmem>>)
    %add3A_2817 = arith.constant 1200 : i32
    %add3A_2818 = arith.addi %mul3A_2, %add3A_2817 : i32
    %dma_start3A_2819 = arith.constant 0 : i32
    %dma_start3A_2820 = tpu.memref_slice %arg6[%add3A_2818, %dma_start3A_2819] : memref<320000x128xf32, #tpu.memory_space<hbm>> -> memref<400x128xf32, #tpu.memory_space<hbm>>
    %dma_start3A_2821 = arith.constant 0 : i32
    %dma_start3A_2822 = tpu.memref_slice %arg6[%add3A_2818, %dma_start3A_2821] : memref<320000x128xf32, #tpu.memory_space<hbm>> -> memref<400x128xf32, #tpu.memory_space<hbm>>
    tpu.enqueue_dma source(%arg14 : memref<400x128xf32, #tpu.memory_space<vmem>>) target(%dma_start3A_2822 : memref<400x128xf32, #tpu.memory_space<hbm>>) target_semaphore(%arg18 : memref<!tpu.dma_semaphore, #tpu.memory_space<semaphore_mem>>)
    %dma_wait3A_2823 = arith.constant 0 : i32
    %dma_wait3A_2824 = tpu.memref_slice %arg6[%add3A_2798, %dma_wait3A_2823] : memref<320000x128xf32, #tpu.memory_space<hbm>> -> memref<400x128xf32, #tpu.memory_space<hbm>>
    %dma_wait3A_2825 = arith.constant 0 : i32
    %dma_wait3A_2826 = tpu.memref_slice %arg6[%add3A_2798, %dma_wait3A_2825] : memref<320000x128xf32, #tpu.memory_space<hbm>> -> memref<400x128xf32, #tpu.memory_space<hbm>>
    tpu.wait_dma2 semaphore(%arg17 : memref<!tpu.dma_semaphore, #tpu.memory_space<semaphore_mem>>) src(%arg13 : memref<400x128xf32, #tpu.memory_space<vmem>>) dst(%dma_wait3A_2826 : memref<400x128xf32, #tpu.memory_space<hbm>>)
    %dma_start3A_2827 = arith.constant 1600 : i32
    %dma_start3A_2828 = tpu.memref_slice %arg11[%dma_start3A_2827] : memref<10000xi32, #tpu.memory_space<vmem>> -> memref<400xi32, #tpu.memory_space<vmem>>
    %dma_start3A_2829 = arith.constant 0 : i32
    %dma_start3A_2830 = arith.constant 0 : i32
    %dma_start3A_2831 = tpu.memref_slice %arg10[%dma_start3A_2829, %dma_start3A_2830] : memref<24x128xf32, #tpu.memory_space<vmem_shared>> -> memref<24x128xf32, #tpu.memory_space<vmem_shared>>
    tpu.enqueue_indirect_dma source(%dma_start3A_2831 : memref<24x128xf32, #tpu.memory_space<vmem_shared>>) target(%arg13 : memref<400x128xf32, #tpu.memory_space<vmem>>) offsets(%dma_start3A_2828 : memref<400xi32, #tpu.memory_space<vmem>>) semaphore(%arg15 : memref<!tpu.dma_semaphore, #tpu.memory_space<semaphore_mem>>)
    %dma_wait3A_2832 = arith.constant 1600 : i32
    %dma_wait3A_2833 = tpu.memref_slice %arg11[%dma_wait3A_2832] : memref<10000xi32, #tpu.memory_space<vmem>> -> memref<400xi32, #tpu.memory_space<vmem>>
    %dma_wait3A_2834 = arith.constant 0 : i32
    %dma_wait3A_2835 = arith.constant 0 : i32
    %dma_wait3A_2836 = tpu.memref_slice %arg10[%dma_wait3A_2834, %dma_wait3A_2835] : memref<24x128xf32, #tpu.memory_space<vmem_shared>> -> memref<24x128xf32, #tpu.memory_space<vmem_shared>>
    tpu.wait_indirect_dma semaphore(%arg15 : memref<!tpu.dma_semaphore, #tpu.memory_space<semaphore_mem>>) src(%dma_wait3A_2836 : memref<24x128xf32, #tpu.memory_space<vmem_shared>>) dst(%arg13 : memref<400x128xf32, #tpu.memory_space<vmem>>)
    %add3A_2837 = arith.constant 1600 : i32
    %add3A_2838 = arith.addi %mul3A_2, %add3A_2837 : i32
    %dma_start3A_2839 = arith.constant 0 : i32
    %dma_start3A_2840 = tpu.memref_slice %arg6[%add3A_2838, %dma_start3A_2839] : memref<320000x128xf32, #tpu.memory_space<hbm>> -> memref<400x128xf32, #tpu.memory_space<hbm>>
    %dma_start3A_2841 = arith.constant 0 : i32
    %dma_start3A_2842 = tpu.memref_slice %arg6[%add3A_2838, %dma_start3A_2841] : memref<320000x128xf32, #tpu.memory_space<hbm>> -> memref<400x128xf32, #tpu.memory_space<hbm>>
    tpu.enqueue_dma source(%arg13 : memref<400x128xf32, #tpu.memory_space<vmem>>) target(%dma_start3A_2842 : memref<400x128xf32, #tpu.memory_space<hbm>>) target_semaphore(%arg17 : memref<!tpu.dma_semaphore, #tpu.memory_space<semaphore_mem>>)
    %dma_wait3A_2843 = arith.constant 0 : i32
    %dma_wait3A_2844 = tpu.memref_slice %arg6[%add3A_2818, %dma_wait3A_2843] : memref<320000x128xf32, #tpu.memory_space<hbm>> -> memref<400x128xf32, #tpu.memory_space<hbm>>
    %dma_wait3A_2845 = arith.constant 0 : i32
    %dma_wait3A_2846 = tpu.memref_slice %arg6[%add3A_2818, %dma_wait3A_2845] : memref<320000x128xf32, #tpu.memory_space<hbm>> -> memref<400x128xf32, #tpu.memory_space<hbm>>
    tpu.wait_dma2 semaphore(%arg18 : memref<!tpu.dma_semaphore, #tpu.memory_space<semaphore_mem>>) src(%arg14 : memref<400x128xf32, #tpu.memory_space<vmem>>) dst(%dma_wait3A_2846 : memref<400x128xf32, #tpu.memory_space<hbm>>)
    %dma_start3A_2847 = arith.constant 2000 : i32
    %dma_start3A_2848 = tpu.memref_slice %arg11[%dma_start3A_2847] : memref<10000xi32, #tpu.memory_space<vmem>> -> memref<400xi32, #tpu.memory_space<vmem>>
    %dma_start3A_2849 = arith.constant 0 : i32
    %dma_start3A_2850 = arith.constant 0 : i32
    %dma_start3A_2851 = tpu.memref_slice %arg10[%dma_start3A_2849, %dma_start3A_2850] : memref<24x128xf32, #tpu.memory_space<vmem_shared>> -> memref<24x128xf32, #tpu.memory_space<vmem_shared>>
    tpu.enqueue_indirect_dma source(%dma_start3A_2851 : memref<24x128xf32, #tpu.memory_space<vmem_shared>>) target(%arg14 : memref<400x128xf32, #tpu.memory_space<vmem>>) offsets(%dma_start3A_2848 : memref<400xi32, #tpu.memory_space<vmem>>) semaphore(%arg16 : memref<!tpu.dma_semaphore, #tpu.memory_space<semaphore_mem>>)
    %dma_wait3A_2852 = arith.constant 2000 : i32
    %dma_wait3A_2853 = tpu.memref_slice %arg11[%dma_wait3A_2852] : memref<10000xi32, #tpu.memory_space<vmem>> -> memref<400xi32, #tpu.memory_space<vmem>>
    %dma_wait3A_2854 = arith.constant 0 : i32
    %dma_wait3A_2855 = arith.constant 0 : i32
    %dma_wait3A_2856 = tpu.memref_slice %arg10[%dma_wait3A_2854, %dma_wait3A_2855] : memref<24x128xf32, #tpu.memory_space<vmem_shared>> -> memref<24x128xf32, #tpu.memory_space<vmem_shared>>
    tpu.wait_indirect_dma semaphore(%arg16 : memref<!tpu.dma_semaphore, #tpu.memory_space<semaphore_mem>>) src(%dma_wait3A_2856 : memref<24x128xf32, #tpu.memory_space<vmem_shared>>) dst(%arg14 : memref<400x128xf32, #tpu.memory_space<vmem>>)
    %add3A_2857 = arith.constant 2000 : i32
    %add3A_2858 = arith.addi %mul3A_2, %add3A_2857 : i32
    %dma_start3A_2859 = arith.constant 0 : i32
    %dma_start3A_2860 = tpu.memref_slice %arg6[%add3A_2858, %dma_start3A_2859] : memref<320000x128xf32, #tpu.memory_space<hbm>> -> memref<400x128xf32, #tpu.memory_space<hbm>>
    %dma_start3A_2861 = arith.constant 0 : i32
    %dma_start3A_2862 = tpu.memref_slice %arg6[%add3A_2858, %dma_start3A_2861] : memref<320000x128xf32, #tpu.memory_space<hbm>> -> memref<400x128xf32, #tpu.memory_space<hbm>>
    tpu.enqueue_dma source(%arg14 : memref<400x128xf32, #tpu.memory_space<vmem>>) target(%dma_start3A_2862 : memref<400x128xf32, #tpu.memory_space<hbm>>) target_semaphore(%arg18 : memref<!tpu.dma_semaphore, #tpu.memory_space<semaphore_mem>>)
    %dma_wait3A_2863 = arith.constant 0 : i32
    %dma_wait3A_2864 = tpu.memref_slice %arg6[%add3A_2838, %dma_wait3A_2863] : memref<320000x128xf32, #tpu.memory_space<hbm>> -> memref<400x128xf32, #tpu.memory_space<hbm>>
    %dma_wait3A_2865 = arith.constant 0 : i32
    %dma_wait3A_2866 = tpu.memref_slice %arg6[%add3A_2838, %dma_wait3A_2865] : memref<320000x128xf32, #tpu.memory_space<hbm>> -> memref<400x128xf32, #tpu.memory_space<hbm>>
    tpu.wait_dma2 semaphore(%arg17 : memref<!tpu.dma_semaphore, #tpu.memory_space<semaphore_mem>>) src(%arg13 : memref<400x128xf32, #tpu.memory_space<vmem>>) dst(%dma_wait3A_2866 : memref<400x128xf32, #tpu.memory_space<hbm>>)
    %dma_start3A_2867 = arith.constant 2400 : i32
    %dma_start3A_2868 = tpu.memref_slice %arg11[%dma_start3A_2867] : memref<10000xi32, #tpu.memory_space<vmem>> -> memref<400xi32, #tpu.memory_space<vmem>>
    %dma_start3A_2869 = arith.constant 0 : i32
    %dma_start3A_2870 = arith.constant 0 : i32
    %dma_start3A_2871 = tpu.memref_slice %arg10[%dma_start3A_2869, %dma_start3A_2870] : memref<24x128xf32, #tpu.memory_space<vmem_shared>> -> memref<24x128xf32, #tpu.memory_space<vmem_shared>>
    tpu.enqueue_indirect_dma source(%dma_start3A_2871 : memref<24x128xf32, #tpu.memory_space<vmem_shared>>) target(%arg13 : memref<400x128xf32, #tpu.memory_space<vmem>>) offsets(%dma_start3A_2868 : memref<400xi32, #tpu.memory_space<vmem>>) semaphore(%arg15 : memref<!tpu.dma_semaphore, #tpu.memory_space<semaphore_mem>>)
    %dma_wait3A_2872 = arith.constant 2400 : i32
    %dma_wait3A_2873 = tpu.memref_slice %arg11[%dma_wait3A_2872] : memref<10000xi32, #tpu.memory_space<vmem>> -> memref<400xi32, #tpu.memory_space<vmem>>
    %dma_wait3A_2874 = arith.constant 0 : i32
    %dma_wait3A_2875 = arith.constant 0 : i32
    %dma_wait3A_2876 = tpu.memref_slice %arg10[%dma_wait3A_2874, %dma_wait3A_2875] : memref<24x128xf32, #tpu.memory_space<vmem_shared>> -> memref<24x128xf32, #tpu.memory_space<vmem_shared>>
    tpu.wait_indirect_dma semaphore(%arg15 : memref<!tpu.dma_semaphore, #tpu.memory_space<semaphore_mem>>) src(%dma_wait3A_2876 : memref<24x128xf32, #tpu.memory_space<vmem_shared>>) dst(%arg13 : memref<400x128xf32, #tpu.memory_space<vmem>>)
    %add3A_2877 = arith.constant 2400 : i32
    %add3A_2878 = arith.addi %mul3A_2, %add3A_2877 : i32
    %dma_start3A_2879 = arith.constant 0 : i32
    %dma_start3A_2880 = tpu.memref_slice %arg6[%add3A_2878, %dma_start3A_2879] : memref<320000x128xf32, #tpu.memory_space<hbm>> -> memref<400x128xf32, #tpu.memory_space<hbm>>
    %dma_start3A_2881 = arith.constant 0 : i32
    %dma_start3A_2882 = tpu.memref_slice %arg6[%add3A_2878, %dma_start3A_2881] : memref<320000x128xf32, #tpu.memory_space<hbm>> -> memref<400x128xf32, #tpu.memory_space<hbm>>
    tpu.enqueue_dma source(%arg13 : memref<400x128xf32, #tpu.memory_space<vmem>>) target(%dma_start3A_2882 : memref<400x128xf32, #tpu.memory_space<hbm>>) target_semaphore(%arg17 : memref<!tpu.dma_semaphore, #tpu.memory_space<semaphore_mem>>)
    %dma_wait3A_2883 = arith.constant 0 : i32
    %dma_wait3A_2884 = tpu.memref_slice %arg6[%add3A_2858, %dma_wait3A_2883] : memref<320000x128xf32, #tpu.memory_space<hbm>> -> memref<400x128xf32, #tpu.memory_space<hbm>>
    %dma_wait3A_2885 = arith.constant 0 : i32
    %dma_wait3A_2886 = tpu.memref_slice %arg6[%add3A_2858, %dma_wait3A_2885] : memref<320000x128xf32, #tpu.memory_space<hbm>> -> memref<400x128xf32, #tpu.memory_space<hbm>>
    tpu.wait_dma2 semaphore(%arg18 : memref<!tpu.dma_semaphore, #tpu.memory_space<semaphore_mem>>) src(%arg14 : memref<400x128xf32, #tpu.memory_space<vmem>>) dst(%dma_wait3A_2886 : memref<400x128xf32, #tpu.memory_space<hbm>>)
    %dma_start3A_2887 = arith.constant 2800 : i32
    %dma_start3A_2888 = tpu.memref_slice %arg11[%dma_start3A_2887] : memref<10000xi32, #tpu.memory_space<vmem>> -> memref<400xi32, #tpu.memory_space<vmem>>
    %dma_start3A_2889 = arith.constant 0 : i32
    %dma_start3A_2890 = arith.constant 0 : i32
    %dma_start3A_2891 = tpu.memref_slice %arg10[%dma_start3A_2889, %dma_start3A_2890] : memref<24x128xf32, #tpu.memory_space<vmem_shared>> -> memref<24x128xf32, #tpu.memory_space<vmem_shared>>
    tpu.enqueue_indirect_dma source(%dma_start3A_2891 : memref<24x128xf32, #tpu.memory_space<vmem_shared>>) target(%arg14 : memref<400x128xf32, #tpu.memory_space<vmem>>) offsets(%dma_start3A_2888 : memref<400xi32, #tpu.memory_space<vmem>>) semaphore(%arg16 : memref<!tpu.dma_semaphore, #tpu.memory_space<semaphore_mem>>)
    %dma_wait3A_2892 = arith.constant 2800 : i32
    %dma_wait3A_2893 = tpu.memref_slice %arg11[%dma_wait3A_2892] : memref<10000xi32, #tpu.memory_space<vmem>> -> memref<400xi32, #tpu.memory_space<vmem>>
    %dma_wait3A_2894 = arith.constant 0 : i32
    %dma_wait3A_2895 = arith.constant 0 : i32
    %dma_wait3A_2896 = tpu.memref_slice %arg10[%dma_wait3A_2894, %dma_wait3A_2895] : memref<24x128xf32, #tpu.memory_space<vmem_shared>> -> memref<24x128xf32, #tpu.memory_space<vmem_shared>>
    tpu.wait_indirect_dma semaphore(%arg16 : memref<!tpu.dma_semaphore, #tpu.memory_space<semaphore_mem>>) src(%dma_wait3A_2896 : memref<24x128xf32, #tpu.memory_space<vmem_shared>>) dst(%arg14 : memref<400x128xf32, #tpu.memory_space<vmem>>)
    %add3A_2897 = arith.constant 2800 : i32
    %add3A_2898 = arith.addi %mul3A_2, %add3A_2897 : i32
    %dma_start3A_2899 = arith.constant 0 : i32
    %dma_start3A_2900 = tpu.memref_slice %arg6[%add3A_2898, %dma_start3A_2899] : memref<320000x128xf32, #tpu.memory_space<hbm>> -> memref<400x128xf32, #tpu.memory_space<hbm>>
    %dma_start3A_2901 = arith.constant 0 : i32
    %dma_start3A_2902 = tpu.memref_slice %arg6[%add3A_2898, %dma_start3A_2901] : memref<320000x128xf32, #tpu.memory_space<hbm>> -> memref<400x128xf32, #tpu.memory_space<hbm>>
    tpu.enqueue_dma source(%arg14 : memref<400x128xf32, #tpu.memory_space<vmem>>) target(%dma_start3A_2902 : memref<400x128xf32, #tpu.memory_space<hbm>>) target_semaphore(%arg18 : memref<!tpu.dma_semaphore, #tpu.memory_space<semaphore_mem>>)
    %dma_wait3A_2903 = arith.constant 0 : i32
    %dma_wait3A_2904 = tpu.memref_slice %arg6[%add3A_2878, %dma_wait3A_2903] : memref<320000x128xf32, #tpu.memory_space<hbm>> -> memref<400x128xf32, #tpu.memory_space<hbm>>
    %dma_wait3A_2905 = arith.constant 0 : i32
    %dma_wait3A_2906 = tpu.memref_slice %arg6[%add3A_2878, %dma_wait3A_2905] : memref<320000x128xf32, #tpu.memory_space<hbm>> -> memref<400x128xf32, #tpu.memory_space<hbm>>
    tpu.wait_dma2 semaphore(%arg17 : memref<!tpu.dma_semaphore, #tpu.memory_space<semaphore_mem>>) src(%arg13 : memref<400x128xf32, #tpu.memory_space<vmem>>) dst(%dma_wait3A_2906 : memref<400x128xf32, #tpu.memory_space<hbm>>)
    %dma_start3A_2907 = arith.constant 3200 : i32
    %dma_start3A_2908 = tpu.memref_slice %arg11[%dma_start3A_2907] : memref<10000xi32, #tpu.memory_space<vmem>> -> memref<400xi32, #tpu.memory_space<vmem>>
    %dma_start3A_2909 = arith.constant 0 : i32
    %dma_start3A_2910 = arith.constant 0 : i32
    %dma_start3A_2911 = tpu.memref_slice %arg10[%dma_start3A_2909, %dma_start3A_2910] : memref<24x128xf32, #tpu.memory_space<vmem_shared>> -> memref<24x128xf32, #tpu.memory_space<vmem_shared>>
    tpu.enqueue_indirect_dma source(%dma_start3A_2911 : memref<24x128xf32, #tpu.memory_space<vmem_shared>>) target(%arg13 : memref<400x128xf32, #tpu.memory_space<vmem>>) offsets(%dma_start3A_2908 : memref<400xi32, #tpu.memory_space<vmem>>) semaphore(%arg15 : memref<!tpu.dma_semaphore, #tpu.memory_space<semaphore_mem>>)
    %dma_wait3A_2912 = arith.constant 3200 : i32
    %dma_wait3A_2913 = tpu.memref_slice %arg11[%dma_wait3A_2912] : memref<10000xi32, #tpu.memory_space<vmem>> -> memref<400xi32, #tpu.memory_space<vmem>>
    %dma_wait3A_2914 = arith.constant 0 : i32
    %dma_wait3A_2915 = arith.constant 0 : i32
    %dma_wait3A_2916 = tpu.memref_slice %arg10[%dma_wait3A_2914, %dma_wait3A_2915] : memref<24x128xf32, #tpu.memory_space<vmem_shared>> -> memref<24x128xf32, #tpu.memory_space<vmem_shared>>
    tpu.wait_indirect_dma semaphore(%arg15 : memref<!tpu.dma_semaphore, #tpu.memory_space<semaphore_mem>>) src(%dma_wait3A_2916 : memref<24x128xf32, #tpu.memory_space<vmem_shared>>) dst(%arg13 : memref<400x128xf32, #tpu.memory_space<vmem>>)
    %add3A_2917 = arith.constant 3200 : i32
    %add3A_2918 = arith.addi %mul3A_2, %add3A_2917 : i32
    %dma_start3A_2919 = arith.constant 0 : i32
    %dma_start3A_2920 = tpu.memref_slice %arg6[%add3A_2918, %dma_start3A_2919] : memref<320000x128xf32, #tpu.memory_space<hbm>> -> memref<400x128xf32, #tpu.memory_space<hbm>>
    %dma_start3A_2921 = arith.constant 0 : i32
    %dma_start3A_2922 = tpu.memref_slice %arg6[%add3A_2918, %dma_start3A_2921] : memref<320000x128xf32, #tpu.memory_space<hbm>> -> memref<400x128xf32, #tpu.memory_space<hbm>>
    tpu.enqueue_dma source(%arg13 : memref<400x128xf32, #tpu.memory_space<vmem>>) target(%dma_start3A_2922 : memref<400x128xf32, #tpu.memory_space<hbm>>) target_semaphore(%arg17 : memref<!tpu.dma_semaphore, #tpu.memory_space<semaphore_mem>>)
    %dma_wait3A_2923 = arith.constant 0 : i32
    %dma_wait3A_2924 = tpu.memref_slice %arg6[%add3A_2898, %dma_wait3A_2923] : memref<320000x128xf32, #tpu.memory_space<hbm>> -> memref<400x128xf32, #tpu.memory_space<hbm>>
    %dma_wait3A_2925 = arith.constant 0 : i32
    %dma_wait3A_2926 = tpu.memref_slice %arg6[%add3A_2898, %dma_wait3A_2925] : memref<320000x128xf32, #tpu.memory_space<hbm>> -> memref<400x128xf32, #tpu.memory_space<hbm>>
    tpu.wait_dma2 semaphore(%arg18 : memref<!tpu.dma_semaphore, #tpu.memory_space<semaphore_mem>>) src(%arg14 : memref<400x128xf32, #tpu.memory_space<vmem>>) dst(%dma_wait3A_2926 : memref<400x128xf32, #tpu.memory_space<hbm>>)
    %dma_start3A_2927 = arith.constant 3600 : i32
    %dma_start3A_2928 = tpu.memref_slice %arg11[%dma_start3A_2927] : memref<10000xi32, #tpu.memory_space<vmem>> -> memref<400xi32, #tpu.memory_space<vmem>>
    %dma_start3A_2929 = arith.constant 0 : i32
    %dma_start3A_2930 = arith.constant 0 : i32
    %dma_start3A_2931 = tpu.memref_slice %arg10[%dma_start3A_2929, %dma_start3A_2930] : memref<24x128xf32, #tpu.memory_space<vmem_shared>> -> memref<24x128xf32, #tpu.memory_space<vmem_shared>>
    tpu.enqueue_indirect_dma source(%dma_start3A_2931 : memref<24x128xf32, #tpu.memory_space<vmem_shared>>) target(%arg14 : memref<400x128xf32, #tpu.memory_space<vmem>>) offsets(%dma_start3A_2928 : memref<400xi32, #tpu.memory_space<vmem>>) semaphore(%arg16 : memref<!tpu.dma_semaphore, #tpu.memory_space<semaphore_mem>>)
    %dma_wait3A_2932 = arith.constant 3600 : i32
    %dma_wait3A_2933 = tpu.memref_slice %arg11[%dma_wait3A_2932] : memref<10000xi32, #tpu.memory_space<vmem>> -> memref<400xi32, #tpu.memory_space<vmem>>
    %dma_wait3A_2934 = arith.constant 0 : i32
    %dma_wait3A_2935 = arith.constant 0 : i32
    %dma_wait3A_2936 = tpu.memref_slice %arg10[%dma_wait3A_2934, %dma_wait3A_2935] : memref<24x128xf32, #tpu.memory_space<vmem_shared>> -> memref<24x128xf32, #tpu.memory_space<vmem_shared>>
    tpu.wait_indirect_dma semaphore(%arg16 : memref<!tpu.dma_semaphore, #tpu.memory_space<semaphore_mem>>) src(%dma_wait3A_2936 : memref<24x128xf32, #tpu.memory_space<vmem_shared>>) dst(%arg14 : memref<400x128xf32, #tpu.memory_space<vmem>>)
    %add3A_2937 = arith.constant 3600 : i32
    %add3A_2938 = arith.addi %mul3A_2, %add3A_2937 : i32
    %dma_start3A_2939 = arith.constant 0 : i32
    %dma_start3A_2940 = tpu.memref_slice %arg6[%add3A_2938, %dma_start3A_2939] : memref<320000x128xf32, #tpu.memory_space<hbm>> -> memref<400x128xf32, #tpu.memory_space<hbm>>
    %dma_start3A_2941 = arith.constant 0 : i32
    %dma_start3A_2942 = tpu.memref_slice %arg6[%add3A_2938, %dma_start3A_2941] : memref<320000x128xf32, #tpu.memory_space<hbm>> -> memref<400x128xf32, #tpu.memory_space<hbm>>
    tpu.enqueue_dma source(%arg14 : memref<400x128xf32, #tpu.memory_space<vmem>>) target(%dma_start3A_2942 : memref<400x128xf32, #tpu.memory_space<hbm>>) target_semaphore(%arg18 : memref<!tpu.dma_semaphore, #tpu.memory_space<semaphore_mem>>)
    %dma_wait3A_2943 = arith.constant 0 : i32
    %dma_wait3A_2944 = tpu.memref_slice %arg6[%add3A_2918, %dma_wait3A_2943] : memref<320000x128xf32, #tpu.memory_space<hbm>> -> memref<400x128xf32, #tpu.memory_space<hbm>>
    %dma_wait3A_2945 = arith.constant 0 : i32
    %dma_wait3A_2946 = tpu.memref_slice %arg6[%add3A_2918, %dma_wait3A_2945] : memref<320000x128xf32, #tpu.memory_space<hbm>> -> memref<400x128xf32, #tpu.memory_space<hbm>>
    tpu.wait_dma2 semaphore(%arg17 : memref<!tpu.dma_semaphore, #tpu.memory_space<semaphore_mem>>) src(%arg13 : memref<400x128xf32, #tpu.memory_space<vmem>>) dst(%dma_wait3A_2946 : memref<400x128xf32, #tpu.memory_space<hbm>>)
    %dma_start3A_2947 = arith.constant 4000 : i32
    %dma_start3A_2948 = tpu.memref_slice %arg11[%dma_start3A_2947] : memref<10000xi32, #tpu.memory_space<vmem>> -> memref<400xi32, #tpu.memory_space<vmem>>
    %dma_start3A_2949 = arith.constant 0 : i32
    %dma_start3A_2950 = arith.constant 0 : i32
    %dma_start3A_2951 = tpu.memref_slice %arg10[%dma_start3A_2949, %dma_start3A_2950] : memref<24x128xf32, #tpu.memory_space<vmem_shared>> -> memref<24x128xf32, #tpu.memory_space<vmem_shared>>
    tpu.enqueue_indirect_dma source(%dma_start3A_2951 : memref<24x128xf32, #tpu.memory_space<vmem_shared>>) target(%arg13 : memref<400x128xf32, #tpu.memory_space<vmem>>) offsets(%dma_start3A_2948 : memref<400xi32, #tpu.memory_space<vmem>>) semaphore(%arg15 : memref<!tpu.dma_semaphore, #tpu.memory_space<semaphore_mem>>)
    %dma_wait3A_2952 = arith.constant 4000 : i32
    %dma_wait3A_2953 = tpu.memref_slice %arg11[%dma_wait3A_2952] : memref<10000xi32, #tpu.memory_space<vmem>> -> memref<400xi32, #tpu.memory_space<vmem>>
    %dma_wait3A_2954 = arith.constant 0 : i32
    %dma_wait3A_2955 = arith.constant 0 : i32
    %dma_wait3A_2956 = tpu.memref_slice %arg10[%dma_wait3A_2954, %dma_wait3A_2955] : memref<24x128xf32, #tpu.memory_space<vmem_shared>> -> memref<24x128xf32, #tpu.memory_space<vmem_shared>>
    tpu.wait_indirect_dma semaphore(%arg15 : memref<!tpu.dma_semaphore, #tpu.memory_space<semaphore_mem>>) src(%dma_wait3A_2956 : memref<24x128xf32, #tpu.memory_space<vmem_shared>>) dst(%arg13 : memref<400x128xf32, #tpu.memory_space<vmem>>)
    %add3A_2957 = arith.constant 4000 : i32
    %add3A_2958 = arith.addi %mul3A_2, %add3A_2957 : i32
    %dma_start3A_2959 = arith.constant 0 : i32
    %dma_start3A_2960 = tpu.memref_slice %arg6[%add3A_2958, %dma_start3A_2959] : memref<320000x128xf32, #tpu.memory_space<hbm>> -> memref<400x128xf32, #tpu.memory_space<hbm>>
    %dma_start3A_2961 = arith.constant 0 : i32
    %dma_start3A_2962 = tpu.memref_slice %arg6[%add3A_2958, %dma_start3A_2961] : memref<320000x128xf32, #tpu.memory_space<hbm>> -> memref<400x128xf32, #tpu.memory_space<hbm>>
    tpu.enqueue_dma source(%arg13 : memref<400x128xf32, #tpu.memory_space<vmem>>) target(%dma_start3A_2962 : memref<400x128xf32, #tpu.memory_space<hbm>>) target_semaphore(%arg17 : memref<!tpu.dma_semaphore, #tpu.memory_space<semaphore_mem>>)
    %dma_wait3A_2963 = arith.constant 0 : i32
    %dma_wait3A_2964 = tpu.memref_slice %arg6[%add3A_2938, %dma_wait3A_2963] : memref<320000x128xf32, #tpu.memory_space<hbm>> -> memref<400x128xf32, #tpu.memory_space<hbm>>
    %dma_wait3A_2965 = arith.constant 0 : i32
    %dma_wait3A_2966 = tpu.memref_slice %arg6[%add3A_2938, %dma_wait3A_2965] : memref<320000x128xf32, #tpu.memory_space<hbm>> -> memref<400x128xf32, #tpu.memory_space<hbm>>
    tpu.wait_dma2 semaphore(%arg18 : memref<!tpu.dma_semaphore, #tpu.memory_space<semaphore_mem>>) src(%arg14 : memref<400x128xf32, #tpu.memory_space<vmem>>) dst(%dma_wait3A_2966 : memref<400x128xf32, #tpu.memory_space<hbm>>)
    %dma_start3A_2967 = arith.constant 4400 : i32
    %dma_start3A_2968 = tpu.memref_slice %arg11[%dma_start3A_2967] : memref<10000xi32, #tpu.memory_space<vmem>> -> memref<400xi32, #tpu.memory_space<vmem>>
    %dma_start3A_2969 = arith.constant 0 : i32
    %dma_start3A_2970 = arith.constant 0 : i32
    %dma_start3A_2971 = tpu.memref_slice %arg10[%dma_start3A_2969, %dma_start3A_2970] : memref<24x128xf32, #tpu.memory_space<vmem_shared>> -> memref<24x128xf32, #tpu.memory_space<vmem_shared>>
    tpu.enqueue_indirect_dma source(%dma_start3A_2971 : memref<24x128xf32, #tpu.memory_space<vmem_shared>>) target(%arg14 : memref<400x128xf32, #tpu.memory_space<vmem>>) offsets(%dma_start3A_2968 : memref<400xi32, #tpu.memory_space<vmem>>) semaphore(%arg16 : memref<!tpu.dma_semaphore, #tpu.memory_space<semaphore_mem>>)
    %dma_wait3A_2972 = arith.constant 4400 : i32
    %dma_wait3A_2973 = tpu.memref_slice %arg11[%dma_wait3A_2972] : memref<10000xi32, #tpu.memory_space<vmem>> -> memref<400xi32, #tpu.memory_space<vmem>>
    %dma_wait3A_2974 = arith.constant 0 : i32
    %dma_wait3A_2975 = arith.constant 0 : i32
    %dma_wait3A_2976 = tpu.memref_slice %arg10[%dma_wait3A_2974, %dma_wait3A_2975] : memref<24x128xf32, #tpu.memory_space<vmem_shared>> -> memref<24x128xf32, #tpu.memory_space<vmem_shared>>
    tpu.wait_indirect_dma semaphore(%arg16 : memref<!tpu.dma_semaphore, #tpu.memory_space<semaphore_mem>>) src(%dma_wait3A_2976 : memref<24x128xf32, #tpu.memory_space<vmem_shared>>) dst(%arg14 : memref<400x128xf32, #tpu.memory_space<vmem>>)
    %add3A_2977 = arith.constant 4400 : i32
    %add3A_2978 = arith.addi %mul3A_2, %add3A_2977 : i32
    %dma_start3A_2979 = arith.constant 0 : i32
    %dma_start3A_2980 = tpu.memref_slice %arg6[%add3A_2978, %dma_start3A_2979] : memref<320000x128xf32, #tpu.memory_space<hbm>> -> memref<400x128xf32, #tpu.memory_space<hbm>>
    %dma_start3A_2981 = arith.constant 0 : i32
    %dma_start3A_2982 = tpu.memref_slice %arg6[%add3A_2978, %dma_start3A_2981] : memref<320000x128xf32, #tpu.memory_space<hbm>> -> memref<400x128xf32, #tpu.memory_space<hbm>>
    tpu.enqueue_dma source(%arg14 : memref<400x128xf32, #tpu.memory_space<vmem>>) target(%dma_start3A_2982 : memref<400x128xf32, #tpu.memory_space<hbm>>) target_semaphore(%arg18 : memref<!tpu.dma_semaphore, #tpu.memory_space<semaphore_mem>>)
    %dma_wait3A_2983 = arith.constant 0 : i32
    %dma_wait3A_2984 = tpu.memref_slice %arg6[%add3A_2958, %dma_wait3A_2983] : memref<320000x128xf32, #tpu.memory_space<hbm>> -> memref<400x128xf32, #tpu.memory_space<hbm>>
    %dma_wait3A_2985 = arith.constant 0 : i32
    %dma_wait3A_2986 = tpu.memref_slice %arg6[%add3A_2958, %dma_wait3A_2985] : memref<320000x128xf32, #tpu.memory_space<hbm>> -> memref<400x128xf32, #tpu.memory_space<hbm>>
    tpu.wait_dma2 semaphore(%arg17 : memref<!tpu.dma_semaphore, #tpu.memory_space<semaphore_mem>>) src(%arg13 : memref<400x128xf32, #tpu.memory_space<vmem>>) dst(%dma_wait3A_2986 : memref<400x128xf32, #tpu.memory_space<hbm>>)
    %dma_start3A_2987 = arith.constant 4800 : i32
    %dma_start3A_2988 = tpu.memref_slice %arg11[%dma_start3A_2987] : memref<10000xi32, #tpu.memory_space<vmem>> -> memref<400xi32, #tpu.memory_space<vmem>>
    %dma_start3A_2989 = arith.constant 0 : i32
    %dma_start3A_2990 = arith.constant 0 : i32
    %dma_start3A_2991 = tpu.memref_slice %arg10[%dma_start3A_2989, %dma_start3A_2990] : memref<24x128xf32, #tpu.memory_space<vmem_shared>> -> memref<24x128xf32, #tpu.memory_space<vmem_shared>>
    tpu.enqueue_indirect_dma source(%dma_start3A_2991 : memref<24x128xf32, #tpu.memory_space<vmem_shared>>) target(%arg13 : memref<400x128xf32, #tpu.memory_space<vmem>>) offsets(%dma_start3A_2988 : memref<400xi32, #tpu.memory_space<vmem>>) semaphore(%arg15 : memref<!tpu.dma_semaphore, #tpu.memory_space<semaphore_mem>>)
    %dma_wait3A_2992 = arith.constant 4800 : i32
    %dma_wait3A_2993 = tpu.memref_slice %arg11[%dma_wait3A_2992] : memref<10000xi32, #tpu.memory_space<vmem>> -> memref<400xi32, #tpu.memory_space<vmem>>
    %dma_wait3A_2994 = arith.constant 0 : i32
    %dma_wait3A_2995 = arith.constant 0 : i32
    %dma_wait3A_2996 = tpu.memref_slice %arg10[%dma_wait3A_2994, %dma_wait3A_2995] : memref<24x128xf32, #tpu.memory_space<vmem_shared>> -> memref<24x128xf32, #tpu.memory_space<vmem_shared>>
    tpu.wait_indirect_dma semaphore(%arg15 : memref<!tpu.dma_semaphore, #tpu.memory_space<semaphore_mem>>) src(%dma_wait3A_2996 : memref<24x128xf32, #tpu.memory_space<vmem_shared>>) dst(%arg13 : memref<400x128xf32, #tpu.memory_space<vmem>>)
    %add3A_2997 = arith.constant 4800 : i32
    %add3A_2998 = arith.addi %mul3A_2, %add3A_2997 : i32
    %dma_start3A_2999 = arith.constant 0 : i32
    %dma_start3A_3000 = tpu.memref_slice %arg6[%add3A_2998, %dma_start3A_2999] : memref<320000x128xf32, #tpu.memory_space<hbm>> -> memref<400x128xf32, #tpu.memory_space<hbm>>
    %dma_start3A_3001 = arith.constant 0 : i32
    %dma_start3A_3002 = tpu.memref_slice %arg6[%add3A_2998, %dma_start3A_3001] : memref<320000x128xf32, #tpu.memory_space<hbm>> -> memref<400x128xf32, #tpu.memory_space<hbm>>
    tpu.enqueue_dma source(%arg13 : memref<400x128xf32, #tpu.memory_space<vmem>>) target(%dma_start3A_3002 : memref<400x128xf32, #tpu.memory_space<hbm>>) target_semaphore(%arg17 : memref<!tpu.dma_semaphore, #tpu.memory_space<semaphore_mem>>)
    %dma_wait3A_3003 = arith.constant 0 : i32
    %dma_wait3A_3004 = tpu.memref_slice %arg6[%add3A_2978, %dma_wait3A_3003] : memref<320000x128xf32, #tpu.memory_space<hbm>> -> memref<400x128xf32, #tpu.memory_space<hbm>>
    %dma_wait3A_3005 = arith.constant 0 : i32
    %dma_wait3A_3006 = tpu.memref_slice %arg6[%add3A_2978, %dma_wait3A_3005] : memref<320000x128xf32, #tpu.memory_space<hbm>> -> memref<400x128xf32, #tpu.memory_space<hbm>>
    tpu.wait_dma2 semaphore(%arg18 : memref<!tpu.dma_semaphore, #tpu.memory_space<semaphore_mem>>) src(%arg14 : memref<400x128xf32, #tpu.memory_space<vmem>>) dst(%dma_wait3A_3006 : memref<400x128xf32, #tpu.memory_space<hbm>>)
    %dma_start3A_3007 = arith.constant 5200 : i32
    %dma_start3A_3008 = tpu.memref_slice %arg11[%dma_start3A_3007] : memref<10000xi32, #tpu.memory_space<vmem>> -> memref<400xi32, #tpu.memory_space<vmem>>
    %dma_start3A_3009 = arith.constant 0 : i32
    %dma_start3A_3010 = arith.constant 0 : i32
    %dma_start3A_3011 = tpu.memref_slice %arg10[%dma_start3A_3009, %dma_start3A_3010] : memref<24x128xf32, #tpu.memory_space<vmem_shared>> -> memref<24x128xf32, #tpu.memory_space<vmem_shared>>
    tpu.enqueue_indirect_dma source(%dma_start3A_3011 : memref<24x128xf32, #tpu.memory_space<vmem_shared>>) target(%arg14 : memref<400x128xf32, #tpu.memory_space<vmem>>) offsets(%dma_start3A_3008 : memref<400xi32, #tpu.memory_space<vmem>>) semaphore(%arg16 : memref<!tpu.dma_semaphore, #tpu.memory_space<semaphore_mem>>)
    %dma_wait3A_3012 = arith.constant 5200 : i32
    %dma_wait3A_3013 = tpu.memref_slice %arg11[%dma_wait3A_3012] : memref<10000xi32, #tpu.memory_space<vmem>> -> memref<400xi32, #tpu.memory_space<vmem>>
    %dma_wait3A_3014 = arith.constant 0 : i32
    %dma_wait3A_3015 = arith.constant 0 : i32
    %dma_wait3A_3016 = tpu.memref_slice %arg10[%dma_wait3A_3014, %dma_wait3A_3015] : memref<24x128xf32, #tpu.memory_space<vmem_shared>> -> memref<24x128xf32, #tpu.memory_space<vmem_shared>>
    tpu.wait_indirect_dma semaphore(%arg16 : memref<!tpu.dma_semaphore, #tpu.memory_space<semaphore_mem>>) src(%dma_wait3A_3016 : memref<24x128xf32, #tpu.memory_space<vmem_shared>>) dst(%arg14 : memref<400x128xf32, #tpu.memory_space<vmem>>)
    %add3A_3017 = arith.constant 5200 : i32
    %add3A_3018 = arith.addi %mul3A_2, %add3A_3017 : i32
    %dma_start3A_3019 = arith.constant 0 : i32
    %dma_start3A_3020 = tpu.memref_slice %arg6[%add3A_3018, %dma_start3A_3019] : memref<320000x128xf32, #tpu.memory_space<hbm>> -> memref<400x128xf32, #tpu.memory_space<hbm>>
    %dma_start3A_3021 = arith.constant 0 : i32
    %dma_start3A_3022 = tpu.memref_slice %arg6[%add3A_3018, %dma_start3A_3021] : memref<320000x128xf32, #tpu.memory_space<hbm>> -> memref<400x128xf32, #tpu.memory_space<hbm>>
    tpu.enqueue_dma source(%arg14 : memref<400x128xf32, #tpu.memory_space<vmem>>) target(%dma_start3A_3022 : memref<400x128xf32, #tpu.memory_space<hbm>>) target_semaphore(%arg18 : memref<!tpu.dma_semaphore, #tpu.memory_space<semaphore_mem>>)
    %dma_wait3A_3023 = arith.constant 0 : i32
    %dma_wait3A_3024 = tpu.memref_slice %arg6[%add3A_2998, %dma_wait3A_3023] : memref<320000x128xf32, #tpu.memory_space<hbm>> -> memref<400x128xf32, #tpu.memory_space<hbm>>
    %dma_wait3A_3025 = arith.constant 0 : i32
    %dma_wait3A_3026 = tpu.memref_slice %arg6[%add3A_2998, %dma_wait3A_3025] : memref<320000x128xf32, #tpu.memory_space<hbm>> -> memref<400x128xf32, #tpu.memory_space<hbm>>
    tpu.wait_dma2 semaphore(%arg17 : memref<!tpu.dma_semaphore, #tpu.memory_space<semaphore_mem>>) src(%arg13 : memref<400x128xf32, #tpu.memory_space<vmem>>) dst(%dma_wait3A_3026 : memref<400x128xf32, #tpu.memory_space<hbm>>)
    %dma_start3A_3027 = arith.constant 5600 : i32
    %dma_start3A_3028 = tpu.memref_slice %arg11[%dma_start3A_3027] : memref<10000xi32, #tpu.memory_space<vmem>> -> memref<400xi32, #tpu.memory_space<vmem>>
    %dma_start3A_3029 = arith.constant 0 : i32
    %dma_start3A_3030 = arith.constant 0 : i32
    %dma_start3A_3031 = tpu.memref_slice %arg10[%dma_start3A_3029, %dma_start3A_3030] : memref<24x128xf32, #tpu.memory_space<vmem_shared>> -> memref<24x128xf32, #tpu.memory_space<vmem_shared>>
    tpu.enqueue_indirect_dma source(%dma_start3A_3031 : memref<24x128xf32, #tpu.memory_space<vmem_shared>>) target(%arg13 : memref<400x128xf32, #tpu.memory_space<vmem>>) offsets(%dma_start3A_3028 : memref<400xi32, #tpu.memory_space<vmem>>) semaphore(%arg15 : memref<!tpu.dma_semaphore, #tpu.memory_space<semaphore_mem>>)
    %dma_wait3A_3032 = arith.constant 5600 : i32
    %dma_wait3A_3033 = tpu.memref_slice %arg11[%dma_wait3A_3032] : memref<10000xi32, #tpu.memory_space<vmem>> -> memref<400xi32, #tpu.memory_space<vmem>>
    %dma_wait3A_3034 = arith.constant 0 : i32
    %dma_wait3A_3035 = arith.constant 0 : i32
    %dma_wait3A_3036 = tpu.memref_slice %arg10[%dma_wait3A_3034, %dma_wait3A_3035] : memref<24x128xf32, #tpu.memory_space<vmem_shared>> -> memref<24x128xf32, #tpu.memory_space<vmem_shared>>
    tpu.wait_indirect_dma semaphore(%arg15 : memref<!tpu.dma_semaphore, #tpu.memory_space<semaphore_mem>>) src(%dma_wait3A_3036 : memref<24x128xf32, #tpu.memory_space<vmem_shared>>) dst(%arg13 : memref<400x128xf32, #tpu.memory_space<vmem>>)
    %add3A_3037 = arith.constant 5600 : i32
    %add3A_3038 = arith.addi %mul3A_2, %add3A_3037 : i32
    %dma_start3A_3039 = arith.constant 0 : i32
    %dma_start3A_3040 = tpu.memref_slice %arg6[%add3A_3038, %dma_start3A_3039] : memref<320000x128xf32, #tpu.memory_space<hbm>> -> memref<400x128xf32, #tpu.memory_space<hbm>>
    %dma_start3A_3041 = arith.constant 0 : i32
    %dma_start3A_3042 = tpu.memref_slice %arg6[%add3A_3038, %dma_start3A_3041] : memref<320000x128xf32, #tpu.memory_space<hbm>> -> memref<400x128xf32, #tpu.memory_space<hbm>>
    tpu.enqueue_dma source(%arg13 : memref<400x128xf32, #tpu.memory_space<vmem>>) target(%dma_start3A_3042 : memref<400x128xf32, #tpu.memory_space<hbm>>) target_semaphore(%arg17 : memref<!tpu.dma_semaphore, #tpu.memory_space<semaphore_mem>>)
    %dma_wait3A_3043 = arith.constant 0 : i32
    %dma_wait3A_3044 = tpu.memref_slice %arg6[%add3A_3018, %dma_wait3A_3043] : memref<320000x128xf32, #tpu.memory_space<hbm>> -> memref<400x128xf32, #tpu.memory_space<hbm>>
    %dma_wait3A_3045 = arith.constant 0 : i32
    %dma_wait3A_3046 = tpu.memref_slice %arg6[%add3A_3018, %dma_wait3A_3045] : memref<320000x128xf32, #tpu.memory_space<hbm>> -> memref<400x128xf32, #tpu.memory_space<hbm>>
    tpu.wait_dma2 semaphore(%arg18 : memref<!tpu.dma_semaphore, #tpu.memory_space<semaphore_mem>>) src(%arg14 : memref<400x128xf32, #tpu.memory_space<vmem>>) dst(%dma_wait3A_3046 : memref<400x128xf32, #tpu.memory_space<hbm>>)
    %dma_start3A_3047 = arith.constant 6000 : i32
    %dma_start3A_3048 = tpu.memref_slice %arg11[%dma_start3A_3047] : memref<10000xi32, #tpu.memory_space<vmem>> -> memref<400xi32, #tpu.memory_space<vmem>>
    %dma_start3A_3049 = arith.constant 0 : i32
    %dma_start3A_3050 = arith.constant 0 : i32
    %dma_start3A_3051 = tpu.memref_slice %arg10[%dma_start3A_3049, %dma_start3A_3050] : memref<24x128xf32, #tpu.memory_space<vmem_shared>> -> memref<24x128xf32, #tpu.memory_space<vmem_shared>>
    tpu.enqueue_indirect_dma source(%dma_start3A_3051 : memref<24x128xf32, #tpu.memory_space<vmem_shared>>) target(%arg14 : memref<400x128xf32, #tpu.memory_space<vmem>>) offsets(%dma_start3A_3048 : memref<400xi32, #tpu.memory_space<vmem>>) semaphore(%arg16 : memref<!tpu.dma_semaphore, #tpu.memory_space<semaphore_mem>>)
    %dma_wait3A_3052 = arith.constant 6000 : i32
    %dma_wait3A_3053 = tpu.memref_slice %arg11[%dma_wait3A_3052] : memref<10000xi32, #tpu.memory_space<vmem>> -> memref<400xi32, #tpu.memory_space<vmem>>
    %dma_wait3A_3054 = arith.constant 0 : i32
    %dma_wait3A_3055 = arith.constant 0 : i32
    %dma_wait3A_3056 = tpu.memref_slice %arg10[%dma_wait3A_3054, %dma_wait3A_3055] : memref<24x128xf32, #tpu.memory_space<vmem_shared>> -> memref<24x128xf32, #tpu.memory_space<vmem_shared>>
    tpu.wait_indirect_dma semaphore(%arg16 : memref<!tpu.dma_semaphore, #tpu.memory_space<semaphore_mem>>) src(%dma_wait3A_3056 : memref<24x128xf32, #tpu.memory_space<vmem_shared>>) dst(%arg14 : memref<400x128xf32, #tpu.memory_space<vmem>>)
    %add3A_3057 = arith.constant 6000 : i32
    %add3A_3058 = arith.addi %mul3A_2, %add3A_3057 : i32
    %dma_start3A_3059 = arith.constant 0 : i32
    %dma_start3A_3060 = tpu.memref_slice %arg6[%add3A_3058, %dma_start3A_3059] : memref<320000x128xf32, #tpu.memory_space<hbm>> -> memref<400x128xf32, #tpu.memory_space<hbm>>
    %dma_start3A_3061 = arith.constant 0 : i32
    %dma_start3A_3062 = tpu.memref_slice %arg6[%add3A_3058, %dma_start3A_3061] : memref<320000x128xf32, #tpu.memory_space<hbm>> -> memref<400x128xf32, #tpu.memory_space<hbm>>
    tpu.enqueue_dma source(%arg14 : memref<400x128xf32, #tpu.memory_space<vmem>>) target(%dma_start3A_3062 : memref<400x128xf32, #tpu.memory_space<hbm>>) target_semaphore(%arg18 : memref<!tpu.dma_semaphore, #tpu.memory_space<semaphore_mem>>)
    %dma_wait3A_3063 = arith.constant 0 : i32
    %dma_wait3A_3064 = tpu.memref_slice %arg6[%add3A_3038, %dma_wait3A_3063] : memref<320000x128xf32, #tpu.memory_space<hbm>> -> memref<400x128xf32, #tpu.memory_space<hbm>>
    %dma_wait3A_3065 = arith.constant 0 : i32
    %dma_wait3A_3066 = tpu.memref_slice %arg6[%add3A_3038, %dma_wait3A_3065] : memref<320000x128xf32, #tpu.memory_space<hbm>> -> memref<400x128xf32, #tpu.memory_space<hbm>>
    tpu.wait_dma2 semaphore(%arg17 : memref<!tpu.dma_semaphore, #tpu.memory_space<semaphore_mem>>) src(%arg13 : memref<400x128xf32, #tpu.memory_space<vmem>>) dst(%dma_wait3A_3066 : memref<400x128xf32, #tpu.memory_space<hbm>>)
    %dma_start3A_3067 = arith.constant 6400 : i32
    %dma_start3A_3068 = tpu.memref_slice %arg11[%dma_start3A_3067] : memref<10000xi32, #tpu.memory_space<vmem>> -> memref<400xi32, #tpu.memory_space<vmem>>
    %dma_start3A_3069 = arith.constant 0 : i32
    %dma_start3A_3070 = arith.constant 0 : i32
    %dma_start3A_3071 = tpu.memref_slice %arg10[%dma_start3A_3069, %dma_start3A_3070] : memref<24x128xf32, #tpu.memory_space<vmem_shared>> -> memref<24x128xf32, #tpu.memory_space<vmem_shared>>
    tpu.enqueue_indirect_dma source(%dma_start3A_3071 : memref<24x128xf32, #tpu.memory_space<vmem_shared>>) target(%arg13 : memref<400x128xf32, #tpu.memory_space<vmem>>) offsets(%dma_start3A_3068 : memref<400xi32, #tpu.memory_space<vmem>>) semaphore(%arg15 : memref<!tpu.dma_semaphore, #tpu.memory_space<semaphore_mem>>)
    %dma_wait3A_3072 = arith.constant 6400 : i32
    %dma_wait3A_3073 = tpu.memref_slice %arg11[%dma_wait3A_3072] : memref<10000xi32, #tpu.memory_space<vmem>> -> memref<400xi32, #tpu.memory_space<vmem>>
    %dma_wait3A_3074 = arith.constant 0 : i32
    %dma_wait3A_3075 = arith.constant 0 : i32
    %dma_wait3A_3076 = tpu.memref_slice %arg10[%dma_wait3A_3074, %dma_wait3A_3075] : memref<24x128xf32, #tpu.memory_space<vmem_shared>> -> memref<24x128xf32, #tpu.memory_space<vmem_shared>>
    tpu.wait_indirect_dma semaphore(%arg15 : memref<!tpu.dma_semaphore, #tpu.memory_space<semaphore_mem>>) src(%dma_wait3A_3076 : memref<24x128xf32, #tpu.memory_space<vmem_shared>>) dst(%arg13 : memref<400x128xf32, #tpu.memory_space<vmem>>)
    %add3A_3077 = arith.constant 6400 : i32
    %add3A_3078 = arith.addi %mul3A_2, %add3A_3077 : i32
    %dma_start3A_3079 = arith.constant 0 : i32
    %dma_start3A_3080 = tpu.memref_slice %arg6[%add3A_3078, %dma_start3A_3079] : memref<320000x128xf32, #tpu.memory_space<hbm>> -> memref<400x128xf32, #tpu.memory_space<hbm>>
    %dma_start3A_3081 = arith.constant 0 : i32
    %dma_start3A_3082 = tpu.memref_slice %arg6[%add3A_3078, %dma_start3A_3081] : memref<320000x128xf32, #tpu.memory_space<hbm>> -> memref<400x128xf32, #tpu.memory_space<hbm>>
    tpu.enqueue_dma source(%arg13 : memref<400x128xf32, #tpu.memory_space<vmem>>) target(%dma_start3A_3082 : memref<400x128xf32, #tpu.memory_space<hbm>>) target_semaphore(%arg17 : memref<!tpu.dma_semaphore, #tpu.memory_space<semaphore_mem>>)
    %dma_wait3A_3083 = arith.constant 0 : i32
    %dma_wait3A_3084 = tpu.memref_slice %arg6[%add3A_3058, %dma_wait3A_3083] : memref<320000x128xf32, #tpu.memory_space<hbm>> -> memref<400x128xf32, #tpu.memory_space<hbm>>
    %dma_wait3A_3085 = arith.constant 0 : i32
    %dma_wait3A_3086 = tpu.memref_slice %arg6[%add3A_3058, %dma_wait3A_3085] : memref<320000x128xf32, #tpu.memory_space<hbm>> -> memref<400x128xf32, #tpu.memory_space<hbm>>
    tpu.wait_dma2 semaphore(%arg18 : memref<!tpu.dma_semaphore, #tpu.memory_space<semaphore_mem>>) src(%arg14 : memref<400x128xf32, #tpu.memory_space<vmem>>) dst(%dma_wait3A_3086 : memref<400x128xf32, #tpu.memory_space<hbm>>)
    %dma_start3A_3087 = arith.constant 6800 : i32
    %dma_start3A_3088 = tpu.memref_slice %arg11[%dma_start3A_3087] : memref<10000xi32, #tpu.memory_space<vmem>> -> memref<400xi32, #tpu.memory_space<vmem>>
    %dma_start3A_3089 = arith.constant 0 : i32
    %dma_start3A_3090 = arith.constant 0 : i32
    %dma_start3A_3091 = tpu.memref_slice %arg10[%dma_start3A_3089, %dma_start3A_3090] : memref<24x128xf32, #tpu.memory_space<vmem_shared>> -> memref<24x128xf32, #tpu.memory_space<vmem_shared>>
    tpu.enqueue_indirect_dma source(%dma_start3A_3091 : memref<24x128xf32, #tpu.memory_space<vmem_shared>>) target(%arg14 : memref<400x128xf32, #tpu.memory_space<vmem>>) offsets(%dma_start3A_3088 : memref<400xi32, #tpu.memory_space<vmem>>) semaphore(%arg16 : memref<!tpu.dma_semaphore, #tpu.memory_space<semaphore_mem>>)
    %dma_wait3A_3092 = arith.constant 6800 : i32
    %dma_wait3A_3093 = tpu.memref_slice %arg11[%dma_wait3A_3092] : memref<10000xi32, #tpu.memory_space<vmem>> -> memref<400xi32, #tpu.memory_space<vmem>>
    %dma_wait3A_3094 = arith.constant 0 : i32
    %dma_wait3A_3095 = arith.constant 0 : i32
    %dma_wait3A_3096 = tpu.memref_slice %arg10[%dma_wait3A_3094, %dma_wait3A_3095] : memref<24x128xf32, #tpu.memory_space<vmem_shared>> -> memref<24x128xf32, #tpu.memory_space<vmem_shared>>
    tpu.wait_indirect_dma semaphore(%arg16 : memref<!tpu.dma_semaphore, #tpu.memory_space<semaphore_mem>>) src(%dma_wait3A_3096 : memref<24x128xf32, #tpu.memory_space<vmem_shared>>) dst(%arg14 : memref<400x128xf32, #tpu.memory_space<vmem>>)
    %add3A_3097 = arith.constant 6800 : i32
    %add3A_3098 = arith.addi %mul3A_2, %add3A_3097 : i32
    %dma_start3A_3099 = arith.constant 0 : i32
    %dma_start3A_3100 = tpu.memref_slice %arg6[%add3A_3098, %dma_start3A_3099] : memref<320000x128xf32, #tpu.memory_space<hbm>> -> memref<400x128xf32, #tpu.memory_space<hbm>>
    %dma_start3A_3101 = arith.constant 0 : i32
    %dma_start3A_3102 = tpu.memref_slice %arg6[%add3A_3098, %dma_start3A_3101] : memref<320000x128xf32, #tpu.memory_space<hbm>> -> memref<400x128xf32, #tpu.memory_space<hbm>>
    tpu.enqueue_dma source(%arg14 : memref<400x128xf32, #tpu.memory_space<vmem>>) target(%dma_start3A_3102 : memref<400x128xf32, #tpu.memory_space<hbm>>) target_semaphore(%arg18 : memref<!tpu.dma_semaphore, #tpu.memory_space<semaphore_mem>>)
    %dma_wait3A_3103 = arith.constant 0 : i32
    %dma_wait3A_3104 = tpu.memref_slice %arg6[%add3A_3078, %dma_wait3A_3103] : memref<320000x128xf32, #tpu.memory_space<hbm>> -> memref<400x128xf32, #tpu.memory_space<hbm>>
    %dma_wait3A_3105 = arith.constant 0 : i32
    %dma_wait3A_3106 = tpu.memref_slice %arg6[%add3A_3078, %dma_wait3A_3105] : memref<320000x128xf32, #tpu.memory_space<hbm>> -> memref<400x128xf32, #tpu.memory_space<hbm>>
    tpu.wait_dma2 semaphore(%arg17 : memref<!tpu.dma_semaphore, #tpu.memory_space<semaphore_mem>>) src(%arg13 : memref<400x128xf32, #tpu.memory_space<vmem>>) dst(%dma_wait3A_3106 : memref<400x128xf32, #tpu.memory_space<hbm>>)
    %dma_start3A_3107 = arith.constant 7200 : i32
    %dma_start3A_3108 = tpu.memref_slice %arg11[%dma_start3A_3107] : memref<10000xi32, #tpu.memory_space<vmem>> -> memref<400xi32, #tpu.memory_space<vmem>>
    %dma_start3A_3109 = arith.constant 0 : i32
    %dma_start3A_3110 = arith.constant 0 : i32
    %dma_start3A_3111 = tpu.memref_slice %arg10[%dma_start3A_3109, %dma_start3A_3110] : memref<24x128xf32, #tpu.memory_space<vmem_shared>> -> memref<24x128xf32, #tpu.memory_space<vmem_shared>>
    tpu.enqueue_indirect_dma source(%dma_start3A_3111 : memref<24x128xf32, #tpu.memory_space<vmem_shared>>) target(%arg13 : memref<400x128xf32, #tpu.memory_space<vmem>>) offsets(%dma_start3A_3108 : memref<400xi32, #tpu.memory_space<vmem>>) semaphore(%arg15 : memref<!tpu.dma_semaphore, #tpu.memory_space<semaphore_mem>>)
    %dma_wait3A_3112 = arith.constant 7200 : i32
    %dma_wait3A_3113 = tpu.memref_slice %arg11[%dma_wait3A_3112] : memref<10000xi32, #tpu.memory_space<vmem>> -> memref<400xi32, #tpu.memory_space<vmem>>
    %dma_wait3A_3114 = arith.constant 0 : i32
    %dma_wait3A_3115 = arith.constant 0 : i32
    %dma_wait3A_3116 = tpu.memref_slice %arg10[%dma_wait3A_3114, %dma_wait3A_3115] : memref<24x128xf32, #tpu.memory_space<vmem_shared>> -> memref<24x128xf32, #tpu.memory_space<vmem_shared>>
    tpu.wait_indirect_dma semaphore(%arg15 : memref<!tpu.dma_semaphore, #tpu.memory_space<semaphore_mem>>) src(%dma_wait3A_3116 : memref<24x128xf32, #tpu.memory_space<vmem_shared>>) dst(%arg13 : memref<400x128xf32, #tpu.memory_space<vmem>>)
    %add3A_3117 = arith.constant 7200 : i32
    %add3A_3118 = arith.addi %mul3A_2, %add3A_3117 : i32
    %dma_start3A_3119 = arith.constant 0 : i32
    %dma_start3A_3120 = tpu.memref_slice %arg6[%add3A_3118, %dma_start3A_3119] : memref<320000x128xf32, #tpu.memory_space<hbm>> -> memref<400x128xf32, #tpu.memory_space<hbm>>
    %dma_start3A_3121 = arith.constant 0 : i32
    %dma_start3A_3122 = tpu.memref_slice %arg6[%add3A_3118, %dma_start3A_3121] : memref<320000x128xf32, #tpu.memory_space<hbm>> -> memref<400x128xf32, #tpu.memory_space<hbm>>
    tpu.enqueue_dma source(%arg13 : memref<400x128xf32, #tpu.memory_space<vmem>>) target(%dma_start3A_3122 : memref<400x128xf32, #tpu.memory_space<hbm>>) target_semaphore(%arg17 : memref<!tpu.dma_semaphore, #tpu.memory_space<semaphore_mem>>)
    %dma_wait3A_3123 = arith.constant 0 : i32
    %dma_wait3A_3124 = tpu.memref_slice %arg6[%add3A_3098, %dma_wait3A_3123] : memref<320000x128xf32, #tpu.memory_space<hbm>> -> memref<400x128xf32, #tpu.memory_space<hbm>>
    %dma_wait3A_3125 = arith.constant 0 : i32
    %dma_wait3A_3126 = tpu.memref_slice %arg6[%add3A_3098, %dma_wait3A_3125] : memref<320000x128xf32, #tpu.memory_space<hbm>> -> memref<400x128xf32, #tpu.memory_space<hbm>>
    tpu.wait_dma2 semaphore(%arg18 : memref<!tpu.dma_semaphore, #tpu.memory_space<semaphore_mem>>) src(%arg14 : memref<400x128xf32, #tpu.memory_space<vmem>>) dst(%dma_wait3A_3126 : memref<400x128xf32, #tpu.memory_space<hbm>>)
    %dma_start3A_3127 = arith.constant 7600 : i32
    %dma_start3A_3128 = tpu.memref_slice %arg11[%dma_start3A_3127] : memref<10000xi32, #tpu.memory_space<vmem>> -> memref<400xi32, #tpu.memory_space<vmem>>
    %dma_start3A_3129 = arith.constant 0 : i32
    %dma_start3A_3130 = arith.constant 0 : i32
    %dma_start3A_3131 = tpu.memref_slice %arg10[%dma_start3A_3129, %dma_start3A_3130] : memref<24x128xf32, #tpu.memory_space<vmem_shared>> -> memref<24x128xf32, #tpu.memory_space<vmem_shared>>
    tpu.enqueue_indirect_dma source(%dma_start3A_3131 : memref<24x128xf32, #tpu.memory_space<vmem_shared>>) target(%arg14 : memref<400x128xf32, #tpu.memory_space<vmem>>) offsets(%dma_start3A_3128 : memref<400xi32, #tpu.memory_space<vmem>>) semaphore(%arg16 : memref<!tpu.dma_semaphore, #tpu.memory_space<semaphore_mem>>)
    %dma_wait3A_3132 = arith.constant 7600 : i32
    %dma_wait3A_3133 = tpu.memref_slice %arg11[%dma_wait3A_3132] : memref<10000xi32, #tpu.memory_space<vmem>> -> memref<400xi32, #tpu.memory_space<vmem>>
    %dma_wait3A_3134 = arith.constant 0 : i32
    %dma_wait3A_3135 = arith.constant 0 : i32
    %dma_wait3A_3136 = tpu.memref_slice %arg10[%dma_wait3A_3134, %dma_wait3A_3135] : memref<24x128xf32, #tpu.memory_space<vmem_shared>> -> memref<24x128xf32, #tpu.memory_space<vmem_shared>>
    tpu.wait_indirect_dma semaphore(%arg16 : memref<!tpu.dma_semaphore, #tpu.memory_space<semaphore_mem>>) src(%dma_wait3A_3136 : memref<24x128xf32, #tpu.memory_space<vmem_shared>>) dst(%arg14 : memref<400x128xf32, #tpu.memory_space<vmem>>)
    %add3A_3137 = arith.constant 7600 : i32
    %add3A_3138 = arith.addi %mul3A_2, %add3A_3137 : i32
    %dma_start3A_3139 = arith.constant 0 : i32
    %dma_start3A_3140 = tpu.memref_slice %arg6[%add3A_3138, %dma_start3A_3139] : memref<320000x128xf32, #tpu.memory_space<hbm>> -> memref<400x128xf32, #tpu.memory_space<hbm>>
    %dma_start3A_3141 = arith.constant 0 : i32
    %dma_start3A_3142 = tpu.memref_slice %arg6[%add3A_3138, %dma_start3A_3141] : memref<320000x128xf32, #tpu.memory_space<hbm>> -> memref<400x128xf32, #tpu.memory_space<hbm>>
    tpu.enqueue_dma source(%arg14 : memref<400x128xf32, #tpu.memory_space<vmem>>) target(%dma_start3A_3142 : memref<400x128xf32, #tpu.memory_space<hbm>>) target_semaphore(%arg18 : memref<!tpu.dma_semaphore, #tpu.memory_space<semaphore_mem>>)
    %dma_wait3A_3143 = arith.constant 0 : i32
    %dma_wait3A_3144 = tpu.memref_slice %arg6[%add3A_3118, %dma_wait3A_3143] : memref<320000x128xf32, #tpu.memory_space<hbm>> -> memref<400x128xf32, #tpu.memory_space<hbm>>
    %dma_wait3A_3145 = arith.constant 0 : i32
    %dma_wait3A_3146 = tpu.memref_slice %arg6[%add3A_3118, %dma_wait3A_3145] : memref<320000x128xf32, #tpu.memory_space<hbm>> -> memref<400x128xf32, #tpu.memory_space<hbm>>
    tpu.wait_dma2 semaphore(%arg17 : memref<!tpu.dma_semaphore, #tpu.memory_space<semaphore_mem>>) src(%arg13 : memref<400x128xf32, #tpu.memory_space<vmem>>) dst(%dma_wait3A_3146 : memref<400x128xf32, #tpu.memory_space<hbm>>)
    %dma_start3A_3147 = arith.constant 8000 : i32
    %dma_start3A_3148 = tpu.memref_slice %arg11[%dma_start3A_3147] : memref<10000xi32, #tpu.memory_space<vmem>> -> memref<400xi32, #tpu.memory_space<vmem>>
    %dma_start3A_3149 = arith.constant 0 : i32
    %dma_start3A_3150 = arith.constant 0 : i32
    %dma_start3A_3151 = tpu.memref_slice %arg10[%dma_start3A_3149, %dma_start3A_3150] : memref<24x128xf32, #tpu.memory_space<vmem_shared>> -> memref<24x128xf32, #tpu.memory_space<vmem_shared>>
    tpu.enqueue_indirect_dma source(%dma_start3A_3151 : memref<24x128xf32, #tpu.memory_space<vmem_shared>>) target(%arg13 : memref<400x128xf32, #tpu.memory_space<vmem>>) offsets(%dma_start3A_3148 : memref<400xi32, #tpu.memory_space<vmem>>) semaphore(%arg15 : memref<!tpu.dma_semaphore, #tpu.memory_space<semaphore_mem>>)
    %dma_wait3A_3152 = arith.constant 8000 : i32
    %dma_wait3A_3153 = tpu.memref_slice %arg11[%dma_wait3A_3152] : memref<10000xi32, #tpu.memory_space<vmem>> -> memref<400xi32, #tpu.memory_space<vmem>>
    %dma_wait3A_3154 = arith.constant 0 : i32
    %dma_wait3A_3155 = arith.constant 0 : i32
    %dma_wait3A_3156 = tpu.memref_slice %arg10[%dma_wait3A_3154, %dma_wait3A_3155] : memref<24x128xf32, #tpu.memory_space<vmem_shared>> -> memref<24x128xf32, #tpu.memory_space<vmem_shared>>
    tpu.wait_indirect_dma semaphore(%arg15 : memref<!tpu.dma_semaphore, #tpu.memory_space<semaphore_mem>>) src(%dma_wait3A_3156 : memref<24x128xf32, #tpu.memory_space<vmem_shared>>) dst(%arg13 : memref<400x128xf32, #tpu.memory_space<vmem>>)
    %add3A_3157 = arith.constant 8000 : i32
    %add3A_3158 = arith.addi %mul3A_2, %add3A_3157 : i32
    %dma_start3A_3159 = arith.constant 0 : i32
    %dma_start3A_3160 = tpu.memref_slice %arg6[%add3A_3158, %dma_start3A_3159] : memref<320000x128xf32, #tpu.memory_space<hbm>> -> memref<400x128xf32, #tpu.memory_space<hbm>>
    %dma_start3A_3161 = arith.constant 0 : i32
    %dma_start3A_3162 = tpu.memref_slice %arg6[%add3A_3158, %dma_start3A_3161] : memref<320000x128xf32, #tpu.memory_space<hbm>> -> memref<400x128xf32, #tpu.memory_space<hbm>>
    tpu.enqueue_dma source(%arg13 : memref<400x128xf32, #tpu.memory_space<vmem>>) target(%dma_start3A_3162 : memref<400x128xf32, #tpu.memory_space<hbm>>) target_semaphore(%arg17 : memref<!tpu.dma_semaphore, #tpu.memory_space<semaphore_mem>>)
    %dma_wait3A_3163 = arith.constant 0 : i32
    %dma_wait3A_3164 = tpu.memref_slice %arg6[%add3A_3138, %dma_wait3A_3163] : memref<320000x128xf32, #tpu.memory_space<hbm>> -> memref<400x128xf32, #tpu.memory_space<hbm>>
    %dma_wait3A_3165 = arith.constant 0 : i32
    %dma_wait3A_3166 = tpu.memref_slice %arg6[%add3A_3138, %dma_wait3A_3165] : memref<320000x128xf32, #tpu.memory_space<hbm>> -> memref<400x128xf32, #tpu.memory_space<hbm>>
    tpu.wait_dma2 semaphore(%arg18 : memref<!tpu.dma_semaphore, #tpu.memory_space<semaphore_mem>>) src(%arg14 : memref<400x128xf32, #tpu.memory_space<vmem>>) dst(%dma_wait3A_3166 : memref<400x128xf32, #tpu.memory_space<hbm>>)
    %dma_start3A_3167 = arith.constant 8400 : i32
    %dma_start3A_3168 = tpu.memref_slice %arg11[%dma_start3A_3167] : memref<10000xi32, #tpu.memory_space<vmem>> -> memref<400xi32, #tpu.memory_space<vmem>>
    %dma_start3A_3169 = arith.constant 0 : i32
    %dma_start3A_3170 = arith.constant 0 : i32
    %dma_start3A_3171 = tpu.memref_slice %arg10[%dma_start3A_3169, %dma_start3A_3170] : memref<24x128xf32, #tpu.memory_space<vmem_shared>> -> memref<24x128xf32, #tpu.memory_space<vmem_shared>>
    tpu.enqueue_indirect_dma source(%dma_start3A_3171 : memref<24x128xf32, #tpu.memory_space<vmem_shared>>) target(%arg14 : memref<400x128xf32, #tpu.memory_space<vmem>>) offsets(%dma_start3A_3168 : memref<400xi32, #tpu.memory_space<vmem>>) semaphore(%arg16 : memref<!tpu.dma_semaphore, #tpu.memory_space<semaphore_mem>>)
    %dma_wait3A_3172 = arith.constant 8400 : i32
    %dma_wait3A_3173 = tpu.memref_slice %arg11[%dma_wait3A_3172] : memref<10000xi32, #tpu.memory_space<vmem>> -> memref<400xi32, #tpu.memory_space<vmem>>
    %dma_wait3A_3174 = arith.constant 0 : i32
    %dma_wait3A_3175 = arith.constant 0 : i32
    %dma_wait3A_3176 = tpu.memref_slice %arg10[%dma_wait3A_3174, %dma_wait3A_3175] : memref<24x128xf32, #tpu.memory_space<vmem_shared>> -> memref<24x128xf32, #tpu.memory_space<vmem_shared>>
    tpu.wait_indirect_dma semaphore(%arg16 : memref<!tpu.dma_semaphore, #tpu.memory_space<semaphore_mem>>) src(%dma_wait3A_3176 : memref<24x128xf32, #tpu.memory_space<vmem_shared>>) dst(%arg14 : memref<400x128xf32, #tpu.memory_space<vmem>>)
    %add3A_3177 = arith.constant 8400 : i32
    %add3A_3178 = arith.addi %mul3A_2, %add3A_3177 : i32
    %dma_start3A_3179 = arith.constant 0 : i32
    %dma_start3A_3180 = tpu.memref_slice %arg6[%add3A_3178, %dma_start3A_3179] : memref<320000x128xf32, #tpu.memory_space<hbm>> -> memref<400x128xf32, #tpu.memory_space<hbm>>
    %dma_start3A_3181 = arith.constant 0 : i32
    %dma_start3A_3182 = tpu.memref_slice %arg6[%add3A_3178, %dma_start3A_3181] : memref<320000x128xf32, #tpu.memory_space<hbm>> -> memref<400x128xf32, #tpu.memory_space<hbm>>
    tpu.enqueue_dma source(%arg14 : memref<400x128xf32, #tpu.memory_space<vmem>>) target(%dma_start3A_3182 : memref<400x128xf32, #tpu.memory_space<hbm>>) target_semaphore(%arg18 : memref<!tpu.dma_semaphore, #tpu.memory_space<semaphore_mem>>)
    %dma_wait3A_3183 = arith.constant 0 : i32
    %dma_wait3A_3184 = tpu.memref_slice %arg6[%add3A_3158, %dma_wait3A_3183] : memref<320000x128xf32, #tpu.memory_space<hbm>> -> memref<400x128xf32, #tpu.memory_space<hbm>>
    %dma_wait3A_3185 = arith.constant 0 : i32
    %dma_wait3A_3186 = tpu.memref_slice %arg6[%add3A_3158, %dma_wait3A_3185] : memref<320000x128xf32, #tpu.memory_space<hbm>> -> memref<400x128xf32, #tpu.memory_space<hbm>>
    tpu.wait_dma2 semaphore(%arg17 : memref<!tpu.dma_semaphore, #tpu.memory_space<semaphore_mem>>) src(%arg13 : memref<400x128xf32, #tpu.memory_space<vmem>>) dst(%dma_wait3A_3186 : memref<400x128xf32, #tpu.memory_space<hbm>>)
    %dma_start3A_3187 = arith.constant 8800 : i32
    %dma_start3A_3188 = tpu.memref_slice %arg11[%dma_start3A_3187] : memref<10000xi32, #tpu.memory_space<vmem>> -> memref<400xi32, #tpu.memory_space<vmem>>
    %dma_start3A_3189 = arith.constant 0 : i32
    %dma_start3A_3190 = arith.constant 0 : i32
    %dma_start3A_3191 = tpu.memref_slice %arg10[%dma_start3A_3189, %dma_start3A_3190] : memref<24x128xf32, #tpu.memory_space<vmem_shared>> -> memref<24x128xf32, #tpu.memory_space<vmem_shared>>
    tpu.enqueue_indirect_dma source(%dma_start3A_3191 : memref<24x128xf32, #tpu.memory_space<vmem_shared>>) target(%arg13 : memref<400x128xf32, #tpu.memory_space<vmem>>) offsets(%dma_start3A_3188 : memref<400xi32, #tpu.memory_space<vmem>>) semaphore(%arg15 : memref<!tpu.dma_semaphore, #tpu.memory_space<semaphore_mem>>)
    %dma_wait3A_3192 = arith.constant 8800 : i32
    %dma_wait3A_3193 = tpu.memref_slice %arg11[%dma_wait3A_3192] : memref<10000xi32, #tpu.memory_space<vmem>> -> memref<400xi32, #tpu.memory_space<vmem>>
    %dma_wait3A_3194 = arith.constant 0 : i32
    %dma_wait3A_3195 = arith.constant 0 : i32
    %dma_wait3A_3196 = tpu.memref_slice %arg10[%dma_wait3A_3194, %dma_wait3A_3195] : memref<24x128xf32, #tpu.memory_space<vmem_shared>> -> memref<24x128xf32, #tpu.memory_space<vmem_shared>>
    tpu.wait_indirect_dma semaphore(%arg15 : memref<!tpu.dma_semaphore, #tpu.memory_space<semaphore_mem>>) src(%dma_wait3A_3196 : memref<24x128xf32, #tpu.memory_space<vmem_shared>>) dst(%arg13 : memref<400x128xf32, #tpu.memory_space<vmem>>)
    %add3A_3197 = arith.constant 8800 : i32
    %add3A_3198 = arith.addi %mul3A_2, %add3A_3197 : i32
    %dma_start3A_3199 = arith.constant 0 : i32
    %dma_start3A_3200 = tpu.memref_slice %arg6[%add3A_3198, %dma_start3A_3199] : memref<320000x128xf32, #tpu.memory_space<hbm>> -> memref<400x128xf32, #tpu.memory_space<hbm>>
    %dma_start3A_3201 = arith.constant 0 : i32
    %dma_start3A_3202 = tpu.memref_slice %arg6[%add3A_3198, %dma_start3A_3201] : memref<320000x128xf32, #tpu.memory_space<hbm>> -> memref<400x128xf32, #tpu.memory_space<hbm>>
    tpu.enqueue_dma source(%arg13 : memref<400x128xf32, #tpu.memory_space<vmem>>) target(%dma_start3A_3202 : memref<400x128xf32, #tpu.memory_space<hbm>>) target_semaphore(%arg17 : memref<!tpu.dma_semaphore, #tpu.memory_space<semaphore_mem>>)
    %dma_wait3A_3203 = arith.constant 0 : i32
    %dma_wait3A_3204 = tpu.memref_slice %arg6[%add3A_3178, %dma_wait3A_3203] : memref<320000x128xf32, #tpu.memory_space<hbm>> -> memref<400x128xf32, #tpu.memory_space<hbm>>
    %dma_wait3A_3205 = arith.constant 0 : i32
    %dma_wait3A_3206 = tpu.memref_slice %arg6[%add3A_3178, %dma_wait3A_3205] : memref<320000x128xf32, #tpu.memory_space<hbm>> -> memref<400x128xf32, #tpu.memory_space<hbm>>
    tpu.wait_dma2 semaphore(%arg18 : memref<!tpu.dma_semaphore, #tpu.memory_space<semaphore_mem>>) src(%arg14 : memref<400x128xf32, #tpu.memory_space<vmem>>) dst(%dma_wait3A_3206 : memref<400x128xf32, #tpu.memory_space<hbm>>)
    %dma_start3A_3207 = arith.constant 9200 : i32
    %dma_start3A_3208 = tpu.memref_slice %arg11[%dma_start3A_3207] : memref<10000xi32, #tpu.memory_space<vmem>> -> memref<400xi32, #tpu.memory_space<vmem>>
    %dma_start3A_3209 = arith.constant 0 : i32
    %dma_start3A_3210 = arith.constant 0 : i32
    %dma_start3A_3211 = tpu.memref_slice %arg10[%dma_start3A_3209, %dma_start3A_3210] : memref<24x128xf32, #tpu.memory_space<vmem_shared>> -> memref<24x128xf32, #tpu.memory_space<vmem_shared>>
    tpu.enqueue_indirect_dma source(%dma_start3A_3211 : memref<24x128xf32, #tpu.memory_space<vmem_shared>>) target(%arg14 : memref<400x128xf32, #tpu.memory_space<vmem>>) offsets(%dma_start3A_3208 : memref<400xi32, #tpu.memory_space<vmem>>) semaphore(%arg16 : memref<!tpu.dma_semaphore, #tpu.memory_space<semaphore_mem>>)
    %dma_wait3A_3212 = arith.constant 9200 : i32
    %dma_wait3A_3213 = tpu.memref_slice %arg11[%dma_wait3A_3212] : memref<10000xi32, #tpu.memory_space<vmem>> -> memref<400xi32, #tpu.memory_space<vmem>>
    %dma_wait3A_3214 = arith.constant 0 : i32
    %dma_wait3A_3215 = arith.constant 0 : i32
    %dma_wait3A_3216 = tpu.memref_slice %arg10[%dma_wait3A_3214, %dma_wait3A_3215] : memref<24x128xf32, #tpu.memory_space<vmem_shared>> -> memref<24x128xf32, #tpu.memory_space<vmem_shared>>
    tpu.wait_indirect_dma semaphore(%arg16 : memref<!tpu.dma_semaphore, #tpu.memory_space<semaphore_mem>>) src(%dma_wait3A_3216 : memref<24x128xf32, #tpu.memory_space<vmem_shared>>) dst(%arg14 : memref<400x128xf32, #tpu.memory_space<vmem>>)
    %add3A_3217 = arith.constant 9200 : i32
    %add3A_3218 = arith.addi %mul3A_2, %add3A_3217 : i32
    %dma_start3A_3219 = arith.constant 0 : i32
    %dma_start3A_3220 = tpu.memref_slice %arg6[%add3A_3218, %dma_start3A_3219] : memref<320000x128xf32, #tpu.memory_space<hbm>> -> memref<400x128xf32, #tpu.memory_space<hbm>>
    %dma_start3A_3221 = arith.constant 0 : i32
    %dma_start3A_3222 = tpu.memref_slice %arg6[%add3A_3218, %dma_start3A_3221] : memref<320000x128xf32, #tpu.memory_space<hbm>> -> memref<400x128xf32, #tpu.memory_space<hbm>>
    tpu.enqueue_dma source(%arg14 : memref<400x128xf32, #tpu.memory_space<vmem>>) target(%dma_start3A_3222 : memref<400x128xf32, #tpu.memory_space<hbm>>) target_semaphore(%arg18 : memref<!tpu.dma_semaphore, #tpu.memory_space<semaphore_mem>>)
    %dma_wait3A_3223 = arith.constant 0 : i32
    %dma_wait3A_3224 = tpu.memref_slice %arg6[%add3A_3198, %dma_wait3A_3223] : memref<320000x128xf32, #tpu.memory_space<hbm>> -> memref<400x128xf32, #tpu.memory_space<hbm>>
    %dma_wait3A_3225 = arith.constant 0 : i32
    %dma_wait3A_3226 = tpu.memref_slice %arg6[%add3A_3198, %dma_wait3A_3225] : memref<320000x128xf32, #tpu.memory_space<hbm>> -> memref<400x128xf32, #tpu.memory_space<hbm>>
    tpu.wait_dma2 semaphore(%arg17 : memref<!tpu.dma_semaphore, #tpu.memory_space<semaphore_mem>>) src(%arg13 : memref<400x128xf32, #tpu.memory_space<vmem>>) dst(%dma_wait3A_3226 : memref<400x128xf32, #tpu.memory_space<hbm>>)
    %dma_start3A_3227 = arith.constant 9600 : i32
    %dma_start3A_3228 = tpu.memref_slice %arg11[%dma_start3A_3227] : memref<10000xi32, #tpu.memory_space<vmem>> -> memref<400xi32, #tpu.memory_space<vmem>>
    %dma_start3A_3229 = arith.constant 0 : i32
    %dma_start3A_3230 = arith.constant 0 : i32
    %dma_start3A_3231 = tpu.memref_slice %arg10[%dma_start3A_3229, %dma_start3A_3230] : memref<24x128xf32, #tpu.memory_space<vmem_shared>> -> memref<24x128xf32, #tpu.memory_space<vmem_shared>>
    tpu.enqueue_indirect_dma source(%dma_start3A_3231 : memref<24x128xf32, #tpu.memory_space<vmem_shared>>) target(%arg13 : memref<400x128xf32, #tpu.memory_space<vmem>>) offsets(%dma_start3A_3228 : memref<400xi32, #tpu.memory_space<vmem>>) semaphore(%arg15 : memref<!tpu.dma_semaphore, #tpu.memory_space<semaphore_mem>>)
    %dma_wait3A_3232 = arith.constant 9600 : i32
    %dma_wait3A_3233 = tpu.memref_slice %arg11[%dma_wait3A_3232] : memref<10000xi32, #tpu.memory_space<vmem>> -> memref<400xi32, #tpu.memory_space<vmem>>
    %dma_wait3A_3234 = arith.constant 0 : i32
    %dma_wait3A_3235 = arith.constant 0 : i32
    %dma_wait3A_3236 = tpu.memref_slice %arg10[%dma_wait3A_3234, %dma_wait3A_3235] : memref<24x128xf32, #tpu.memory_space<vmem_shared>> -> memref<24x128xf32, #tpu.memory_space<vmem_shared>>
    tpu.wait_indirect_dma semaphore(%arg15 : memref<!tpu.dma_semaphore, #tpu.memory_space<semaphore_mem>>) src(%dma_wait3A_3236 : memref<24x128xf32, #tpu.memory_space<vmem_shared>>) dst(%arg13 : memref<400x128xf32, #tpu.memory_space<vmem>>)
    %add3A_3237 = arith.constant 9600 : i32
    %add3A_3238 = arith.addi %mul3A_2, %add3A_3237 : i32
    %dma_start3A_3239 = arith.constant 0 : i32
    %dma_start3A_3240 = tpu.memref_slice %arg6[%add3A_3238, %dma_start3A_3239] : memref<320000x128xf32, #tpu.memory_space<hbm>> -> memref<400x128xf32, #tpu.memory_space<hbm>>
    %dma_start3A_3241 = arith.constant 0 : i32
    %dma_start3A_3242 = tpu.memref_slice %arg6[%add3A_3238, %dma_start3A_3241] : memref<320000x128xf32, #tpu.memory_space<hbm>> -> memref<400x128xf32, #tpu.memory_space<hbm>>
    tpu.enqueue_dma source(%arg13 : memref<400x128xf32, #tpu.memory_space<vmem>>) target(%dma_start3A_3242 : memref<400x128xf32, #tpu.memory_space<hbm>>) target_semaphore(%arg17 : memref<!tpu.dma_semaphore, #tpu.memory_space<semaphore_mem>>)
    %dma_wait3A_3243 = arith.constant 0 : i32
    %dma_wait3A_3244 = tpu.memref_slice %arg6[%add3A_3238, %dma_wait3A_3243] : memref<320000x128xf32, #tpu.memory_space<hbm>> -> memref<400x128xf32, #tpu.memory_space<hbm>>
    %dma_wait3A_3245 = arith.constant 0 : i32
    %dma_wait3A_3246 = tpu.memref_slice %arg6[%add3A_3238, %dma_wait3A_3245] : memref<320000x128xf32, #tpu.memory_space<hbm>> -> memref<400x128xf32, #tpu.memory_space<hbm>>
    tpu.wait_dma2 semaphore(%arg17 : memref<!tpu.dma_semaphore, #tpu.memory_space<semaphore_mem>>) src(%arg13 : memref<400x128xf32, #tpu.memory_space<vmem>>) dst(%dma_wait3A_3246 : memref<400x128xf32, #tpu.memory_space<hbm>>)
    %dma_wait3A_3247 = arith.constant 0 : i32
    %dma_wait3A_3248 = tpu.memref_slice %arg6[%add3A_3218, %dma_wait3A_3247] : memref<320000x128xf32, #tpu.memory_space<hbm>> -> memref<400x128xf32, #tpu.memory_space<hbm>>
    %dma_wait3A_3249 = arith.constant 0 : i32
    %dma_wait3A_3250 = tpu.memref_slice %arg6[%add3A_3218, %dma_wait3A_3249] : memref<320000x128xf32, #tpu.memory_space<hbm>> -> memref<400x128xf32, #tpu.memory_space<hbm>>
    tpu.wait_dma2 semaphore(%arg18 : memref<!tpu.dma_semaphore, #tpu.memory_space<semaphore_mem>>) src(%arg14 : memref<400x128xf32, #tpu.memory_space<vmem>>) dst(%dma_wait3A_3250 : memref<400x128xf32, #tpu.memory_space<hbm>>)
    return
  }
}

</mosaic_0001>

<sc_bundles>
// kernel: kernel.3.cloned.1.call-start
scs
__scs_entry_jumppad:
0x0: {  	(pc) =	sbr.rel $0x88, $3  }
0x1: {  	(tag) =	ssettag $0x0;
	lr =	simm.s32 $0x1  }
0x2: {  	[smem:$0x3F9E] =	sst lr;
	_ =	strace $0xD0000000  }
0x3: {  	_ = 	snop  }
0x4: {  	_ = 	snop  }
0x5: {  	_ = 	snop  }
0x6: {  	_ = 	snop  }
0x7: {  	_ = 	snop  }
__scs_overlays_trampoline_lowered:
0x8: {  	[smem:$0x3FAD] =	sst s0  }
0x9: {  	[smem:$0x3FAE] =	sst s1  }
0xa: {  	[smem:$0x3FAF] =	sst s2  }
0xb: {  	[smem:$0x3FB0] =	sst s3  }
0xc: {  	[smem:$0x3FB1] =	sst s4  }
0xd: {  	[smem:$0x3FB2] =	sst s5  }
0xe: {  	[smem:$0x3FB3] =	sst s6  }
0xf: {  	[smem:$0x3FB4] =	sst s7  }
0x10: {  	[smem:$0x3FB5] =	sst s8  }
0x11: {  	[smem:$0x3FB6] =	sst s9;
	s0 =	simm.s32 @!p0 $0x0  }
0x12: {  	s1 =	sld [smem:$0x3F9C];
	s0 =	simm.s32 @p0 $0x1  }
0x13: {  	[smem:$0x3FB7] =	sst s0;
	s0 =	simm.s32 @!p1 $0x0  }
0x14: {  	s2 =	sld [smem:$0x3F9B];
	s0 =	simm.s32 @p1 $0x1  }
0x15: {  	[smem:$0x3FB8] =	sst s0;
	s0 =	simm.s32 @!p2 $0x0  }
0x16: {  	s3 =	sld [smem:$0x3FDB];
	s0 =	simm.s32 @p2 $0x1  }
0x17: {  	s4 =	simm.s32 $0x1BF5;
	[smem:$0x3FBA] =	sst s0  }
0x18: {  	s0 =	sld [smem:$0x3F9D];
	_ =	swait.ge [sflag:s4], $0x0  }
0x19: {  	s7 =	sld [smem:$0x3F9E]  }
0x1a: {  	s8 =	sadd.s32 $0xFFFFE003, lr  }
0x1b: {  	s9 =	sadd.s32 $0xFFFFFEF7, lr;
	s5 =	simm.s32 $0xFFFFFFFF;
	p2 =	slt.u32 s8, $0xFFFFF086  }
0x1c: {  	p1 =	slt.u32 s9, $0xF7A;
	s5 =	simm.s32 @!p2 $0x0  }
0x1d: {  	s5 =	simm.s32 @p1 $0x1;
	p0 =	seq.s32 s7, s2  }
0x1e: {  	s7 =	smul.u32 @!p0 $0xF7A, s2;
	p2 =	seq.s32 @!p0 s5, $0x0  }
0x1f: {  	s9 =	smul.u32 $0xF7A, s1;
	s8 =	simm.s32 @!p0 $0x1BF5;
	p2 =	por !p2, p0  }
0x20: {  	[sflag:s8] =	ssyncset.s32 @!p0 $0xFFFFF086;
	s6 =	sadd.s32 @!p0 s3, s7;
	s7 =	simm.s32 @!p0 $0x108  }
0x21: {  	s3 =	sadd.s32 s3, s9;
	s6 =	sadd.s32 @!p0 $0x88, s6;
	s7 =	simm.s32 @p2 $0x1082  }
0x22: {  	[simem:s7], [sflag:s8] =	dma.local @!p0 [hbm:s6], $0xF7A  }
0x23: {  	s9 =	sor.u32 $0xD0000000, s2;
	s6 =	simm.s32 $0x108;
	_ =	swait.ge @!p0 [sflag:s8], $0x0  }
0x24: {  	s3 =	sadd.s32 $0x88, s3;
	s6 =	simm.s32 @!p1 $0x1082;
	[sflag:s4] =	ssyncset.s32 $0xFFFFF086  }
0x25: {  	[simem:s6], [sflag:s4] =	dma.local [hbm:s3], $0xF7A  }
0x26: {  	[smem:$0x3F9E] =	sst s1;
	(tag) =	ssettag s2;
	_ =	strace s9  }
0x27: {  	s1 =	sld [smem:$0x3FAE]  }
0x28: {  	s2 =	sld [smem:$0x3FAF]  }
0x29: {  	s4 =	sld [smem:$0x3FB1]  }
0x2a: {  	p0 =	seq.s32 s5, $0x0;
	s5 =	sld [smem:$0x3FB2]  }
0x2b: {  	s6 =	sld [smem:$0x3FB3]  }
0x2c: {  	s7 =	sld [smem:$0x3FB4]  }
0x2d: {  	s3 =	simm.s32 $0x108;
	s8 =	sld [smem:$0x3FB5]  }
0x2e: {  	s3 =	simm.s32 @!p0 $0x1082;
	s9 =	sld [smem:$0x3FB6]  }
0x2f: {  	lr =	sadd.s32 s0, s3;
	s0 =	sld [smem:$0x3FAD]  }
0x30: {  	s3 =	sld [smem:$0x3FB0]  }
0x31: {  	[smem:$0x3FB9] =	sst s10  }
0x32: {  	s10 =	sld [smem:$0x3FB7];
	_ =	sdelay $0x3  }
0x33: {  	p0 =	seq.s32 s10, $0x1;
	s10 =	sld [smem:$0x3FB9];
	_ =	sdelay $0x3  }
0x34: {  	[smem:$0x3FB9] =	sst s10  }
0x35: {  	s10 =	sld [smem:$0x3FB8];
	_ =	sdelay $0x3  }
0x36: {  	p1 =	seq.s32 s10, $0x1;
	s10 =	sld [smem:$0x3FB9];
	_ =	sdelay $0x3  }
0x37: {  	[smem:$0x3FB9] =	sst s10  }
0x38: {  	s10 =	sld [smem:$0x3FBA]  }
0x39: {  	_ = 	snop;
	(pc) =	sbr.ind lr, $3  }
0x3a: {  	_ = 	snop  }
0x3b: {  	_ = 	snop  }
0x3c: {  	p2 =	seq.s32 s10, $0x1;
	s10 =	sld [smem:$0x3FB9]  }
0x3d: {  	_ =	shalt  }
0x3e: {  	_ =	shalt  }
0x3f: {  	_ =	shalt  }
0x40: {  	_ =	shalt  }
0x41: {  	_ =	shalt  }
0x42: {  	_ =	shalt  }
0x43: {  	_ =	shalt  }
0x44: {  	_ =	shalt  }
0x45: {  	_ =	shalt  }
0x46: {  	_ =	shalt  }
0x47: {  	_ =	shalt  }
0x48: {  	_ =	shalt  }
0x49: {  	_ =	shalt  }
0x4a: {  	_ =	shalt  }
0x4b: {  	_ =	shalt  }
0x4c: {  	_ =	shalt  }
0x4d: {  	_ =	shalt  }
0x4e: {  	_ =	shalt  }
0x4f: {  	_ =	shalt  }
0x50: {  	_ =	shalt  }
0x51: {  	_ =	shalt  }
0x52: {  	_ =	shalt  }
0x53: {  	_ =	shalt  }
0x54: {  	_ =	shalt  }
0x55: {  	_ =	shalt  }
0x56: {  	_ =	shalt  }
0x57: {  	_ =	shalt  }
0x58: {  	_ =	shalt  }
0x59: {  	_ =	shalt  }
0x5a: {  	_ =	shalt  }
0x5b: {  	_ =	shalt  }
0x5c: {  	_ =	shalt  }
0x5d: {  	_ =	shalt  }
0x5e: {  	_ =	shalt  }
0x5f: {  	_ =	shalt  }
0x60: {  	_ =	shalt  }
0x61: {  	_ =	shalt  }
0x62: {  	_ =	shalt  }
0x63: {  	_ =	shalt  }
0x64: {  	_ =	shalt  }
0x65: {  	_ =	shalt  }
0x66: {  	_ =	shalt  }
0x67: {  	_ =	shalt  }
0x68: {  	_ =	shalt  }
0x69: {  	_ =	shalt  }
0x6a: {  	_ =	shalt  }
0x6b: {  	_ =	shalt  }
0x6c: {  	_ =	shalt  }
0x6d: {  	_ =	shalt  }
0x6e: {  	_ =	shalt  }
0x6f: {  	_ =	shalt  }
0x70: {  	_ =	shalt  }
0x71: {  	_ =	shalt  }
0x72: {  	_ =	shalt  }
0x73: {  	_ =	shalt  }
0x74: {  	_ =	shalt  }
0x75: {  	_ =	shalt  }
0x76: {  	_ =	shalt  }
0x77: {  	_ =	shalt  }
0x78: {  	_ =	shalt  }
0x79: {  	_ =	shalt  }
0x7a: {  	_ =	shalt  }
0x7b: {  	_ =	shalt  }
0x7c: {  	_ =	shalt  }
0x7d: {  	_ =	shalt  }
0x7e: {  	_ =	shalt  }
0x7f: {  	_ =	shalt  }
0x80: {  	_ =	shalt  }
0x81: {  	_ =	shalt  }
0x82: {  	_ =	shalt  }
0x83: {  	_ =	shalt  }
0x84: {  	_ =	shalt  }
0x85: {  	_ =	shalt  }
0x86: {  	_ =	shalt  }
0x87: {  	_ =	shalt  }
.Lfunc_end0:
.L_simem_size_0:
called_computation_lowered:
.L_overlay_start_0:
0x88: {  	s2 =	sld [smem:$0x3FD9]  }
0x89: {  	s3 =	sld [smem:$0x3FFE];
	_ =	sdelay $0x1  }
0x8a: {  	s1 =	srdreg.scid  }
0x8b: {  	s0 =	sand.u32 $0x1, s1  }
0x8c: {  	s17 =	sshll.u32 s0, $0xA;
	s2 =	sadd.s32 s3, s2  }
0x8d: {  	s2 =	sadd.s32 s2, s17  }
0x8e: {  	[smem:$0x3FC5] =	sst s2  }
0x8f: {  	_ = 	snop  }
0x90: {  	s2 =	sld [smem:$0x3FC8]  }
0x91: {  	s18 =	sld [smem:$0x3FC7]  }
0x92: {  	s4 =	sld [smem:$0x3FD0];
	(tm) =	ssettm $0x1  }
0x93: {  	s5 =	sld [smem:$0x3FFB];
	_ =	sdelay $0x3  }
0x94: {  	_ =	strace s5  }
0x95: {  	s5 =	sld [smem:$0x3FFC];
	_ =	sdelay $0x3  }
0x96: {  	_ =	strace s5  }
0x97: {  	s5 =	sld [smem:$0x3FFD];
	_ =	sdelay $0x3  }
0x98: {  	_ =	strace s5  }
0x99: {  	_ =	strace $0x8FFFFFFF  }
0x9a: {  	s19 =	sld [smem:$0x3FDB];
	_ =	sdelay $0x1  }
0x9b: {  	s6 =	simm.s32 $_scs_section_size  }
0x9c: {  	s7 =	simm.s32 $_size__tile_overlayer_lowered;
	s8 =	simm.s32 $_tile_overlayer_lowered  }
0x9d: {  	s22 =	simm.s32 $0x1BFF;
	s21 =	sshll.u32 s8, $0x1;
	s5 =	sadd.s32 s6, s19  }
0x9e: {  	s9 =	simm.s32 $0x0;
	s20 =	sshll.u32 s7, $0x1;
	s7 =	sadd.s32 s21, s5  }
0x9f: {  	[timem:s9], [sflag:s22] =	dma.local [hbm:s7], s20  }
0xa0: {  	_ =	swait.ge [sflag:s22], s20  }
0xa1: {  	s6 =	ssub.s32 $0x0, s20;
	[sflag:s22] =	ssyncset.done $0x0  }
0xa2: {  	[sflag:s22] =	ssyncadd.s32 s6;
	_ =	sdelay $0x1  }
0xa3: {  	s23 =	simm.s32 $0x1B8B  }
0xa4: {  	_ =	swait.ge [sflag:s23], $0x1  }
0xa5: {  	[sflag:s23] =	ssyncset.done $0x0  }
0xa6: {  	s25 =	simm.s32 $0x1B8E;
	s24 =	sld [smem:$0x3FFE];
	[sflag:s23] =	ssyncadd.s32 $0xFFFFFFFF  }
0xa7: {  	s26 =	simm.s32 $execute0_lowered;
	[smem:$0x3FD2] =	sst s25  }
0xa8: {  	s7 =	sshll.u32 s26, $0x1;
	_ =	strace $0x80000046;
	[dreg:$0x1] =	wrdreg $0xFFFFFFFF  }
0xa9: {  	s28 =	simm.s32 $_size_execute0_lowered;
	s5 =	sadd.s32 s5, s7;
	[dreg:$0x0] =	wrdreg $0x0  }
0xaa: {  	s7 =	sshll.u32 s28, $0x1;
	[dreg:$0x2] =	wrdreg s5  }
0xab: {  	[dreg:$0x3] =	wrdreg s7  }
0xac: {  	[dreg:$0x4] =	wrdreg $0xC0  }
0xad: {  	_ =	task [dreg:s9], $0x5FFFF  }
0xae: {  	[dreg:$0x1] =	wrdreg $0xFFFFFFFF  }
0xaf: {  	[dreg:$0x0] =	wrdreg $0x60  }
0xb0: {  	[dreg:$0x2] =	wrdreg s24  }
0xb1: {  	[dreg:$0x3] =	wrdreg s2  }
0xb2: {  	[dreg:$0x4] =	wrdreg s18  }
0xb3: {  	[dreg:$0x5] =	wrdreg s4  }
0xb4: {  	[dreg:$0x6] =	wrdreg $0x12000  }
0xb5: {  	[dreg:$0x7] =	wrdreg $0x9  }
0xb6: {  	_ =	task.clear_ibuf [dreg:s9], $0x8FFFF;
	_ =	strace $0x90000046  }
0xb7: {  	s29 =	simm.s32 $0x9;
	_ =	strace $0x80000048  }
0xb8: {  	_ =	swait.ge [sflag:s29], $0x1  }
0xb9: {  	[sflag:s29] =	ssyncadd.s32 $0xFFFFFFFF  }
0xba: {  	_ =	strace $0x90000048  }
0xbb: {  	_ =	sfence  }
0xbc: {  	s30 =	sld [smem:$0x0];
	_ =	sdelay $0x2  }
0xbd: {  	s31 =	sshll.u32 s1, $0xD;
	s1 =	sshrl.u32 s1, $0x2  }
0xbe: {  	s3 =	sand.u32 $0x4000, s31;
	s1 =	sadd.s32 s1, s30  }
0xbf: {  	s0 =	sor.u32 s3, s0;
	s1 =	sshll.u32 s1, $0x11  }
0xc0: {  	s0 =	sor.u32 s1, s0  }
0xc1: {  	s0 =	sadd.s32 $0x8F2B, s0  }
0xc2: {  	[sflag:s0] =	ssyncadd.remote.s32 $0x1  }
0xc3: {  	_ =	sfence.sel $0xFFFF  }
0xc4: {  	[dreg:$0x0] =	wrdreg $0xFFFFFFFF;
	(pc) =	sbr.abs _section_cstart, $3  }
0xc5: {  	[dreg:$0x1] =	wrdreg $0xFFFFFFFF  }
0xc6: {  	_ =	task.clear_ibuf [dreg:s9], $0x2FFFF;
	_ =	strace $0x9FFFFFFF  }
0xc7: {  	(tm) =	ssettm $0x7FFFFFFF  }
tec
execute0_lowered:
.L_overlay_start_1:
0x0: {  	(tag) =	ssettag $0x1  }
0x1: {  	s0 =	rddreg [dreg:$0x0];
	s1 =	srdreg.scid  }
0x2: {  	s2 =	stileid.u32;
	s6 =	rddreg [dreg:$0x3]  }
0x3: {  	s3 =	rddreg [dreg:$0x4];
	s1 =	sand.u32 $0x1, s1;
	s4 =	sshll.u32 s2, $0x1  }
0x4: {  	s11 =	simm.s32 $0x129C0;
	s12 =	simm.s32 $0x3;
	s5 =	sor.u32 s1, s4  }
0x5: {  	s13 =	simm.s32 $0x4;
	s14 =	simm.s32 $0x0;
	s7 =	smul.u32 $0x4E2, s5  }
0x6: {  	p0 =	sne.s32 s2, $0x0;
	s4 =	simm.s32 $0x0;
	s8 =	smul.u32 $0x138800, s5  }
0x7: {  	s1 =	ssub.s32 $0x2, s1;
	[smem:$0x7FF] =	sst s4;
	s10 =	smul.u32 $0x27100, s5  }
0x8: {  	s9 =	sshrl.u32 s1, $0x1;
	_ =	strace $0x80000047;
	s8 =	sshrl.u32 s8, $0x3  }
0x9: {  	s1 =	ssub.s32 s1, s9;
	s15 =	sadd.s32 s6, s10;
	s16 =	sadd.s32 s6, s8  }
0xa: {  	s9 =	simm.s32 $0x190;
	[dreg:$0x6] =	wrdreg s15;
	s6 =	sadd.s32 $0x1900, s16  }
0xb: {  	s5 =	sadd.s32 s0, s7;
	s17 =	sadd.s32 $0x3200, s16;
	[dreg:$0x7] =	wrdreg s6  }
0xc: {  	s2 =	smax.u32 s1, $0x1;
	s18 =	sadd.s32 $0x4B00, s16;
	[dreg:$0x8] =	wrdreg s17  }
0xd: {  	s1 =	simm.s32 $0x12C0;
	s19 =	sadd.s32 $0x6400, s16;
	[dreg:$0x9] =	wrdreg s18  }
0xe: {  	s7 =	simm.s32 $0x1;
	s20 =	sadd.s32 $0x7D00, s16;
	[dreg:$0xa] =	wrdreg s19  }
0xf: {  	s10 =	simm.s32 $0x61C0;
	s21 =	sadd.s32 $0x9600, s16;
	[dreg:$0xb] =	wrdreg s20  }
0x10: {  	s0 =	sadd.s32 $0x9E00, s5;
	s22 =	sadd.s32 $0xAF00, s16;
	[dreg:$0xc] =	wrdreg s21  }
0x11: {  	s8 =	simm.s32 $0x2;
	s23 =	sadd.s32 $0xC800, s16;
	[dreg:$0xd] =	wrdreg s22  }
0x12: {  	s24 =	sadd.s32 $0xE100, s16;
	s25 =	sadd.s32 $0xFA00, s16;
	[dreg:$0xe] =	wrdreg s23  }
0x13: {  	s26 =	sadd.s32 $0x11300, s16;
	s28 =	sadd.s32 $0x20D00, s16;
	[dreg:$0xf] =	wrdreg s24  }
0x14: {  	s29 =	sadd.s32 $0x22600, s16;
	s30 =	sadd.s32 $0x23F00, s16;
	[dreg:$0x10] =	wrdreg s25  }
0x15: {  	s31 =	sadd.s32 $0x25800, s16;
	[dreg:$0x11] =	wrdreg s26;
	s18 =	sadd.s32 $0x12C00, s16  }
0x16: {  	s19 =	sadd.s32 $0x14500, s16;
	s20 =	sadd.s32 $0x15E00, s16;
	s21 =	sadd.s32 $0x17700, s16  }
0x17: {  	s22 =	sadd.s32 $0x19000, s16;
	s23 =	sadd.s32 $0x1A900, s16;
	s24 =	sadd.s32 $0x1C200, s16  }
0x18: {  	v0 =	vimm.f32 $0.0e+00;
	s25 =	sadd.s32 $0x1DB00, s16;
	s26 =	sadd.s32 $0x1F400, s16;
	s6 =	simm.s32 $0x5  }
.LBB2_1:
0x19: {  	[tilespmem:s1], [sflag:$0x1] =	stream.linear.gather [hbm4b:s0+s4], $0x2710, $0x38;
	[tilespmem:$0x1F1C0] =	vst v63  }
0x1a: {  	s15 =	simm.s32 $0x3A40  }
0x1b: {  	[tilespmem:s15], [sflag:$0x2] =	stream.linear.gather [hbm4b:s5+s4], $0x2710, $0x38;
	[tilespmem:$0x1F1C0] =	vst v63  }
0x1c: {  	s16 =	rddreg [dreg:$0x1]  }
0x1d: {  	[tilespmem:s4], [sflag:$0x5] =	stream.linear.gather [hbm4b:s16+s4], $0x300, $0x38;
	[tilespmem:$0x1F1C0] =	vst v63  }
0x1e: {  	_ =	swait.ge [sflag:s6], $0x300  }
0x1f: {  	[sflag:s6] =	ssyncset.done $0x0  }
0x20: {  	[sflag:s6] =	ssyncadd.s32 $0xFFFFFD00  }
0x21: {  	s16 =	simm.s32 $0x400;
	s17 =	rddreg [dreg:$0x2]  }
0x22: {  	[tilespmem:s16], [sflag:$0x5] =	stream.linear.gather [hbm4b:s17+s4], $0x180, $0x38;
	[tilespmem:$0x1F1C0] =	vst v63  }
0x23: {  	_ =	swait.ge [sflag:s6], $0x180  }
0x24: {  	[sflag:s6] =	ssyncset.done $0x0  }
0x25: {  	[sflag:s6] =	ssyncadd.s32 $0xFFFFFE80  }
0x26: {  	v62 =	vld [tilespmem:$0xF0];
	_ =	sdelay $0x4  }
0x27: {  	[tilespmem:$0x1F930] =	vst v62;
	v62 =	vld [tilespmem:$0x470];
	_ =	sdelay $0x4  }
0x28: {  	[tilespmem:$0x1F940] =	vst v62;
	v62 =	vld [tilespmem:$0x80];
	_ =	sdelay $0x4  }
0x29: {  	[tilespmem:$0x1F950] =	vst v62;
	v62 =	vld [tilespmem:$0x480];
	_ =	sdelay $0x4  }
0x2a: {  	[tilespmem:$0x1F960] =	vst v62;
	v62 =	vld [tilespmem:$0x90];
	_ =	sdelay $0x4  }
0x2b: {  	[tilespmem:$0x1F970] =	vst v62;
	v62 =	vld [tilespmem:$0x490];
	_ =	sdelay $0x4  }
0x2c: {  	[tilespmem:$0x1F980] =	vst v62;
	v62 =	vld [tilespmem:$0xA0];
	_ =	sdelay $0x4  }
0x2d: {  	[tilespmem:$0x1F990] =	vst v62;
	v62 =	vld [tilespmem:$0x4A0];
	_ =	sdelay $0x4  }
0x2e: {  	[tilespmem:$0x1F9A0] =	vst v62;
	v62 =	vld [tilespmem:$0xB0];
	_ =	sdelay $0x4  }
0x2f: {  	[tilespmem:$0x1F9B0] =	vst v62;
	v62 =	vld [tilespmem:$0x4B0];
	_ =	sdelay $0x4  }
0x30: {  	[tilespmem:$0x1F9C0] =	vst v62;
	v62 =	vld [tilespmem:$0xC0];
	_ =	sdelay $0x4  }
0x31: {  	[tilespmem:$0x1F9D0] =	vst v62;
	v62 =	vld [tilespmem:$0x4C0];
	_ =	sdelay $0x4  }
0x32: {  	[tilespmem:$0x1F9E0] =	vst v62;
	v62 =	vld [tilespmem:$0xD0];
	_ =	sdelay $0x4  }
0x33: {  	[tilespmem:$0x1F9F0] =	vst v62;
	v62 =	vld [tilespmem:$0x4D0];
	_ =	sdelay $0x4  }
0x34: {  	[tilespmem:$0x1FA00] =	vst v62;
	v62 =	vld [tilespmem:$0xE0];
	_ =	sdelay $0x4  }
0x35: {  	[tilespmem:$0x1FA10] =	vst v62;
	v62 =	vld [tilespmem:$0x4E0];
	_ =	sdelay $0x4  }
0x36: {  	[tilespmem:$0x1FA20] =	vst v62;
	v62 =	vld [tilespmem:$0xF0];
	_ =	sdelay $0x4  }
0x37: {  	[tilespmem:$0x1FA30] =	vst v62;
	v62 =	vld [tilespmem:$0x4F0];
	_ =	sdelay $0x4  }
0x38: {  	[tilespmem:$0x1FA40] =	vst v62;
	v62 =	vld [tilespmem:$0x80];
	_ =	sdelay $0x4  }
0x39: {  	[tilespmem:$0x1FA50] =	vst v62;
	v62 =	vld [tilespmem:$0x500];
	_ =	sdelay $0x4  }
0x3a: {  	[tilespmem:$0x1FA60] =	vst v62;
	v62 =	vld [tilespmem:$0x90];
	_ =	sdelay $0x4  }
0x3b: {  	[tilespmem:$0x1FA70] =	vst v62;
	v62 =	vld [tilespmem:$0x510];
	_ =	sdelay $0x4  }
0x3c: {  	[tilespmem:$0x1FA80] =	vst v62;
	v62 =	vld [tilespmem:$0xA0];
	_ =	sdelay $0x4  }
0x3d: {  	[tilespmem:$0x1FA90] =	vst v62;
	v62 =	vld [tilespmem:$0x520];
	_ =	sdelay $0x4  }
0x3e: {  	[tilespmem:$0x1FAA0] =	vst v62;
	v62 =	vld [tilespmem:$0xB0];
	_ =	sdelay $0x4  }
0x3f: {  	[tilespmem:$0x1FAB0] =	vst v62;
	v62 =	vld [tilespmem:$0x530];
	_ =	sdelay $0x4  }
0x40: {  	[tilespmem:$0x1FAC0] =	vst v62;
	v62 =	vld [tilespmem:$0xC0];
	_ =	sdelay $0x4  }
0x41: {  	[tilespmem:$0x1FAD0] =	vst v62;
	v62 =	vld [tilespmem:$0x540];
	_ =	sdelay $0x4  }
0x42: {  	[tilespmem:$0x1FAE0] =	vst v62;
	v62 =	vld [tilespmem:$0xD0];
	_ =	sdelay $0x4  }
0x43: {  	[tilespmem:$0x1FAF0] =	vst v62;
	v62 =	vld [tilespmem:$0x550];
	_ =	sdelay $0x4  }
0x44: {  	[tilespmem:$0x1FB00] =	vst v62;
	v62 =	vld [tilespmem:$0xE0];
	_ =	sdelay $0x4  }
0x45: {  	[tilespmem:$0x1FB10] =	vst v62;
	v62 =	vld [tilespmem:$0x560];
	_ =	sdelay $0x4  }
0x46: {  	[tilespmem:$0x1FB20] =	vst v62;
	v62 =	vld [tilespmem:$0xF0];
	_ =	sdelay $0x4  }
0x47: {  	[tilespmem:$0x1FB30] =	vst v62;
	v62 =	vld [tilespmem:$0x570];
	_ =	sdelay $0x4  }
0x48: {  	[tilespmem:$0x1FB40] =	vst v62;
	v62 =	vld [tilespmem:$0x100];
	_ =	sdelay $0x4  }
0x49: {  	[tilespmem:$0x1FB50] =	vst v62;
	v62 =	vld [tilespmem:$0x400];
	_ =	sdelay $0x4  }
0x4a: {  	[tilespmem:$0x1FB60] =	vst v62;
	v62 =	vld [tilespmem:$0x110];
	_ =	sdelay $0x4  }
0x4b: {  	[tilespmem:$0x1FB70] =	vst v62;
	v62 =	vld [tilespmem:$0x410];
	_ =	sdelay $0x4  }
0x4c: {  	[tilespmem:$0x1FB80] =	vst v62;
	v62 =	vld [tilespmem:$0x120];
	_ =	sdelay $0x4  }
0x4d: {  	[tilespmem:$0x1FB90] =	vst v62;
	v62 =	vld [tilespmem:$0x420];
	_ =	sdelay $0x4  }
0x4e: {  	[tilespmem:$0x1FBA0] =	vst v62;
	v62 =	vld [tilespmem:$0x130];
	_ =	sdelay $0x4  }
0x4f: {  	[tilespmem:$0x1FBB0] =	vst v62;
	v62 =	vld [tilespmem:$0x430];
	_ =	sdelay $0x4  }
0x50: {  	[tilespmem:$0x1FBC0] =	vst v62;
	v62 =	vld [tilespmem:$0x140];
	_ =	sdelay $0x4  }
0x51: {  	[tilespmem:$0x1FBD0] =	vst v62;
	v62 =	vld [tilespmem:$0x440];
	_ =	sdelay $0x4  }
0x52: {  	[tilespmem:$0x1FBE0] =	vst v62;
	v62 =	vld [tilespmem:$0x150];
	_ =	sdelay $0x4  }
0x53: {  	[tilespmem:$0x1FBF0] =	vst v62;
	v62 =	vld [tilespmem:$0x450];
	_ =	sdelay $0x4  }
0x54: {  	[tilespmem:$0x1FC00] =	vst v62;
	v62 =	vld [tilespmem:$0x160];
	_ =	sdelay $0x4  }
0x55: {  	[tilespmem:$0x1FC10] =	vst v62;
	v62 =	vld [tilespmem:$0x460];
	_ =	sdelay $0x4  }
0x56: {  	[tilespmem:$0x1FC20] =	vst v62;
	v62 =	vld [tilespmem:$0x170];
	_ =	sdelay $0x4  }
0x57: {  	[tilespmem:$0x1FC30] =	vst v62;
	v62 =	vld [tilespmem:$0x470];
	_ =	sdelay $0x4  }
0x58: {  	[tilespmem:$0x1FC40] =	vst v62;
	v62 =	vld [tilespmem:$0x100];
	_ =	sdelay $0x4  }
0x59: {  	[tilespmem:$0x1FC50] =	vst v62;
	v62 =	vld [tilespmem:$0x480];
	_ =	sdelay $0x4  }
0x5a: {  	[tilespmem:$0x1FC60] =	vst v62;
	v62 =	vld [tilespmem:$0x110];
	_ =	sdelay $0x4  }
0x5b: {  	[tilespmem:$0x1FC70] =	vst v62;
	v62 =	vld [tilespmem:$0x490];
	_ =	sdelay $0x4  }
0x5c: {  	[tilespmem:$0x1FC80] =	vst v62;
	v62 =	vld [tilespmem:$0x120];
	_ =	sdelay $0x4  }
0x5d: {  	[tilespmem:$0x1FC90] =	vst v62;
	v62 =	vld [tilespmem:$0x4A0];
	_ =	sdelay $0x4  }
0x5e: {  	[tilespmem:$0x1FCA0] =	vst v62;
	v62 =	vld [tilespmem:$0x130];
	_ =	sdelay $0x4  }
0x5f: {  	[tilespmem:$0x1FCB0] =	vst v62;
	v62 =	vld [tilespmem:$0x4B0];
	_ =	sdelay $0x4  }
0x60: {  	[tilespmem:$0x1FCC0] =	vst v62;
	v62 =	vld [tilespmem:$0x140];
	_ =	sdelay $0x4  }
0x61: {  	[tilespmem:$0x1FCD0] =	vst v62;
	v62 =	vld [tilespmem:$0x4C0];
	_ =	sdelay $0x3  }
0x62: {  	v4 =	vld [tilespmem:$0x0]  }
0x63: {  	[tilespmem:$0x1FCE0] =	vst v62;
	v62 =	vld [tilespmem:$0x150]  }
0x64: {  	v1 =	vld [tilespmem:$0x400]  }
0x65: {  	v5 =	vld [tilespmem:$0x10]  }
0x66: {  	v2 =	vld [tilespmem:$0x410]  }
0x67: {  	v7 =	vld [tilespmem:$0x20]  }
0x68: {  	[tilespmem:$0x1FCF0] =	vst v62;
	v62 =	vld [tilespmem:$0x4D0]  }
0x69: {  	v3 =	vld [tilespmem:$0x420]  }
0x6a: {  	v9 =	vld [tilespmem:$0x30]  }
0x6b: {  	v6 =	vld [tilespmem:$0x430]  }
0x6c: {  	v11 =	vld [tilespmem:$0x40]  }
0x6d: {  	[tilespmem:$0x1FD00] =	vst v62;
	v62 =	vld [tilespmem:$0x160]  }
0x6e: {  	v8 =	vld [tilespmem:$0x440]  }
0x6f: {  	v13 =	vld [tilespmem:$0x50]  }
0x70: {  	v10 =	vld [tilespmem:$0x450]  }
0x71: {  	v15 =	vld [tilespmem:$0x60]  }
0x72: {  	[tilespmem:$0x1FD10] =	vst v62;
	v62 =	vld [tilespmem:$0x4E0]  }
0x73: {  	v12 =	vld [tilespmem:$0x460]  }
0x74: {  	v17 =	vld [tilespmem:$0x70]  }
0x75: {  	v14 =	vld [tilespmem:$0x470]  }
0x76: {  	v19 =	vld [tilespmem:$0x0]  }
0x77: {  	[tilespmem:$0x1FD20] =	vst v62;
	v62 =	vld [tilespmem:$0x170]  }
0x78: {  	v16 =	vld [tilespmem:$0x480]  }
0x79: {  	v21 =	vld [tilespmem:$0x10]  }
0x7a: {  	v18 =	vld [tilespmem:$0x490]  }
0x7b: {  	v23 =	vld [tilespmem:$0x20]  }
0x7c: {  	[tilespmem:$0x1FD30] =	vst v62;
	v62 =	vld [tilespmem:$0x4F0]  }
0x7d: {  	v20 =	vld [tilespmem:$0x4A0]  }
0x7e: {  	v25 =	vld [tilespmem:$0x30]  }
0x7f: {  	v22 =	vld [tilespmem:$0x4B0]  }
0x80: {  	v27 =	vld [tilespmem:$0x40]  }
0x81: {  	[tilespmem:$0x1FD40] =	vst v62;
	v62 =	vld [tilespmem:$0x100]  }
0x82: {  	v24 =	vld [tilespmem:$0x4C0]  }
0x83: {  	v29 =	vld [tilespmem:$0x50]  }
0x84: {  	v26 =	vld [tilespmem:$0x4D0]  }
0x85: {  	v31 =	vld [tilespmem:$0x60]  }
0x86: {  	[tilespmem:$0x1FD50] =	vst v62;
	v62 =	vld [tilespmem:$0x500]  }
0x87: {  	v28 =	vld [tilespmem:$0x4E0]  }
0x88: {  	v33 =	vld [tilespmem:$0x70]  }
0x89: {  	v30 =	vld [tilespmem:$0x4F0]  }
0x8a: {  	v35 =	vld [tilespmem:$0x0]  }
0x8b: {  	[tilespmem:$0x1FD60] =	vst v62;
	v62 =	vld [tilespmem:$0x110]  }
0x8c: {  	v32 =	vld [tilespmem:$0x500]  }
0x8d: {  	v37 =	vld [tilespmem:$0x10]  }
0x8e: {  	v34 =	vld [tilespmem:$0x510]  }
0x8f: {  	v55 =	vld [tilespmem:$0x20]  }
0x90: {  	[tilespmem:$0x1FD70] =	vst v62;
	v62 =	vld [tilespmem:$0x510]  }
0x91: {  	v36 =	vld [tilespmem:$0x520]  }
0x92: {  	v56 =	vld [tilespmem:$0x30]  }
0x93: {  	v38 =	vld [tilespmem:$0x530]  }
0x94: {  	v47 =	vld [tilespmem:$0x40]  }
0x95: {  	[tilespmem:$0x1FD80] =	vst v62;
	v62 =	vld [tilespmem:$0x120]  }
0x96: {  	v39 =	vld [tilespmem:$0x540]  }
0x97: {  	v44 =	vld [tilespmem:$0x50]  }
0x98: {  	v40 =	vld [tilespmem:$0x550]  }
0x99: {  	v43 =	vld [tilespmem:$0x60]  }
0x9a: {  	[tilespmem:$0x1FD90] =	vst v62;
	v62 =	vld [tilespmem:$0x520]  }
0x9b: {  	v41 =	vld [tilespmem:$0x560]  }
0x9c: {  	v45 =	vld [tilespmem:$0x70]  }
0x9d: {  	v42 =	vld [tilespmem:$0x570]  }
0x9e: {  	v49 =	vld [tilespmem:$0x80]  }
0x9f: {  	[tilespmem:$0x1FDA0] =	vst v62;
	v62 =	vld [tilespmem:$0x130]  }
0xa0: {  	v46 =	vld [tilespmem:$0x400]  }
0xa1: {  	v51 =	vld [tilespmem:$0x90]  }
0xa2: {  	v48 =	vld [tilespmem:$0x410]  }
0xa3: {  	v53 =	vld [tilespmem:$0xA0]  }
0xa4: {  	[tilespmem:$0x1FDB0] =	vst v62;
	v62 =	vld [tilespmem:$0x530]  }
0xa5: {  	v50 =	vld [tilespmem:$0x420]  }
0xa6: {  	v54 =	vld [tilespmem:$0xB0]  }
0xa7: {  	v52 =	vld [tilespmem:$0x430]  }
0xa8: {  	v59 =	vld [tilespmem:$0xC0]  }
0xa9: {  	[tilespmem:$0x1FDC0] =	vst v62;
	v62 =	vld [tilespmem:$0x140]  }
0xaa: {  	v57 =	vld [tilespmem:$0x440]  }
0xab: {  	v61 =	vld [tilespmem:$0xD0]  }
0xac: {  	v58 =	vld [tilespmem:$0x450]  }
0xad: {  	v63 =	vld [tilespmem:$0xE0];
	v1 =	vadd.f32 v1, v4  }
0xae: {  	v60 =	vld [tilespmem:$0x460];
	v2 =	vadd.f32 v2, v5;
	[tilespmem:$0x1FDD0] =	vst v62  }
0xaf: {  	v62 =	vld [tilespmem:$0x540];
	[tilespmem:$0x600] =	vst v1;
	v1 =	vadd.f32 v3, v7  }
0xb0: {  	[tilespmem:$0x610] =	vst v2;
	v2 =	vadd.f32 v6, v9  }
0xb1: {  	[tilespmem:$0x620] =	vst v1;
	v1 =	vadd.f32 v8, v11  }
0xb2: {  	[tilespmem:$0x630] =	vst v2;
	v2 =	vadd.f32 v10, v13  }
0xb3: {  	[tilespmem:$0x640] =	vst v1;
	v1 =	vadd.f32 v12, v15  }
0xb4: {  	[tilespmem:$0x650] =	vst v2;
	v2 =	vadd.f32 v14, v17  }
0xb5: {  	[tilespmem:$0x660] =	vst v1;
	v1 =	vadd.f32 v16, v19  }
0xb6: {  	[tilespmem:$0x670] =	vst v2;
	v2 =	vadd.f32 v18, v21  }
0xb7: {  	[tilespmem:$0x680] =	vst v1;
	v1 =	vadd.f32 v20, v23  }
0xb8: {  	[tilespmem:$0x690] =	vst v2;
	v2 =	vadd.f32 v22, v25  }
0xb9: {  	[tilespmem:$0x6A0] =	vst v1;
	v1 =	vadd.f32 v24, v27  }
0xba: {  	[tilespmem:$0x6B0] =	vst v2;
	v2 =	vadd.f32 v26, v29  }
0xbb: {  	[tilespmem:$0x6C0] =	vst v1;
	v1 =	vadd.f32 v28, v31  }
0xbc: {  	[tilespmem:$0x6D0] =	vst v2;
	v2 =	vadd.f32 v30, v33  }
0xbd: {  	[tilespmem:$0x6E0] =	vst v1;
	v1 =	vadd.f32 v32, v35  }
0xbe: {  	[tilespmem:$0x6F0] =	vst v2;
	v2 =	vadd.f32 v34, v37  }
0xbf: {  	[tilespmem:$0x700] =	vst v1;
	v1 =	vadd.f32 v36, v55  }
0xc0: {  	[tilespmem:$0x710] =	vst v2;
	v2 =	vadd.f32 v38, v56  }
0xc1: {  	[tilespmem:$0x720] =	vst v1;
	v1 =	vadd.f32 v39, v47  }
0xc2: {  	[tilespmem:$0x730] =	vst v2;
	v2 =	vadd.f32 v40, v44  }
0xc3: {  	[tilespmem:$0x740] =	vst v1;
	v1 =	vadd.f32 v41, v43  }
0xc4: {  	[tilespmem:$0x750] =	vst v2;
	v2 =	vadd.f32 v42, v45  }
0xc5: {  	[tilespmem:$0x760] =	vst v1;
	v1 =	vadd.f32 v46, v49  }
0xc6: {  	[tilespmem:$0x770] =	vst v2;
	v2 =	vadd.f32 v48, v51  }
0xc7: {  	[tilespmem:$0x780] =	vst v1;
	v1 =	vadd.f32 v50, v53  }
0xc8: {  	[tilespmem:$0x790] =	vst v2;
	v2 =	vadd.f32 v52, v54  }
0xc9: {  	[tilespmem:$0x7A0] =	vst v1;
	v1 =	vadd.f32 v57, v59  }
0xca: {  	[tilespmem:$0x7B0] =	vst v2;
	v2 =	vadd.f32 v58, v61  }
0xcb: {  	[tilespmem:$0x7C0] =	vst v1;
	v1 =	vld [tilespmem:$0x1F930]  }
0xcc: {  	[tilespmem:$0x7D0] =	vst v2;
	v2 =	vld [tilespmem:$0x1F940];
	_ =	sdelay $0x4  }
0xcd: {  	v5 =	vadd.f32 v2, v1;
	v1 =	vld [tilespmem:$0x1F950]  }
0xce: {  	v2 =	vld [tilespmem:$0x1F960];
	_ =	sdelay $0x4  }
0xcf: {  	v6 =	vadd.f32 v2, v1;
	v1 =	vld [tilespmem:$0x1F970]  }
0xd0: {  	v2 =	vld [tilespmem:$0x1F980];
	_ =	sdelay $0x4  }
0xd1: {  	v8 =	vadd.f32 v2, v1;
	v1 =	vld [tilespmem:$0x1F990]  }
0xd2: {  	v2 =	vld [tilespmem:$0x1F9A0];
	_ =	sdelay $0x4  }
0xd3: {  	v25 =	vadd.f32 v2, v1;
	v1 =	vld [tilespmem:$0x1F9B0]  }
0xd4: {  	v2 =	vld [tilespmem:$0x1F9C0];
	_ =	sdelay $0x4  }
0xd5: {  	v26 =	vadd.f32 v2, v1;
	v1 =	vld [tilespmem:$0x1F9D0]  }
0xd6: {  	v2 =	vld [tilespmem:$0x1F9E0];
	_ =	sdelay $0x4  }
0xd7: {  	v28 =	vadd.f32 v2, v1;
	v1 =	vld [tilespmem:$0x1F9F0]  }
0xd8: {  	v2 =	vld [tilespmem:$0x1FA00];
	_ =	sdelay $0x4  }
0xd9: {  	v29 =	vadd.f32 v2, v1;
	v1 =	vld [tilespmem:$0x1FA10]  }
0xda: {  	v2 =	vld [tilespmem:$0x1FA20];
	_ =	sdelay $0x4  }
0xdb: {  	v30 =	vadd.f32 v2, v1;
	v1 =	vld [tilespmem:$0x1FA30]  }
0xdc: {  	v2 =	vld [tilespmem:$0x1FA40];
	_ =	sdelay $0x4  }
0xdd: {  	v31 =	vadd.f32 v2, v1;
	v1 =	vld [tilespmem:$0x1FA50]  }
0xde: {  	v2 =	vld [tilespmem:$0x1FA60];
	_ =	sdelay $0x3  }
0xdf: {  	v3 =	vld [tilespmem:$0x1C0]  }
0xe0: {  	v32 =	vadd.f32 v2, v1;
	v1 =	vld [tilespmem:$0x1FA70]  }
0xe1: {  	v2 =	vld [tilespmem:$0x1FA80];
	_ =	sdelay $0x3  }
0xe2: {  	[tilespmem:$0x1FEA0] =	vst v3;
	v3 =	vld [tilespmem:$0x440]  }
0xe3: {  	v33 =	vadd.f32 v2, v1;
	v1 =	vld [tilespmem:$0x1FA90]  }
0xe4: {  	v2 =	vld [tilespmem:$0x1FAA0];
	_ =	sdelay $0x3  }
0xe5: {  	[tilespmem:$0x1FEB0] =	vst v3;
	v3 =	vld [tilespmem:$0x1D0]  }
0xe6: {  	v34 =	vadd.f32 v2, v1;
	v1 =	vld [tilespmem:$0x1FAB0]  }
0xe7: {  	v2 =	vld [tilespmem:$0x1FAC0];
	_ =	sdelay $0x3  }
0xe8: {  	[tilespmem:$0x1FEC0] =	vst v3;
	v3 =	vld [tilespmem:$0x450]  }
0xe9: {  	v37 =	vadd.f32 v2, v1;
	v1 =	vld [tilespmem:$0x1FAD0]  }
0xea: {  	v2 =	vld [tilespmem:$0x1FAE0];
	_ =	sdelay $0x3  }
0xeb: {  	[tilespmem:$0x1FED0] =	vst v3;
	v3 =	vld [tilespmem:$0x1E0]  }
0xec: {  	v38 =	vadd.f32 v2, v1;
	v1 =	vld [tilespmem:$0x1FAF0]  }
0xed: {  	v2 =	vld [tilespmem:$0x1FB00];
	_ =	sdelay $0x3  }
0xee: {  	[tilespmem:$0x1FEE0] =	vst v3;
	v3 =	vld [tilespmem:$0x460]  }
0xef: {  	v39 =	vadd.f32 v2, v1;
	v1 =	vld [tilespmem:$0x1FB10]  }
0xf0: {  	v2 =	vld [tilespmem:$0x1FB20];
	_ =	sdelay $0x3  }
0xf1: {  	[tilespmem:$0x1FEF0] =	vst v3;
	v3 =	vld [tilespmem:$0x1F0]  }
0xf2: {  	v40 =	vadd.f32 v2, v1;
	v1 =	vld [tilespmem:$0x1FB30]  }
0xf3: {  	v2 =	vld [tilespmem:$0x1FB40];
	_ =	sdelay $0x3  }
0xf4: {  	[tilespmem:$0x1FF00] =	vst v3;
	v3 =	vld [tilespmem:$0x470]  }
0xf5: {  	v41 =	vadd.f32 v2, v1;
	v1 =	vld [tilespmem:$0x1FB50]  }
0xf6: {  	v2 =	vld [tilespmem:$0x1FB60];
	_ =	sdelay $0x3  }
0xf7: {  	[tilespmem:$0x1FF10] =	vst v3;
	v3 =	vld [tilespmem:$0x180]  }
0xf8: {  	v42 =	vadd.f32 v2, v1;
	v1 =	vld [tilespmem:$0x1FB70]  }
0xf9: {  	v2 =	vld [tilespmem:$0x1FB80];
	_ =	sdelay $0x3  }
0xfa: {  	[tilespmem:$0x1FF20] =	vst v3;
	v3 =	vld [tilespmem:$0x480]  }
0xfb: {  	v43 =	vadd.f32 v2, v1;
	v1 =	vld [tilespmem:$0x1FB90]  }
0xfc: {  	v2 =	vld [tilespmem:$0x1FBA0];
	_ =	sdelay $0x3  }
0xfd: {  	[tilespmem:$0x1FF30] =	vst v3;
	v3 =	vld [tilespmem:$0x190]  }
0xfe: {  	v45 =	vadd.f32 v2, v1;
	v1 =	vld [tilespmem:$0x1FBB0]  }
0xff: {  	v2 =	vld [tilespmem:$0x1FBC0];
	_ =	sdelay $0x3  }
0x100: {  	[tilespmem:$0x1FF40] =	vst v3;
	v3 =	vld [tilespmem:$0x490]  }
0x101: {  	v46 =	vadd.f32 v2, v1;
	v1 =	vld [tilespmem:$0x1FBD0]  }
0x102: {  	v2 =	vld [tilespmem:$0x1FBE0];
	_ =	sdelay $0x3  }
0x103: {  	[tilespmem:$0x1FF50] =	vst v3;
	v3 =	vld [tilespmem:$0x1A0]  }
0x104: {  	v48 =	vadd.f32 v2, v1;
	v1 =	vld [tilespmem:$0x1FBF0]  }
0x105: {  	v2 =	vld [tilespmem:$0x1FC00];
	_ =	sdelay $0x3  }
0x106: {  	[tilespmem:$0x1FF60] =	vst v3;
	v3 =	vld [tilespmem:$0x4A0]  }
0x107: {  	v49 =	vadd.f32 v2, v1;
	v1 =	vld [tilespmem:$0x1FC10]  }
0x108: {  	v2 =	vld [tilespmem:$0x1FC20];
	_ =	sdelay $0x3  }
0x109: {  	[tilespmem:$0x1FF70] =	vst v3;
	v3 =	vld [tilespmem:$0x1B0]  }
0x10a: {  	v50 =	vadd.f32 v2, v1;
	v1 =	vld [tilespmem:$0x1FC30]  }
0x10b: {  	v2 =	vld [tilespmem:$0x1FC40];
	_ =	sdelay $0x3  }
0x10c: {  	[tilespmem:$0x1FF80] =	vst v3;
	v3 =	vld [tilespmem:$0x4B0]  }
0x10d: {  	v51 =	vadd.f32 v2, v1;
	v1 =	vld [tilespmem:$0x1FC50]  }
0x10e: {  	v2 =	vld [tilespmem:$0x1FC60];
	_ =	sdelay $0x3  }
0x10f: {  	[tilespmem:$0x1FF90] =	vst v3;
	v3 =	vld [tilespmem:$0x1C0]  }
0x110: {  	v52 =	vadd.f32 v2, v1;
	v1 =	vld [tilespmem:$0x1FC70]  }
0x111: {  	v2 =	vld [tilespmem:$0x1FC80];
	_ =	sdelay $0x3  }
0x112: {  	[tilespmem:$0x1FFA0] =	vst v3;
	v3 =	vld [tilespmem:$0x4C0]  }
0x113: {  	v53 =	vadd.f32 v2, v1;
	v1 =	vld [tilespmem:$0x1FC90]  }
0x114: {  	v2 =	vld [tilespmem:$0x1FCA0];
	_ =	sdelay $0x3  }
0x115: {  	[tilespmem:$0x1FFB0] =	vst v3;
	v3 =	vld [tilespmem:$0x1D0]  }
0x116: {  	v54 =	vadd.f32 v2, v1;
	v1 =	vld [tilespmem:$0x1FCB0]  }
0x117: {  	v2 =	vld [tilespmem:$0x1FCC0];
	_ =	sdelay $0x3  }
0x118: {  	[tilespmem:$0x1FFC0] =	vst v3;
	v3 =	vld [tilespmem:$0x4D0]  }
0x119: {  	v57 =	vadd.f32 v2, v1;
	v1 =	vld [tilespmem:$0x1FCD0]  }
0x11a: {  	v2 =	vld [tilespmem:$0x1FCE0]  }
0x11b: {  	v4 =	vld [tilespmem:$0x1B0]  }
0x11c: {  	v7 =	vld [tilespmem:$0x430]  }
0x11d: {  	v9 =	vld [tilespmem:$0x540]  }
0x11e: {  	[tilespmem:$0x1FFD0] =	vst v3;
	v3 =	vld [tilespmem:$0x1E0]  }
0x11f: {  	v58 =	vadd.f32 v2, v1;
	v1 =	vld [tilespmem:$0x1FCF0]  }
0x120: {  	v2 =	vld [tilespmem:$0x1FD00]  }
0x121: {  	v10 =	vld [tilespmem:$0x1D0]  }
0x122: {  	v11 =	vld [tilespmem:$0x550]  }
0x123: {  	v13 =	vld [tilespmem:$0x560]  }
0x124: {  	[tilespmem:$0x1FFE0] =	vst v3;
	v3 =	vld [tilespmem:$0x1F0]  }
0x125: {  	v59 =	vadd.f32 v2, v1;
	v1 =	vld [tilespmem:$0x1FD10]  }
0x126: {  	[tilespmem:$0xF00] =	vst v0;
	v2 =	vld [tilespmem:$0x1FD20]  }
0x127: {  	[tilespmem:$0xF10] =	vst v0;
	v15 =	vld [tilespmem:$0x530]  }
0x128: {  	[tilespmem:$0xF20] =	vst v0;
	v12 =	vld [tilespmem:$0x1E0]  }
0x129: {  	[tilespmem:$0xF30] =	vst v0;
	v14 =	vld [tilespmem:$0x1F0]  }
0x12a: {  	[tilespmem:$0x1FDE0] =	vst v62;
	v62 =	vld [tilespmem:$0x150]  }
0x12b: {  	[tilespmem:$0x1FFF0] =	vst v3;
	v3 =	vadd.f32 v60, v63;
	v60 =	vadd.f32 v2, v1;
	v1 =	vld [tilespmem:$0x1FD30]  }
0x12c: {  	[tilespmem:$0xF40] =	vst v0;
	v2 =	vld [tilespmem:$0x1FD40]  }
0x12d: {  	[tilespmem:$0xF50] =	vst v0;
	v17 =	vld [tilespmem:$0x570]  }
0x12e: {  	[tilespmem:$0xF60] =	vst v0;
	v16 =	vld [tilespmem:$0x520]  }
0x12f: {  	[tilespmem:$0xF70] =	vst v0;
	v18 =	vld [tilespmem:$0x200]  }
0x130: {  	[tilespmem:$0x1FDF0] =	vst v62;
	v62 =	vld [tilespmem:$0x550]  }
0x131: {  	[tilespmem:$0xF80] =	vst v0;
	v61 =	vadd.f32 v2, v1;
	v1 =	vld [tilespmem:$0x1FD50]  }
0x132: {  	[tilespmem:$0xF90] =	vst v0;
	v2 =	vld [tilespmem:$0x1FD60]  }
0x133: {  	[tilespmem:$0xFA0] =	vst v0;
	v19 =	vld [tilespmem:$0x400]  }
0x134: {  	[tilespmem:$0xFB0] =	vst v0;
	v21 =	vld [tilespmem:$0x410]  }
0x135: {  	[tilespmem:$0xFC0] =	vst v0;
	v10 =	vadd.f32 v11, v10;
	v11 =	vld [tilespmem:$0x290]  }
0x136: {  	[tilespmem:$0x1FE00] =	vst v62;
	v62 =	vld [tilespmem:$0x160]  }
0x137: {  	[tilespmem:$0xFD0] =	vst v0;
	v63 =	vadd.f32 v2, v1;
	v1 =	vld [tilespmem:$0x1FD70]  }
0x138: {  	[tilespmem:$0xFE0] =	vst v0;
	v2 =	vld [tilespmem:$0x1FD80]  }
0x139: {  	[tilespmem:$0xFF0] =	vst v0;
	v20 =	vld [tilespmem:$0x210]  }
0x13a: {  	[tilespmem:$0x1000] =	vst v0;
	v22 =	vld [tilespmem:$0x220]  }
0x13b: {  	[tilespmem:$0x1010] =	vst v0;
	v23 =	vld [tilespmem:$0x420]  }
0x13c: {  	[tilespmem:$0x1FE10] =	vst v62;
	v62 =	vld [tilespmem:$0x560]  }
0x13d: {  	[tilespmem:$0x980] =	vst v52;
	v52 =	vadd.f32 v2, v1;
	v1 =	vld [tilespmem:$0x1FD90]  }
0x13e: {  	[tilespmem:$0x1020] =	vst v0;
	v2 =	vld [tilespmem:$0x1FDA0]  }
0x13f: {  	[tilespmem:$0x1030] =	vst v0;
	v17 =	vadd.f32 v17, v14;
	v14 =	vld [tilespmem:$0x420]  }
0x140: {  	[tilespmem:$0x1040] =	vst v0;
	v27 =	vld [tilespmem:$0x1A0]  }
0x141: {  	[tilespmem:$0x1050] =	vst v0;
	v24 =	vld [tilespmem:$0x1B0]  }
0x142: {  	[tilespmem:$0x1FE20] =	vst v62;
	v62 =	vld [tilespmem:$0x170]  }
0x143: {  	[tilespmem:$0x990] =	vst v53;
	v53 =	vadd.f32 v2, v1;
	v1 =	vld [tilespmem:$0x1FDB0]  }
0x144: {  	[tilespmem:$0x1060] =	vst v0;
	v2 =	vld [tilespmem:$0x1FDC0]  }
0x145: {  	[tilespmem:$0xBF0] =	vst v17;
	v17 =	vld [tilespmem:$0x2C0]  }
0x146: {  	[tilespmem:$0x1070] =	vst v0;
	v21 =	vadd.f32 v21, v20;
	v20 =	vld [tilespmem:$0x450]  }
0x147: {  	[tilespmem:$0x1080] =	vst v0;
	v35 =	vld [tilespmem:$0x510]  }
0x148: {  	[tilespmem:$0x1FE30] =	vst v62;
	v62 =	vld [tilespmem:$0x570]  }
0x149: {  	[tilespmem:$0x9A0] =	vst v54;
	v54 =	vadd.f32 v2, v1;
	v1 =	vld [tilespmem:$0x1FDD0]  }
0x14a: {  	[tilespmem:$0x1090] =	vst v0;
	v2 =	vld [tilespmem:$0x1FDE0]  }
0x14b: {  	[tilespmem:$0x10A0] =	vst v0;
	v16 =	vadd.f32 v16, v27;
	v27 =	vld [tilespmem:$0x570]  }
0x14c: {  	[tilespmem:$0x10B0] =	vst v0;
	v15 =	vadd.f32 v15, v24;
	v24 =	vld [tilespmem:$0x280]  }
0x14d: {  	[tilespmem:$0xC10] =	vst v21;
	v21 =	vld [tilespmem:$0x2E0]  }
0x14e: {  	[tilespmem:$0x1FE40] =	vst v62;
	v62 =	vld [tilespmem:$0x180]  }
0x14f: {  	[tilespmem:$0x9B0] =	vst v57;
	v57 =	vadd.f32 v2, v1;
	v1 =	vld [tilespmem:$0x1FDF0]  }
0x150: {  	[tilespmem:$0x10C0] =	vst v0;
	v2 =	vld [tilespmem:$0x1FE00]  }
0x151: {  	[tilespmem:$0x10D0] =	vst v0;
	v56 =	vld [tilespmem:$0x4E0]  }
0x152: {  	[tilespmem:$0x10E0] =	vst v0;
	v55 =	vld [tilespmem:$0x4F0]  }
0x153: {  	[tilespmem:$0x10F0] =	vst v0;
	v36 =	vld [tilespmem:$0x500]  }
0x154: {  	[tilespmem:$0x1FE50] =	vst v62;
	v62 =	vld [tilespmem:$0x400]  }
0x155: {  	[tilespmem:$0x9C0] =	vst v58;
	v58 =	vadd.f32 v2, v1;
	v1 =	vld [tilespmem:$0x1FE10]  }
0x156: {  	[tilespmem:$0x1100] =	vst v0;
	v2 =	vld [tilespmem:$0x1FE20]  }
0x157: {  	[tilespmem:$0xBB0] =	vst v15;
	v15 =	vld [tilespmem:$0x2B0]  }
0x158: {  	[tilespmem:$0x1110] =	vst v0;
	v47 =	vld [tilespmem:$0x180]  }
0x159: {  	[tilespmem:$0x1120] =	vst v0;
	v44 =	vld [tilespmem:$0x190]  }
0x15a: {  	[tilespmem:$0x1FE60] =	vst v62;
	v62 =	vld [tilespmem:$0x190]  }
0x15b: {  	[tilespmem:$0x9D0] =	vst v59;
	v59 =	vadd.f32 v2, v1;
	v1 =	vld [tilespmem:$0x1FE30]  }
0x15c: {  	[tilespmem:$0x1130] =	vst v0;
	v2 =	vld [tilespmem:$0x1FE40]  }
0x15d: {  	[tilespmem:$0xBA0] =	vst v16;
	v16 =	vld [tilespmem:$0x430]  }
0x15e: {  	[tilespmem:$0x1140] =	vst v0;
	v35 =	vadd.f32 v35, v44;
	v44 =	vld [tilespmem:$0x290]  }
0x15f: {  	[tilespmem:$0x1150] =	vst v0;
	v36 =	vadd.f32 v36, v47;
	v47 =	vld [tilespmem:$0x2A0]  }
0x160: {  	[tilespmem:$0x1FE70] =	vst v62;
	v62 =	vld [tilespmem:$0x410]  }
0x161: {  	[tilespmem:$0x9E0] =	vst v60;
	v60 =	vadd.f32 v2, v1;
	v1 =	vld [tilespmem:$0x1FE50]  }
0x162: {  	[tilespmem:$0x1160] =	vst v0;
	v2 =	vld [tilespmem:$0x1FE60]  }
0x163: {  	[tilespmem:$0xB80] =	vst v36;
	v36 =	vld [tilespmem:$0x2F0]  }
0x164: {  	[tilespmem:$0x7F0] =	vst v5;
	v5 =	vld [tilespmem:$0x520]  }
0x165: {  	[tilespmem:$0x810] =	vst v8;
	v8 =	vld [tilespmem:$0x1C0]  }
0x166: {  	[tilespmem:$0x1FE80] =	vst v62;
	v62 =	vld [tilespmem:$0x1A0]  }
0x167: {  	[tilespmem:$0x9F0] =	vst v61;
	v61 =	vadd.f32 v2, v1;
	v1 =	vld [tilespmem:$0x1FE70]  }
0x168: {  	[tilespmem:$0x1170] =	vst v0;
	v2 =	vld [tilespmem:$0x1FE80]  }
0x169: {  	[tilespmem:$0x800] =	vst v6;
	v6 =	vld [tilespmem:$0x230]  }
0x16a: {  	[tilespmem:$0x820] =	vst v25;
	v25 =	vld [tilespmem:$0x230]  }
0x16b: {  	[tilespmem:$0x1180] =	vst v0;
	v8 =	vadd.f32 v9, v8;
	v9 =	vld [tilespmem:$0x400]  }
0x16c: {  	[tilespmem:$0x1FE90] =	vst v62;
	v62 =	vld [tilespmem:$0x420]  }
0x16d: {  	[tilespmem:$0xA00] =	vst v63;
	v63 =	vadd.f32 v2, v1;
	v1 =	vld [tilespmem:$0x1FE90]  }
0x16e: {  	[tilespmem:$0xBC0] =	vst v8;
	v8 =	vadd.f32 v13, v12;
	v12 =	vld [tilespmem:$0x410]  }
0x16f: {  	[tilespmem:$0x1190] =	vst v0;
	v13 =	vld [tilespmem:$0x2A0]  }
0x170: {  	[tilespmem:$0xBE0] =	vst v8;
	v8 =	vadd.f32 v19, v18;
	v18 =	vld [tilespmem:$0x440]  }
0x171: {  	[tilespmem:$0x11A0] =	vst v0;
	v2 =	vld [tilespmem:$0x1FEB0]  }
0x172: {  	[tilespmem:$0x8F0] =	vst v41;
	v41 =	vadd.f32 v62, v1;
	v1 =	vld [tilespmem:$0x1FEA0]  }
0x173: {  	[tilespmem:$0x11B0] =	vst v0;
	v19 =	vld [tilespmem:$0x2D0]  }
0x174: {  	[tilespmem:$0x830] =	vst v26;
	v26 =	vld [tilespmem:$0x430]  }
0x175: {  	[tilespmem:$0xC00] =	vst v8;
	v8 =	vadd.f32 v23, v22;
	v22 =	vld [tilespmem:$0x460]  }
0x176: {  	[tilespmem:$0x840] =	vst v28;
	v28 =	vld [tilespmem:$0x240]  }
0x177: {  	[tilespmem:$0xAA0] =	vst v41;
	v41 =	vadd.f32 v2, v1;
	v1 =	vld [tilespmem:$0x1FEC0]  }
0x178: {  	[tilespmem:$0x850] =	vst v29;
	v2 =	vld [tilespmem:$0x1FED0]  }
0x179: {  	v29 =	vld [tilespmem:$0x440];
	[tilespmem:$0x860] =	vst v30  }
0x17a: {  	v30 =	vld [tilespmem:$0x250];
	[tilespmem:$0x870] =	vst v31  }
0x17b: {  	v31 =	vld [tilespmem:$0x450];
	[tilespmem:$0x900] =	vst v42;
	v42 =	vadd.f32 v7, v4  }
0x17c: {  	[tilespmem:$0x880] =	vst v32;
	v32 =	vld [tilespmem:$0x260]  }
0x17d: {  	[tilespmem:$0xAB0] =	vst v42;
	v42 =	vadd.f32 v2, v1;
	v1 =	vld [tilespmem:$0x1FEE0]  }
0x17e: {  	[tilespmem:$0xC20] =	vst v8;
	v2 =	vld [tilespmem:$0x1FEF0]  }
0x17f: {  	[tilespmem:$0x8A0] =	vst v34;
	v34 =	vld [tilespmem:$0x270]  }
0x180: {  	[tilespmem:$0x8B0] =	vst v37;
	v37 =	vld [tilespmem:$0x470]  }
0x181: {  	[tilespmem:$0x890] =	vst v33;
	v33 =	vld [tilespmem:$0x460]  }
0x182: {  	[tilespmem:$0x8C0] =	vst v38;
	v38 =	vld [tilespmem:$0x200]  }
0x183: {  	v8 =	vadd.f32 v29, v28;
	[tilespmem:$0xAC0] =	vst v41;
	v41 =	vadd.f32 v2, v1;
	v1 =	vld [tilespmem:$0x1FF00]  }
0x184: {  	[tilespmem:$0x11C0] =	vst v0;
	v2 =	vld [tilespmem:$0x1FF10]  }
0x185: {  	[tilespmem:$0xC40] =	vst v8;
	v34 =	vadd.f32 v37, v34;
	v37 =	vld [tilespmem:$0x470]  }
0x186: {  	[tilespmem:$0x8D0] =	vst v39;
	v39 =	vld [tilespmem:$0x480]  }
0x187: {  	[tilespmem:$0x7E0] =	vst v3;
	v3 =	vld [tilespmem:$0x530]  }
0x188: {  	[tilespmem:$0x8E0] =	vst v40;
	v40 =	vld [tilespmem:$0x210]  }
0x189: {  	v8 =	vadd.f32 v33, v32;
	[tilespmem:$0xAD0] =	vst v42;
	v42 =	vadd.f32 v2, v1;
	v1 =	vld [tilespmem:$0x1FF20]  }
0x18a: {  	[tilespmem:$0x11D0] =	vst v0;
	v2 =	vld [tilespmem:$0x1FF30]  }
0x18b: {  	[tilespmem:$0xC60] =	vst v8;
	v8 =	vadd.f32 v39, v38;
	v39 =	vld [tilespmem:$0x280]  }
0x18c: {  	[tilespmem:$0x11E0] =	vst v0;
	v3 =	vadd.f32 v3, v6;
	v6 =	vld [tilespmem:$0x2C0]  }
0x18d: {  	[tilespmem:$0x11F0] =	vst v0;
	v7 =	vld [tilespmem:$0x220]  }
0x18e: {  	[tilespmem:$0xD30] =	vst v3;
	v3 =	vld [tilespmem:$0x2D0]  }
0x18f: {  	[tilespmem:$0xAE0] =	vst v41;
	v41 =	vadd.f32 v2, v1;
	v1 =	vld [tilespmem:$0x1FF40]  }
0x190: {  	[tilespmem:$0xBD0] =	vst v10;
	v2 =	vld [tilespmem:$0x1FF50]  }
0x191: {  	[tilespmem:$0xB90] =	vst v35;
	v26 =	vadd.f32 v26, v25;
	v4 =	vld [tilespmem:$0x240]  }
0x192: {  	[tilespmem:$0x910] =	vst v43;
	v43 =	vld [tilespmem:$0x490];
	v5 =	vadd.f32 v5, v7  }
0x193: {  	[tilespmem:$0xC30] =	vst v26;
	v7 =	vld [tilespmem:$0x4B0]  }
0x194: {  	v31 =	vadd.f32 v31, v30;
	[tilespmem:$0xD20] =	vst v5;
	v5 =	vld [tilespmem:$0x4D0]  }
0x195: {  	[tilespmem:$0xAF0] =	vst v42;
	v42 =	vadd.f32 v2, v1;
	v1 =	vld [tilespmem:$0x1FF60]  }
0x196: {  	[tilespmem:$0xC50] =	vst v31;
	v2 =	vld [tilespmem:$0x1FF70]  }
0x197: {  	[tilespmem:$0x920] =	vst v45;
	v45 =	vld [tilespmem:$0x220]  }
0x198: {  	[tilespmem:$0xC70] =	vst v34;
	v35 =	vadd.f32 v43, v40;
	v40 =	vld [tilespmem:$0x480]  }
0x199: {  	[tilespmem:$0x930] =	vst v46;
	v46 =	vld [tilespmem:$0x4A0]  }
0x19a: {  	[tilespmem:$0x940] =	vst v48;
	v48 =	vld [tilespmem:$0x230]  }
0x19b: {  	[tilespmem:$0xB00] =	vst v41;
	v41 =	vadd.f32 v2, v1;
	v1 =	vld [tilespmem:$0x1FF80]  }
0x19c: {  	[tilespmem:$0xC80] =	vst v8;
	v2 =	vld [tilespmem:$0x1FF90]  }
0x19d: {  	[tilespmem:$0x950] =	vst v49;
	v49 =	vld [tilespmem:$0x4B0]  }
0x19e: {  	[tilespmem:$0x960] =	vst v50;
	v50 =	vld [tilespmem:$0x240]  }
0x19f: {  	[tilespmem:$0x970] =	vst v51;
	v51 =	vld [tilespmem:$0x4C0]  }
0x1a0: {  	[tilespmem:$0xA10] =	vst v52;
	v52 =	vld [tilespmem:$0x250]  }
0x1a1: {  	[tilespmem:$0xB10] =	vst v42;
	v42 =	vadd.f32 v2, v1;
	v1 =	vld [tilespmem:$0x1FFA0]  }
0x1a2: {  	[tilespmem:$0xC90] =	vst v35;
	v2 =	vld [tilespmem:$0x1FFB0]  }
0x1a3: {  	[tilespmem:$0xA20] =	vst v53;
	v53 =	vld [tilespmem:$0x4D0]  }
0x1a4: {  	[tilespmem:$0xA30] =	vst v54;
	v54 =	vld [tilespmem:$0x260]  }
0x1a5: {  	[tilespmem:$0xA40] =	vst v57;
	v57 =	vld [tilespmem:$0x4E0]  }
0x1a6: {  	[tilespmem:$0xB30] =	vst v42;
	v42 =	vld [tilespmem:$0x1FFD0]  }
0x1a7: {  	[tilespmem:$0xB20] =	vst v41;
	v41 =	vadd.f32 v2, v1;
	v2 =	vld [tilespmem:$0x1FFC0]  }
0x1a8: {  	[tilespmem:$0xA50] =	vst v58;
	v58 =	vld [tilespmem:$0x270]  }
0x1a9: {  	[tilespmem:$0xA60] =	vst v59;
	v59 =	vld [tilespmem:$0x4F0]  }
0x1aa: {  	[tilespmem:$0xA70] =	vst v60;
	v60 =	vld [tilespmem:$0x200]  }
0x1ab: {  	[tilespmem:$0xA80] =	vst v61;
	v61 =	vld [tilespmem:$0x500]  }
0x1ac: {  	[tilespmem:$0xB40] =	vst v41;
	v41 =	vld [tilespmem:$0x1FFE0];
	v42 =	vadd.f32 v42, v2  }
0x1ad: {  	v8 =	vadd.f32 v46, v45;
	[tilespmem:$0xA90] =	vst v63;
	v63 =	vld [tilespmem:$0x510]  }
0x1ae: {  	v38 =	vadd.f32 v49, v48;
	[tilespmem:$0xB50] =	vst v42;
	v42 =	vld [tilespmem:$0x1FFF0]  }
0x1af: {  	[tilespmem:$0xCA0] =	vst v8;
	v8 =	vadd.f32 v51, v50;
	v62 =	vld [tilespmem:$0x210]  }
0x1b0: {  	[tilespmem:$0xCB0] =	vst v38;
	v43 =	vadd.f32 v53, v52;
	v1 =	vld [tilespmem:$0x540]  }
0x1b1: {  	[tilespmem:$0xCC0] =	vst v8;
	v2 =	vld [tilespmem:$0x250];
	v41 =	vadd.f32 v56, v41  }
0x1b2: {  	[tilespmem:$0xCD0] =	vst v43;
	v8 =	vadd.f32 v57, v54;
	v56 =	vld [tilespmem:$0x550]  }
0x1b3: {  	[tilespmem:$0xB60] =	vst v41;
	v41 =	vld [tilespmem:$0x560];
	v42 =	vadd.f32 v55, v42  }
0x1b4: {  	[tilespmem:$0xCE0] =	vst v8;
	v46 =	vadd.f32 v59, v58;
	v55 =	vld [tilespmem:$0x260]  }
0x1b5: {  	v8 =	vadd.f32 v61, v60;
	[tilespmem:$0xB70] =	vst v42;
	v42 =	vld [tilespmem:$0x270]  }
0x1b6: {  	v45 =	vld [tilespmem:$0x490];
	[tilespmem:$0xCF0] =	vst v46;
	v49 =	vadd.f32 v63, v62  }
0x1b7: {  	v48 =	vld [tilespmem:$0x4A0];
	[tilespmem:$0xD00] =	vst v8;
	v1 =	vadd.f32 v1, v4  }
0x1b8: {  	v50 =	vld [tilespmem:$0x2B0];
	[tilespmem:$0xD10] =	vst v49;
	v2 =	vadd.f32 v56, v2  }
0x1b9: {  	v51 =	vld [tilespmem:$0x4E0];
	[tilespmem:$0xD40] =	vst v1;
	v1 =	vadd.f32 v41, v55  }
0x1ba: {  	v52 =	vld [tilespmem:$0x2F0];
	[tilespmem:$0xD50] =	vst v2;
	v2 =	vadd.f32 v27, v42  }
0x1bb: {  	v53 =	vld [tilespmem:$0x4F0];
	[tilespmem:$0xD60] =	vst v1;
	v1 =	vadd.f32 v9, v24  }
0x1bc: {  	v54 =	vld [tilespmem:$0x280];
	[tilespmem:$0xD70] =	vst v2;
	v2 =	vadd.f32 v12, v11  }
0x1bd: {  	v57 =	vld [tilespmem:$0x510];
	[tilespmem:$0xD80] =	vst v1;
	v1 =	vadd.f32 v14, v13  }
0x1be: {  	v58 =	vld [tilespmem:$0x2A0];
	[tilespmem:$0xD90] =	vst v2;
	v2 =	vadd.f32 v16, v15  }
0x1bf: {  	v59 =	vld [tilespmem:$0x520];
	[tilespmem:$0xDA0] =	vst v1;
	v1 =	vadd.f32 v18, v17  }
0x1c0: {  	v60 =	vld [tilespmem:$0x2B0];
	[tilespmem:$0xDB0] =	vst v2;
	v2 =	vadd.f32 v20, v19  }
0x1c1: {  	v61 =	vld [tilespmem:$0x530];
	[tilespmem:$0xDC0] =	vst v1;
	v1 =	vadd.f32 v22, v21  }
0x1c2: {  	v4 =	vld [tilespmem:$0x4C0];
	[tilespmem:$0xDD0] =	vst v2;
	v2 =	vadd.f32 v37, v36  }
0x1c3: {  	v8 =	vld [tilespmem:$0x2E0];
	[tilespmem:$0xDE0] =	vst v1;
	v1 =	vadd.f32 v40, v39  }
0x1c4: {  	v62 =	vld [tilespmem:$0x2F0];
	[tilespmem:$0xDF0] =	vst v2;
	v2 =	vadd.f32 v45, v44  }
0x1c5: {  	v56 =	vld [tilespmem:$0x290];
	[tilespmem:$0xE00] =	vst v1;
	v1 =	vadd.f32 v48, v47  }
0x1c6: {  	v55 =	vld [tilespmem:$0x500];
	[tilespmem:$0xE10] =	vst v2;
	v2 =	vadd.f32 v7, v50  }
0x1c7: {  	v7 =	vld [tilespmem:$0x2C0];
	[tilespmem:$0xE20] =	vst v1;
	v1 =	vadd.f32 v4, v6  }
0x1c8: {  	v4 =	vld [tilespmem:$0x540];
	[tilespmem:$0xE30] =	vst v2;
	v2 =	vadd.f32 v5, v3  }
0x1c9: {  	v6 =	vld [tilespmem:$0x2E0];
	[tilespmem:$0xE40] =	vst v1;
	v1 =	vadd.f32 v51, v8  }
0x1ca: {  	v3 =	vld [tilespmem:$0x2D0];
	[tilespmem:$0xE50] =	vst v2;
	v2 =	vadd.f32 v53, v52  }
0x1cb: {  	v5 =	vld [tilespmem:$0x550];
	[tilespmem:$0xE60] =	vst v1;
	v1 =	vadd.f32 v55, v54  }
0x1cc: {  	v8 =	vld [tilespmem:$0x560];
	[tilespmem:$0xE70] =	vst v2;
	v2 =	vadd.f32 v57, v56  }
0x1cd: {  	v63 =	vld [tilespmem:$0x570];
	[tilespmem:$0xE80] =	vst v1;
	v1 =	vadd.f32 v59, v58  }
0x1ce: {  	[tilespmem:$0xE90] =	vst v2;
	v2 =	vadd.f32 v61, v60  }
0x1cf: {  	[tilespmem:$0xEA0] =	vst v1;
	v1 =	vadd.f32 v4, v7  }
0x1d0: {  	[tilespmem:$0xEB0] =	vst v2;
	v2 =	vadd.f32 v5, v3  }
0x1d1: {  	[tilespmem:$0xEC0] =	vst v1;
	v1 =	vadd.f32 v8, v6  }
0x1d2: {  	[tilespmem:$0xED0] =	vst v2;
	v2 =	vadd.f32 v63, v62  }
0x1d3: {  	[tilespmem:$0xEE0] =	vst v1  }
0x1d4: {  	s15 =	simm.s32 @!p0 $0x600;
	[tilespmem:$0xEF0] =	vst v2  }
0x1d5: {  	[spmem:s3] =	stream.linear.scatter @!p0 [tilespmem:s15], [sflag:$0x5], $0xC00, $0x38;
	[tilespmem:$0x1F1C0] =	vst v63  }
0x1d6: {  	s15 =	simm.s32 @!p0 $0x5  }
0x1d7: {  	_ =	swait.ge @!p0 [sflag:s15], $0xC00  }
0x1d8: {  	[sflag:s15] =	ssyncset.done @!p0 $0x0  }
0x1d9: {  	[sflag:s15] =	ssyncadd.s32 @!p0 $0xFFFFF400  }
0x1da: {  	[bflag:$0x0] =	sbarrier.arrive $0xFFFF  }
0x1db: {  	_ =	swait.ge [sflag:s7], $0x2710  }
0x1dc: {  	[sflag:s7] =	ssyncset.done $0x0  }
0x1dd: {  	[sflag:s7] =	ssyncadd.s32 $0xFFFFD8F0  }
0x1de: {  	_ =	swait.ge [sflag:s8], $0x2710  }
0x1df: {  	[sflag:s8] =	ssyncset.done $0x0  }
0x1e0: {  	s15 =	simm.s32 $0x0;
	[sflag:s8] =	ssyncadd.s32 $0xFFFFD8F0  }
0x1e1: {  	v3 =	vld [tilespmem:s15+$0x3A40]  }
0x1e2: {  	v2 =	vld [tilespmem:s15+$0x3A50]  }
0x1e3: {  	v1 =	vld [tilespmem:s15+$0x3A60]  }
0x1e4: {  	v7 =	vld [tilespmem:s15+$0x12C0]  }
0x1e5: {  	v6 =	vld [tilespmem:s15+$0x12D0]  }
0x1e6: {  	v5 =	vld [tilespmem:s15+$0x12E0]  }
0x1e7: {  	s16 =	simm.s32 $0x140;
	v4 =	vld [tilespmem:s15+$0x12F0]  }
.LBB2_2:
0x1e8: {  	p1 =	sne.s32 s16, $0x9B00;
	v8 =	vld [tilespmem:s15+$0x1300]  }
0x1e9: {  	v7 =	vmul.u32 $0x3, v7;
	v9 =	vld [tilespmem:s15+$0x3A70]  }
0x1ea: {  	s17 =	sshra.s32 s16, $0x2;
	v6 =	vmul.u32 $0x3, v6;
	v10 =	vld [tilespmem:s15+$0x3A80]  }
0x1eb: {  	v7 =	vadd.s32 v3, v7;
	v3 =	vld [tilespmem:s17+$0x3A40];
	v5 =	vmul.u32 $0x3, v5  }
0x1ec: {  	[tilespmem:s15+$0x12C0] =	vst v7;
	v6 =	vadd.s32 v2, v6;
	v2 =	vld [tilespmem:s17+$0x3A50];
	v4 =	vmul.u32 $0x3, v4  }
.Ltmp0:
0x1ed: {  	[tilespmem:s15+$0x12D0] =	vst v6;
	v5 =	vadd.s32 v1, v5;
	v1 =	vld [tilespmem:s17+$0x3A60];
	v8 =	vmul.u32 $0x3, v8;
	(pc) =	sbr.rel @p1 .LBB2_2-.Ltmp0, $4  }
0x1ee: {  	v7 =	vld [tilespmem:s17+$0x12C0];
	[tilespmem:s15+$0x12E0] =	vst v5;
	v4 =	vadd.s32 v9, v4  }
0x1ef: {  	v6 =	vld [tilespmem:s17+$0x12D0];
	[tilespmem:s15+$0x12F0] =	vst v4;
	v4 =	vadd.s32 v10, v8  }
0x1f0: {  	v5 =	vld [tilespmem:s17+$0x12E0];
	[tilespmem:s15+$0x1300] =	vst v4;
	s15 =	smov.u32 s17  }
0x1f1: {  	s16 =	sadd.s32 $0x140, s16;
	v4 =	vld [tilespmem:s15+$0x12F0]  }
0x1f2: {  	v8 =	vld [tilespmem:s15+$0x1300]  }
0x1f3: {  	v9 =	vld [tilespmem:s15+$0x3A70];
	v7 =	vmul.u32 $0x3, v7  }
0x1f4: {  	v10 =	vld [tilespmem:s15+$0x3A80];
	v6 =	vmul.u32 $0x3, v6  }
0x1f5: {  	v3 =	vadd.s32 v3, v7;
	v5 =	vmul.u32 $0x3, v5  }
0x1f6: {  	[tilespmem:s15+$0x12C0] =	vst v3;
	v2 =	vadd.s32 v2, v6;
	v3 =	vmul.u32 $0x3, v4  }
0x1f7: {  	[tilespmem:s15+$0x12D0] =	vst v2;
	v1 =	vadd.s32 v1, v5;
	v2 =	vmul.u32 $0x3, v8  }
0x1f8: {  	[tilespmem:s15+$0x12E0] =	vst v1;
	v1 =	vadd.s32 v9, v3  }
0x1f9: {  	[tilespmem:s15+$0x12F0] =	vst v1;
	v1 =	vadd.s32 v10, v2  }
0x1fa: {  	[tilespmem:s15+$0x1300] =	vst v1  }
0x1fb: {  	[tilespmem:s10], [sflag:$0x1] =	stream.indirect.gather [spmem:s3], $0x80, s1, s9, $0xb8;
	[tilespmem:$0x1F1C0] =	vst v63  }
0x1fc: {  	_ =	swait.ge [sflag:s7], $0xC800  }
0x1fd: {  	[sflag:s7] =	ssyncset.done $0x0  }
0x1fe: {  	s16 =	rddreg [dreg:$0x6];
	[sflag:s7] =	ssyncadd.s32 $0xFFFF3800  }
0x1ff: {  	[hbm4b:s16+s4] =	stream.linear.scatter [tilespmem:s10], [sflag:$0x3], $0xC800, $0x38;
	[tilespmem:$0x1F1C0] =	vst v63  }
0x200: {  	s17 =	simm.s32 $0x1450  }
0x201: {  	[tilespmem:s11], [sflag:$0x2] =	stream.indirect.gather [spmem:s3], $0x80, s17, s9, $0xb8;
	[tilespmem:$0x1F1C0] =	vst v63  }
0x202: {  	_ =	swait.ge [sflag:s8], $0xC800  }
0x203: {  	[sflag:s8] =	ssyncset.done $0x0  }
0x204: {  	s16 =	rddreg [dreg:$0x7];
	[sflag:s8] =	ssyncadd.s32 $0xFFFF3800  }
0x205: {  	[hbm4b:s16+s4] =	stream.linear.scatter [tilespmem:s11], [sflag:$0x4], $0xC800, $0x38;
	[tilespmem:$0x1F1C0] =	vst v63  }
0x206: {  	_ =	swait.ge [sflag:s12], $0xC800  }
0x207: {  	[sflag:s12] =	ssyncset.done $0x0  }
0x208: {  	s17 =	simm.s32 $0x15E0;
	[sflag:s12] =	ssyncadd.s32 $0xFFFF3800  }
0x209: {  	[tilespmem:s10], [sflag:$0x1] =	stream.indirect.gather [spmem:s3], $0x80, s17, s9, $0xb8;
	[tilespmem:$0x1F1C0] =	vst v63  }
0x20a: {  	_ =	swait.ge [sflag:s7], $0xC800  }
0x20b: {  	[sflag:s7] =	ssyncset.done $0x0  }
0x20c: {  	s16 =	rddreg [dreg:$0x8];
	[sflag:s7] =	ssyncadd.s32 $0xFFFF3800  }
0x20d: {  	[hbm4b:s16+s4] =	stream.linear.scatter [tilespmem:s10], [sflag:$0x3], $0xC800, $0x38;
	[tilespmem:$0x1F1C0] =	vst v63  }
0x20e: {  	_ =	swait.ge [sflag:s13], $0xC800  }
0x20f: {  	[sflag:s13] =	ssyncset.done $0x0  }
0x210: {  	s17 =	simm.s32 $0x1770;
	[sflag:s13] =	ssyncadd.s32 $0xFFFF3800  }
0x211: {  	[tilespmem:s11], [sflag:$0x2] =	stream.indirect.gather [spmem:s3], $0x80, s17, s9, $0xb8;
	[tilespmem:$0x1F1C0] =	vst v63  }
0x212: {  	_ =	swait.ge [sflag:s8], $0xC800  }
0x213: {  	[sflag:s8] =	ssyncset.done $0x0  }
0x214: {  	s16 =	rddreg [dreg:$0x9];
	[sflag:s8] =	ssyncadd.s32 $0xFFFF3800  }
0x215: {  	[hbm4b:s16+s4] =	stream.linear.scatter [tilespmem:s11], [sflag:$0x4], $0xC800, $0x38;
	[tilespmem:$0x1F1C0] =	vst v63  }
0x216: {  	_ =	swait.ge [sflag:s12], $0xC800  }
0x217: {  	[sflag:s12] =	ssyncset.done $0x0  }
0x218: {  	s17 =	simm.s32 $0x1900;
	[sflag:s12] =	ssyncadd.s32 $0xFFFF3800  }
0x219: {  	[tilespmem:s10], [sflag:$0x1] =	stream.indirect.gather [spmem:s3], $0x80, s17, s9, $0xb8;
	[tilespmem:$0x1F1C0] =	vst v63  }
0x21a: {  	_ =	swait.ge [sflag:s7], $0xC800  }
0x21b: {  	[sflag:s7] =	ssyncset.done $0x0  }
0x21c: {  	s16 =	rddreg [dreg:$0xa];
	[sflag:s7] =	ssyncadd.s32 $0xFFFF3800  }
0x21d: {  	[hbm4b:s16+s4] =	stream.linear.scatter [tilespmem:s10], [sflag:$0x3], $0xC800, $0x38;
	[tilespmem:$0x1F1C0] =	vst v63  }
0x21e: {  	_ =	swait.ge [sflag:s13], $0xC800  }
0x21f: {  	[sflag:s13] =	ssyncset.done $0x0  }
0x220: {  	s17 =	simm.s32 $0x1A90;
	[sflag:s13] =	ssyncadd.s32 $0xFFFF3800  }
0x221: {  	[tilespmem:s11], [sflag:$0x2] =	stream.indirect.gather [spmem:s3], $0x80, s17, s9, $0xb8;
	[tilespmem:$0x1F1C0] =	vst v63  }
0x222: {  	_ =	swait.ge [sflag:s8], $0xC800  }
0x223: {  	[sflag:s8] =	ssyncset.done $0x0  }
0x224: {  	s16 =	rddreg [dreg:$0xb];
	[sflag:s8] =	ssyncadd.s32 $0xFFFF3800  }
0x225: {  	[hbm4b:s16+s4] =	stream.linear.scatter [tilespmem:s11], [sflag:$0x4], $0xC800, $0x38;
	[tilespmem:$0x1F1C0] =	vst v63  }
0x226: {  	_ =	swait.ge [sflag:s12], $0xC800  }
0x227: {  	[sflag:s12] =	ssyncset.done $0x0  }
0x228: {  	s17 =	simm.s32 $0x1C20;
	[sflag:s12] =	ssyncadd.s32 $0xFFFF3800  }
0x229: {  	[tilespmem:s10], [sflag:$0x1] =	stream.indirect.gather [spmem:s3], $0x80, s17, s9, $0xb8;
	[tilespmem:$0x1F1C0] =	vst v63  }
0x22a: {  	_ =	swait.ge [sflag:s7], $0xC800  }
0x22b: {  	[sflag:s7] =	ssyncset.done $0x0  }
0x22c: {  	s16 =	rddreg [dreg:$0xc];
	[sflag:s7] =	ssyncadd.s32 $0xFFFF3800  }
0x22d: {  	[hbm4b:s16+s4] =	stream.linear.scatter [tilespmem:s10], [sflag:$0x3], $0xC800, $0x38;
	[tilespmem:$0x1F1C0] =	vst v63  }
0x22e: {  	_ =	swait.ge [sflag:s13], $0xC800  }
0x22f: {  	[sflag:s13] =	ssyncset.done $0x0  }
0x230: {  	s17 =	simm.s32 $0x1DB0;
	[sflag:s13] =	ssyncadd.s32 $0xFFFF3800  }
0x231: {  	[tilespmem:s11], [sflag:$0x2] =	stream.indirect.gather [spmem:s3], $0x80, s17, s9, $0xb8;
	[tilespmem:$0x1F1C0] =	vst v63  }
0x232: {  	_ =	swait.ge [sflag:s8], $0xC800  }
0x233: {  	[sflag:s8] =	ssyncset.done $0x0  }
0x234: {  	s16 =	rddreg [dreg:$0xd];
	[sflag:s8] =	ssyncadd.s32 $0xFFFF3800  }
0x235: {  	[hbm4b:s16+s4] =	stream.linear.scatter [tilespmem:s11], [sflag:$0x4], $0xC800, $0x38;
	[tilespmem:$0x1F1C0] =	vst v63  }
0x236: {  	_ =	swait.ge [sflag:s12], $0xC800  }
0x237: {  	[sflag:s12] =	ssyncset.done $0x0  }
0x238: {  	s17 =	simm.s32 $0x1F40;
	[sflag:s12] =	ssyncadd.s32 $0xFFFF3800  }
0x239: {  	[tilespmem:s10], [sflag:$0x1] =	stream.indirect.gather [spmem:s3], $0x80, s17, s9, $0xb8;
	[tilespmem:$0x1F1C0] =	vst v63  }
0x23a: {  	_ =	swait.ge [sflag:s7], $0xC800  }
0x23b: {  	[sflag:s7] =	ssyncset.done $0x0  }
0x23c: {  	s16 =	rddreg [dreg:$0xe];
	[sflag:s7] =	ssyncadd.s32 $0xFFFF3800  }
0x23d: {  	[hbm4b:s16+s4] =	stream.linear.scatter [tilespmem:s10], [sflag:$0x3], $0xC800, $0x38;
	[tilespmem:$0x1F1C0] =	vst v63  }
0x23e: {  	_ =	swait.ge [sflag:s13], $0xC800  }
0x23f: {  	[sflag:s13] =	ssyncset.done $0x0  }
0x240: {  	s17 =	simm.s32 $0x20D0;
	[sflag:s13] =	ssyncadd.s32 $0xFFFF3800  }
0x241: {  	[tilespmem:s11], [sflag:$0x2] =	stream.indirect.gather [spmem:s3], $0x80, s17, s9, $0xb8;
	[tilespmem:$0x1F1C0] =	vst v63  }
0x242: {  	_ =	swait.ge [sflag:s8], $0xC800  }
0x243: {  	[sflag:s8] =	ssyncset.done $0x0  }
0x244: {  	s16 =	rddreg [dreg:$0xf];
	[sflag:s8] =	ssyncadd.s32 $0xFFFF3800  }
0x245: {  	[hbm4b:s16+s4] =	stream.linear.scatter [tilespmem:s11], [sflag:$0x4], $0xC800, $0x38;
	[tilespmem:$0x1F1C0] =	vst v63  }
0x246: {  	_ =	swait.ge [sflag:s12], $0xC800  }
0x247: {  	[sflag:s12] =	ssyncset.done $0x0  }
0x248: {  	s17 =	simm.s32 $0x2260;
	[sflag:s12] =	ssyncadd.s32 $0xFFFF3800  }
0x249: {  	[tilespmem:s10], [sflag:$0x1] =	stream.indirect.gather [spmem:s3], $0x80, s17, s9, $0xb8;
	[tilespmem:$0x1F1C0] =	vst v63  }
0x24a: {  	_ =	swait.ge [sflag:s7], $0xC800  }
0x24b: {  	[sflag:s7] =	ssyncset.done $0x0  }
0x24c: {  	s16 =	rddreg [dreg:$0x10];
	[sflag:s7] =	ssyncadd.s32 $0xFFFF3800  }
0x24d: {  	[hbm4b:s16+s4] =	stream.linear.scatter [tilespmem:s10], [sflag:$0x3], $0xC800, $0x38;
	[tilespmem:$0x1F1C0] =	vst v63  }
0x24e: {  	_ =	swait.ge [sflag:s13], $0xC800  }
0x24f: {  	[sflag:s13] =	ssyncset.done $0x0  }
0x250: {  	s17 =	simm.s32 $0x23F0;
	[sflag:s13] =	ssyncadd.s32 $0xFFFF3800  }
0x251: {  	[tilespmem:s11], [sflag:$0x2] =	stream.indirect.gather [spmem:s3], $0x80, s17, s9, $0xb8;
	[tilespmem:$0x1F1C0] =	vst v63  }
0x252: {  	_ =	swait.ge [sflag:s8], $0xC800  }
0x253: {  	[sflag:s8] =	ssyncset.done $0x0  }
0x254: {  	s16 =	rddreg [dreg:$0x11];
	[sflag:s8] =	ssyncadd.s32 $0xFFFF3800  }
0x255: {  	[hbm4b:s16+s4] =	stream.linear.scatter [tilespmem:s11], [sflag:$0x4], $0xC800, $0x38;
	[tilespmem:$0x1F1C0] =	vst v63  }
0x256: {  	_ =	swait.ge [sflag:s12], $0xC800  }
0x257: {  	[sflag:s12] =	ssyncset.done $0x0  }
0x258: {  	s17 =	simm.s32 $0x2580;
	[sflag:s12] =	ssyncadd.s32 $0xFFFF3800  }
0x259: {  	[tilespmem:s10], [sflag:$0x1] =	stream.indirect.gather [spmem:s3], $0x80, s17, s9, $0xb8;
	[tilespmem:$0x1F1C0] =	vst v63  }
0x25a: {  	_ =	swait.ge [sflag:s7], $0xC800  }
0x25b: {  	[sflag:s7] =	ssyncset.done $0x0  }
0x25c: {  	[sflag:s7] =	ssyncadd.s32 $0xFFFF3800  }
0x25d: {  	[hbm4b:s18+s4] =	stream.linear.scatter [tilespmem:s10], [sflag:$0x3], $0xC800, $0x38;
	[tilespmem:$0x1F1C0] =	vst v63  }
0x25e: {  	_ =	swait.ge [sflag:s13], $0xC800  }
0x25f: {  	[sflag:s13] =	ssyncset.done $0x0  }
0x260: {  	s16 =	simm.s32 $0x2710;
	[sflag:s13] =	ssyncadd.s32 $0xFFFF3800  }
0x261: {  	[tilespmem:s11], [sflag:$0x2] =	stream.indirect.gather [spmem:s3], $0x80, s16, s9, $0xb8;
	[tilespmem:$0x1F1C0] =	vst v63  }
0x262: {  	_ =	swait.ge [sflag:s8], $0xC800  }
0x263: {  	[sflag:s8] =	ssyncset.done $0x0  }
0x264: {  	[sflag:s8] =	ssyncadd.s32 $0xFFFF3800  }
0x265: {  	[hbm4b:s19+s4] =	stream.linear.scatter [tilespmem:s11], [sflag:$0x4], $0xC800, $0x38;
	[tilespmem:$0x1F1C0] =	vst v63  }
0x266: {  	_ =	swait.ge [sflag:s12], $0xC800  }
0x267: {  	[sflag:s12] =	ssyncset.done $0x0  }
0x268: {  	s17 =	simm.s32 $0x28A0;
	[sflag:s12] =	ssyncadd.s32 $0xFFFF3800  }
0x269: {  	[tilespmem:s10], [sflag:$0x1] =	stream.indirect.gather [spmem:s3], $0x80, s17, s9, $0xb8;
	[tilespmem:$0x1F1C0] =	vst v63  }
0x26a: {  	_ =	swait.ge [sflag:s7], $0xC800  }
0x26b: {  	[sflag:s7] =	ssyncset.done $0x0  }
0x26c: {  	[sflag:s7] =	ssyncadd.s32 $0xFFFF3800  }
0x26d: {  	[hbm4b:s20+s4] =	stream.linear.scatter [tilespmem:s10], [sflag:$0x3], $0xC800, $0x38;
	[tilespmem:$0x1F1C0] =	vst v63  }
0x26e: {  	_ =	swait.ge [sflag:s13], $0xC800  }
0x26f: {  	[sflag:s13] =	ssyncset.done $0x0  }
0x270: {  	s16 =	simm.s32 $0x2A30;
	[sflag:s13] =	ssyncadd.s32 $0xFFFF3800  }
0x271: {  	[tilespmem:s11], [sflag:$0x2] =	stream.indirect.gather [spmem:s3], $0x80, s16, s9, $0xb8;
	[tilespmem:$0x1F1C0] =	vst v63  }
0x272: {  	_ =	swait.ge [sflag:s8], $0xC800  }
0x273: {  	[sflag:s8] =	ssyncset.done $0x0  }
0x274: {  	[sflag:s8] =	ssyncadd.s32 $0xFFFF3800  }
0x275: {  	[hbm4b:s21+s4] =	stream.linear.scatter [tilespmem:s11], [sflag:$0x4], $0xC800, $0x38;
	[tilespmem:$0x1F1C0] =	vst v63  }
0x276: {  	_ =	swait.ge [sflag:s12], $0xC800  }
0x277: {  	[sflag:s12] =	ssyncset.done $0x0  }
0x278: {  	s17 =	simm.s32 $0x2BC0;
	[sflag:s12] =	ssyncadd.s32 $0xFFFF3800  }
0x279: {  	[tilespmem:s10], [sflag:$0x1] =	stream.indirect.gather [spmem:s3], $0x80, s17, s9, $0xb8;
	[tilespmem:$0x1F1C0] =	vst v63  }
0x27a: {  	_ =	swait.ge [sflag:s7], $0xC800  }
0x27b: {  	[sflag:s7] =	ssyncset.done $0x0  }
0x27c: {  	[sflag:s7] =	ssyncadd.s32 $0xFFFF3800  }
0x27d: {  	[hbm4b:s22+s4] =	stream.linear.scatter [tilespmem:s10], [sflag:$0x3], $0xC800, $0x38;
	[tilespmem:$0x1F1C0] =	vst v63  }
0x27e: {  	_ =	swait.ge [sflag:s13], $0xC800  }
0x27f: {  	[sflag:s13] =	ssyncset.done $0x0  }
0x280: {  	s16 =	simm.s32 $0x2D50;
	[sflag:s13] =	ssyncadd.s32 $0xFFFF3800  }
0x281: {  	[tilespmem:s11], [sflag:$0x2] =	stream.indirect.gather [spmem:s3], $0x80, s16, s9, $0xb8;
	[tilespmem:$0x1F1C0] =	vst v63  }
0x282: {  	_ =	swait.ge [sflag:s8], $0xC800  }
0x283: {  	[sflag:s8] =	ssyncset.done $0x0  }
0x284: {  	[sflag:s8] =	ssyncadd.s32 $0xFFFF3800  }
0x285: {  	[hbm4b:s23+s4] =	stream.linear.scatter [tilespmem:s11], [sflag:$0x4], $0xC800, $0x38;
	[tilespmem:$0x1F1C0] =	vst v63  }
0x286: {  	_ =	swait.ge [sflag:s12], $0xC800  }
0x287: {  	[sflag:s12] =	ssyncset.done $0x0  }
0x288: {  	s17 =	simm.s32 $0x2EE0;
	[sflag:s12] =	ssyncadd.s32 $0xFFFF3800  }
0x289: {  	[tilespmem:s10], [sflag:$0x1] =	stream.indirect.gather [spmem:s3], $0x80, s17, s9, $0xb8;
	[tilespmem:$0x1F1C0] =	vst v63  }
0x28a: {  	_ =	swait.ge [sflag:s7], $0xC800  }
0x28b: {  	[sflag:s7] =	ssyncset.done $0x0  }
0x28c: {  	[sflag:s7] =	ssyncadd.s32 $0xFFFF3800  }
0x28d: {  	[hbm4b:s24+s4] =	stream.linear.scatter [tilespmem:s10], [sflag:$0x3], $0xC800, $0x38;
	[tilespmem:$0x1F1C0] =	vst v63  }
0x28e: {  	_ =	swait.ge [sflag:s13], $0xC800  }
0x28f: {  	[sflag:s13] =	ssyncset.done $0x0  }
0x290: {  	s16 =	simm.s32 $0x3070;
	[sflag:s13] =	ssyncadd.s32 $0xFFFF3800  }
0x291: {  	[tilespmem:s11], [sflag:$0x2] =	stream.indirect.gather [spmem:s3], $0x80, s16, s9, $0xb8;
	[tilespmem:$0x1F1C0] =	vst v63  }
0x292: {  	_ =	swait.ge [sflag:s8], $0xC800  }
0x293: {  	[sflag:s8] =	ssyncset.done $0x0  }
0x294: {  	[sflag:s8] =	ssyncadd.s32 $0xFFFF3800  }
0x295: {  	[hbm4b:s25+s4] =	stream.linear.scatter [tilespmem:s11], [sflag:$0x4], $0xC800, $0x38;
	[tilespmem:$0x1F1C0] =	vst v63  }
0x296: {  	_ =	swait.ge [sflag:s12], $0xC800  }
0x297: {  	[sflag:s12] =	ssyncset.done $0x0  }
0x298: {  	s17 =	simm.s32 $0x3200;
	[sflag:s12] =	ssyncadd.s32 $0xFFFF3800  }
0x299: {  	[tilespmem:s10], [sflag:$0x1] =	stream.indirect.gather [spmem:s3], $0x80, s17, s9, $0xb8;
	[tilespmem:$0x1F1C0] =	vst v63  }
0x29a: {  	_ =	swait.ge [sflag:s7], $0xC800  }
0x29b: {  	[sflag:s7] =	ssyncset.done $0x0  }
0x29c: {  	[sflag:s7] =	ssyncadd.s32 $0xFFFF3800  }
0x29d: {  	[hbm4b:s26+s4] =	stream.linear.scatter [tilespmem:s10], [sflag:$0x3], $0xC800, $0x38;
	[tilespmem:$0x1F1C0] =	vst v63  }
0x29e: {  	_ =	swait.ge [sflag:s13], $0xC800  }
0x29f: {  	[sflag:s13] =	ssyncset.done $0x0  }
0x2a0: {  	s16 =	simm.s32 $0x3390;
	[sflag:s13] =	ssyncadd.s32 $0xFFFF3800  }
0x2a1: {  	[tilespmem:s11], [sflag:$0x2] =	stream.indirect.gather [spmem:s3], $0x80, s16, s9, $0xb8;
	[tilespmem:$0x1F1C0] =	vst v63  }
0x2a2: {  	_ =	swait.ge [sflag:s8], $0xC800  }
0x2a3: {  	[sflag:s8] =	ssyncset.done $0x0  }
0x2a4: {  	[sflag:s8] =	ssyncadd.s32 $0xFFFF3800  }
0x2a5: {  	[hbm4b:s28+s4] =	stream.linear.scatter [tilespmem:s11], [sflag:$0x4], $0xC800, $0x38;
	[tilespmem:$0x1F1C0] =	vst v63  }
0x2a6: {  	_ =	swait.ge [sflag:s12], $0xC800  }
0x2a7: {  	[sflag:s12] =	ssyncset.done $0x0  }
0x2a8: {  	s17 =	simm.s32 $0x3520;
	[sflag:s12] =	ssyncadd.s32 $0xFFFF3800  }
0x2a9: {  	[tilespmem:s10], [sflag:$0x1] =	stream.indirect.gather [spmem:s3], $0x80, s17, s9, $0xb8;
	[tilespmem:$0x1F1C0] =	vst v63  }
0x2aa: {  	_ =	swait.ge [sflag:s7], $0xC800  }
0x2ab: {  	[sflag:s7] =	ssyncset.done $0x0  }
0x2ac: {  	[sflag:s7] =	ssyncadd.s32 $0xFFFF3800  }
0x2ad: {  	[hbm4b:s29+s4] =	stream.linear.scatter [tilespmem:s10], [sflag:$0x3], $0xC800, $0x38;
	[tilespmem:$0x1F1C0] =	vst v63  }
0x2ae: {  	_ =	swait.ge [sflag:s13], $0xC800  }
0x2af: {  	[sflag:s13] =	ssyncset.done $0x0  }
0x2b0: {  	s16 =	simm.s32 $0x36B0;
	[sflag:s13] =	ssyncadd.s32 $0xFFFF3800  }
0x2b1: {  	[tilespmem:s11], [sflag:$0x2] =	stream.indirect.gather [spmem:s3], $0x80, s16, s9, $0xb8;
	[tilespmem:$0x1F1C0] =	vst v63  }
0x2b2: {  	_ =	swait.ge [sflag:s8], $0xC800  }
0x2b3: {  	[sflag:s8] =	ssyncset.done $0x0  }
0x2b4: {  	[sflag:s8] =	ssyncadd.s32 $0xFFFF3800  }
0x2b5: {  	[hbm4b:s30+s4] =	stream.linear.scatter [tilespmem:s11], [sflag:$0x4], $0xC800, $0x38;
	[tilespmem:$0x1F1C0] =	vst v63  }
0x2b6: {  	_ =	swait.ge [sflag:s12], $0xC800  }
0x2b7: {  	[sflag:s12] =	ssyncset.done $0x0  }
0x2b8: {  	s17 =	simm.s32 $0x3840;
	[sflag:s12] =	ssyncadd.s32 $0xFFFF3800  }
0x2b9: {  	[tilespmem:s10], [sflag:$0x1] =	stream.indirect.gather [spmem:s3], $0x80, s17, s9, $0xb8;
	[tilespmem:$0x1F1C0] =	vst v63  }
0x2ba: {  	_ =	swait.ge [sflag:s7], $0xC800  }
0x2bb: {  	[sflag:s7] =	ssyncset.done $0x0  }
0x2bc: {  	s14 =	sadd.s32 $0x1, s14;
	[sflag:s7] =	ssyncadd.s32 $0xFFFF3800  }
0x2bd: {  	[hbm4b:s31+s4] =	stream.linear.scatter [tilespmem:s10], [sflag:$0x3], $0xC800, $0x38;
	[tilespmem:$0x1F1C0] =	vst v63  }
0x2be: {  	p1 =	sne.s32 s14, s2;
	_ =	swait.ge [sflag:s12], $0xC800  }
.Ltmp1:
0x2bf: {  	[sflag:s12] =	ssyncset.done $0x0;
	(pc) =	sbr.rel @p1 .LBB2_1-.Ltmp1, $4  }
0x2c0: {  	[sflag:s12] =	ssyncadd.s32 $0xFFFF3800  }
0x2c1: {  	_ =	swait.ge [sflag:s13], $0xC800  }
0x2c2: {  	[sflag:s13] =	ssyncset.done $0x0  }
0x2c3: {  	[sflag:s13] =	ssyncadd.s32 $0xFFFF3800  }
0x2c4: {  	_ =	sfence.sel $0x180000  }
0x2c5: {  	[bflag:$0x0] =	sbarrier.arrive $0xFFFF  }
0x2c6: {  	_ =	strace $0x90000047  }
0x2c7: {  	[bflag:$0x2] =	sbarrier.arrive $0xFFFF  }
0x2c8: {  	s0 =	rddreg [dreg:$0x5]  }
0x2c9: {  	s0 =	sadd.s32 @!p0 $0x100000, s0  }
0x2ca: {  	[sflag:s0] =	ssyncadd.tile.s32 @!p0 $0x1;
	_ =	shalt  }
.Lfunc_end2:
_tile_overlayer_lowered:
.L_overlay_start_2:
0x2cb: {  	(tag) =	ssettag $0x2  }
0x2cc: {  	s0 =	rddreg [dreg:$0x0];
	s2 =	stileid.u32  }
0x2cd: {  	s1 =	rddreg [dreg:$0x1];
	p0 =	sne.s32 s2, $0x0  }
0x2ce: {  	s3 =	rddreg [dreg:$0x2];
	[bflag:$0x3] =	sbarrier.arrive $0xFFFF;
	s2 =	simm.s32 @!p0 $0x1C05  }
0x2cf: {  	[timem:s3], [sflag:s2] =	dma.local @!p0 [hbm:s0], s1  }
0x2d0: {  	s0 =	simm.s32 @!p0 $0x5  }
0x2d1: {  	_ =	swait.ge @!p0 [sflag:s0], s1  }
0x2d2: {  	s1 =	ssub.s32 @!p0 $0x0, s1;
	[sflag:s0] =	ssyncset.done @!p0 $0x0  }
0x2d3: {  	[sflag:s0] =	ssyncadd.s32 @!p0 s1  }
0x2d4: {  	[bflag:$0x3] =	sbarrier.arrive $0xFFFF  }
0x2d5: {  	_ =	shalt  }

</sc_bundles>
